<compile_context>
chip_gen: v7x
topology: tpu7x:2x2x1
jax: 0.10.2.dev20260603
libtpu: 0.0.44.dev20260713+nightly
codegen_flags: <defaults>
</compile_context>

<pallas_src>
import functools

import jax
import jax.numpy as jnp
from jax import lax
from jax.experimental import pallas as pl
from jax.experimental.pallas import tpu as pltpu
import jax.experimental.pallas.tpu_sc as plsc

N = 10000
E = 320000
D = 128
NC = 2
NS = 16
NW = NC * NS
EB = 120
NBUF = 3
IB = 6

ITC0 = 84
ITC1 = 84
TOT_CH = NS * (ITC0 + ITC1)
E_PAD = TOT_CH * EB
ITERS = TOT_CH // NW
N_PAD = 10112
RPT = N_PAD // NS
NZ = 8
NTRASH = N_PAD - N - NZ

BM = 2000
GRID = N // BM


def _sc_mesh():
    return plsc.VectorSubcoreMesh(core_axis_name="c", subcore_axis_name="s",
                                  num_cores=NC, num_subcores=NS)


@functools.lru_cache(maxsize=None)
def _make_deg_kernel():
    @functools.partial(
        pl.kernel,
        out_type=jax.ShapeDtypeStruct((NW, N_PAD), jnp.float32),
        mesh=_sc_mesh(),
        compiler_params=pltpu.CompilerParams(needs_layout_passes=False),
        scratch_types=[
            pltpu.VMEM((ITERS * EB,), jnp.int32),
            pltpu.VMEM((N_PAD,), jnp.float32),
        ],
    )
    def _deg_kernel(row_flat_hbm, out_hbm, rowm, hist):
        c = lax.axis_index("c")
        s = lax.axis_index("s")
        wid = s * NC + c
        pltpu.sync_copy(row_flat_hbm.at[pl.ds(wid * ITERS * EB, ITERS * EB)],
                        rowm)

        def zbody(j, carry):
            hist[pl.ds(16 * j, 16)] = jnp.zeros((16,), jnp.float32)
            return carry

        lax.fori_loop(0, N_PAD // 16, zbody, 0)
        ones = jnp.ones((16,), jnp.float32)

        def body(k, carry):
            for j in range(6):
                i16 = rowm[pl.ds(96 * k + 16 * j, 16)]
                plsc.addupdate_scatter(hist, [i16], ones)
            return carry

        lax.fori_loop(0, ITERS * EB // 96, body, 0)
        pltpu.sync_copy(hist, out_hbm.at[wid])

    return _deg_kernel


@functools.lru_cache(maxsize=None)
def _make_agg_kernel():
    @functools.partial(
        pl.kernel,
        out_type=jax.ShapeDtypeStruct((NC, N_PAD, D), jnp.float32),
        mesh=_sc_mesh(),
        scratch_types=(
            [pltpu.VMEM((EB,), jnp.int32) for _ in range(2 * IB)]
            + [pltpu.VMEM((EB, D), jnp.float32) for _ in range(NBUF)]
            + [
                pltpu.VMEM_SHARED((N_PAD, D), jnp.float32),
                pltpu.SemaphoreType.DMA((IB,)),
                pltpu.SemaphoreType.DMA((NBUF,)),
                pltpu.SemaphoreType.DMA((NBUF,)),
            ]
        ),
    )
    def _agg_kernel(hs_hbm, row_hbm, col_hbm, zeros_hbm, out_hbm, *rest):
        rowb = rest[:IB]
        colb = rest[IB:2 * IB]
        gbufs = rest[2 * IB:2 * IB + NBUF]
        acc, isem, gsem, ssem = rest[2 * IB + NBUF:2 * IB + NBUF + 4]
        c = lax.axis_index("c")
        s = lax.axis_index("s")
        base_ch = jnp.where(c == 0, s * ITC0, NS * ITC0 + s * ITC1)
        tg = jnp.where(c == 0, ITC0 // 4, ITC1 // 4)

        def idx_start(k, j):
            pltpu.async_copy(row_hbm.at[base_ch + k], rowb[j], isem.at[j])
            pltpu.async_copy(col_hbm.at[base_ch + k], colb[j], isem.at[j])

        def idx_wait(k, j):
            pltpu.make_async_copy(row_hbm.at[base_ch + k], rowb[j],
                                  isem.at[j]).wait()
            pltpu.make_async_copy(col_hbm.at[base_ch + k], colb[j],
                                  isem.at[j]).wait()

        def gather_start(b, j):
            pltpu.async_copy(hs_hbm.at[colb[j]], gbufs[b], gsem.at[b])

        def gather_wait(b, j):
            pltpu.make_async_copy(hs_hbm.at[colb[j]], gbufs[b],
                                  gsem.at[b]).wait()

        def scat_start(b, j):
            pltpu.async_copy(gbufs[b], acc.at[rowb[j]], ssem.at[b], add=True)

        def scat_wait(b, j):
            pltpu.make_async_copy(gbufs[b], acc.at[rowb[j]],
                                  ssem.at[b]).wait()

        pltpu.sync_copy(zeros_hbm, acc.at[pl.ds(s * RPT, RPT)])
        plsc.subcore_barrier()

        for j in range(IB):
            idx_start(j, j)
        for b in range(NBUF):
            idx_wait(b, b)
            gather_start(b, b)

        TG = ITC0 // 6

        def body(t, carry):
            k0 = 6 * t
            not_last = t < TG - 1
            for i in range(3):
                gather_wait(i, i)
                scat_start(i, i)
            for i in range(3):
                scat_wait(i, i)
                idx_wait(k0 + 3 + i, 3 + i)
                gather_start(i, 3 + i)

                @pl.when(not_last)
                def _():
                    idx_start(k0 + 6 + i, i)
            for i in range(3):
                gather_wait(i, 3 + i)
                scat_start(i, 3 + i)

            @pl.when(not_last)
            def _():
                for i in range(3):
                    scat_wait(i, 3 + i)
                    idx_wait(k0 + 6 + i, i)
                    gather_start(i, i)
                    idx_start(k0 + 9 + i, 3 + i)

            return carry

        lax.fori_loop(0, TG, body, 0)
        for i in range(3):
            scat_wait(i, 3 + i)
        plsc.subcore_barrier()
        pltpu.sync_copy(acc.at[pl.ds(s * RPT, RPT)],
                        out_hbm.at[c, pl.ds(s * RPT, RPT)])

    return _agg_kernel



def _prep_body(d_ref, x_ref, dis_ref, h0s_ref):
    deg = lax.dot_general(d_ref[...], jnp.ones((NW, 1), jnp.float32),
                          (((0,), (0,)), ((), ())),
                          preferred_element_type=jnp.float32)[:N]
    dis = jnp.where(deg > 0, lax.rsqrt(jnp.maximum(deg, 1e-12)), 0.0)
    dis_b = jnp.broadcast_to(dis, (N, D))
    dis_ref[...] = dis_b
    h0s_ref[pl.ds(0, N)] = x_ref[...] * dis_b
    h0s_ref[pl.ds(N, N_PAD - N)] = jnp.zeros((N_PAD - N, D), jnp.float32)


def _prep_call(d, x):
    return pl.pallas_call(
        _prep_body,
        out_shape=[
            jax.ShapeDtypeStruct((N, D), jnp.float32),
            jax.ShapeDtypeStruct((N_PAD, D), jnp.float32),
        ],
    )(d, x)



def _leaky(v):
    return jnp.maximum(v, 0.2 * v)


def _dense_body(p0_ref, p1_ref, h_ref, dis_ref, wg_ref,
                bg_ref, wi_ref, bi_ref, hsprev_ref, hn_ref, hns_ref):
    dis = dis_ref[...]
    ha = (p0_ref[0] + p1_ref[0]) * dis
    h = h_ref[...]
    a = _leaky(jnp.dot(ha, wg_ref[...],
                       preferred_element_type=jnp.float32) + bg_ref[...])
    b = _leaky(jnp.dot(h * ha, wi_ref[...],
                       preferred_element_type=jnp.float32) + bi_ref[...])
    u = a + b
    sq = jnp.sum(u * u, axis=-1, keepdims=True)
    hn = u * lax.rsqrt(jnp.maximum(sq, 1e-12))
    hn_ref[...] = hn
    hns_ref[...] = hn * dis


def _dense_call(p0, p1, h, dis, wg, bg, wi, bi, hs_prev):
    full = lambda i: (0, 0)
    blk = lambda i: (i, 0)
    return pl.pallas_call(
        _dense_body,
        grid=(GRID,),
        in_specs=[
            pl.BlockSpec((1, BM, D), lambda i: (0, i, 0)),
            pl.BlockSpec((1, BM, D), lambda i: (1, i, 0)),
            pl.BlockSpec((BM, D), blk),
            pl.BlockSpec((BM, D), blk),
            pl.BlockSpec((D, D), full),
            pl.BlockSpec((1, D), full),
            pl.BlockSpec((D, D), full),
            pl.BlockSpec((1, D), full),
            pl.BlockSpec(memory_space=pl.ANY),
        ],
        out_specs=[
            pl.BlockSpec((BM, D), blk),
            pl.BlockSpec((BM, D), blk),
        ],
        out_shape=[
            jax.ShapeDtypeStruct((N, D), jnp.float32),
            jax.ShapeDtypeStruct((N_PAD, D), jnp.float32),
        ],
        input_output_aliases={8: 1},
    )(p0, p1, h, dis, wg, bg, wi, bi, hs_prev)



@jax.jit
def _run(x, edge_index, Wg0, bg0, Wi0, bi0, Wg1, bg1, Wi1, bi1,
         Wg2, bg2, Wi2, bi2):
    row = edge_index[0]
    col = edge_index[1]
    pad = E_PAD - E
    ar = jnp.arange(pad, dtype=jnp.int32)
    row_p = jnp.concatenate([row, N + NZ + ar % NTRASH])
    col_p = jnp.concatenate([col, N + ar % NZ])
    row3 = row_p.reshape(TOT_CH, EB)
    col3 = col_p.reshape(TOT_CH, EB)


    zerosD = jnp.zeros((RPT, D), jnp.float32)

    deg_parts = _make_deg_kernel()(row_p)
    dis, hs = _prep_call(deg_parts, x)

    params = [(Wg0, bg0, Wi0, bi0), (Wg1, bg1, Wi1, bi1), (Wg2, bg2, Wi2, bi2)]
    h = x
    outs = [x]
    for (Wg, bg, Wi, bi) in params:
        parts = _make_agg_kernel()(hs, row3, col3, zerosD)
        h, hs = _dense_call(parts, parts, h, dis,
                            Wg, bg.reshape(1, D), Wi, bi.reshape(1, D), hs)
        outs.append(h)
    return jnp.concatenate(outs, axis=-1)


def kernel(x, edge_index, Wg0, bg0, Wi0, bi0, Wg1, bg1, Wi1, bi1,
           Wg2, bg2, Wi2, bi2):
    return _run(x, edge_index, Wg0, bg0, Wi0, bi0, Wg1, bg1, Wi1, bi1,
                Wg2, bg2, Wi2, bi2)

# --- scband reference (transcript-rebuilt; emitter-appended) ---
"""Pipeline reference for scband-ngcf-5153960755315 (READ-ONLY COPY).

The authoritative reference and input builder live on the scoring server;
editing this copy changes nothing except your own understanding.
"""

import jax, jax.numpy as jnp
import numpy as np

N = 10000
E = 320000
D = 128
K = 3


def setup_inputs(seed: int = 0) -> dict:
    key = jax.random.key(seed)
    ks = jax.random.split(key, 2 + 4 * K)
    inp = {}
    inp["x"] = jax.random.normal(ks[0], (N, D), dtype=jnp.float32)
    inp["edge_index"] = jax.random.randint(ks[1], (2, E), 0, N, dtype=jnp.int32)
    for i in range(K):
        inp[f"Wg{i}"] = jax.random.normal(ks[2 + 4 * i], (D, D), dtype=jnp.float32) * 0.05
        inp[f"bg{i}"] = jnp.zeros((D,), dtype=jnp.float32)
        inp[f"Wi{i}"] = jax.random.normal(ks[3 + 4 * i], (D, D), dtype=jnp.float32) * 0.05
        inp[f"bi{i}"] = jnp.zeros((D,), dtype=jnp.float32)
    return inp


def _leaky(x):
    # tf.nn.leaky_relu default alpha=0.2
    return jax.nn.leaky_relu(x, negative_slope=0.2)


def _l2_normalize(x, eps=1e-12):
    sq = jnp.sum(jnp.square(x), axis=-1, keepdims=True)
    return x * jax.lax.rsqrt(jnp.maximum(sq, eps))


def _norm_adj_matmul(x, row, col, num_nodes):
    # LightGCN.norm_adj: sym-normalized adjacency D^{-1/2} A D^{-1/2}, then A_norm @ x
    ones = jnp.ones((row.shape[0],), dtype=x.dtype)
    deg = jax.ops.segment_sum(ones, row, num_segments=num_nodes)
    dis = jnp.where(deg > 0, jax.lax.rsqrt(jnp.maximum(deg, 1e-12)), 0.0)
    w = dis[row] * dis[col]
    msgs = jnp.take(x, col, axis=0) * w[:, None]
    return jax.ops.segment_sum(msgs, row, num_segments=num_nodes)


def _ngcf_conv(x, row, col, Wg, bg, Wi, bi):
    h = _norm_adj_matmul(x, row, col, x.shape[0])
    h = _leaky(h @ Wg + bg) + _leaky((x * h) @ Wi + bi)
    return _l2_normalize(h)


def reference(x, edge_index, Wg0, bg0, Wi0, bi0, Wg1, bg1, Wi1, bi1, Wg2, bg2, Wi2, bi2):
    row = edge_index[0]
    col = edge_index[1]
    params = [(Wg0, bg0, Wi0, bi0), (Wg1, bg1, Wi1, bi1), (Wg2, bg2, Wi2, bi2)]
    h = x
    h_list = [h]
    for (Wg, bg, Wi, bi) in params:
        h = _ngcf_conv(h, row, col, Wg, bg, Wi, bi)
        h_list.append(h)
    return jnp.concatenate(h_list, axis=-1)

if __name__ == "__main__":
    import jax
    _d = setup_inputs()
    print(jax.jit(kernel)(*tuple(_d.values())))

</pallas_src>

<mosaic_0001>
#map = affine_map<(d0, d1) -> (0)>
#map1 = affine_map<(d0, d1) -> (0, 0)>
module attributes {stable_mosaic.version = 14 : i64} {
  func.func @_deg_kernel(%arg0: i32, %arg1: i32, %arg2: memref<322560xi32, #tpu.memory_space<hbm>>, %arg3: memref<32x10112xf32, #tpu.memory_space<hbm>>, %arg4: memref<10080xi32, #tpu.memory_space<vmem>>, %arg5: memref<10112xf32, #tpu.memory_space<vmem>>) attributes {dimension_semantics = [#tpu.dimension_semantics<core_parallel>, #tpu.dimension_semantics<subcore_parallel>], iteration_bounds = array<i64: 2, 16>, scalar_prefetch = 0 : i64, scratch_operands = 2 : i64, tpu.core_type = #tpu.core_type<sc_vector_subcore>, window_params = [{transform_indices = #map}, {transform_indices = #map1}]} {
    %mul3A = arith.constant 2 : i32
    %mul3A_0 = arith.muli %arg1, %mul3A : i32
    %add3A = arith.addi %mul3A_0, %arg0 : i32
    %mul3A_1 = arith.constant 84 : i32
    %mul3A_2 = arith.muli %add3A, %mul3A_1 : i32
    %mul3A_3 = arith.constant 120 : i32
    %mul3A_4 = arith.muli %mul3A_2, %mul3A_3 : i32
    "tpu.region"() ({
      %run_scoped3A = tpu.sem_alloc : memref<!tpu.dma_semaphore, #tpu.memory_space<semaphore_mem>>
      %dma_start3A = tpu.memref_slice %arg2[%mul3A_4] : memref<322560xi32, #tpu.memory_space<hbm>> -> memref<10080xi32, #tpu.memory_space<hbm>>
      %dma_start3A_17 = tpu.memref_slice %arg2[%mul3A_4] : memref<322560xi32, #tpu.memory_space<hbm>> -> memref<10080xi32, #tpu.memory_space<hbm>>
      tpu.enqueue_dma source(%dma_start3A_17 : memref<10080xi32, #tpu.memory_space<hbm>>) target(%arg4 : memref<10080xi32, #tpu.memory_space<vmem>>) target_semaphore(%run_scoped3A : memref<!tpu.dma_semaphore, #tpu.memory_space<semaphore_mem>>)
      %dma_wait3A = tpu.memref_slice %arg2[%mul3A_4] : memref<322560xi32, #tpu.memory_space<hbm>> -> memref<10080xi32, #tpu.memory_space<hbm>>
      %dma_wait3A_18 = tpu.memref_slice %arg2[%mul3A_4] : memref<322560xi32, #tpu.memory_space<hbm>> -> memref<10080xi32, #tpu.memory_space<hbm>>
      tpu.wait_dma2 semaphore(%run_scoped3A : memref<!tpu.dma_semaphore, #tpu.memory_space<semaphore_mem>>) src(%dma_wait3A_18 : memref<10080xi32, #tpu.memory_space<hbm>>) dst(%arg4 : memref<10080xi32, #tpu.memory_space<vmem>>)
      tpu.yield
    }) : () -> ()
    %scan3A = arith.constant 0 : i32
    %scan3A_5 = arith.constant 0 : i32
    %scan3A_6 = arith.constant 632 : i32
    %scan3A_7 = arith.addi %scan3A_5, %scan3A_6 : i32
    %scan3A_8 = arith.constant 1 : i32
    scf.for %scan3A_17 = %scan3A_5 to %scan3A_7 step %scan3A_8  : i32 {
      %broadcast_in_dim3A_18 = arith.constant 0.000000e+00 : f32
      %broadcast_in_dim3A_19 = vector.broadcast %broadcast_in_dim3A_18 : f32 to vector<16xf32>
      %mul3A_20 = arith.constant 16 : i32
      %mul3A_21 = arith.muli %mul3A_20, %scan3A_17 : i32
      %swap3A = arith.index_cast %mul3A_21 : i32 to index
      %swap3A_22 = tpu.vector_load %arg5[%swap3A] {strides = array<i32>} : memref<10112xf32, #tpu.memory_space<vmem>>, vector<16xf32>,
      tpu.vector_store %arg5[%swap3A], %broadcast_in_dim3A_19 {strides = array<i32>} : memref<10112xf32, #tpu.memory_space<vmem>>, vector<16xf32>,
    }
    %scan3A_9 = arith.constant 632 : i32
    %broadcast_in_dim3A = arith.constant 1.000000e+00 : f32
    %broadcast_in_dim3A_10 = vector.broadcast %broadcast_in_dim3A : f32 to vector<16xf32>
    %scan3A_11 = arith.constant 0 : i32
    %scan3A_12 = arith.constant 0 : i32
    %scan3A_13 = arith.constant 105 : i32
    %scan3A_14 = arith.addi %scan3A_12, %scan3A_13 : i32
    %scan3A_15 = arith.constant 1 : i32
    scf.for %scan3A_17 = %scan3A_12 to %scan3A_14 step %scan3A_15  : i32 {
      %mul3A_18 = arith.constant 96 : i32
      %mul3A_19 = arith.muli %mul3A_18, %scan3A_17 : i32
      %add3A_20 = arith.constant 0 : i32
      %add3A_21 = arith.addi %mul3A_19, %add3A_20 : i32
      %get3A = arith.index_cast %add3A_21 : i32 to index
      %get3A_22 = tpu.vector_load %arg4[%get3A] {strides = array<i32>} : memref<10080xi32, #tpu.memory_space<vmem>>, vector<16xi32>,
      tpu.vector_store_idx %arg5[%get3A_22], %broadcast_in_dim3A_10 {add = true} : memref<10112xf32, #tpu.memory_space<vmem>>[vector<16xi32>], vector<16xf32>,
      %mul3A_23 = arith.constant 96 : i32
      %mul3A_24 = arith.muli %mul3A_23, %scan3A_17 : i32
      %add3A_25 = arith.constant 16 : i32
      %add3A_26 = arith.addi %mul3A_24, %add3A_25 : i32
      %get3A_27 = arith.index_cast %add3A_26 : i32 to index
      %get3A_28 = tpu.vector_load %arg4[%get3A_27] {strides = array<i32>} : memref<10080xi32, #tpu.memory_space<vmem>>, vector<16xi32>,
      tpu.vector_store_idx %arg5[%get3A_28], %broadcast_in_dim3A_10 {add = true} : memref<10112xf32, #tpu.memory_space<vmem>>[vector<16xi32>], vector<16xf32>,
      %mul3A_29 = arith.constant 96 : i32
      %mul3A_30 = arith.muli %mul3A_29, %scan3A_17 : i32
      %add3A_31 = arith.constant 32 : i32
      %add3A_32 = arith.addi %mul3A_30, %add3A_31 : i32
      %get3A_33 = arith.index_cast %add3A_32 : i32 to index
      %get3A_34 = tpu.vector_load %arg4[%get3A_33] {strides = array<i32>} : memref<10080xi32, #tpu.memory_space<vmem>>, vector<16xi32>,
      tpu.vector_store_idx %arg5[%get3A_34], %broadcast_in_dim3A_10 {add = true} : memref<10112xf32, #tpu.memory_space<vmem>>[vector<16xi32>], vector<16xf32>,
      %mul3A_35 = arith.constant 96 : i32
      %mul3A_36 = arith.muli %mul3A_35, %scan3A_17 : i32
      %add3A_37 = arith.constant 48 : i32
      %add3A_38 = arith.addi %mul3A_36, %add3A_37 : i32
      %get3A_39 = arith.index_cast %add3A_38 : i32 to index
      %get3A_40 = tpu.vector_load %arg4[%get3A_39] {strides = array<i32>} : memref<10080xi32, #tpu.memory_space<vmem>>, vector<16xi32>,
      tpu.vector_store_idx %arg5[%get3A_40], %broadcast_in_dim3A_10 {add = true} : memref<10112xf32, #tpu.memory_space<vmem>>[vector<16xi32>], vector<16xf32>,
      %mul3A_41 = arith.constant 96 : i32
      %mul3A_42 = arith.muli %mul3A_41, %scan3A_17 : i32
      %add3A_43 = arith.constant 64 : i32
      %add3A_44 = arith.addi %mul3A_42, %add3A_43 : i32
      %get3A_45 = arith.index_cast %add3A_44 : i32 to index
      %get3A_46 = tpu.vector_load %arg4[%get3A_45] {strides = array<i32>} : memref<10080xi32, #tpu.memory_space<vmem>>, vector<16xi32>,
      tpu.vector_store_idx %arg5[%get3A_46], %broadcast_in_dim3A_10 {add = true} : memref<10112xf32, #tpu.memory_space<vmem>>[vector<16xi32>], vector<16xf32>,
      %mul3A_47 = arith.constant 96 : i32
      %mul3A_48 = arith.muli %mul3A_47, %scan3A_17 : i32
      %add3A_49 = arith.constant 80 : i32
      %add3A_50 = arith.addi %mul3A_48, %add3A_49 : i32
      %get3A_51 = arith.index_cast %add3A_50 : i32 to index
      %get3A_52 = tpu.vector_load %arg4[%get3A_51] {strides = array<i32>} : memref<10080xi32, #tpu.memory_space<vmem>>, vector<16xi32>,
      tpu.vector_store_idx %arg5[%get3A_52], %broadcast_in_dim3A_10 {add = true} : memref<10112xf32, #tpu.memory_space<vmem>>[vector<16xi32>], vector<16xf32>,
    }
    %scan3A_16 = arith.constant 105 : i32
    "tpu.region"() ({
      %run_scoped3A = tpu.sem_alloc : memref<!tpu.dma_semaphore, #tpu.memory_space<semaphore_mem>>
      %dma_start3A = arith.constant 0 : i32
      %dma_start3A_17 = tpu.memref_slice %arg3[%add3A, %dma_start3A] : memref<32x10112xf32, #tpu.memory_space<hbm>> -> memref<1x10112xf32, #tpu.memory_space<hbm>>
      %dma_start3A_18 = tpu.memref_squeeze %dma_start3A_17 : memref<1x10112xf32, #tpu.memory_space<hbm>> -> memref<10112xf32, #tpu.memory_space<hbm>>
      %dma_start3A_19 = arith.constant 0 : i32
      %dma_start3A_20 = tpu.memref_slice %arg3[%add3A, %dma_start3A_19] : memref<32x10112xf32, #tpu.memory_space<hbm>> -> memref<1x10112xf32, #tpu.memory_space<hbm>>
      %dma_start3A_21 = tpu.memref_squeeze %dma_start3A_20 : memref<1x10112xf32, #tpu.memory_space<hbm>> -> memref<10112xf32, #tpu.memory_space<hbm>>
      tpu.enqueue_dma source(%arg5 : memref<10112xf32, #tpu.memory_space<vmem>>) target(%dma_start3A_21 : memref<10112xf32, #tpu.memory_space<hbm>>) target_semaphore(%run_scoped3A : memref<!tpu.dma_semaphore, #tpu.memory_space<semaphore_mem>>)
      %dma_wait3A = arith.constant 0 : i32
      %dma_wait3A_22 = tpu.memref_slice %arg3[%add3A, %dma_wait3A] : memref<32x10112xf32, #tpu.memory_space<hbm>> -> memref<1x10112xf32, #tpu.memory_space<hbm>>
      %dma_wait3A_23 = tpu.memref_squeeze %dma_wait3A_22 : memref<1x10112xf32, #tpu.memory_space<hbm>> -> memref<10112xf32, #tpu.memory_space<hbm>>
      %dma_wait3A_24 = arith.constant 0 : i32
      %dma_wait3A_25 = tpu.memref_slice %arg3[%add3A, %dma_wait3A_24] : memref<32x10112xf32, #tpu.memory_space<hbm>> -> memref<1x10112xf32, #tpu.memory_space<hbm>>
      %dma_wait3A_26 = tpu.memref_squeeze %dma_wait3A_25 : memref<1x10112xf32, #tpu.memory_space<hbm>> -> memref<10112xf32, #tpu.memory_space<hbm>>
      tpu.wait_dma2 semaphore(%run_scoped3A : memref<!tpu.dma_semaphore, #tpu.memory_space<semaphore_mem>>) src(%arg5 : memref<10112xf32, #tpu.memory_space<vmem>>) dst(%dma_wait3A_26 : memref<10112xf32, #tpu.memory_space<hbm>>)
      tpu.yield
    }) : () -> ()
    return
  }
}

#map = affine_map<(d0, d1) -> (0, 0)>
#map1 = affine_map<(d0, d1) -> (0, 0, 0)>
module attributes {stable_mosaic.version = 14 : i64} {
  func.func @_agg_kernel(%arg0: i32, %arg1: i32, %arg2: memref<10112x128xf32, #tpu.memory_space<hbm>>, %arg3: memref<2688x120xi32, #tpu.memory_space<hbm>>, %arg4: memref<2688x120xi32, #tpu.memory_space<hbm>>, %arg5: memref<632x128xf32, #tpu.memory_space<hbm>>, %arg6: memref<2x10112x128xf32, #tpu.memory_space<hbm>>, %arg7: memref<120xi32, #tpu.memory_space<vmem>>, %arg8: memref<120xi32, #tpu.memory_space<vmem>>, %arg9: memref<120xi32, #tpu.memory_space<vmem>>, %arg10: memref<120xi32, #tpu.memory_space<vmem>>, %arg11: memref<120xi32, #tpu.memory_space<vmem>>, %arg12: memref<120xi32, #tpu.memory_space<vmem>>, %arg13: memref<120xi32, #tpu.memory_space<vmem>>, %arg14: memref<120xi32, #tpu.memory_space<vmem>>, %arg15: memref<120xi32, #tpu.memory_space<vmem>>, %arg16: memref<120xi32, #tpu.memory_space<vmem>>, %arg17: memref<120xi32, #tpu.memory_space<vmem>>, %arg18: memref<120xi32, #tpu.memory_space<vmem>>, %arg19: memref<120x128xf32, #tpu.memory_space<vmem>>, %arg20: memref<120x128xf32, #tpu.memory_space<vmem>>, %arg21: memref<120x128xf32, #tpu.memory_space<vmem>>, %arg22: memref<10112x128xf32, #tpu.memory_space<vmem_shared>>, %arg23: memref<6x!tpu.dma_semaphore, #tpu.memory_space<semaphore_mem>>, %arg24: memref<3x!tpu.dma_semaphore, #tpu.memory_space<semaphore_mem>>, %arg25: memref<3x!tpu.dma_semaphore, #tpu.memory_space<semaphore_mem>>) attributes {dimension_semantics = [#tpu.dimension_semantics<core_parallel>, #tpu.dimension_semantics<subcore_parallel>], iteration_bounds = array<i64: 2, 16>, scalar_prefetch = 0 : i64, scratch_operands = 19 : i64, tpu.core_type = #tpu.core_type<sc_vector_subcore>, window_params = [{transform_indices = #map}, {transform_indices = #map}, {transform_indices = #map}, {transform_indices = #map}, {transform_indices = #map1}]} {
    %eq3A = arith.constant 0 : i32
    %eq3A_0 = arith.cmpi eq, %arg0, %eq3A : i32
    %mul3A = arith.constant 84 : i32
    %mul3A_1 = arith.muli %arg1, %mul3A : i32
    %mul3A_2 = arith.constant 84 : i32
    %mul3A_3 = arith.muli %arg1, %mul3A_2 : i32
    %add3A = arith.constant 1344 : i32
    %add3A_4 = arith.addi %add3A, %mul3A_3 : i32
    %select_n3A = arith.select %eq3A_0, %mul3A_1, %add3A_4 : i32
    %eq3A_5 = arith.constant 0 : i32
    %eq3A_6 = arith.cmpi eq, %arg0, %eq3A_5 : i32
    %jit3A = arith.constant 21 : i32
    %jit3A_7 = arith.constant 21 : i32
    %select_n3A_8 = arith.select %eq3A_6, %jit3A, %jit3A_7 : i32
    %mul3A_9 = arith.constant 632 : i32
    %mul3A_10 = arith.muli %arg1, %mul3A_9 : i32
    "tpu.region"() ({
      %run_scoped3A = tpu.sem_alloc : memref<!tpu.dma_semaphore, #tpu.memory_space<semaphore_mem>>
      %dma_start3A_253 = arith.constant 0 : i32
      %dma_start3A_254 = tpu.memref_slice %arg22[%mul3A_10, %dma_start3A_253] : memref<10112x128xf32, #tpu.memory_space<vmem_shared>> -> memref<632x128xf32, #tpu.memory_space<vmem_shared>>
      tpu.enqueue_dma source(%arg5 : memref<632x128xf32, #tpu.memory_space<hbm>>) target(%dma_start3A_254 : memref<632x128xf32, #tpu.memory_space<vmem_shared>>) target_semaphore(%run_scoped3A : memref<!tpu.dma_semaphore, #tpu.memory_space<semaphore_mem>>)
      %dma_wait3A_255 = arith.constant 0 : i32
      %dma_wait3A_256 = tpu.memref_slice %arg22[%mul3A_10, %dma_wait3A_255] : memref<10112x128xf32, #tpu.memory_space<vmem_shared>> -> memref<632x128xf32, #tpu.memory_space<vmem_shared>>
      tpu.wait_dma2 semaphore(%run_scoped3A : memref<!tpu.dma_semaphore, #tpu.memory_space<semaphore_mem>>) src(%arg5 : memref<632x128xf32, #tpu.memory_space<hbm>>) dst(%dma_wait3A_256 : memref<632x128xf32, #tpu.memory_space<vmem_shared>>)
      tpu.yield
    }) : () -> ()
    %barrier3A = arith.constant 0 : index
    tpu.barrier barrier_id(%barrier3A)
    %add3A_11 = arith.constant 0 : i32
    %add3A_12 = arith.addi %select_n3A, %add3A_11 : i32
    %dma_start3A = arith.constant 0 : i32
    %dma_start3A_13 = arith.constant 0 : i32
    %dma_start3A_14 = tpu.memref_slice %arg3[%add3A_12, %dma_start3A_13] : memref<2688x120xi32, #tpu.memory_space<hbm>> -> memref<1x120xi32, #tpu.memory_space<hbm>>
    %dma_start3A_15 = tpu.memref_squeeze %dma_start3A_14 : memref<1x120xi32, #tpu.memory_space<hbm>> -> memref<120xi32, #tpu.memory_space<hbm>>
    %dma_start3A_16 = tpu.memref_slice %arg23[%dma_start3A] : memref<6x!tpu.dma_semaphore, #tpu.memory_space<semaphore_mem>> -> memref<1x!tpu.dma_semaphore, #tpu.memory_space<semaphore_mem>>
    %dma_start3A_17 = tpu.memref_squeeze %dma_start3A_16 : memref<1x!tpu.dma_semaphore, #tpu.memory_space<semaphore_mem>> -> memref<!tpu.dma_semaphore, #tpu.memory_space<semaphore_mem>>
    %dma_start3A_18 = arith.constant 0 : i32
    %dma_start3A_19 = tpu.memref_slice %arg3[%add3A_12, %dma_start3A_18] : memref<2688x120xi32, #tpu.memory_space<hbm>> -> memref<1x120xi32, #tpu.memory_space<hbm>>
    %dma_start3A_20 = tpu.memref_squeeze %dma_start3A_19 : memref<1x120xi32, #tpu.memory_space<hbm>> -> memref<120xi32, #tpu.memory_space<hbm>>
    tpu.enqueue_dma source(%dma_start3A_20 : memref<120xi32, #tpu.memory_space<hbm>>) target(%arg7 : memref<120xi32, #tpu.memory_space<vmem>>) target_semaphore(%dma_start3A_17 : memref<!tpu.dma_semaphore, #tpu.memory_space<semaphore_mem>>)
    %add3A_21 = arith.constant 0 : i32
    %add3A_22 = arith.addi %select_n3A, %add3A_21 : i32
    %dma_start3A_23 = arith.constant 0 : i32
    %dma_start3A_24 = arith.constant 0 : i32
    %dma_start3A_25 = tpu.memref_slice %arg4[%add3A_22, %dma_start3A_24] : memref<2688x120xi32, #tpu.memory_space<hbm>> -> memref<1x120xi32, #tpu.memory_space<hbm>>
    %dma_start3A_26 = tpu.memref_squeeze %dma_start3A_25 : memref<1x120xi32, #tpu.memory_space<hbm>> -> memref<120xi32, #tpu.memory_space<hbm>>
    %dma_start3A_27 = tpu.memref_slice %arg23[%dma_start3A_23] : memref<6x!tpu.dma_semaphore, #tpu.memory_space<semaphore_mem>> -> memref<1x!tpu.dma_semaphore, #tpu.memory_space<semaphore_mem>>
    %dma_start3A_28 = tpu.memref_squeeze %dma_start3A_27 : memref<1x!tpu.dma_semaphore, #tpu.memory_space<semaphore_mem>> -> memref<!tpu.dma_semaphore, #tpu.memory_space<semaphore_mem>>
    %dma_start3A_29 = arith.constant 0 : i32
    %dma_start3A_30 = tpu.memref_slice %arg4[%add3A_22, %dma_start3A_29] : memref<2688x120xi32, #tpu.memory_space<hbm>> -> memref<1x120xi32, #tpu.memory_space<hbm>>
    %dma_start3A_31 = tpu.memref_squeeze %dma_start3A_30 : memref<1x120xi32, #tpu.memory_space<hbm>> -> memref<120xi32, #tpu.memory_space<hbm>>
    tpu.enqueue_dma source(%dma_start3A_31 : memref<120xi32, #tpu.memory_space<hbm>>) target(%arg13 : memref<120xi32, #tpu.memory_space<vmem>>) target_semaphore(%dma_start3A_28 : memref<!tpu.dma_semaphore, #tpu.memory_space<semaphore_mem>>)
    %add3A_32 = arith.constant 1 : i32
    %add3A_33 = arith.addi %select_n3A, %add3A_32 : i32
    %dma_start3A_34 = arith.constant 1 : i32
    %dma_start3A_35 = arith.constant 0 : i32
    %dma_start3A_36 = tpu.memref_slice %arg3[%add3A_33, %dma_start3A_35] : memref<2688x120xi32, #tpu.memory_space<hbm>> -> memref<1x120xi32, #tpu.memory_space<hbm>>
    %dma_start3A_37 = tpu.memref_squeeze %dma_start3A_36 : memref<1x120xi32, #tpu.memory_space<hbm>> -> memref<120xi32, #tpu.memory_space<hbm>>
    %dma_start3A_38 = tpu.memref_slice %arg23[%dma_start3A_34] : memref<6x!tpu.dma_semaphore, #tpu.memory_space<semaphore_mem>> -> memref<1x!tpu.dma_semaphore, #tpu.memory_space<semaphore_mem>>
    %dma_start3A_39 = tpu.memref_squeeze %dma_start3A_38 : memref<1x!tpu.dma_semaphore, #tpu.memory_space<semaphore_mem>> -> memref<!tpu.dma_semaphore, #tpu.memory_space<semaphore_mem>>
    %dma_start3A_40 = arith.constant 0 : i32
    %dma_start3A_41 = tpu.memref_slice %arg3[%add3A_33, %dma_start3A_40] : memref<2688x120xi32, #tpu.memory_space<hbm>> -> memref<1x120xi32, #tpu.memory_space<hbm>>
    %dma_start3A_42 = tpu.memref_squeeze %dma_start3A_41 : memref<1x120xi32, #tpu.memory_space<hbm>> -> memref<120xi32, #tpu.memory_space<hbm>>
    tpu.enqueue_dma source(%dma_start3A_42 : memref<120xi32, #tpu.memory_space<hbm>>) target(%arg8 : memref<120xi32, #tpu.memory_space<vmem>>) target_semaphore(%dma_start3A_39 : memref<!tpu.dma_semaphore, #tpu.memory_space<semaphore_mem>>)
    %add3A_43 = arith.constant 1 : i32
    %add3A_44 = arith.addi %select_n3A, %add3A_43 : i32
    %dma_start3A_45 = arith.constant 1 : i32
    %dma_start3A_46 = arith.constant 0 : i32
    %dma_start3A_47 = tpu.memref_slice %arg4[%add3A_44, %dma_start3A_46] : memref<2688x120xi32, #tpu.memory_space<hbm>> -> memref<1x120xi32, #tpu.memory_space<hbm>>
    %dma_start3A_48 = tpu.memref_squeeze %dma_start3A_47 : memref<1x120xi32, #tpu.memory_space<hbm>> -> memref<120xi32, #tpu.memory_space<hbm>>
    %dma_start3A_49 = tpu.memref_slice %arg23[%dma_start3A_45] : memref<6x!tpu.dma_semaphore, #tpu.memory_space<semaphore_mem>> -> memref<1x!tpu.dma_semaphore, #tpu.memory_space<semaphore_mem>>
    %dma_start3A_50 = tpu.memref_squeeze %dma_start3A_49 : memref<1x!tpu.dma_semaphore, #tpu.memory_space<semaphore_mem>> -> memref<!tpu.dma_semaphore, #tpu.memory_space<semaphore_mem>>
    %dma_start3A_51 = arith.constant 0 : i32
    %dma_start3A_52 = tpu.memref_slice %arg4[%add3A_44, %dma_start3A_51] : memref<2688x120xi32, #tpu.memory_space<hbm>> -> memref<1x120xi32, #tpu.memory_space<hbm>>
    %dma_start3A_53 = tpu.memref_squeeze %dma_start3A_52 : memref<1x120xi32, #tpu.memory_space<hbm>> -> memref<120xi32, #tpu.memory_space<hbm>>
    tpu.enqueue_dma source(%dma_start3A_53 : memref<120xi32, #tpu.memory_space<hbm>>) target(%arg14 : memref<120xi32, #tpu.memory_space<vmem>>) target_semaphore(%dma_start3A_50 : memref<!tpu.dma_semaphore, #tpu.memory_space<semaphore_mem>>)
    %add3A_54 = arith.constant 2 : i32
    %add3A_55 = arith.addi %select_n3A, %add3A_54 : i32
    %dma_start3A_56 = arith.constant 2 : i32
    %dma_start3A_57 = arith.constant 0 : i32
    %dma_start3A_58 = tpu.memref_slice %arg3[%add3A_55, %dma_start3A_57] : memref<2688x120xi32, #tpu.memory_space<hbm>> -> memref<1x120xi32, #tpu.memory_space<hbm>>
    %dma_start3A_59 = tpu.memref_squeeze %dma_start3A_58 : memref<1x120xi32, #tpu.memory_space<hbm>> -> memref<120xi32, #tpu.memory_space<hbm>>
    %dma_start3A_60 = tpu.memref_slice %arg23[%dma_start3A_56] : memref<6x!tpu.dma_semaphore, #tpu.memory_space<semaphore_mem>> -> memref<1x!tpu.dma_semaphore, #tpu.memory_space<semaphore_mem>>
    %dma_start3A_61 = tpu.memref_squeeze %dma_start3A_60 : memref<1x!tpu.dma_semaphore, #tpu.memory_space<semaphore_mem>> -> memref<!tpu.dma_semaphore, #tpu.memory_space<semaphore_mem>>
    %dma_start3A_62 = arith.constant 0 : i32
    %dma_start3A_63 = tpu.memref_slice %arg3[%add3A_55, %dma_start3A_62] : memref<2688x120xi32, #tpu.memory_space<hbm>> -> memref<1x120xi32, #tpu.memory_space<hbm>>
    %dma_start3A_64 = tpu.memref_squeeze %dma_start3A_63 : memref<1x120xi32, #tpu.memory_space<hbm>> -> memref<120xi32, #tpu.memory_space<hbm>>
    tpu.enqueue_dma source(%dma_start3A_64 : memref<120xi32, #tpu.memory_space<hbm>>) target(%arg9 : memref<120xi32, #tpu.memory_space<vmem>>) target_semaphore(%dma_start3A_61 : memref<!tpu.dma_semaphore, #tpu.memory_space<semaphore_mem>>)
    %add3A_65 = arith.constant 2 : i32
    %add3A_66 = arith.addi %select_n3A, %add3A_65 : i32
    %dma_start3A_67 = arith.constant 2 : i32
    %dma_start3A_68 = arith.constant 0 : i32
    %dma_start3A_69 = tpu.memref_slice %arg4[%add3A_66, %dma_start3A_68] : memref<2688x120xi32, #tpu.memory_space<hbm>> -> memref<1x120xi32, #tpu.memory_space<hbm>>
    %dma_start3A_70 = tpu.memref_squeeze %dma_start3A_69 : memref<1x120xi32, #tpu.memory_space<hbm>> -> memref<120xi32, #tpu.memory_space<hbm>>
    %dma_start3A_71 = tpu.memref_slice %arg23[%dma_start3A_67] : memref<6x!tpu.dma_semaphore, #tpu.memory_space<semaphore_mem>> -> memref<1x!tpu.dma_semaphore, #tpu.memory_space<semaphore_mem>>
    %dma_start3A_72 = tpu.memref_squeeze %dma_start3A_71 : memref<1x!tpu.dma_semaphore, #tpu.memory_space<semaphore_mem>> -> memref<!tpu.dma_semaphore, #tpu.memory_space<semaphore_mem>>
    %dma_start3A_73 = arith.constant 0 : i32
    %dma_start3A_74 = tpu.memref_slice %arg4[%add3A_66, %dma_start3A_73] : memref<2688x120xi32, #tpu.memory_space<hbm>> -> memref<1x120xi32, #tpu.memory_space<hbm>>
    %dma_start3A_75 = tpu.memref_squeeze %dma_start3A_74 : memref<1x120xi32, #tpu.memory_space<hbm>> -> memref<120xi32, #tpu.memory_space<hbm>>
    tpu.enqueue_dma source(%dma_start3A_75 : memref<120xi32, #tpu.memory_space<hbm>>) target(%arg15 : memref<120xi32, #tpu.memory_space<vmem>>) target_semaphore(%dma_start3A_72 : memref<!tpu.dma_semaphore, #tpu.memory_space<semaphore_mem>>)
    %add3A_76 = arith.constant 3 : i32
    %add3A_77 = arith.addi %select_n3A, %add3A_76 : i32
    %dma_start3A_78 = arith.constant 3 : i32
    %dma_start3A_79 = arith.constant 0 : i32
    %dma_start3A_80 = tpu.memref_slice %arg3[%add3A_77, %dma_start3A_79] : memref<2688x120xi32, #tpu.memory_space<hbm>> -> memref<1x120xi32, #tpu.memory_space<hbm>>
    %dma_start3A_81 = tpu.memref_squeeze %dma_start3A_80 : memref<1x120xi32, #tpu.memory_space<hbm>> -> memref<120xi32, #tpu.memory_space<hbm>>
    %dma_start3A_82 = tpu.memref_slice %arg23[%dma_start3A_78] : memref<6x!tpu.dma_semaphore, #tpu.memory_space<semaphore_mem>> -> memref<1x!tpu.dma_semaphore, #tpu.memory_space<semaphore_mem>>
    %dma_start3A_83 = tpu.memref_squeeze %dma_start3A_82 : memref<1x!tpu.dma_semaphore, #tpu.memory_space<semaphore_mem>> -> memref<!tpu.dma_semaphore, #tpu.memory_space<semaphore_mem>>
    %dma_start3A_84 = arith.constant 0 : i32
    %dma_start3A_85 = tpu.memref_slice %arg3[%add3A_77, %dma_start3A_84] : memref<2688x120xi32, #tpu.memory_space<hbm>> -> memref<1x120xi32, #tpu.memory_space<hbm>>
    %dma_start3A_86 = tpu.memref_squeeze %dma_start3A_85 : memref<1x120xi32, #tpu.memory_space<hbm>> -> memref<120xi32, #tpu.memory_space<hbm>>
    tpu.enqueue_dma source(%dma_start3A_86 : memref<120xi32, #tpu.memory_space<hbm>>) target(%arg10 : memref<120xi32, #tpu.memory_space<vmem>>) target_semaphore(%dma_start3A_83 : memref<!tpu.dma_semaphore, #tpu.memory_space<semaphore_mem>>)
    %add3A_87 = arith.constant 3 : i32
    %add3A_88 = arith.addi %select_n3A, %add3A_87 : i32
    %dma_start3A_89 = arith.constant 3 : i32
    %dma_start3A_90 = arith.constant 0 : i32
    %dma_start3A_91 = tpu.memref_slice %arg4[%add3A_88, %dma_start3A_90] : memref<2688x120xi32, #tpu.memory_space<hbm>> -> memref<1x120xi32, #tpu.memory_space<hbm>>
    %dma_start3A_92 = tpu.memref_squeeze %dma_start3A_91 : memref<1x120xi32, #tpu.memory_space<hbm>> -> memref<120xi32, #tpu.memory_space<hbm>>
    %dma_start3A_93 = tpu.memref_slice %arg23[%dma_start3A_89] : memref<6x!tpu.dma_semaphore, #tpu.memory_space<semaphore_mem>> -> memref<1x!tpu.dma_semaphore, #tpu.memory_space<semaphore_mem>>
    %dma_start3A_94 = tpu.memref_squeeze %dma_start3A_93 : memref<1x!tpu.dma_semaphore, #tpu.memory_space<semaphore_mem>> -> memref<!tpu.dma_semaphore, #tpu.memory_space<semaphore_mem>>
    %dma_start3A_95 = arith.constant 0 : i32
    %dma_start3A_96 = tpu.memref_slice %arg4[%add3A_88, %dma_start3A_95] : memref<2688x120xi32, #tpu.memory_space<hbm>> -> memref<1x120xi32, #tpu.memory_space<hbm>>
    %dma_start3A_97 = tpu.memref_squeeze %dma_start3A_96 : memref<1x120xi32, #tpu.memory_space<hbm>> -> memref<120xi32, #tpu.memory_space<hbm>>
    tpu.enqueue_dma source(%dma_start3A_97 : memref<120xi32, #tpu.memory_space<hbm>>) target(%arg16 : memref<120xi32, #tpu.memory_space<vmem>>) target_semaphore(%dma_start3A_94 : memref<!tpu.dma_semaphore, #tpu.memory_space<semaphore_mem>>)
    %add3A_98 = arith.constant 4 : i32
    %add3A_99 = arith.addi %select_n3A, %add3A_98 : i32
    %dma_start3A_100 = arith.constant 4 : i32
    %dma_start3A_101 = arith.constant 0 : i32
    %dma_start3A_102 = tpu.memref_slice %arg3[%add3A_99, %dma_start3A_101] : memref<2688x120xi32, #tpu.memory_space<hbm>> -> memref<1x120xi32, #tpu.memory_space<hbm>>
    %dma_start3A_103 = tpu.memref_squeeze %dma_start3A_102 : memref<1x120xi32, #tpu.memory_space<hbm>> -> memref<120xi32, #tpu.memory_space<hbm>>
    %dma_start3A_104 = tpu.memref_slice %arg23[%dma_start3A_100] : memref<6x!tpu.dma_semaphore, #tpu.memory_space<semaphore_mem>> -> memref<1x!tpu.dma_semaphore, #tpu.memory_space<semaphore_mem>>
    %dma_start3A_105 = tpu.memref_squeeze %dma_start3A_104 : memref<1x!tpu.dma_semaphore, #tpu.memory_space<semaphore_mem>> -> memref<!tpu.dma_semaphore, #tpu.memory_space<semaphore_mem>>
    %dma_start3A_106 = arith.constant 0 : i32
    %dma_start3A_107 = tpu.memref_slice %arg3[%add3A_99, %dma_start3A_106] : memref<2688x120xi32, #tpu.memory_space<hbm>> -> memref<1x120xi32, #tpu.memory_space<hbm>>
    %dma_start3A_108 = tpu.memref_squeeze %dma_start3A_107 : memref<1x120xi32, #tpu.memory_space<hbm>> -> memref<120xi32, #tpu.memory_space<hbm>>
    tpu.enqueue_dma source(%dma_start3A_108 : memref<120xi32, #tpu.memory_space<hbm>>) target(%arg11 : memref<120xi32, #tpu.memory_space<vmem>>) target_semaphore(%dma_start3A_105 : memref<!tpu.dma_semaphore, #tpu.memory_space<semaphore_mem>>)
    %add3A_109 = arith.constant 4 : i32
    %add3A_110 = arith.addi %select_n3A, %add3A_109 : i32
    %dma_start3A_111 = arith.constant 4 : i32
    %dma_start3A_112 = arith.constant 0 : i32
    %dma_start3A_113 = tpu.memref_slice %arg4[%add3A_110, %dma_start3A_112] : memref<2688x120xi32, #tpu.memory_space<hbm>> -> memref<1x120xi32, #tpu.memory_space<hbm>>
    %dma_start3A_114 = tpu.memref_squeeze %dma_start3A_113 : memref<1x120xi32, #tpu.memory_space<hbm>> -> memref<120xi32, #tpu.memory_space<hbm>>
    %dma_start3A_115 = tpu.memref_slice %arg23[%dma_start3A_111] : memref<6x!tpu.dma_semaphore, #tpu.memory_space<semaphore_mem>> -> memref<1x!tpu.dma_semaphore, #tpu.memory_space<semaphore_mem>>
    %dma_start3A_116 = tpu.memref_squeeze %dma_start3A_115 : memref<1x!tpu.dma_semaphore, #tpu.memory_space<semaphore_mem>> -> memref<!tpu.dma_semaphore, #tpu.memory_space<semaphore_mem>>
    %dma_start3A_117 = arith.constant 0 : i32
    %dma_start3A_118 = tpu.memref_slice %arg4[%add3A_110, %dma_start3A_117] : memref<2688x120xi32, #tpu.memory_space<hbm>> -> memref<1x120xi32, #tpu.memory_space<hbm>>
    %dma_start3A_119 = tpu.memref_squeeze %dma_start3A_118 : memref<1x120xi32, #tpu.memory_space<hbm>> -> memref<120xi32, #tpu.memory_space<hbm>>
    tpu.enqueue_dma source(%dma_start3A_119 : memref<120xi32, #tpu.memory_space<hbm>>) target(%arg17 : memref<120xi32, #tpu.memory_space<vmem>>) target_semaphore(%dma_start3A_116 : memref<!tpu.dma_semaphore, #tpu.memory_space<semaphore_mem>>)
    %add3A_120 = arith.constant 5 : i32
    %add3A_121 = arith.addi %select_n3A, %add3A_120 : i32
    %dma_start3A_122 = arith.constant 5 : i32
    %dma_start3A_123 = arith.constant 0 : i32
    %dma_start3A_124 = tpu.memref_slice %arg3[%add3A_121, %dma_start3A_123] : memref<2688x120xi32, #tpu.memory_space<hbm>> -> memref<1x120xi32, #tpu.memory_space<hbm>>
    %dma_start3A_125 = tpu.memref_squeeze %dma_start3A_124 : memref<1x120xi32, #tpu.memory_space<hbm>> -> memref<120xi32, #tpu.memory_space<hbm>>
    %dma_start3A_126 = tpu.memref_slice %arg23[%dma_start3A_122] : memref<6x!tpu.dma_semaphore, #tpu.memory_space<semaphore_mem>> -> memref<1x!tpu.dma_semaphore, #tpu.memory_space<semaphore_mem>>
    %dma_start3A_127 = tpu.memref_squeeze %dma_start3A_126 : memref<1x!tpu.dma_semaphore, #tpu.memory_space<semaphore_mem>> -> memref<!tpu.dma_semaphore, #tpu.memory_space<semaphore_mem>>
    %dma_start3A_128 = arith.constant 0 : i32
    %dma_start3A_129 = tpu.memref_slice %arg3[%add3A_121, %dma_start3A_128] : memref<2688x120xi32, #tpu.memory_space<hbm>> -> memref<1x120xi32, #tpu.memory_space<hbm>>
    %dma_start3A_130 = tpu.memref_squeeze %dma_start3A_129 : memref<1x120xi32, #tpu.memory_space<hbm>> -> memref<120xi32, #tpu.memory_space<hbm>>
    tpu.enqueue_dma source(%dma_start3A_130 : memref<120xi32, #tpu.memory_space<hbm>>) target(%arg12 : memref<120xi32, #tpu.memory_space<vmem>>) target_semaphore(%dma_start3A_127 : memref<!tpu.dma_semaphore, #tpu.memory_space<semaphore_mem>>)
    %add3A_131 = arith.constant 5 : i32
    %add3A_132 = arith.addi %select_n3A, %add3A_131 : i32
    %dma_start3A_133 = arith.constant 5 : i32
    %dma_start3A_134 = arith.constant 0 : i32
    %dma_start3A_135 = tpu.memref_slice %arg4[%add3A_132, %dma_start3A_134] : memref<2688x120xi32, #tpu.memory_space<hbm>> -> memref<1x120xi32, #tpu.memory_space<hbm>>
    %dma_start3A_136 = tpu.memref_squeeze %dma_start3A_135 : memref<1x120xi32, #tpu.memory_space<hbm>> -> memref<120xi32, #tpu.memory_space<hbm>>
    %dma_start3A_137 = tpu.memref_slice %arg23[%dma_start3A_133] : memref<6x!tpu.dma_semaphore, #tpu.memory_space<semaphore_mem>> -> memref<1x!tpu.dma_semaphore, #tpu.memory_space<semaphore_mem>>
    %dma_start3A_138 = tpu.memref_squeeze %dma_start3A_137 : memref<1x!tpu.dma_semaphore, #tpu.memory_space<semaphore_mem>> -> memref<!tpu.dma_semaphore, #tpu.memory_space<semaphore_mem>>
    %dma_start3A_139 = arith.constant 0 : i32
    %dma_start3A_140 = tpu.memref_slice %arg4[%add3A_132, %dma_start3A_139] : memref<2688x120xi32, #tpu.memory_space<hbm>> -> memref<1x120xi32, #tpu.memory_space<hbm>>
    %dma_start3A_141 = tpu.memref_squeeze %dma_start3A_140 : memref<1x120xi32, #tpu.memory_space<hbm>> -> memref<120xi32, #tpu.memory_space<hbm>>
    tpu.enqueue_dma source(%dma_start3A_141 : memref<120xi32, #tpu.memory_space<hbm>>) target(%arg18 : memref<120xi32, #tpu.memory_space<vmem>>) target_semaphore(%dma_start3A_138 : memref<!tpu.dma_semaphore, #tpu.memory_space<semaphore_mem>>)
    %add3A_142 = arith.constant 0 : i32
    %add3A_143 = arith.addi %select_n3A, %add3A_142 : i32
    %dma_wait3A = arith.constant 0 : i32
    %dma_wait3A_144 = arith.constant 0 : i32
    %dma_wait3A_145 = tpu.memref_slice %arg3[%add3A_143, %dma_wait3A_144] : memref<2688x120xi32, #tpu.memory_space<hbm>> -> memref<1x120xi32, #tpu.memory_space<hbm>>
    %dma_wait3A_146 = tpu.memref_squeeze %dma_wait3A_145 : memref<1x120xi32, #tpu.memory_space<hbm>> -> memref<120xi32, #tpu.memory_space<hbm>>
    %dma_wait3A_147 = tpu.memref_slice %arg23[%dma_wait3A] : memref<6x!tpu.dma_semaphore, #tpu.memory_space<semaphore_mem>> -> memref<1x!tpu.dma_semaphore, #tpu.memory_space<semaphore_mem>>
    %dma_wait3A_148 = tpu.memref_squeeze %dma_wait3A_147 : memref<1x!tpu.dma_semaphore, #tpu.memory_space<semaphore_mem>> -> memref<!tpu.dma_semaphore, #tpu.memory_space<semaphore_mem>>
    %dma_wait3A_149 = arith.constant 0 : i32
    %dma_wait3A_150 = tpu.memref_slice %arg3[%add3A_143, %dma_wait3A_149] : memref<2688x120xi32, #tpu.memory_space<hbm>> -> memref<1x120xi32, #tpu.memory_space<hbm>>
    %dma_wait3A_151 = tpu.memref_squeeze %dma_wait3A_150 : memref<1x120xi32, #tpu.memory_space<hbm>> -> memref<120xi32, #tpu.memory_space<hbm>>
    tpu.wait_dma2 semaphore(%dma_wait3A_148 : memref<!tpu.dma_semaphore, #tpu.memory_space<semaphore_mem>>) src(%dma_wait3A_151 : memref<120xi32, #tpu.memory_space<hbm>>) dst(%arg7 : memref<120xi32, #tpu.memory_space<vmem>>)
    %add3A_152 = arith.constant 0 : i32
    %add3A_153 = arith.addi %select_n3A, %add3A_152 : i32
    %dma_wait3A_154 = arith.constant 0 : i32
    %dma_wait3A_155 = arith.constant 0 : i32
    %dma_wait3A_156 = tpu.memref_slice %arg4[%add3A_153, %dma_wait3A_155] : memref<2688x120xi32, #tpu.memory_space<hbm>> -> memref<1x120xi32, #tpu.memory_space<hbm>>
    %dma_wait3A_157 = tpu.memref_squeeze %dma_wait3A_156 : memref<1x120xi32, #tpu.memory_space<hbm>> -> memref<120xi32, #tpu.memory_space<hbm>>
    %dma_wait3A_158 = tpu.memref_slice %arg23[%dma_wait3A_154] : memref<6x!tpu.dma_semaphore, #tpu.memory_space<semaphore_mem>> -> memref<1x!tpu.dma_semaphore, #tpu.memory_space<semaphore_mem>>
    %dma_wait3A_159 = tpu.memref_squeeze %dma_wait3A_158 : memref<1x!tpu.dma_semaphore, #tpu.memory_space<semaphore_mem>> -> memref<!tpu.dma_semaphore, #tpu.memory_space<semaphore_mem>>
    %dma_wait3A_160 = arith.constant 0 : i32
    %dma_wait3A_161 = tpu.memref_slice %arg4[%add3A_153, %dma_wait3A_160] : memref<2688x120xi32, #tpu.memory_space<hbm>> -> memref<1x120xi32, #tpu.memory_space<hbm>>
    %dma_wait3A_162 = tpu.memref_squeeze %dma_wait3A_161 : memref<1x120xi32, #tpu.memory_space<hbm>> -> memref<120xi32, #tpu.memory_space<hbm>>
    tpu.wait_dma2 semaphore(%dma_wait3A_159 : memref<!tpu.dma_semaphore, #tpu.memory_space<semaphore_mem>>) src(%dma_wait3A_162 : memref<120xi32, #tpu.memory_space<hbm>>) dst(%arg13 : memref<120xi32, #tpu.memory_space<vmem>>)
    %dma_start3A_163 = arith.constant 0 : i32
    %dma_start3A_164 = arith.constant 0 : i32
    %dma_start3A_165 = arith.constant 0 : i32
    %dma_start3A_166 = tpu.memref_slice %arg2[%dma_start3A_164, %dma_start3A_165] : memref<10112x128xf32, #tpu.memory_space<hbm>> -> memref<10112x128xf32, #tpu.memory_space<hbm>>
    %dma_start3A_167 = tpu.memref_slice %arg24[%dma_start3A_163] : memref<3x!tpu.dma_semaphore, #tpu.memory_space<semaphore_mem>> -> memref<1x!tpu.dma_semaphore, #tpu.memory_space<semaphore_mem>>
    %dma_start3A_168 = tpu.memref_squeeze %dma_start3A_167 : memref<1x!tpu.dma_semaphore, #tpu.memory_space<semaphore_mem>> -> memref<!tpu.dma_semaphore, #tpu.memory_space<semaphore_mem>>
    tpu.enqueue_indirect_dma source(%dma_start3A_166 : memref<10112x128xf32, #tpu.memory_space<hbm>>) target(%arg19 : memref<120x128xf32, #tpu.memory_space<vmem>>) offsets(%arg13 : memref<120xi32, #tpu.memory_space<vmem>>) semaphore(%dma_start3A_168 : memref<!tpu.dma_semaphore, #tpu.memory_space<semaphore_mem>>)
    %add3A_169 = arith.constant 1 : i32
    %add3A_170 = arith.addi %select_n3A, %add3A_169 : i32
    %dma_wait3A_171 = arith.constant 1 : i32
    %dma_wait3A_172 = arith.constant 0 : i32
    %dma_wait3A_173 = tpu.memref_slice %arg3[%add3A_170, %dma_wait3A_172] : memref<2688x120xi32, #tpu.memory_space<hbm>> -> memref<1x120xi32, #tpu.memory_space<hbm>>
    %dma_wait3A_174 = tpu.memref_squeeze %dma_wait3A_173 : memref<1x120xi32, #tpu.memory_space<hbm>> -> memref<120xi32, #tpu.memory_space<hbm>>
    %dma_wait3A_175 = tpu.memref_slice %arg23[%dma_wait3A_171] : memref<6x!tpu.dma_semaphore, #tpu.memory_space<semaphore_mem>> -> memref<1x!tpu.dma_semaphore, #tpu.memory_space<semaphore_mem>>
    %dma_wait3A_176 = tpu.memref_squeeze %dma_wait3A_175 : memref<1x!tpu.dma_semaphore, #tpu.memory_space<semaphore_mem>> -> memref<!tpu.dma_semaphore, #tpu.memory_space<semaphore_mem>>
    %dma_wait3A_177 = arith.constant 0 : i32
    %dma_wait3A_178 = tpu.memref_slice %arg3[%add3A_170, %dma_wait3A_177] : memref<2688x120xi32, #tpu.memory_space<hbm>> -> memref<1x120xi32, #tpu.memory_space<hbm>>
    %dma_wait3A_179 = tpu.memref_squeeze %dma_wait3A_178 : memref<1x120xi32, #tpu.memory_space<hbm>> -> memref<120xi32, #tpu.memory_space<hbm>>
    tpu.wait_dma2 semaphore(%dma_wait3A_176 : memref<!tpu.dma_semaphore, #tpu.memory_space<semaphore_mem>>) src(%dma_wait3A_179 : memref<120xi32, #tpu.memory_space<hbm>>) dst(%arg8 : memref<120xi32, #tpu.memory_space<vmem>>)
    %add3A_180 = arith.constant 1 : i32
    %add3A_181 = arith.addi %select_n3A, %add3A_180 : i32
    %dma_wait3A_182 = arith.constant 1 : i32
    %dma_wait3A_183 = arith.constant 0 : i32
    %dma_wait3A_184 = tpu.memref_slice %arg4[%add3A_181, %dma_wait3A_183] : memref<2688x120xi32, #tpu.memory_space<hbm>> -> memref<1x120xi32, #tpu.memory_space<hbm>>
    %dma_wait3A_185 = tpu.memref_squeeze %dma_wait3A_184 : memref<1x120xi32, #tpu.memory_space<hbm>> -> memref<120xi32, #tpu.memory_space<hbm>>
    %dma_wait3A_186 = tpu.memref_slice %arg23[%dma_wait3A_182] : memref<6x!tpu.dma_semaphore, #tpu.memory_space<semaphore_mem>> -> memref<1x!tpu.dma_semaphore, #tpu.memory_space<semaphore_mem>>
    %dma_wait3A_187 = tpu.memref_squeeze %dma_wait3A_186 : memref<1x!tpu.dma_semaphore, #tpu.memory_space<semaphore_mem>> -> memref<!tpu.dma_semaphore, #tpu.memory_space<semaphore_mem>>
    %dma_wait3A_188 = arith.constant 0 : i32
    %dma_wait3A_189 = tpu.memref_slice %arg4[%add3A_181, %dma_wait3A_188] : memref<2688x120xi32, #tpu.memory_space<hbm>> -> memref<1x120xi32, #tpu.memory_space<hbm>>
    %dma_wait3A_190 = tpu.memref_squeeze %dma_wait3A_189 : memref<1x120xi32, #tpu.memory_space<hbm>> -> memref<120xi32, #tpu.memory_space<hbm>>
    tpu.wait_dma2 semaphore(%dma_wait3A_187 : memref<!tpu.dma_semaphore, #tpu.memory_space<semaphore_mem>>) src(%dma_wait3A_190 : memref<120xi32, #tpu.memory_space<hbm>>) dst(%arg14 : memref<120xi32, #tpu.memory_space<vmem>>)
    %dma_start3A_191 = arith.constant 1 : i32
    %dma_start3A_192 = arith.constant 0 : i32
    %dma_start3A_193 = arith.constant 0 : i32
    %dma_start3A_194 = tpu.memref_slice %arg2[%dma_start3A_192, %dma_start3A_193] : memref<10112x128xf32, #tpu.memory_space<hbm>> -> memref<10112x128xf32, #tpu.memory_space<hbm>>
    %dma_start3A_195 = tpu.memref_slice %arg24[%dma_start3A_191] : memref<3x!tpu.dma_semaphore, #tpu.memory_space<semaphore_mem>> -> memref<1x!tpu.dma_semaphore, #tpu.memory_space<semaphore_mem>>
    %dma_start3A_196 = tpu.memref_squeeze %dma_start3A_195 : memref<1x!tpu.dma_semaphore, #tpu.memory_space<semaphore_mem>> -> memref<!tpu.dma_semaphore, #tpu.memory_space<semaphore_mem>>
    tpu.enqueue_indirect_dma source(%dma_start3A_194 : memref<10112x128xf32, #tpu.memory_space<hbm>>) target(%arg20 : memref<120x128xf32, #tpu.memory_space<vmem>>) offsets(%arg14 : memref<120xi32, #tpu.memory_space<vmem>>) semaphore(%dma_start3A_196 : memref<!tpu.dma_semaphore, #tpu.memory_space<semaphore_mem>>)
    %add3A_197 = arith.constant 2 : i32
    %add3A_198 = arith.addi %select_n3A, %add3A_197 : i32
    %dma_wait3A_199 = arith.constant 2 : i32
    %dma_wait3A_200 = arith.constant 0 : i32
    %dma_wait3A_201 = tpu.memref_slice %arg3[%add3A_198, %dma_wait3A_200] : memref<2688x120xi32, #tpu.memory_space<hbm>> -> memref<1x120xi32, #tpu.memory_space<hbm>>
    %dma_wait3A_202 = tpu.memref_squeeze %dma_wait3A_201 : memref<1x120xi32, #tpu.memory_space<hbm>> -> memref<120xi32, #tpu.memory_space<hbm>>
    %dma_wait3A_203 = tpu.memref_slice %arg23[%dma_wait3A_199] : memref<6x!tpu.dma_semaphore, #tpu.memory_space<semaphore_mem>> -> memref<1x!tpu.dma_semaphore, #tpu.memory_space<semaphore_mem>>
    %dma_wait3A_204 = tpu.memref_squeeze %dma_wait3A_203 : memref<1x!tpu.dma_semaphore, #tpu.memory_space<semaphore_mem>> -> memref<!tpu.dma_semaphore, #tpu.memory_space<semaphore_mem>>
    %dma_wait3A_205 = arith.constant 0 : i32
    %dma_wait3A_206 = tpu.memref_slice %arg3[%add3A_198, %dma_wait3A_205] : memref<2688x120xi32, #tpu.memory_space<hbm>> -> memref<1x120xi32, #tpu.memory_space<hbm>>
    %dma_wait3A_207 = tpu.memref_squeeze %dma_wait3A_206 : memref<1x120xi32, #tpu.memory_space<hbm>> -> memref<120xi32, #tpu.memory_space<hbm>>
    tpu.wait_dma2 semaphore(%dma_wait3A_204 : memref<!tpu.dma_semaphore, #tpu.memory_space<semaphore_mem>>) src(%dma_wait3A_207 : memref<120xi32, #tpu.memory_space<hbm>>) dst(%arg9 : memref<120xi32, #tpu.memory_space<vmem>>)
    %add3A_208 = arith.constant 2 : i32
    %add3A_209 = arith.addi %select_n3A, %add3A_208 : i32
    %dma_wait3A_210 = arith.constant 2 : i32
    %dma_wait3A_211 = arith.constant 0 : i32
    %dma_wait3A_212 = tpu.memref_slice %arg4[%add3A_209, %dma_wait3A_211] : memref<2688x120xi32, #tpu.memory_space<hbm>> -> memref<1x120xi32, #tpu.memory_space<hbm>>
    %dma_wait3A_213 = tpu.memref_squeeze %dma_wait3A_212 : memref<1x120xi32, #tpu.memory_space<hbm>> -> memref<120xi32, #tpu.memory_space<hbm>>
    %dma_wait3A_214 = tpu.memref_slice %arg23[%dma_wait3A_210] : memref<6x!tpu.dma_semaphore, #tpu.memory_space<semaphore_mem>> -> memref<1x!tpu.dma_semaphore, #tpu.memory_space<semaphore_mem>>
    %dma_wait3A_215 = tpu.memref_squeeze %dma_wait3A_214 : memref<1x!tpu.dma_semaphore, #tpu.memory_space<semaphore_mem>> -> memref<!tpu.dma_semaphore, #tpu.memory_space<semaphore_mem>>
    %dma_wait3A_216 = arith.constant 0 : i32
    %dma_wait3A_217 = tpu.memref_slice %arg4[%add3A_209, %dma_wait3A_216] : memref<2688x120xi32, #tpu.memory_space<hbm>> -> memref<1x120xi32, #tpu.memory_space<hbm>>
    %dma_wait3A_218 = tpu.memref_squeeze %dma_wait3A_217 : memref<1x120xi32, #tpu.memory_space<hbm>> -> memref<120xi32, #tpu.memory_space<hbm>>
    tpu.wait_dma2 semaphore(%dma_wait3A_215 : memref<!tpu.dma_semaphore, #tpu.memory_space<semaphore_mem>>) src(%dma_wait3A_218 : memref<120xi32, #tpu.memory_space<hbm>>) dst(%arg15 : memref<120xi32, #tpu.memory_space<vmem>>)
    %dma_start3A_219 = arith.constant 2 : i32
    %dma_start3A_220 = arith.constant 0 : i32
    %dma_start3A_221 = arith.constant 0 : i32
    %dma_start3A_222 = tpu.memref_slice %arg2[%dma_start3A_220, %dma_start3A_221] : memref<10112x128xf32, #tpu.memory_space<hbm>> -> memref<10112x128xf32, #tpu.memory_space<hbm>>
    %dma_start3A_223 = tpu.memref_slice %arg24[%dma_start3A_219] : memref<3x!tpu.dma_semaphore, #tpu.memory_space<semaphore_mem>> -> memref<1x!tpu.dma_semaphore, #tpu.memory_space<semaphore_mem>>
    %dma_start3A_224 = tpu.memref_squeeze %dma_start3A_223 : memref<1x!tpu.dma_semaphore, #tpu.memory_space<semaphore_mem>> -> memref<!tpu.dma_semaphore, #tpu.memory_space<semaphore_mem>>
    tpu.enqueue_indirect_dma source(%dma_start3A_222 : memref<10112x128xf32, #tpu.memory_space<hbm>>) target(%arg21 : memref<120x128xf32, #tpu.memory_space<vmem>>) offsets(%arg15 : memref<120xi32, #tpu.memory_space<vmem>>) semaphore(%dma_start3A_224 : memref<!tpu.dma_semaphore, #tpu.memory_space<semaphore_mem>>)
    %scan3A = arith.constant 0 : i32
    %scan3A_225 = arith.constant 0 : i32
    %scan3A_226 = arith.constant 14 : i32
    %scan3A_227 = arith.addi %scan3A_225, %scan3A_226 : i32
    %scan3A_228 = arith.constant 1 : i32
    scf.for %scan3A_253 = %scan3A_225 to %scan3A_227 step %scan3A_228  : i32 {
      %mul3A_254 = arith.constant 6 : i32
      %mul3A_255 = arith.muli %mul3A_254, %scan3A_253 : i32
      %lt3A = arith.constant 13 : i32
      %lt3A_256 = arith.cmpi slt, %scan3A_253, %lt3A : i32
      %dma_wait3A_257 = arith.constant 0 : i32
      %dma_wait3A_258 = arith.constant 0 : i32
      %dma_wait3A_259 = arith.constant 0 : i32
      %dma_wait3A_260 = tpu.memref_slice %arg2[%dma_wait3A_258, %dma_wait3A_259] : memref<10112x128xf32, #tpu.memory_space<hbm>> -> memref<10112x128xf32, #tpu.memory_space<hbm>>
      %dma_wait3A_261 = tpu.memref_slice %arg24[%dma_wait3A_257] : memref<3x!tpu.dma_semaphore, #tpu.memory_space<semaphore_mem>> -> memref<1x!tpu.dma_semaphore, #tpu.memory_space<semaphore_mem>>
      %dma_wait3A_262 = tpu.memref_squeeze %dma_wait3A_261 : memref<1x!tpu.dma_semaphore, #tpu.memory_space<semaphore_mem>> -> memref<!tpu.dma_semaphore, #tpu.memory_space<semaphore_mem>>
      tpu.wait_indirect_dma semaphore(%dma_wait3A_262 : memref<!tpu.dma_semaphore, #tpu.memory_space<semaphore_mem>>) src(%dma_wait3A_260 : memref<10112x128xf32, #tpu.memory_space<hbm>>) dst(%arg19 : memref<120x128xf32, #tpu.memory_space<vmem>>)
      %dma_start3A_263 = arith.constant 0 : i32
      %dma_start3A_264 = arith.constant 0 : i32
      %dma_start3A_265 = arith.constant 0 : i32
      %dma_start3A_266 = tpu.memref_slice %arg22[%dma_start3A_264, %dma_start3A_265] : memref<10112x128xf32, #tpu.memory_space<vmem_shared>> -> memref<10112x128xf32, #tpu.memory_space<vmem_shared>>
      %dma_start3A_267 = tpu.memref_slice %arg25[%dma_start3A_263] : memref<3x!tpu.dma_semaphore, #tpu.memory_space<semaphore_mem>> -> memref<1x!tpu.dma_semaphore, #tpu.memory_space<semaphore_mem>>
      %dma_start3A_268 = tpu.memref_squeeze %dma_start3A_267 : memref<1x!tpu.dma_semaphore, #tpu.memory_space<semaphore_mem>> -> memref<!tpu.dma_semaphore, #tpu.memory_space<semaphore_mem>>
      tpu.enqueue_indirect_dma source(%arg19 : memref<120x128xf32, #tpu.memory_space<vmem>>) target(%dma_start3A_266 : memref<10112x128xf32, #tpu.memory_space<vmem_shared>>) offsets(%arg7 : memref<120xi32, #tpu.memory_space<vmem>>) semaphore(%dma_start3A_268 : memref<!tpu.dma_semaphore, #tpu.memory_space<semaphore_mem>>) {add = true}
      %dma_wait3A_269 = arith.constant 1 : i32
      %dma_wait3A_270 = arith.constant 0 : i32
      %dma_wait3A_271 = arith.constant 0 : i32
      %dma_wait3A_272 = tpu.memref_slice %arg2[%dma_wait3A_270, %dma_wait3A_271] : memref<10112x128xf32, #tpu.memory_space<hbm>> -> memref<10112x128xf32, #tpu.memory_space<hbm>>
      %dma_wait3A_273 = tpu.memref_slice %arg24[%dma_wait3A_269] : memref<3x!tpu.dma_semaphore, #tpu.memory_space<semaphore_mem>> -> memref<1x!tpu.dma_semaphore, #tpu.memory_space<semaphore_mem>>
      %dma_wait3A_274 = tpu.memref_squeeze %dma_wait3A_273 : memref<1x!tpu.dma_semaphore, #tpu.memory_space<semaphore_mem>> -> memref<!tpu.dma_semaphore, #tpu.memory_space<semaphore_mem>>
      tpu.wait_indirect_dma semaphore(%dma_wait3A_274 : memref<!tpu.dma_semaphore, #tpu.memory_space<semaphore_mem>>) src(%dma_wait3A_272 : memref<10112x128xf32, #tpu.memory_space<hbm>>) dst(%arg20 : memref<120x128xf32, #tpu.memory_space<vmem>>)
      %dma_start3A_275 = arith.constant 1 : i32
      %dma_start3A_276 = arith.constant 0 : i32
      %dma_start3A_277 = arith.constant 0 : i32
      %dma_start3A_278 = tpu.memref_slice %arg22[%dma_start3A_276, %dma_start3A_277] : memref<10112x128xf32, #tpu.memory_space<vmem_shared>> -> memref<10112x128xf32, #tpu.memory_space<vmem_shared>>
      %dma_start3A_279 = tpu.memref_slice %arg25[%dma_start3A_275] : memref<3x!tpu.dma_semaphore, #tpu.memory_space<semaphore_mem>> -> memref<1x!tpu.dma_semaphore, #tpu.memory_space<semaphore_mem>>
      %dma_start3A_280 = tpu.memref_squeeze %dma_start3A_279 : memref<1x!tpu.dma_semaphore, #tpu.memory_space<semaphore_mem>> -> memref<!tpu.dma_semaphore, #tpu.memory_space<semaphore_mem>>
      tpu.enqueue_indirect_dma source(%arg20 : memref<120x128xf32, #tpu.memory_space<vmem>>) target(%dma_start3A_278 : memref<10112x128xf32, #tpu.memory_space<vmem_shared>>) offsets(%arg8 : memref<120xi32, #tpu.memory_space<vmem>>) semaphore(%dma_start3A_280 : memref<!tpu.dma_semaphore, #tpu.memory_space<semaphore_mem>>) {add = true}
      %dma_wait3A_281 = arith.constant 2 : i32
      %dma_wait3A_282 = arith.constant 0 : i32
      %dma_wait3A_283 = arith.constant 0 : i32
      %dma_wait3A_284 = tpu.memref_slice %arg2[%dma_wait3A_282, %dma_wait3A_283] : memref<10112x128xf32, #tpu.memory_space<hbm>> -> memref<10112x128xf32, #tpu.memory_space<hbm>>
      %dma_wait3A_285 = tpu.memref_slice %arg24[%dma_wait3A_281] : memref<3x!tpu.dma_semaphore, #tpu.memory_space<semaphore_mem>> -> memref<1x!tpu.dma_semaphore, #tpu.memory_space<semaphore_mem>>
      %dma_wait3A_286 = tpu.memref_squeeze %dma_wait3A_285 : memref<1x!tpu.dma_semaphore, #tpu.memory_space<semaphore_mem>> -> memref<!tpu.dma_semaphore, #tpu.memory_space<semaphore_mem>>
      tpu.wait_indirect_dma semaphore(%dma_wait3A_286 : memref<!tpu.dma_semaphore, #tpu.memory_space<semaphore_mem>>) src(%dma_wait3A_284 : memref<10112x128xf32, #tpu.memory_space<hbm>>) dst(%arg21 : memref<120x128xf32, #tpu.memory_space<vmem>>)
      %dma_start3A_287 = arith.constant 2 : i32
      %dma_start3A_288 = arith.constant 0 : i32
      %dma_start3A_289 = arith.constant 0 : i32
      %dma_start3A_290 = tpu.memref_slice %arg22[%dma_start3A_288, %dma_start3A_289] : memref<10112x128xf32, #tpu.memory_space<vmem_shared>> -> memref<10112x128xf32, #tpu.memory_space<vmem_shared>>
      %dma_start3A_291 = tpu.memref_slice %arg25[%dma_start3A_287] : memref<3x!tpu.dma_semaphore, #tpu.memory_space<semaphore_mem>> -> memref<1x!tpu.dma_semaphore, #tpu.memory_space<semaphore_mem>>
      %dma_start3A_292 = tpu.memref_squeeze %dma_start3A_291 : memref<1x!tpu.dma_semaphore, #tpu.memory_space<semaphore_mem>> -> memref<!tpu.dma_semaphore, #tpu.memory_space<semaphore_mem>>
      tpu.enqueue_indirect_dma source(%arg21 : memref<120x128xf32, #tpu.memory_space<vmem>>) target(%dma_start3A_290 : memref<10112x128xf32, #tpu.memory_space<vmem_shared>>) offsets(%arg9 : memref<120xi32, #tpu.memory_space<vmem>>) semaphore(%dma_start3A_292 : memref<!tpu.dma_semaphore, #tpu.memory_space<semaphore_mem>>) {add = true}
      %dma_wait3A_293 = arith.constant 0 : i32
      %dma_wait3A_294 = arith.constant 0 : i32
      %dma_wait3A_295 = arith.constant 0 : i32
      %dma_wait3A_296 = tpu.memref_slice %arg22[%dma_wait3A_294, %dma_wait3A_295] : memref<10112x128xf32, #tpu.memory_space<vmem_shared>> -> memref<10112x128xf32, #tpu.memory_space<vmem_shared>>
      %dma_wait3A_297 = tpu.memref_slice %arg25[%dma_wait3A_293] : memref<3x!tpu.dma_semaphore, #tpu.memory_space<semaphore_mem>> -> memref<1x!tpu.dma_semaphore, #tpu.memory_space<semaphore_mem>>
      %dma_wait3A_298 = tpu.memref_squeeze %dma_wait3A_297 : memref<1x!tpu.dma_semaphore, #tpu.memory_space<semaphore_mem>> -> memref<!tpu.dma_semaphore, #tpu.memory_space<semaphore_mem>>
      tpu.wait_indirect_dma semaphore(%dma_wait3A_298 : memref<!tpu.dma_semaphore, #tpu.memory_space<semaphore_mem>>) src(%arg19 : memref<120x128xf32, #tpu.memory_space<vmem>>) dst(%dma_wait3A_296 : memref<10112x128xf32, #tpu.memory_space<vmem_shared>>)
      %add3A_299 = arith.constant 3 : i32
      %add3A_300 = arith.addi %mul3A_255, %add3A_299 : i32
      %add3A_301 = arith.constant 0 : i32
      %add3A_302 = arith.addi %add3A_300, %add3A_301 : i32
      %add3A_303 = arith.addi %select_n3A, %add3A_302 : i32
      %dma_wait3A_304 = arith.constant 3 : i32
      %dma_wait3A_305 = arith.constant 0 : i32
      %dma_wait3A_306 = tpu.memref_slice %arg3[%add3A_303, %dma_wait3A_305] : memref<2688x120xi32, #tpu.memory_space<hbm>> -> memref<1x120xi32, #tpu.memory_space<hbm>>
      %dma_wait3A_307 = tpu.memref_squeeze %dma_wait3A_306 : memref<1x120xi32, #tpu.memory_space<hbm>> -> memref<120xi32, #tpu.memory_space<hbm>>
      %dma_wait3A_308 = tpu.memref_slice %arg23[%dma_wait3A_304] : memref<6x!tpu.dma_semaphore, #tpu.memory_space<semaphore_mem>> -> memref<1x!tpu.dma_semaphore, #tpu.memory_space<semaphore_mem>>
      %dma_wait3A_309 = tpu.memref_squeeze %dma_wait3A_308 : memref<1x!tpu.dma_semaphore, #tpu.memory_space<semaphore_mem>> -> memref<!tpu.dma_semaphore, #tpu.memory_space<semaphore_mem>>
      %dma_wait3A_310 = arith.constant 0 : i32
      %dma_wait3A_311 = tpu.memref_slice %arg3[%add3A_303, %dma_wait3A_310] : memref<2688x120xi32, #tpu.memory_space<hbm>> -> memref<1x120xi32, #tpu.memory_space<hbm>>
      %dma_wait3A_312 = tpu.memref_squeeze %dma_wait3A_311 : memref<1x120xi32, #tpu.memory_space<hbm>> -> memref<120xi32, #tpu.memory_space<hbm>>
      tpu.wait_dma2 semaphore(%dma_wait3A_309 : memref<!tpu.dma_semaphore, #tpu.memory_space<semaphore_mem>>) src(%dma_wait3A_312 : memref<120xi32, #tpu.memory_space<hbm>>) dst(%arg10 : memref<120xi32, #tpu.memory_space<vmem>>)
      %add3A_313 = arith.addi %select_n3A, %add3A_302 : i32
      %dma_wait3A_314 = arith.constant 3 : i32
      %dma_wait3A_315 = arith.constant 0 : i32
      %dma_wait3A_316 = tpu.memref_slice %arg4[%add3A_313, %dma_wait3A_315] : memref<2688x120xi32, #tpu.memory_space<hbm>> -> memref<1x120xi32, #tpu.memory_space<hbm>>
      %dma_wait3A_317 = tpu.memref_squeeze %dma_wait3A_316 : memref<1x120xi32, #tpu.memory_space<hbm>> -> memref<120xi32, #tpu.memory_space<hbm>>
      %dma_wait3A_318 = tpu.memref_slice %arg23[%dma_wait3A_314] : memref<6x!tpu.dma_semaphore, #tpu.memory_space<semaphore_mem>> -> memref<1x!tpu.dma_semaphore, #tpu.memory_space<semaphore_mem>>
      %dma_wait3A_319 = tpu.memref_squeeze %dma_wait3A_318 : memref<1x!tpu.dma_semaphore, #tpu.memory_space<semaphore_mem>> -> memref<!tpu.dma_semaphore, #tpu.memory_space<semaphore_mem>>
      %dma_wait3A_320 = arith.constant 0 : i32
      %dma_wait3A_321 = tpu.memref_slice %arg4[%add3A_313, %dma_wait3A_320] : memref<2688x120xi32, #tpu.memory_space<hbm>> -> memref<1x120xi32, #tpu.memory_space<hbm>>
      %dma_wait3A_322 = tpu.memref_squeeze %dma_wait3A_321 : memref<1x120xi32, #tpu.memory_space<hbm>> -> memref<120xi32, #tpu.memory_space<hbm>>
      tpu.wait_dma2 semaphore(%dma_wait3A_319 : memref<!tpu.dma_semaphore, #tpu.memory_space<semaphore_mem>>) src(%dma_wait3A_322 : memref<120xi32, #tpu.memory_space<hbm>>) dst(%arg16 : memref<120xi32, #tpu.memory_space<vmem>>)
      %dma_start3A_323 = arith.constant 0 : i32
      %dma_start3A_324 = arith.constant 0 : i32
      %dma_start3A_325 = arith.constant 0 : i32
      %dma_start3A_326 = tpu.memref_slice %arg2[%dma_start3A_324, %dma_start3A_325] : memref<10112x128xf32, #tpu.memory_space<hbm>> -> memref<10112x128xf32, #tpu.memory_space<hbm>>
      %dma_start3A_327 = tpu.memref_slice %arg24[%dma_start3A_323] : memref<3x!tpu.dma_semaphore, #tpu.memory_space<semaphore_mem>> -> memref<1x!tpu.dma_semaphore, #tpu.memory_space<semaphore_mem>>
      %dma_start3A_328 = tpu.memref_squeeze %dma_start3A_327 : memref<1x!tpu.dma_semaphore, #tpu.memory_space<semaphore_mem>> -> memref<!tpu.dma_semaphore, #tpu.memory_space<semaphore_mem>>
      tpu.enqueue_indirect_dma source(%dma_start3A_326 : memref<10112x128xf32, #tpu.memory_space<hbm>>) target(%arg19 : memref<120x128xf32, #tpu.memory_space<vmem>>) offsets(%arg16 : memref<120xi32, #tpu.memory_space<vmem>>) semaphore(%dma_start3A_328 : memref<!tpu.dma_semaphore, #tpu.memory_space<semaphore_mem>>)
      %convert_element_type3A = arith.extui %lt3A_256 : i1 to i32
      %cond3A = arith.constant 0 : i32
      %cond3A_329 = arith.cmpi ne, %convert_element_type3A, %cond3A : i32
      scf.if %cond3A_329 {
        %add3A_447 = arith.constant 6 : i32
        %add3A_448 = arith.addi %mul3A_255, %add3A_447 : i32
        %add3A_449 = arith.constant 0 : i32
        %add3A_450 = arith.addi %add3A_448, %add3A_449 : i32
        %add3A_451 = arith.addi %select_n3A, %add3A_450 : i32
        %dma_start3A_452 = arith.constant 0 : i32
        %dma_start3A_453 = arith.constant 0 : i32
        %dma_start3A_454 = tpu.memref_slice %arg3[%add3A_451, %dma_start3A_453] : memref<2688x120xi32, #tpu.memory_space<hbm>> -> memref<1x120xi32, #tpu.memory_space<hbm>>
        %dma_start3A_455 = tpu.memref_squeeze %dma_start3A_454 : memref<1x120xi32, #tpu.memory_space<hbm>> -> memref<120xi32, #tpu.memory_space<hbm>>
        %dma_start3A_456 = tpu.memref_slice %arg23[%dma_start3A_452] : memref<6x!tpu.dma_semaphore, #tpu.memory_space<semaphore_mem>> -> memref<1x!tpu.dma_semaphore, #tpu.memory_space<semaphore_mem>>
        %dma_start3A_457 = tpu.memref_squeeze %dma_start3A_456 : memref<1x!tpu.dma_semaphore, #tpu.memory_space<semaphore_mem>> -> memref<!tpu.dma_semaphore, #tpu.memory_space<semaphore_mem>>
        %dma_start3A_458 = arith.constant 0 : i32
        %dma_start3A_459 = tpu.memref_slice %arg3[%add3A_451, %dma_start3A_458] : memref<2688x120xi32, #tpu.memory_space<hbm>> -> memref<1x120xi32, #tpu.memory_space<hbm>>
        %dma_start3A_460 = tpu.memref_squeeze %dma_start3A_459 : memref<1x120xi32, #tpu.memory_space<hbm>> -> memref<120xi32, #tpu.memory_space<hbm>>
        tpu.enqueue_dma source(%dma_start3A_460 : memref<120xi32, #tpu.memory_space<hbm>>) target(%arg7 : memref<120xi32, #tpu.memory_space<vmem>>) target_semaphore(%dma_start3A_457 : memref<!tpu.dma_semaphore, #tpu.memory_space<semaphore_mem>>)
        %add3A_461 = arith.addi %select_n3A, %add3A_450 : i32
        %dma_start3A_462 = arith.constant 0 : i32
        %dma_start3A_463 = arith.constant 0 : i32
        %dma_start3A_464 = tpu.memref_slice %arg4[%add3A_461, %dma_start3A_463] : memref<2688x120xi32, #tpu.memory_space<hbm>> -> memref<1x120xi32, #tpu.memory_space<hbm>>
        %dma_start3A_465 = tpu.memref_squeeze %dma_start3A_464 : memref<1x120xi32, #tpu.memory_space<hbm>> -> memref<120xi32, #tpu.memory_space<hbm>>
        %dma_start3A_466 = tpu.memref_slice %arg23[%dma_start3A_462] : memref<6x!tpu.dma_semaphore, #tpu.memory_space<semaphore_mem>> -> memref<1x!tpu.dma_semaphore, #tpu.memory_space<semaphore_mem>>
        %dma_start3A_467 = tpu.memref_squeeze %dma_start3A_466 : memref<1x!tpu.dma_semaphore, #tpu.memory_space<semaphore_mem>> -> memref<!tpu.dma_semaphore, #tpu.memory_space<semaphore_mem>>
        %dma_start3A_468 = arith.constant 0 : i32
        %dma_start3A_469 = tpu.memref_slice %arg4[%add3A_461, %dma_start3A_468] : memref<2688x120xi32, #tpu.memory_space<hbm>> -> memref<1x120xi32, #tpu.memory_space<hbm>>
        %dma_start3A_470 = tpu.memref_squeeze %dma_start3A_469 : memref<1x120xi32, #tpu.memory_space<hbm>> -> memref<120xi32, #tpu.memory_space<hbm>>
        tpu.enqueue_dma source(%dma_start3A_470 : memref<120xi32, #tpu.memory_space<hbm>>) target(%arg13 : memref<120xi32, #tpu.memory_space<vmem>>) target_semaphore(%dma_start3A_467 : memref<!tpu.dma_semaphore, #tpu.memory_space<semaphore_mem>>)
      } else {
      }
      %dma_wait3A_330 = arith.constant 1 : i32
      %dma_wait3A_331 = arith.constant 0 : i32
      %dma_wait3A_332 = arith.constant 0 : i32
      %dma_wait3A_333 = tpu.memref_slice %arg22[%dma_wait3A_331, %dma_wait3A_332] : memref<10112x128xf32, #tpu.memory_space<vmem_shared>> -> memref<10112x128xf32, #tpu.memory_space<vmem_shared>>
      %dma_wait3A_334 = tpu.memref_slice %arg25[%dma_wait3A_330] : memref<3x!tpu.dma_semaphore, #tpu.memory_space<semaphore_mem>> -> memref<1x!tpu.dma_semaphore, #tpu.memory_space<semaphore_mem>>
      %dma_wait3A_335 = tpu.memref_squeeze %dma_wait3A_334 : memref<1x!tpu.dma_semaphore, #tpu.memory_space<semaphore_mem>> -> memref<!tpu.dma_semaphore, #tpu.memory_space<semaphore_mem>>
      tpu.wait_indirect_dma semaphore(%dma_wait3A_335 : memref<!tpu.dma_semaphore, #tpu.memory_space<semaphore_mem>>) src(%arg20 : memref<120x128xf32, #tpu.memory_space<vmem>>) dst(%dma_wait3A_333 : memref<10112x128xf32, #tpu.memory_space<vmem_shared>>)
      %add3A_336 = arith.constant 3 : i32
      %add3A_337 = arith.addi %mul3A_255, %add3A_336 : i32
      %add3A_338 = arith.constant 1 : i32
      %add3A_339 = arith.addi %add3A_337, %add3A_338 : i32
      %add3A_340 = arith.addi %select_n3A, %add3A_339 : i32
      %dma_wait3A_341 = arith.constant 4 : i32
      %dma_wait3A_342 = arith.constant 0 : i32
      %dma_wait3A_343 = tpu.memref_slice %arg3[%add3A_340, %dma_wait3A_342] : memref<2688x120xi32, #tpu.memory_space<hbm>> -> memref<1x120xi32, #tpu.memory_space<hbm>>
      %dma_wait3A_344 = tpu.memref_squeeze %dma_wait3A_343 : memref<1x120xi32, #tpu.memory_space<hbm>> -> memref<120xi32, #tpu.memory_space<hbm>>
      %dma_wait3A_345 = tpu.memref_slice %arg23[%dma_wait3A_341] : memref<6x!tpu.dma_semaphore, #tpu.memory_space<semaphore_mem>> -> memref<1x!tpu.dma_semaphore, #tpu.memory_space<semaphore_mem>>
      %dma_wait3A_346 = tpu.memref_squeeze %dma_wait3A_345 : memref<1x!tpu.dma_semaphore, #tpu.memory_space<semaphore_mem>> -> memref<!tpu.dma_semaphore, #tpu.memory_space<semaphore_mem>>
      %dma_wait3A_347 = arith.constant 0 : i32
      %dma_wait3A_348 = tpu.memref_slice %arg3[%add3A_340, %dma_wait3A_347] : memref<2688x120xi32, #tpu.memory_space<hbm>> -> memref<1x120xi32, #tpu.memory_space<hbm>>
      %dma_wait3A_349 = tpu.memref_squeeze %dma_wait3A_348 : memref<1x120xi32, #tpu.memory_space<hbm>> -> memref<120xi32, #tpu.memory_space<hbm>>
      tpu.wait_dma2 semaphore(%dma_wait3A_346 : memref<!tpu.dma_semaphore, #tpu.memory_space<semaphore_mem>>) src(%dma_wait3A_349 : memref<120xi32, #tpu.memory_space<hbm>>) dst(%arg11 : memref<120xi32, #tpu.memory_space<vmem>>)
      %add3A_350 = arith.addi %select_n3A, %add3A_339 : i32
      %dma_wait3A_351 = arith.constant 4 : i32
      %dma_wait3A_352 = arith.constant 0 : i32
      %dma_wait3A_353 = tpu.memref_slice %arg4[%add3A_350, %dma_wait3A_352] : memref<2688x120xi32, #tpu.memory_space<hbm>> -> memref<1x120xi32, #tpu.memory_space<hbm>>
      %dma_wait3A_354 = tpu.memref_squeeze %dma_wait3A_353 : memref<1x120xi32, #tpu.memory_space<hbm>> -> memref<120xi32, #tpu.memory_space<hbm>>
      %dma_wait3A_355 = tpu.memref_slice %arg23[%dma_wait3A_351] : memref<6x!tpu.dma_semaphore, #tpu.memory_space<semaphore_mem>> -> memref<1x!tpu.dma_semaphore, #tpu.memory_space<semaphore_mem>>
      %dma_wait3A_356 = tpu.memref_squeeze %dma_wait3A_355 : memref<1x!tpu.dma_semaphore, #tpu.memory_space<semaphore_mem>> -> memref<!tpu.dma_semaphore, #tpu.memory_space<semaphore_mem>>
      %dma_wait3A_357 = arith.constant 0 : i32
      %dma_wait3A_358 = tpu.memref_slice %arg4[%add3A_350, %dma_wait3A_357] : memref<2688x120xi32, #tpu.memory_space<hbm>> -> memref<1x120xi32, #tpu.memory_space<hbm>>
      %dma_wait3A_359 = tpu.memref_squeeze %dma_wait3A_358 : memref<1x120xi32, #tpu.memory_space<hbm>> -> memref<120xi32, #tpu.memory_space<hbm>>
      tpu.wait_dma2 semaphore(%dma_wait3A_356 : memref<!tpu.dma_semaphore, #tpu.memory_space<semaphore_mem>>) src(%dma_wait3A_359 : memref<120xi32, #tpu.memory_space<hbm>>) dst(%arg17 : memref<120xi32, #tpu.memory_space<vmem>>)
      %dma_start3A_360 = arith.constant 1 : i32
      %dma_start3A_361 = arith.constant 0 : i32
      %dma_start3A_362 = arith.constant 0 : i32
      %dma_start3A_363 = tpu.memref_slice %arg2[%dma_start3A_361, %dma_start3A_362] : memref<10112x128xf32, #tpu.memory_space<hbm>> -> memref<10112x128xf32, #tpu.memory_space<hbm>>
      %dma_start3A_364 = tpu.memref_slice %arg24[%dma_start3A_360] : memref<3x!tpu.dma_semaphore, #tpu.memory_space<semaphore_mem>> -> memref<1x!tpu.dma_semaphore, #tpu.memory_space<semaphore_mem>>
      %dma_start3A_365 = tpu.memref_squeeze %dma_start3A_364 : memref<1x!tpu.dma_semaphore, #tpu.memory_space<semaphore_mem>> -> memref<!tpu.dma_semaphore, #tpu.memory_space<semaphore_mem>>
      tpu.enqueue_indirect_dma source(%dma_start3A_363 : memref<10112x128xf32, #tpu.memory_space<hbm>>) target(%arg20 : memref<120x128xf32, #tpu.memory_space<vmem>>) offsets(%arg17 : memref<120xi32, #tpu.memory_space<vmem>>) semaphore(%dma_start3A_365 : memref<!tpu.dma_semaphore, #tpu.memory_space<semaphore_mem>>)
      %convert_element_type3A_366 = arith.extui %lt3A_256 : i1 to i32
      %cond3A_367 = arith.constant 0 : i32
      %cond3A_368 = arith.cmpi ne, %convert_element_type3A_366, %cond3A_367 : i32
      scf.if %cond3A_368 {
        %add3A_447 = arith.constant 6 : i32
        %add3A_448 = arith.addi %mul3A_255, %add3A_447 : i32
        %add3A_449 = arith.constant 1 : i32
        %add3A_450 = arith.addi %add3A_448, %add3A_449 : i32
        %add3A_451 = arith.addi %select_n3A, %add3A_450 : i32
        %dma_start3A_452 = arith.constant 1 : i32
        %dma_start3A_453 = arith.constant 0 : i32
        %dma_start3A_454 = tpu.memref_slice %arg3[%add3A_451, %dma_start3A_453] : memref<2688x120xi32, #tpu.memory_space<hbm>> -> memref<1x120xi32, #tpu.memory_space<hbm>>
        %dma_start3A_455 = tpu.memref_squeeze %dma_start3A_454 : memref<1x120xi32, #tpu.memory_space<hbm>> -> memref<120xi32, #tpu.memory_space<hbm>>
        %dma_start3A_456 = tpu.memref_slice %arg23[%dma_start3A_452] : memref<6x!tpu.dma_semaphore, #tpu.memory_space<semaphore_mem>> -> memref<1x!tpu.dma_semaphore, #tpu.memory_space<semaphore_mem>>
        %dma_start3A_457 = tpu.memref_squeeze %dma_start3A_456 : memref<1x!tpu.dma_semaphore, #tpu.memory_space<semaphore_mem>> -> memref<!tpu.dma_semaphore, #tpu.memory_space<semaphore_mem>>
        %dma_start3A_458 = arith.constant 0 : i32
        %dma_start3A_459 = tpu.memref_slice %arg3[%add3A_451, %dma_start3A_458] : memref<2688x120xi32, #tpu.memory_space<hbm>> -> memref<1x120xi32, #tpu.memory_space<hbm>>
        %dma_start3A_460 = tpu.memref_squeeze %dma_start3A_459 : memref<1x120xi32, #tpu.memory_space<hbm>> -> memref<120xi32, #tpu.memory_space<hbm>>
        tpu.enqueue_dma source(%dma_start3A_460 : memref<120xi32, #tpu.memory_space<hbm>>) target(%arg8 : memref<120xi32, #tpu.memory_space<vmem>>) target_semaphore(%dma_start3A_457 : memref<!tpu.dma_semaphore, #tpu.memory_space<semaphore_mem>>)
        %add3A_461 = arith.addi %select_n3A, %add3A_450 : i32
        %dma_start3A_462 = arith.constant 1 : i32
        %dma_start3A_463 = arith.constant 0 : i32
        %dma_start3A_464 = tpu.memref_slice %arg4[%add3A_461, %dma_start3A_463] : memref<2688x120xi32, #tpu.memory_space<hbm>> -> memref<1x120xi32, #tpu.memory_space<hbm>>
        %dma_start3A_465 = tpu.memref_squeeze %dma_start3A_464 : memref<1x120xi32, #tpu.memory_space<hbm>> -> memref<120xi32, #tpu.memory_space<hbm>>
        %dma_start3A_466 = tpu.memref_slice %arg23[%dma_start3A_462] : memref<6x!tpu.dma_semaphore, #tpu.memory_space<semaphore_mem>> -> memref<1x!tpu.dma_semaphore, #tpu.memory_space<semaphore_mem>>
        %dma_start3A_467 = tpu.memref_squeeze %dma_start3A_466 : memref<1x!tpu.dma_semaphore, #tpu.memory_space<semaphore_mem>> -> memref<!tpu.dma_semaphore, #tpu.memory_space<semaphore_mem>>
        %dma_start3A_468 = arith.constant 0 : i32
        %dma_start3A_469 = tpu.memref_slice %arg4[%add3A_461, %dma_start3A_468] : memref<2688x120xi32, #tpu.memory_space<hbm>> -> memref<1x120xi32, #tpu.memory_space<hbm>>
        %dma_start3A_470 = tpu.memref_squeeze %dma_start3A_469 : memref<1x120xi32, #tpu.memory_space<hbm>> -> memref<120xi32, #tpu.memory_space<hbm>>
        tpu.enqueue_dma source(%dma_start3A_470 : memref<120xi32, #tpu.memory_space<hbm>>) target(%arg14 : memref<120xi32, #tpu.memory_space<vmem>>) target_semaphore(%dma_start3A_467 : memref<!tpu.dma_semaphore, #tpu.memory_space<semaphore_mem>>)
      } else {
      }
      %dma_wait3A_369 = arith.constant 2 : i32
      %dma_wait3A_370 = arith.constant 0 : i32
      %dma_wait3A_371 = arith.constant 0 : i32
      %dma_wait3A_372 = tpu.memref_slice %arg22[%dma_wait3A_370, %dma_wait3A_371] : memref<10112x128xf32, #tpu.memory_space<vmem_shared>> -> memref<10112x128xf32, #tpu.memory_space<vmem_shared>>
      %dma_wait3A_373 = tpu.memref_slice %arg25[%dma_wait3A_369] : memref<3x!tpu.dma_semaphore, #tpu.memory_space<semaphore_mem>> -> memref<1x!tpu.dma_semaphore, #tpu.memory_space<semaphore_mem>>
      %dma_wait3A_374 = tpu.memref_squeeze %dma_wait3A_373 : memref<1x!tpu.dma_semaphore, #tpu.memory_space<semaphore_mem>> -> memref<!tpu.dma_semaphore, #tpu.memory_space<semaphore_mem>>
      tpu.wait_indirect_dma semaphore(%dma_wait3A_374 : memref<!tpu.dma_semaphore, #tpu.memory_space<semaphore_mem>>) src(%arg21 : memref<120x128xf32, #tpu.memory_space<vmem>>) dst(%dma_wait3A_372 : memref<10112x128xf32, #tpu.memory_space<vmem_shared>>)
      %add3A_375 = arith.constant 3 : i32
      %add3A_376 = arith.addi %mul3A_255, %add3A_375 : i32
      %add3A_377 = arith.constant 2 : i32
      %add3A_378 = arith.addi %add3A_376, %add3A_377 : i32
      %add3A_379 = arith.addi %select_n3A, %add3A_378 : i32
      %dma_wait3A_380 = arith.constant 5 : i32
      %dma_wait3A_381 = arith.constant 0 : i32
      %dma_wait3A_382 = tpu.memref_slice %arg3[%add3A_379, %dma_wait3A_381] : memref<2688x120xi32, #tpu.memory_space<hbm>> -> memref<1x120xi32, #tpu.memory_space<hbm>>
      %dma_wait3A_383 = tpu.memref_squeeze %dma_wait3A_382 : memref<1x120xi32, #tpu.memory_space<hbm>> -> memref<120xi32, #tpu.memory_space<hbm>>
      %dma_wait3A_384 = tpu.memref_slice %arg23[%dma_wait3A_380] : memref<6x!tpu.dma_semaphore, #tpu.memory_space<semaphore_mem>> -> memref<1x!tpu.dma_semaphore, #tpu.memory_space<semaphore_mem>>
      %dma_wait3A_385 = tpu.memref_squeeze %dma_wait3A_384 : memref<1x!tpu.dma_semaphore, #tpu.memory_space<semaphore_mem>> -> memref<!tpu.dma_semaphore, #tpu.memory_space<semaphore_mem>>
      %dma_wait3A_386 = arith.constant 0 : i32
      %dma_wait3A_387 = tpu.memref_slice %arg3[%add3A_379, %dma_wait3A_386] : memref<2688x120xi32, #tpu.memory_space<hbm>> -> memref<1x120xi32, #tpu.memory_space<hbm>>
      %dma_wait3A_388 = tpu.memref_squeeze %dma_wait3A_387 : memref<1x120xi32, #tpu.memory_space<hbm>> -> memref<120xi32, #tpu.memory_space<hbm>>
      tpu.wait_dma2 semaphore(%dma_wait3A_385 : memref<!tpu.dma_semaphore, #tpu.memory_space<semaphore_mem>>) src(%dma_wait3A_388 : memref<120xi32, #tpu.memory_space<hbm>>) dst(%arg12 : memref<120xi32, #tpu.memory_space<vmem>>)
      %add3A_389 = arith.addi %select_n3A, %add3A_378 : i32
      %dma_wait3A_390 = arith.constant 5 : i32
      %dma_wait3A_391 = arith.constant 0 : i32
      %dma_wait3A_392 = tpu.memref_slice %arg4[%add3A_389, %dma_wait3A_391] : memref<2688x120xi32, #tpu.memory_space<hbm>> -> memref<1x120xi32, #tpu.memory_space<hbm>>
      %dma_wait3A_393 = tpu.memref_squeeze %dma_wait3A_392 : memref<1x120xi32, #tpu.memory_space<hbm>> -> memref<120xi32, #tpu.memory_space<hbm>>
      %dma_wait3A_394 = tpu.memref_slice %arg23[%dma_wait3A_390] : memref<6x!tpu.dma_semaphore, #tpu.memory_space<semaphore_mem>> -> memref<1x!tpu.dma_semaphore, #tpu.memory_space<semaphore_mem>>
      %dma_wait3A_395 = tpu.memref_squeeze %dma_wait3A_394 : memref<1x!tpu.dma_semaphore, #tpu.memory_space<semaphore_mem>> -> memref<!tpu.dma_semaphore, #tpu.memory_space<semaphore_mem>>
      %dma_wait3A_396 = arith.constant 0 : i32
      %dma_wait3A_397 = tpu.memref_slice %arg4[%add3A_389, %dma_wait3A_396] : memref<2688x120xi32, #tpu.memory_space<hbm>> -> memref<1x120xi32, #tpu.memory_space<hbm>>
      %dma_wait3A_398 = tpu.memref_squeeze %dma_wait3A_397 : memref<1x120xi32, #tpu.memory_space<hbm>> -> memref<120xi32, #tpu.memory_space<hbm>>
      tpu.wait_dma2 semaphore(%dma_wait3A_395 : memref<!tpu.dma_semaphore, #tpu.memory_space<semaphore_mem>>) src(%dma_wait3A_398 : memref<120xi32, #tpu.memory_space<hbm>>) dst(%arg18 : memref<120xi32, #tpu.memory_space<vmem>>)
      %dma_start3A_399 = arith.constant 2 : i32
      %dma_start3A_400 = arith.constant 0 : i32
      %dma_start3A_401 = arith.constant 0 : i32
      %dma_start3A_402 = tpu.memref_slice %arg2[%dma_start3A_400, %dma_start3A_401] : memref<10112x128xf32, #tpu.memory_space<hbm>> -> memref<10112x128xf32, #tpu.memory_space<hbm>>
      %dma_start3A_403 = tpu.memref_slice %arg24[%dma_start3A_399] : memref<3x!tpu.dma_semaphore, #tpu.memory_space<semaphore_mem>> -> memref<1x!tpu.dma_semaphore, #tpu.memory_space<semaphore_mem>>
      %dma_start3A_404 = tpu.memref_squeeze %dma_start3A_403 : memref<1x!tpu.dma_semaphore, #tpu.memory_space<semaphore_mem>> -> memref<!tpu.dma_semaphore, #tpu.memory_space<semaphore_mem>>
      tpu.enqueue_indirect_dma source(%dma_start3A_402 : memref<10112x128xf32, #tpu.memory_space<hbm>>) target(%arg21 : memref<120x128xf32, #tpu.memory_space<vmem>>) offsets(%arg18 : memref<120xi32, #tpu.memory_space<vmem>>) semaphore(%dma_start3A_404 : memref<!tpu.dma_semaphore, #tpu.memory_space<semaphore_mem>>)
      %convert_element_type3A_405 = arith.extui %lt3A_256 : i1 to i32
      %cond3A_406 = arith.constant 0 : i32
      %cond3A_407 = arith.cmpi ne, %convert_element_type3A_405, %cond3A_406 : i32
      scf.if %cond3A_407 {
        %add3A_447 = arith.constant 6 : i32
        %add3A_448 = arith.addi %mul3A_255, %add3A_447 : i32
        %add3A_449 = arith.constant 2 : i32
        %add3A_450 = arith.addi %add3A_448, %add3A_449 : i32
        %add3A_451 = arith.addi %select_n3A, %add3A_450 : i32
        %dma_start3A_452 = arith.constant 2 : i32
        %dma_start3A_453 = arith.constant 0 : i32
        %dma_start3A_454 = tpu.memref_slice %arg3[%add3A_451, %dma_start3A_453] : memref<2688x120xi32, #tpu.memory_space<hbm>> -> memref<1x120xi32, #tpu.memory_space<hbm>>
        %dma_start3A_455 = tpu.memref_squeeze %dma_start3A_454 : memref<1x120xi32, #tpu.memory_space<hbm>> -> memref<120xi32, #tpu.memory_space<hbm>>
        %dma_start3A_456 = tpu.memref_slice %arg23[%dma_start3A_452] : memref<6x!tpu.dma_semaphore, #tpu.memory_space<semaphore_mem>> -> memref<1x!tpu.dma_semaphore, #tpu.memory_space<semaphore_mem>>
        %dma_start3A_457 = tpu.memref_squeeze %dma_start3A_456 : memref<1x!tpu.dma_semaphore, #tpu.memory_space<semaphore_mem>> -> memref<!tpu.dma_semaphore, #tpu.memory_space<semaphore_mem>>
        %dma_start3A_458 = arith.constant 0 : i32
        %dma_start3A_459 = tpu.memref_slice %arg3[%add3A_451, %dma_start3A_458] : memref<2688x120xi32, #tpu.memory_space<hbm>> -> memref<1x120xi32, #tpu.memory_space<hbm>>
        %dma_start3A_460 = tpu.memref_squeeze %dma_start3A_459 : memref<1x120xi32, #tpu.memory_space<hbm>> -> memref<120xi32, #tpu.memory_space<hbm>>
        tpu.enqueue_dma source(%dma_start3A_460 : memref<120xi32, #tpu.memory_space<hbm>>) target(%arg9 : memref<120xi32, #tpu.memory_space<vmem>>) target_semaphore(%dma_start3A_457 : memref<!tpu.dma_semaphore, #tpu.memory_space<semaphore_mem>>)
        %add3A_461 = arith.addi %select_n3A, %add3A_450 : i32
        %dma_start3A_462 = arith.constant 2 : i32
        %dma_start3A_463 = arith.constant 0 : i32
        %dma_start3A_464 = tpu.memref_slice %arg4[%add3A_461, %dma_start3A_463] : memref<2688x120xi32, #tpu.memory_space<hbm>> -> memref<1x120xi32, #tpu.memory_space<hbm>>
        %dma_start3A_465 = tpu.memref_squeeze %dma_start3A_464 : memref<1x120xi32, #tpu.memory_space<hbm>> -> memref<120xi32, #tpu.memory_space<hbm>>
        %dma_start3A_466 = tpu.memref_slice %arg23[%dma_start3A_462] : memref<6x!tpu.dma_semaphore, #tpu.memory_space<semaphore_mem>> -> memref<1x!tpu.dma_semaphore, #tpu.memory_space<semaphore_mem>>
        %dma_start3A_467 = tpu.memref_squeeze %dma_start3A_466 : memref<1x!tpu.dma_semaphore, #tpu.memory_space<semaphore_mem>> -> memref<!tpu.dma_semaphore, #tpu.memory_space<semaphore_mem>>
        %dma_start3A_468 = arith.constant 0 : i32
        %dma_start3A_469 = tpu.memref_slice %arg4[%add3A_461, %dma_start3A_468] : memref<2688x120xi32, #tpu.memory_space<hbm>> -> memref<1x120xi32, #tpu.memory_space<hbm>>
        %dma_start3A_470 = tpu.memref_squeeze %dma_start3A_469 : memref<1x120xi32, #tpu.memory_space<hbm>> -> memref<120xi32, #tpu.memory_space<hbm>>
        tpu.enqueue_dma source(%dma_start3A_470 : memref<120xi32, #tpu.memory_space<hbm>>) target(%arg15 : memref<120xi32, #tpu.memory_space<vmem>>) target_semaphore(%dma_start3A_467 : memref<!tpu.dma_semaphore, #tpu.memory_space<semaphore_mem>>)
      } else {
      }
      %dma_wait3A_408 = arith.constant 0 : i32
      %dma_wait3A_409 = arith.constant 0 : i32
      %dma_wait3A_410 = arith.constant 0 : i32
      %dma_wait3A_411 = tpu.memref_slice %arg2[%dma_wait3A_409, %dma_wait3A_410] : memref<10112x128xf32, #tpu.memory_space<hbm>> -> memref<10112x128xf32, #tpu.memory_space<hbm>>
      %dma_wait3A_412 = tpu.memref_slice %arg24[%dma_wait3A_408] : memref<3x!tpu.dma_semaphore, #tpu.memory_space<semaphore_mem>> -> memref<1x!tpu.dma_semaphore, #tpu.memory_space<semaphore_mem>>
      %dma_wait3A_413 = tpu.memref_squeeze %dma_wait3A_412 : memref<1x!tpu.dma_semaphore, #tpu.memory_space<semaphore_mem>> -> memref<!tpu.dma_semaphore, #tpu.memory_space<semaphore_mem>>
      tpu.wait_indirect_dma semaphore(%dma_wait3A_413 : memref<!tpu.dma_semaphore, #tpu.memory_space<semaphore_mem>>) src(%dma_wait3A_411 : memref<10112x128xf32, #tpu.memory_space<hbm>>) dst(%arg19 : memref<120x128xf32, #tpu.memory_space<vmem>>)
      %dma_start3A_414 = arith.constant 0 : i32
      %dma_start3A_415 = arith.constant 0 : i32
      %dma_start3A_416 = arith.constant 0 : i32
      %dma_start3A_417 = tpu.memref_slice %arg22[%dma_start3A_415, %dma_start3A_416] : memref<10112x128xf32, #tpu.memory_space<vmem_shared>> -> memref<10112x128xf32, #tpu.memory_space<vmem_shared>>
      %dma_start3A_418 = tpu.memref_slice %arg25[%dma_start3A_414] : memref<3x!tpu.dma_semaphore, #tpu.memory_space<semaphore_mem>> -> memref<1x!tpu.dma_semaphore, #tpu.memory_space<semaphore_mem>>
      %dma_start3A_419 = tpu.memref_squeeze %dma_start3A_418 : memref<1x!tpu.dma_semaphore, #tpu.memory_space<semaphore_mem>> -> memref<!tpu.dma_semaphore, #tpu.memory_space<semaphore_mem>>
      tpu.enqueue_indirect_dma source(%arg19 : memref<120x128xf32, #tpu.memory_space<vmem>>) target(%dma_start3A_417 : memref<10112x128xf32, #tpu.memory_space<vmem_shared>>) offsets(%arg10 : memref<120xi32, #tpu.memory_space<vmem>>) semaphore(%dma_start3A_419 : memref<!tpu.dma_semaphore, #tpu.memory_space<semaphore_mem>>) {add = true}
      %dma_wait3A_420 = arith.constant 1 : i32
      %dma_wait3A_421 = arith.constant 0 : i32
      %dma_wait3A_422 = arith.constant 0 : i32
      %dma_wait3A_423 = tpu.memref_slice %arg2[%dma_wait3A_421, %dma_wait3A_422] : memref<10112x128xf32, #tpu.memory_space<hbm>> -> memref<10112x128xf32, #tpu.memory_space<hbm>>
      %dma_wait3A_424 = tpu.memref_slice %arg24[%dma_wait3A_420] : memref<3x!tpu.dma_semaphore, #tpu.memory_space<semaphore_mem>> -> memref<1x!tpu.dma_semaphore, #tpu.memory_space<semaphore_mem>>
      %dma_wait3A_425 = tpu.memref_squeeze %dma_wait3A_424 : memref<1x!tpu.dma_semaphore, #tpu.memory_space<semaphore_mem>> -> memref<!tpu.dma_semaphore, #tpu.memory_space<semaphore_mem>>
      tpu.wait_indirect_dma semaphore(%dma_wait3A_425 : memref<!tpu.dma_semaphore, #tpu.memory_space<semaphore_mem>>) src(%dma_wait3A_423 : memref<10112x128xf32, #tpu.memory_space<hbm>>) dst(%arg20 : memref<120x128xf32, #tpu.memory_space<vmem>>)
      %dma_start3A_426 = arith.constant 1 : i32
      %dma_start3A_427 = arith.constant 0 : i32
      %dma_start3A_428 = arith.constant 0 : i32
      %dma_start3A_429 = tpu.memref_slice %arg22[%dma_start3A_427, %dma_start3A_428] : memref<10112x128xf32, #tpu.memory_space<vmem_shared>> -> memref<10112x128xf32, #tpu.memory_space<vmem_shared>>
      %dma_start3A_430 = tpu.memref_slice %arg25[%dma_start3A_426] : memref<3x!tpu.dma_semaphore, #tpu.memory_space<semaphore_mem>> -> memref<1x!tpu.dma_semaphore, #tpu.memory_space<semaphore_mem>>
      %dma_start3A_431 = tpu.memref_squeeze %dma_start3A_430 : memref<1x!tpu.dma_semaphore, #tpu.memory_space<semaphore_mem>> -> memref<!tpu.dma_semaphore, #tpu.memory_space<semaphore_mem>>
      tpu.enqueue_indirect_dma source(%arg20 : memref<120x128xf32, #tpu.memory_space<vmem>>) target(%dma_start3A_429 : memref<10112x128xf32, #tpu.memory_space<vmem_shared>>) offsets(%arg11 : memref<120xi32, #tpu.memory_space<vmem>>) semaphore(%dma_start3A_431 : memref<!tpu.dma_semaphore, #tpu.memory_space<semaphore_mem>>) {add = true}
      %dma_wait3A_432 = arith.constant 2 : i32
      %dma_wait3A_433 = arith.constant 0 : i32
      %dma_wait3A_434 = arith.constant 0 : i32
      %dma_wait3A_435 = tpu.memref_slice %arg2[%dma_wait3A_433, %dma_wait3A_434] : memref<10112x128xf32, #tpu.memory_space<hbm>> -> memref<10112x128xf32, #tpu.memory_space<hbm>>
      %dma_wait3A_436 = tpu.memref_slice %arg24[%dma_wait3A_432] : memref<3x!tpu.dma_semaphore, #tpu.memory_space<semaphore_mem>> -> memref<1x!tpu.dma_semaphore, #tpu.memory_space<semaphore_mem>>
      %dma_wait3A_437 = tpu.memref_squeeze %dma_wait3A_436 : memref<1x!tpu.dma_semaphore, #tpu.memory_space<semaphore_mem>> -> memref<!tpu.dma_semaphore, #tpu.memory_space<semaphore_mem>>
      tpu.wait_indirect_dma semaphore(%dma_wait3A_437 : memref<!tpu.dma_semaphore, #tpu.memory_space<semaphore_mem>>) src(%dma_wait3A_435 : memref<10112x128xf32, #tpu.memory_space<hbm>>) dst(%arg21 : memref<120x128xf32, #tpu.memory_space<vmem>>)
      %dma_start3A_438 = arith.constant 2 : i32
      %dma_start3A_439 = arith.constant 0 : i32
      %dma_start3A_440 = arith.constant 0 : i32
      %dma_start3A_441 = tpu.memref_slice %arg22[%dma_start3A_439, %dma_start3A_440] : memref<10112x128xf32, #tpu.memory_space<vmem_shared>> -> memref<10112x128xf32, #tpu.memory_space<vmem_shared>>
      %dma_start3A_442 = tpu.memref_slice %arg25[%dma_start3A_438] : memref<3x!tpu.dma_semaphore, #tpu.memory_space<semaphore_mem>> -> memref<1x!tpu.dma_semaphore, #tpu.memory_space<semaphore_mem>>
      %dma_start3A_443 = tpu.memref_squeeze %dma_start3A_442 : memref<1x!tpu.dma_semaphore, #tpu.memory_space<semaphore_mem>> -> memref<!tpu.dma_semaphore, #tpu.memory_space<semaphore_mem>>
      tpu.enqueue_indirect_dma source(%arg21 : memref<120x128xf32, #tpu.memory_space<vmem>>) target(%dma_start3A_441 : memref<10112x128xf32, #tpu.memory_space<vmem_shared>>) offsets(%arg12 : memref<120xi32, #tpu.memory_space<vmem>>) semaphore(%dma_start3A_443 : memref<!tpu.dma_semaphore, #tpu.memory_space<semaphore_mem>>) {add = true}
      %convert_element_type3A_444 = arith.extui %lt3A_256 : i1 to i32
      %cond3A_445 = arith.constant 0 : i32
      %cond3A_446 = arith.cmpi ne, %convert_element_type3A_444, %cond3A_445 : i32
      scf.if %cond3A_446 {
        %dma_wait3A_447 = arith.constant 0 : i32
        %dma_wait3A_448 = arith.constant 0 : i32
        %dma_wait3A_449 = arith.constant 0 : i32
        %dma_wait3A_450 = tpu.memref_slice %arg22[%dma_wait3A_448, %dma_wait3A_449] : memref<10112x128xf32, #tpu.memory_space<vmem_shared>> -> memref<10112x128xf32, #tpu.memory_space<vmem_shared>>
        %dma_wait3A_451 = tpu.memref_slice %arg25[%dma_wait3A_447] : memref<3x!tpu.dma_semaphore, #tpu.memory_space<semaphore_mem>> -> memref<1x!tpu.dma_semaphore, #tpu.memory_space<semaphore_mem>>
        %dma_wait3A_452 = tpu.memref_squeeze %dma_wait3A_451 : memref<1x!tpu.dma_semaphore, #tpu.memory_space<semaphore_mem>> -> memref<!tpu.dma_semaphore, #tpu.memory_space<semaphore_mem>>
        tpu.wait_indirect_dma semaphore(%dma_wait3A_452 : memref<!tpu.dma_semaphore, #tpu.memory_space<semaphore_mem>>) src(%arg19 : memref<120x128xf32, #tpu.memory_space<vmem>>) dst(%dma_wait3A_450 : memref<10112x128xf32, #tpu.memory_space<vmem_shared>>)
        %add3A_453 = arith.constant 6 : i32
        %add3A_454 = arith.addi %mul3A_255, %add3A_453 : i32
        %add3A_455 = arith.constant 0 : i32
        %add3A_456 = arith.addi %add3A_454, %add3A_455 : i32
        %add3A_457 = arith.addi %select_n3A, %add3A_456 : i32
        %dma_wait3A_458 = arith.constant 0 : i32
        %dma_wait3A_459 = arith.constant 0 : i32
        %dma_wait3A_460 = tpu.memref_slice %arg3[%add3A_457, %dma_wait3A_459] : memref<2688x120xi32, #tpu.memory_space<hbm>> -> memref<1x120xi32, #tpu.memory_space<hbm>>
        %dma_wait3A_461 = tpu.memref_squeeze %dma_wait3A_460 : memref<1x120xi32, #tpu.memory_space<hbm>> -> memref<120xi32, #tpu.memory_space<hbm>>
        %dma_wait3A_462 = tpu.memref_slice %arg23[%dma_wait3A_458] : memref<6x!tpu.dma_semaphore, #tpu.memory_space<semaphore_mem>> -> memref<1x!tpu.dma_semaphore, #tpu.memory_space<semaphore_mem>>
        %dma_wait3A_463 = tpu.memref_squeeze %dma_wait3A_462 : memref<1x!tpu.dma_semaphore, #tpu.memory_space<semaphore_mem>> -> memref<!tpu.dma_semaphore, #tpu.memory_space<semaphore_mem>>
        %dma_wait3A_464 = arith.constant 0 : i32
        %dma_wait3A_465 = tpu.memref_slice %arg3[%add3A_457, %dma_wait3A_464] : memref<2688x120xi32, #tpu.memory_space<hbm>> -> memref<1x120xi32, #tpu.memory_space<hbm>>
        %dma_wait3A_466 = tpu.memref_squeeze %dma_wait3A_465 : memref<1x120xi32, #tpu.memory_space<hbm>> -> memref<120xi32, #tpu.memory_space<hbm>>
        tpu.wait_dma2 semaphore(%dma_wait3A_463 : memref<!tpu.dma_semaphore, #tpu.memory_space<semaphore_mem>>) src(%dma_wait3A_466 : memref<120xi32, #tpu.memory_space<hbm>>) dst(%arg7 : memref<120xi32, #tpu.memory_space<vmem>>)
        %add3A_467 = arith.addi %select_n3A, %add3A_456 : i32
        %dma_wait3A_468 = arith.constant 0 : i32
        %dma_wait3A_469 = arith.constant 0 : i32
        %dma_wait3A_470 = tpu.memref_slice %arg4[%add3A_467, %dma_wait3A_469] : memref<2688x120xi32, #tpu.memory_space<hbm>> -> memref<1x120xi32, #tpu.memory_space<hbm>>
        %dma_wait3A_471 = tpu.memref_squeeze %dma_wait3A_470 : memref<1x120xi32, #tpu.memory_space<hbm>> -> memref<120xi32, #tpu.memory_space<hbm>>
        %dma_wait3A_472 = tpu.memref_slice %arg23[%dma_wait3A_468] : memref<6x!tpu.dma_semaphore, #tpu.memory_space<semaphore_mem>> -> memref<1x!tpu.dma_semaphore, #tpu.memory_space<semaphore_mem>>
        %dma_wait3A_473 = tpu.memref_squeeze %dma_wait3A_472 : memref<1x!tpu.dma_semaphore, #tpu.memory_space<semaphore_mem>> -> memref<!tpu.dma_semaphore, #tpu.memory_space<semaphore_mem>>
        %dma_wait3A_474 = arith.constant 0 : i32
        %dma_wait3A_475 = tpu.memref_slice %arg4[%add3A_467, %dma_wait3A_474] : memref<2688x120xi32, #tpu.memory_space<hbm>> -> memref<1x120xi32, #tpu.memory_space<hbm>>
        %dma_wait3A_476 = tpu.memref_squeeze %dma_wait3A_475 : memref<1x120xi32, #tpu.memory_space<hbm>> -> memref<120xi32, #tpu.memory_space<hbm>>
        tpu.wait_dma2 semaphore(%dma_wait3A_473 : memref<!tpu.dma_semaphore, #tpu.memory_space<semaphore_mem>>) src(%dma_wait3A_476 : memref<120xi32, #tpu.memory_space<hbm>>) dst(%arg13 : memref<120xi32, #tpu.memory_space<vmem>>)
        %dma_start3A_477 = arith.constant 0 : i32
        %dma_start3A_478 = arith.constant 0 : i32
        %dma_start3A_479 = arith.constant 0 : i32
        %dma_start3A_480 = tpu.memref_slice %arg2[%dma_start3A_478, %dma_start3A_479] : memref<10112x128xf32, #tpu.memory_space<hbm>> -> memref<10112x128xf32, #tpu.memory_space<hbm>>
        %dma_start3A_481 = tpu.memref_slice %arg24[%dma_start3A_477] : memref<3x!tpu.dma_semaphore, #tpu.memory_space<semaphore_mem>> -> memref<1x!tpu.dma_semaphore, #tpu.memory_space<semaphore_mem>>
        %dma_start3A_482 = tpu.memref_squeeze %dma_start3A_481 : memref<1x!tpu.dma_semaphore, #tpu.memory_space<semaphore_mem>> -> memref<!tpu.dma_semaphore, #tpu.memory_space<semaphore_mem>>
        tpu.enqueue_indirect_dma source(%dma_start3A_480 : memref<10112x128xf32, #tpu.memory_space<hbm>>) target(%arg19 : memref<120x128xf32, #tpu.memory_space<vmem>>) offsets(%arg13 : memref<120xi32, #tpu.memory_space<vmem>>) semaphore(%dma_start3A_482 : memref<!tpu.dma_semaphore, #tpu.memory_space<semaphore_mem>>)
        %add3A_483 = arith.constant 9 : i32
        %add3A_484 = arith.addi %mul3A_255, %add3A_483 : i32
        %add3A_485 = arith.constant 0 : i32
        %add3A_486 = arith.addi %add3A_484, %add3A_485 : i32
        %add3A_487 = arith.addi %select_n3A, %add3A_486 : i32
        %dma_start3A_488 = arith.constant 3 : i32
        %dma_start3A_489 = arith.constant 0 : i32
        %dma_start3A_490 = tpu.memref_slice %arg3[%add3A_487, %dma_start3A_489] : memref<2688x120xi32, #tpu.memory_space<hbm>> -> memref<1x120xi32, #tpu.memory_space<hbm>>
        %dma_start3A_491 = tpu.memref_squeeze %dma_start3A_490 : memref<1x120xi32, #tpu.memory_space<hbm>> -> memref<120xi32, #tpu.memory_space<hbm>>
        %dma_start3A_492 = tpu.memref_slice %arg23[%dma_start3A_488] : memref<6x!tpu.dma_semaphore, #tpu.memory_space<semaphore_mem>> -> memref<1x!tpu.dma_semaphore, #tpu.memory_space<semaphore_mem>>
        %dma_start3A_493 = tpu.memref_squeeze %dma_start3A_492 : memref<1x!tpu.dma_semaphore, #tpu.memory_space<semaphore_mem>> -> memref<!tpu.dma_semaphore, #tpu.memory_space<semaphore_mem>>
        %dma_start3A_494 = arith.constant 0 : i32
        %dma_start3A_495 = tpu.memref_slice %arg3[%add3A_487, %dma_start3A_494] : memref<2688x120xi32, #tpu.memory_space<hbm>> -> memref<1x120xi32, #tpu.memory_space<hbm>>
        %dma_start3A_496 = tpu.memref_squeeze %dma_start3A_495 : memref<1x120xi32, #tpu.memory_space<hbm>> -> memref<120xi32, #tpu.memory_space<hbm>>
        tpu.enqueue_dma source(%dma_start3A_496 : memref<120xi32, #tpu.memory_space<hbm>>) target(%arg10 : memref<120xi32, #tpu.memory_space<vmem>>) target_semaphore(%dma_start3A_493 : memref<!tpu.dma_semaphore, #tpu.memory_space<semaphore_mem>>)
        %add3A_497 = arith.addi %select_n3A, %add3A_486 : i32
        %dma_start3A_498 = arith.constant 3 : i32
        %dma_start3A_499 = arith.constant 0 : i32
        %dma_start3A_500 = tpu.memref_slice %arg4[%add3A_497, %dma_start3A_499] : memref<2688x120xi32, #tpu.memory_space<hbm>> -> memref<1x120xi32, #tpu.memory_space<hbm>>
        %dma_start3A_501 = tpu.memref_squeeze %dma_start3A_500 : memref<1x120xi32, #tpu.memory_space<hbm>> -> memref<120xi32, #tpu.memory_space<hbm>>
        %dma_start3A_502 = tpu.memref_slice %arg23[%dma_start3A_498] : memref<6x!tpu.dma_semaphore, #tpu.memory_space<semaphore_mem>> -> memref<1x!tpu.dma_semaphore, #tpu.memory_space<semaphore_mem>>
        %dma_start3A_503 = tpu.memref_squeeze %dma_start3A_502 : memref<1x!tpu.dma_semaphore, #tpu.memory_space<semaphore_mem>> -> memref<!tpu.dma_semaphore, #tpu.memory_space<semaphore_mem>>
        %dma_start3A_504 = arith.constant 0 : i32
        %dma_start3A_505 = tpu.memref_slice %arg4[%add3A_497, %dma_start3A_504] : memref<2688x120xi32, #tpu.memory_space<hbm>> -> memref<1x120xi32, #tpu.memory_space<hbm>>
        %dma_start3A_506 = tpu.memref_squeeze %dma_start3A_505 : memref<1x120xi32, #tpu.memory_space<hbm>> -> memref<120xi32, #tpu.memory_space<hbm>>
        tpu.enqueue_dma source(%dma_start3A_506 : memref<120xi32, #tpu.memory_space<hbm>>) target(%arg16 : memref<120xi32, #tpu.memory_space<vmem>>) target_semaphore(%dma_start3A_503 : memref<!tpu.dma_semaphore, #tpu.memory_space<semaphore_mem>>)
        %dma_wait3A_507 = arith.constant 1 : i32
        %dma_wait3A_508 = arith.constant 0 : i32
        %dma_wait3A_509 = arith.constant 0 : i32
        %dma_wait3A_510 = tpu.memref_slice %arg22[%dma_wait3A_508, %dma_wait3A_509] : memref<10112x128xf32, #tpu.memory_space<vmem_shared>> -> memref<10112x128xf32, #tpu.memory_space<vmem_shared>>
        %dma_wait3A_511 = tpu.memref_slice %arg25[%dma_wait3A_507] : memref<3x!tpu.dma_semaphore, #tpu.memory_space<semaphore_mem>> -> memref<1x!tpu.dma_semaphore, #tpu.memory_space<semaphore_mem>>
        %dma_wait3A_512 = tpu.memref_squeeze %dma_wait3A_511 : memref<1x!tpu.dma_semaphore, #tpu.memory_space<semaphore_mem>> -> memref<!tpu.dma_semaphore, #tpu.memory_space<semaphore_mem>>
        tpu.wait_indirect_dma semaphore(%dma_wait3A_512 : memref<!tpu.dma_semaphore, #tpu.memory_space<semaphore_mem>>) src(%arg20 : memref<120x128xf32, #tpu.memory_space<vmem>>) dst(%dma_wait3A_510 : memref<10112x128xf32, #tpu.memory_space<vmem_shared>>)
        %add3A_513 = arith.constant 6 : i32
        %add3A_514 = arith.addi %mul3A_255, %add3A_513 : i32
        %add3A_515 = arith.constant 1 : i32
        %add3A_516 = arith.addi %add3A_514, %add3A_515 : i32
        %add3A_517 = arith.addi %select_n3A, %add3A_516 : i32
        %dma_wait3A_518 = arith.constant 1 : i32
        %dma_wait3A_519 = arith.constant 0 : i32
        %dma_wait3A_520 = tpu.memref_slice %arg3[%add3A_517, %dma_wait3A_519] : memref<2688x120xi32, #tpu.memory_space<hbm>> -> memref<1x120xi32, #tpu.memory_space<hbm>>
        %dma_wait3A_521 = tpu.memref_squeeze %dma_wait3A_520 : memref<1x120xi32, #tpu.memory_space<hbm>> -> memref<120xi32, #tpu.memory_space<hbm>>
        %dma_wait3A_522 = tpu.memref_slice %arg23[%dma_wait3A_518] : memref<6x!tpu.dma_semaphore, #tpu.memory_space<semaphore_mem>> -> memref<1x!tpu.dma_semaphore, #tpu.memory_space<semaphore_mem>>
        %dma_wait3A_523 = tpu.memref_squeeze %dma_wait3A_522 : memref<1x!tpu.dma_semaphore, #tpu.memory_space<semaphore_mem>> -> memref<!tpu.dma_semaphore, #tpu.memory_space<semaphore_mem>>
        %dma_wait3A_524 = arith.constant 0 : i32
        %dma_wait3A_525 = tpu.memref_slice %arg3[%add3A_517, %dma_wait3A_524] : memref<2688x120xi32, #tpu.memory_space<hbm>> -> memref<1x120xi32, #tpu.memory_space<hbm>>
        %dma_wait3A_526 = tpu.memref_squeeze %dma_wait3A_525 : memref<1x120xi32, #tpu.memory_space<hbm>> -> memref<120xi32, #tpu.memory_space<hbm>>
        tpu.wait_dma2 semaphore(%dma_wait3A_523 : memref<!tpu.dma_semaphore, #tpu.memory_space<semaphore_mem>>) src(%dma_wait3A_526 : memref<120xi32, #tpu.memory_space<hbm>>) dst(%arg8 : memref<120xi32, #tpu.memory_space<vmem>>)
        %add3A_527 = arith.addi %select_n3A, %add3A_516 : i32
        %dma_wait3A_528 = arith.constant 1 : i32
        %dma_wait3A_529 = arith.constant 0 : i32
        %dma_wait3A_530 = tpu.memref_slice %arg4[%add3A_527, %dma_wait3A_529] : memref<2688x120xi32, #tpu.memory_space<hbm>> -> memref<1x120xi32, #tpu.memory_space<hbm>>
        %dma_wait3A_531 = tpu.memref_squeeze %dma_wait3A_530 : memref<1x120xi32, #tpu.memory_space<hbm>> -> memref<120xi32, #tpu.memory_space<hbm>>
        %dma_wait3A_532 = tpu.memref_slice %arg23[%dma_wait3A_528] : memref<6x!tpu.dma_semaphore, #tpu.memory_space<semaphore_mem>> -> memref<1x!tpu.dma_semaphore, #tpu.memory_space<semaphore_mem>>
        %dma_wait3A_533 = tpu.memref_squeeze %dma_wait3A_532 : memref<1x!tpu.dma_semaphore, #tpu.memory_space<semaphore_mem>> -> memref<!tpu.dma_semaphore, #tpu.memory_space<semaphore_mem>>
        %dma_wait3A_534 = arith.constant 0 : i32
        %dma_wait3A_535 = tpu.memref_slice %arg4[%add3A_527, %dma_wait3A_534] : memref<2688x120xi32, #tpu.memory_space<hbm>> -> memref<1x120xi32, #tpu.memory_space<hbm>>
        %dma_wait3A_536 = tpu.memref_squeeze %dma_wait3A_535 : memref<1x120xi32, #tpu.memory_space<hbm>> -> memref<120xi32, #tpu.memory_space<hbm>>
        tpu.wait_dma2 semaphore(%dma_wait3A_533 : memref<!tpu.dma_semaphore, #tpu.memory_space<semaphore_mem>>) src(%dma_wait3A_536 : memref<120xi32, #tpu.memory_space<hbm>>) dst(%arg14 : memref<120xi32, #tpu.memory_space<vmem>>)
        %dma_start3A_537 = arith.constant 1 : i32
        %dma_start3A_538 = arith.constant 0 : i32
        %dma_start3A_539 = arith.constant 0 : i32
        %dma_start3A_540 = tpu.memref_slice %arg2[%dma_start3A_538, %dma_start3A_539] : memref<10112x128xf32, #tpu.memory_space<hbm>> -> memref<10112x128xf32, #tpu.memory_space<hbm>>
        %dma_start3A_541 = tpu.memref_slice %arg24[%dma_start3A_537] : memref<3x!tpu.dma_semaphore, #tpu.memory_space<semaphore_mem>> -> memref<1x!tpu.dma_semaphore, #tpu.memory_space<semaphore_mem>>
        %dma_start3A_542 = tpu.memref_squeeze %dma_start3A_541 : memref<1x!tpu.dma_semaphore, #tpu.memory_space<semaphore_mem>> -> memref<!tpu.dma_semaphore, #tpu.memory_space<semaphore_mem>>
        tpu.enqueue_indirect_dma source(%dma_start3A_540 : memref<10112x128xf32, #tpu.memory_space<hbm>>) target(%arg20 : memref<120x128xf32, #tpu.memory_space<vmem>>) offsets(%arg14 : memref<120xi32, #tpu.memory_space<vmem>>) semaphore(%dma_start3A_542 : memref<!tpu.dma_semaphore, #tpu.memory_space<semaphore_mem>>)
        %add3A_543 = arith.constant 9 : i32
        %add3A_544 = arith.addi %mul3A_255, %add3A_543 : i32
        %add3A_545 = arith.constant 1 : i32
        %add3A_546 = arith.addi %add3A_544, %add3A_545 : i32
        %add3A_547 = arith.addi %select_n3A, %add3A_546 : i32
        %dma_start3A_548 = arith.constant 4 : i32
        %dma_start3A_549 = arith.constant 0 : i32
        %dma_start3A_550 = tpu.memref_slice %arg3[%add3A_547, %dma_start3A_549] : memref<2688x120xi32, #tpu.memory_space<hbm>> -> memref<1x120xi32, #tpu.memory_space<hbm>>
        %dma_start3A_551 = tpu.memref_squeeze %dma_start3A_550 : memref<1x120xi32, #tpu.memory_space<hbm>> -> memref<120xi32, #tpu.memory_space<hbm>>
        %dma_start3A_552 = tpu.memref_slice %arg23[%dma_start3A_548] : memref<6x!tpu.dma_semaphore, #tpu.memory_space<semaphore_mem>> -> memref<1x!tpu.dma_semaphore, #tpu.memory_space<semaphore_mem>>
        %dma_start3A_553 = tpu.memref_squeeze %dma_start3A_552 : memref<1x!tpu.dma_semaphore, #tpu.memory_space<semaphore_mem>> -> memref<!tpu.dma_semaphore, #tpu.memory_space<semaphore_mem>>
        %dma_start3A_554 = arith.constant 0 : i32
        %dma_start3A_555 = tpu.memref_slice %arg3[%add3A_547, %dma_start3A_554] : memref<2688x120xi32, #tpu.memory_space<hbm>> -> memref<1x120xi32, #tpu.memory_space<hbm>>
        %dma_start3A_556 = tpu.memref_squeeze %dma_start3A_555 : memref<1x120xi32, #tpu.memory_space<hbm>> -> memref<120xi32, #tpu.memory_space<hbm>>
        tpu.enqueue_dma source(%dma_start3A_556 : memref<120xi32, #tpu.memory_space<hbm>>) target(%arg11 : memref<120xi32, #tpu.memory_space<vmem>>) target_semaphore(%dma_start3A_553 : memref<!tpu.dma_semaphore, #tpu.memory_space<semaphore_mem>>)
        %add3A_557 = arith.addi %select_n3A, %add3A_546 : i32
        %dma_start3A_558 = arith.constant 4 : i32
        %dma_start3A_559 = arith.constant 0 : i32
        %dma_start3A_560 = tpu.memref_slice %arg4[%add3A_557, %dma_start3A_559] : memref<2688x120xi32, #tpu.memory_space<hbm>> -> memref<1x120xi32, #tpu.memory_space<hbm>>
        %dma_start3A_561 = tpu.memref_squeeze %dma_start3A_560 : memref<1x120xi32, #tpu.memory_space<hbm>> -> memref<120xi32, #tpu.memory_space<hbm>>
        %dma_start3A_562 = tpu.memref_slice %arg23[%dma_start3A_558] : memref<6x!tpu.dma_semaphore, #tpu.memory_space<semaphore_mem>> -> memref<1x!tpu.dma_semaphore, #tpu.memory_space<semaphore_mem>>
        %dma_start3A_563 = tpu.memref_squeeze %dma_start3A_562 : memref<1x!tpu.dma_semaphore, #tpu.memory_space<semaphore_mem>> -> memref<!tpu.dma_semaphore, #tpu.memory_space<semaphore_mem>>
        %dma_start3A_564 = arith.constant 0 : i32
        %dma_start3A_565 = tpu.memref_slice %arg4[%add3A_557, %dma_start3A_564] : memref<2688x120xi32, #tpu.memory_space<hbm>> -> memref<1x120xi32, #tpu.memory_space<hbm>>
        %dma_start3A_566 = tpu.memref_squeeze %dma_start3A_565 : memref<1x120xi32, #tpu.memory_space<hbm>> -> memref<120xi32, #tpu.memory_space<hbm>>
        tpu.enqueue_dma source(%dma_start3A_566 : memref<120xi32, #tpu.memory_space<hbm>>) target(%arg17 : memref<120xi32, #tpu.memory_space<vmem>>) target_semaphore(%dma_start3A_563 : memref<!tpu.dma_semaphore, #tpu.memory_space<semaphore_mem>>)
        %dma_wait3A_567 = arith.constant 2 : i32
        %dma_wait3A_568 = arith.constant 0 : i32
        %dma_wait3A_569 = arith.constant 0 : i32
        %dma_wait3A_570 = tpu.memref_slice %arg22[%dma_wait3A_568, %dma_wait3A_569] : memref<10112x128xf32, #tpu.memory_space<vmem_shared>> -> memref<10112x128xf32, #tpu.memory_space<vmem_shared>>
        %dma_wait3A_571 = tpu.memref_slice %arg25[%dma_wait3A_567] : memref<3x!tpu.dma_semaphore, #tpu.memory_space<semaphore_mem>> -> memref<1x!tpu.dma_semaphore, #tpu.memory_space<semaphore_mem>>
        %dma_wait3A_572 = tpu.memref_squeeze %dma_wait3A_571 : memref<1x!tpu.dma_semaphore, #tpu.memory_space<semaphore_mem>> -> memref<!tpu.dma_semaphore, #tpu.memory_space<semaphore_mem>>
        tpu.wait_indirect_dma semaphore(%dma_wait3A_572 : memref<!tpu.dma_semaphore, #tpu.memory_space<semaphore_mem>>) src(%arg21 : memref<120x128xf32, #tpu.memory_space<vmem>>) dst(%dma_wait3A_570 : memref<10112x128xf32, #tpu.memory_space<vmem_shared>>)
        %add3A_573 = arith.constant 6 : i32
        %add3A_574 = arith.addi %mul3A_255, %add3A_573 : i32
        %add3A_575 = arith.constant 2 : i32
        %add3A_576 = arith.addi %add3A_574, %add3A_575 : i32
        %add3A_577 = arith.addi %select_n3A, %add3A_576 : i32
        %dma_wait3A_578 = arith.constant 2 : i32
        %dma_wait3A_579 = arith.constant 0 : i32
        %dma_wait3A_580 = tpu.memref_slice %arg3[%add3A_577, %dma_wait3A_579] : memref<2688x120xi32, #tpu.memory_space<hbm>> -> memref<1x120xi32, #tpu.memory_space<hbm>>
        %dma_wait3A_581 = tpu.memref_squeeze %dma_wait3A_580 : memref<1x120xi32, #tpu.memory_space<hbm>> -> memref<120xi32, #tpu.memory_space<hbm>>
        %dma_wait3A_582 = tpu.memref_slice %arg23[%dma_wait3A_578] : memref<6x!tpu.dma_semaphore, #tpu.memory_space<semaphore_mem>> -> memref<1x!tpu.dma_semaphore, #tpu.memory_space<semaphore_mem>>
        %dma_wait3A_583 = tpu.memref_squeeze %dma_wait3A_582 : memref<1x!tpu.dma_semaphore, #tpu.memory_space<semaphore_mem>> -> memref<!tpu.dma_semaphore, #tpu.memory_space<semaphore_mem>>
        %dma_wait3A_584 = arith.constant 0 : i32
        %dma_wait3A_585 = tpu.memref_slice %arg3[%add3A_577, %dma_wait3A_584] : memref<2688x120xi32, #tpu.memory_space<hbm>> -> memref<1x120xi32, #tpu.memory_space<hbm>>
        %dma_wait3A_586 = tpu.memref_squeeze %dma_wait3A_585 : memref<1x120xi32, #tpu.memory_space<hbm>> -> memref<120xi32, #tpu.memory_space<hbm>>
        tpu.wait_dma2 semaphore(%dma_wait3A_583 : memref<!tpu.dma_semaphore, #tpu.memory_space<semaphore_mem>>) src(%dma_wait3A_586 : memref<120xi32, #tpu.memory_space<hbm>>) dst(%arg9 : memref<120xi32, #tpu.memory_space<vmem>>)
        %add3A_587 = arith.addi %select_n3A, %add3A_576 : i32
        %dma_wait3A_588 = arith.constant 2 : i32
        %dma_wait3A_589 = arith.constant 0 : i32
        %dma_wait3A_590 = tpu.memref_slice %arg4[%add3A_587, %dma_wait3A_589] : memref<2688x120xi32, #tpu.memory_space<hbm>> -> memref<1x120xi32, #tpu.memory_space<hbm>>
        %dma_wait3A_591 = tpu.memref_squeeze %dma_wait3A_590 : memref<1x120xi32, #tpu.memory_space<hbm>> -> memref<120xi32, #tpu.memory_space<hbm>>
        %dma_wait3A_592 = tpu.memref_slice %arg23[%dma_wait3A_588] : memref<6x!tpu.dma_semaphore, #tpu.memory_space<semaphore_mem>> -> memref<1x!tpu.dma_semaphore, #tpu.memory_space<semaphore_mem>>
        %dma_wait3A_593 = tpu.memref_squeeze %dma_wait3A_592 : memref<1x!tpu.dma_semaphore, #tpu.memory_space<semaphore_mem>> -> memref<!tpu.dma_semaphore, #tpu.memory_space<semaphore_mem>>
        %dma_wait3A_594 = arith.constant 0 : i32
        %dma_wait3A_595 = tpu.memref_slice %arg4[%add3A_587, %dma_wait3A_594] : memref<2688x120xi32, #tpu.memory_space<hbm>> -> memref<1x120xi32, #tpu.memory_space<hbm>>
        %dma_wait3A_596 = tpu.memref_squeeze %dma_wait3A_595 : memref<1x120xi32, #tpu.memory_space<hbm>> -> memref<120xi32, #tpu.memory_space<hbm>>
        tpu.wait_dma2 semaphore(%dma_wait3A_593 : memref<!tpu.dma_semaphore, #tpu.memory_space<semaphore_mem>>) src(%dma_wait3A_596 : memref<120xi32, #tpu.memory_space<hbm>>) dst(%arg15 : memref<120xi32, #tpu.memory_space<vmem>>)
        %dma_start3A_597 = arith.constant 2 : i32
        %dma_start3A_598 = arith.constant 0 : i32
        %dma_start3A_599 = arith.constant 0 : i32
        %dma_start3A_600 = tpu.memref_slice %arg2[%dma_start3A_598, %dma_start3A_599] : memref<10112x128xf32, #tpu.memory_space<hbm>> -> memref<10112x128xf32, #tpu.memory_space<hbm>>
        %dma_start3A_601 = tpu.memref_slice %arg24[%dma_start3A_597] : memref<3x!tpu.dma_semaphore, #tpu.memory_space<semaphore_mem>> -> memref<1x!tpu.dma_semaphore, #tpu.memory_space<semaphore_mem>>
        %dma_start3A_602 = tpu.memref_squeeze %dma_start3A_601 : memref<1x!tpu.dma_semaphore, #tpu.memory_space<semaphore_mem>> -> memref<!tpu.dma_semaphore, #tpu.memory_space<semaphore_mem>>
        tpu.enqueue_indirect_dma source(%dma_start3A_600 : memref<10112x128xf32, #tpu.memory_space<hbm>>) target(%arg21 : memref<120x128xf32, #tpu.memory_space<vmem>>) offsets(%arg15 : memref<120xi32, #tpu.memory_space<vmem>>) semaphore(%dma_start3A_602 : memref<!tpu.dma_semaphore, #tpu.memory_space<semaphore_mem>>)
        %add3A_603 = arith.constant 9 : i32
        %add3A_604 = arith.addi %mul3A_255, %add3A_603 : i32
        %add3A_605 = arith.constant 2 : i32
        %add3A_606 = arith.addi %add3A_604, %add3A_605 : i32
        %add3A_607 = arith.addi %select_n3A, %add3A_606 : i32
        %dma_start3A_608 = arith.constant 5 : i32
        %dma_start3A_609 = arith.constant 0 : i32
        %dma_start3A_610 = tpu.memref_slice %arg3[%add3A_607, %dma_start3A_609] : memref<2688x120xi32, #tpu.memory_space<hbm>> -> memref<1x120xi32, #tpu.memory_space<hbm>>
        %dma_start3A_611 = tpu.memref_squeeze %dma_start3A_610 : memref<1x120xi32, #tpu.memory_space<hbm>> -> memref<120xi32, #tpu.memory_space<hbm>>
        %dma_start3A_612 = tpu.memref_slice %arg23[%dma_start3A_608] : memref<6x!tpu.dma_semaphore, #tpu.memory_space<semaphore_mem>> -> memref<1x!tpu.dma_semaphore, #tpu.memory_space<semaphore_mem>>
        %dma_start3A_613 = tpu.memref_squeeze %dma_start3A_612 : memref<1x!tpu.dma_semaphore, #tpu.memory_space<semaphore_mem>> -> memref<!tpu.dma_semaphore, #tpu.memory_space<semaphore_mem>>
        %dma_start3A_614 = arith.constant 0 : i32
        %dma_start3A_615 = tpu.memref_slice %arg3[%add3A_607, %dma_start3A_614] : memref<2688x120xi32, #tpu.memory_space<hbm>> -> memref<1x120xi32, #tpu.memory_space<hbm>>
        %dma_start3A_616 = tpu.memref_squeeze %dma_start3A_615 : memref<1x120xi32, #tpu.memory_space<hbm>> -> memref<120xi32, #tpu.memory_space<hbm>>
        tpu.enqueue_dma source(%dma_start3A_616 : memref<120xi32, #tpu.memory_space<hbm>>) target(%arg12 : memref<120xi32, #tpu.memory_space<vmem>>) target_semaphore(%dma_start3A_613 : memref<!tpu.dma_semaphore, #tpu.memory_space<semaphore_mem>>)
        %add3A_617 = arith.addi %select_n3A, %add3A_606 : i32
        %dma_start3A_618 = arith.constant 5 : i32
        %dma_start3A_619 = arith.constant 0 : i32
        %dma_start3A_620 = tpu.memref_slice %arg4[%add3A_617, %dma_start3A_619] : memref<2688x120xi32, #tpu.memory_space<hbm>> -> memref<1x120xi32, #tpu.memory_space<hbm>>
        %dma_start3A_621 = tpu.memref_squeeze %dma_start3A_620 : memref<1x120xi32, #tpu.memory_space<hbm>> -> memref<120xi32, #tpu.memory_space<hbm>>
        %dma_start3A_622 = tpu.memref_slice %arg23[%dma_start3A_618] : memref<6x!tpu.dma_semaphore, #tpu.memory_space<semaphore_mem>> -> memref<1x!tpu.dma_semaphore, #tpu.memory_space<semaphore_mem>>
        %dma_start3A_623 = tpu.memref_squeeze %dma_start3A_622 : memref<1x!tpu.dma_semaphore, #tpu.memory_space<semaphore_mem>> -> memref<!tpu.dma_semaphore, #tpu.memory_space<semaphore_mem>>
        %dma_start3A_624 = arith.constant 0 : i32
        %dma_start3A_625 = tpu.memref_slice %arg4[%add3A_617, %dma_start3A_624] : memref<2688x120xi32, #tpu.memory_space<hbm>> -> memref<1x120xi32, #tpu.memory_space<hbm>>
        %dma_start3A_626 = tpu.memref_squeeze %dma_start3A_625 : memref<1x120xi32, #tpu.memory_space<hbm>> -> memref<120xi32, #tpu.memory_space<hbm>>
        tpu.enqueue_dma source(%dma_start3A_626 : memref<120xi32, #tpu.memory_space<hbm>>) target(%arg18 : memref<120xi32, #tpu.memory_space<vmem>>) target_semaphore(%dma_start3A_623 : memref<!tpu.dma_semaphore, #tpu.memory_space<semaphore_mem>>)
      } else {
      }
    }
    %scan3A_229 = arith.constant 14 : i32
    %dma_wait3A_230 = arith.constant 0 : i32
    %dma_wait3A_231 = arith.constant 0 : i32
    %dma_wait3A_232 = arith.constant 0 : i32
    %dma_wait3A_233 = tpu.memref_slice %arg22[%dma_wait3A_231, %dma_wait3A_232] : memref<10112x128xf32, #tpu.memory_space<vmem_shared>> -> memref<10112x128xf32, #tpu.memory_space<vmem_shared>>
    %dma_wait3A_234 = tpu.memref_slice %arg25[%dma_wait3A_230] : memref<3x!tpu.dma_semaphore, #tpu.memory_space<semaphore_mem>> -> memref<1x!tpu.dma_semaphore, #tpu.memory_space<semaphore_mem>>
    %dma_wait3A_235 = tpu.memref_squeeze %dma_wait3A_234 : memref<1x!tpu.dma_semaphore, #tpu.memory_space<semaphore_mem>> -> memref<!tpu.dma_semaphore, #tpu.memory_space<semaphore_mem>>
    tpu.wait_indirect_dma semaphore(%dma_wait3A_235 : memref<!tpu.dma_semaphore, #tpu.memory_space<semaphore_mem>>) src(%arg19 : memref<120x128xf32, #tpu.memory_space<vmem>>) dst(%dma_wait3A_233 : memref<10112x128xf32, #tpu.memory_space<vmem_shared>>)
    %dma_wait3A_236 = arith.constant 1 : i32
    %dma_wait3A_237 = arith.constant 0 : i32
    %dma_wait3A_238 = arith.constant 0 : i32
    %dma_wait3A_239 = tpu.memref_slice %arg22[%dma_wait3A_237, %dma_wait3A_238] : memref<10112x128xf32, #tpu.memory_space<vmem_shared>> -> memref<10112x128xf32, #tpu.memory_space<vmem_shared>>
    %dma_wait3A_240 = tpu.memref_slice %arg25[%dma_wait3A_236] : memref<3x!tpu.dma_semaphore, #tpu.memory_space<semaphore_mem>> -> memref<1x!tpu.dma_semaphore, #tpu.memory_space<semaphore_mem>>
    %dma_wait3A_241 = tpu.memref_squeeze %dma_wait3A_240 : memref<1x!tpu.dma_semaphore, #tpu.memory_space<semaphore_mem>> -> memref<!tpu.dma_semaphore, #tpu.memory_space<semaphore_mem>>
    tpu.wait_indirect_dma semaphore(%dma_wait3A_241 : memref<!tpu.dma_semaphore, #tpu.memory_space<semaphore_mem>>) src(%arg20 : memref<120x128xf32, #tpu.memory_space<vmem>>) dst(%dma_wait3A_239 : memref<10112x128xf32, #tpu.memory_space<vmem_shared>>)
    %dma_wait3A_242 = arith.constant 2 : i32
    %dma_wait3A_243 = arith.constant 0 : i32
    %dma_wait3A_244 = arith.constant 0 : i32
    %dma_wait3A_245 = tpu.memref_slice %arg22[%dma_wait3A_243, %dma_wait3A_244] : memref<10112x128xf32, #tpu.memory_space<vmem_shared>> -> memref<10112x128xf32, #tpu.memory_space<vmem_shared>>
    %dma_wait3A_246 = tpu.memref_slice %arg25[%dma_wait3A_242] : memref<3x!tpu.dma_semaphore, #tpu.memory_space<semaphore_mem>> -> memref<1x!tpu.dma_semaphore, #tpu.memory_space<semaphore_mem>>
    %dma_wait3A_247 = tpu.memref_squeeze %dma_wait3A_246 : memref<1x!tpu.dma_semaphore, #tpu.memory_space<semaphore_mem>> -> memref<!tpu.dma_semaphore, #tpu.memory_space<semaphore_mem>>
    tpu.wait_indirect_dma semaphore(%dma_wait3A_247 : memref<!tpu.dma_semaphore, #tpu.memory_space<semaphore_mem>>) src(%arg21 : memref<120x128xf32, #tpu.memory_space<vmem>>) dst(%dma_wait3A_245 : memref<10112x128xf32, #tpu.memory_space<vmem_shared>>)
    %barrier3A_248 = arith.constant 0 : index
    tpu.barrier barrier_id(%barrier3A_248)
    %mul3A_249 = arith.constant 632 : i32
    %mul3A_250 = arith.muli %arg1, %mul3A_249 : i32
    %mul3A_251 = arith.constant 632 : i32
    %mul3A_252 = arith.muli %arg1, %mul3A_251 : i32
    "tpu.region"() ({
      %run_scoped3A = tpu.sem_alloc : memref<!tpu.dma_semaphore, #tpu.memory_space<semaphore_mem>>
      %dma_start3A_253 = arith.constant 0 : i32
      %dma_start3A_254 = tpu.memref_slice %arg6[%arg0, %mul3A_252, %dma_start3A_253] : memref<2x10112x128xf32, #tpu.memory_space<hbm>> -> memref<1x632x128xf32, #tpu.memory_space<hbm>>
      %dma_start3A_255 = tpu.memref_squeeze %dma_start3A_254 : memref<1x632x128xf32, #tpu.memory_space<hbm>> -> memref<632x128xf32, #tpu.memory_space<hbm>>
      %dma_start3A_256 = arith.constant 0 : i32
      %dma_start3A_257 = tpu.memref_slice %arg22[%mul3A_250, %dma_start3A_256] : memref<10112x128xf32, #tpu.memory_space<vmem_shared>> -> memref<632x128xf32, #tpu.memory_space<vmem_shared>>
      tpu.enqueue_dma source(%dma_start3A_257 : memref<632x128xf32, #tpu.memory_space<vmem_shared>>) target(%dma_start3A_255 : memref<632x128xf32, #tpu.memory_space<hbm>>) target_semaphore(%run_scoped3A : memref<!tpu.dma_semaphore, #tpu.memory_space<semaphore_mem>>)
      %dma_wait3A_258 = arith.constant 0 : i32
      %dma_wait3A_259 = tpu.memref_slice %arg6[%arg0, %mul3A_252, %dma_wait3A_258] : memref<2x10112x128xf32, #tpu.memory_space<hbm>> -> memref<1x632x128xf32, #tpu.memory_space<hbm>>
      %dma_wait3A_260 = tpu.memref_squeeze %dma_wait3A_259 : memref<1x632x128xf32, #tpu.memory_space<hbm>> -> memref<632x128xf32, #tpu.memory_space<hbm>>
      %dma_wait3A_261 = arith.constant 0 : i32
      %dma_wait3A_262 = tpu.memref_slice %arg22[%mul3A_250, %dma_wait3A_261] : memref<10112x128xf32, #tpu.memory_space<vmem_shared>> -> memref<632x128xf32, #tpu.memory_space<vmem_shared>>
      tpu.wait_dma2 semaphore(%run_scoped3A : memref<!tpu.dma_semaphore, #tpu.memory_space<semaphore_mem>>) src(%dma_wait3A_262 : memref<632x128xf32, #tpu.memory_space<vmem_shared>>) dst(%dma_wait3A_260 : memref<632x128xf32, #tpu.memory_space<hbm>>)
      tpu.yield
    }) : () -> ()
    return
  }
}

#map = affine_map<(d0, d1) -> (0, 0)>
#map1 = affine_map<(d0, d1) -> (0, 0, 0)>
module attributes {stable_mosaic.version = 14 : i64} {
  func.func @_agg_kernel(%arg0: i32, %arg1: i32, %arg2: memref<10112x128xf32, #tpu.memory_space<hbm>>, %arg3: memref<2688x120xi32, #tpu.memory_space<hbm>>, %arg4: memref<2688x120xi32, #tpu.memory_space<hbm>>, %arg5: memref<632x128xf32, #tpu.memory_space<hbm>>, %arg6: memref<2x10112x128xf32, #tpu.memory_space<hbm>>, %arg7: memref<120xi32, #tpu.memory_space<vmem>>, %arg8: memref<120xi32, #tpu.memory_space<vmem>>, %arg9: memref<120xi32, #tpu.memory_space<vmem>>, %arg10: memref<120xi32, #tpu.memory_space<vmem>>, %arg11: memref<120xi32, #tpu.memory_space<vmem>>, %arg12: memref<120xi32, #tpu.memory_space<vmem>>, %arg13: memref<120xi32, #tpu.memory_space<vmem>>, %arg14: memref<120xi32, #tpu.memory_space<vmem>>, %arg15: memref<120xi32, #tpu.memory_space<vmem>>, %arg16: memref<120xi32, #tpu.memory_space<vmem>>, %arg17: memref<120xi32, #tpu.memory_space<vmem>>, %arg18: memref<120xi32, #tpu.memory_space<vmem>>, %arg19: memref<120x128xf32, #tpu.memory_space<vmem>>, %arg20: memref<120x128xf32, #tpu.memory_space<vmem>>, %arg21: memref<120x128xf32, #tpu.memory_space<vmem>>, %arg22: memref<10112x128xf32, #tpu.memory_space<vmem_shared>>, %arg23: memref<6x!tpu.dma_semaphore, #tpu.memory_space<semaphore_mem>>, %arg24: memref<3x!tpu.dma_semaphore, #tpu.memory_space<semaphore_mem>>, %arg25: memref<3x!tpu.dma_semaphore, #tpu.memory_space<semaphore_mem>>) attributes {dimension_semantics = [#tpu.dimension_semantics<core_parallel>, #tpu.dimension_semantics<subcore_parallel>], iteration_bounds = array<i64: 2, 16>, scalar_prefetch = 0 : i64, scratch_operands = 19 : i64, tpu.core_type = #tpu.core_type<sc_vector_subcore>, window_params = [{transform_indices = #map}, {transform_indices = #map}, {transform_indices = #map}, {transform_indices = #map}, {transform_indices = #map1}]} {
    %eq3A = arith.constant 0 : i32
    %eq3A_0 = arith.cmpi eq, %arg0, %eq3A : i32
    %mul3A = arith.constant 84 : i32
    %mul3A_1 = arith.muli %arg1, %mul3A : i32
    %mul3A_2 = arith.constant 84 : i32
    %mul3A_3 = arith.muli %arg1, %mul3A_2 : i32
    %add3A = arith.constant 1344 : i32
    %add3A_4 = arith.addi %add3A, %mul3A_3 : i32
    %select_n3A = arith.select %eq3A_0, %mul3A_1, %add3A_4 : i32
    %eq3A_5 = arith.constant 0 : i32
    %eq3A_6 = arith.cmpi eq, %arg0, %eq3A_5 : i32
    %jit3A = arith.constant 21 : i32
    %jit3A_7 = arith.constant 21 : i32
    %select_n3A_8 = arith.select %eq3A_6, %jit3A, %jit3A_7 : i32
    %mul3A_9 = arith.constant 632 : i32
    %mul3A_10 = arith.muli %arg1, %mul3A_9 : i32
    "tpu.region"() ({
      %run_scoped3A = tpu.sem_alloc : memref<!tpu.dma_semaphore, #tpu.memory_space<semaphore_mem>>
      %dma_start3A_253 = arith.constant 0 : i32
      %dma_start3A_254 = tpu.memref_slice %arg22[%mul3A_10, %dma_start3A_253] : memref<10112x128xf32, #tpu.memory_space<vmem_shared>> -> memref<632x128xf32, #tpu.memory_space<vmem_shared>>
      tpu.enqueue_dma source(%arg5 : memref<632x128xf32, #tpu.memory_space<hbm>>) target(%dma_start3A_254 : memref<632x128xf32, #tpu.memory_space<vmem_shared>>) target_semaphore(%run_scoped3A : memref<!tpu.dma_semaphore, #tpu.memory_space<semaphore_mem>>)
      %dma_wait3A_255 = arith.constant 0 : i32
      %dma_wait3A_256 = tpu.memref_slice %arg22[%mul3A_10, %dma_wait3A_255] : memref<10112x128xf32, #tpu.memory_space<vmem_shared>> -> memref<632x128xf32, #tpu.memory_space<vmem_shared>>
      tpu.wait_dma2 semaphore(%run_scoped3A : memref<!tpu.dma_semaphore, #tpu.memory_space<semaphore_mem>>) src(%arg5 : memref<632x128xf32, #tpu.memory_space<hbm>>) dst(%dma_wait3A_256 : memref<632x128xf32, #tpu.memory_space<vmem_shared>>)
      tpu.yield
    }) : () -> ()
    %barrier3A = arith.constant 0 : index
    tpu.barrier barrier_id(%barrier3A)
    %add3A_11 = arith.constant 0 : i32
    %add3A_12 = arith.addi %select_n3A, %add3A_11 : i32
    %dma_start3A = arith.constant 0 : i32
    %dma_start3A_13 = arith.constant 0 : i32
    %dma_start3A_14 = tpu.memref_slice %arg3[%add3A_12, %dma_start3A_13] : memref<2688x120xi32, #tpu.memory_space<hbm>> -> memref<1x120xi32, #tpu.memory_space<hbm>>
    %dma_start3A_15 = tpu.memref_squeeze %dma_start3A_14 : memref<1x120xi32, #tpu.memory_space<hbm>> -> memref<120xi32, #tpu.memory_space<hbm>>
    %dma_start3A_16 = tpu.memref_slice %arg23[%dma_start3A] : memref<6x!tpu.dma_semaphore, #tpu.memory_space<semaphore_mem>> -> memref<1x!tpu.dma_semaphore, #tpu.memory_space<semaphore_mem>>
    %dma_start3A_17 = tpu.memref_squeeze %dma_start3A_16 : memref<1x!tpu.dma_semaphore, #tpu.memory_space<semaphore_mem>> -> memref<!tpu.dma_semaphore, #tpu.memory_space<semaphore_mem>>
    %dma_start3A_18 = arith.constant 0 : i32
    %dma_start3A_19 = tpu.memref_slice %arg3[%add3A_12, %dma_start3A_18] : memref<2688x120xi32, #tpu.memory_space<hbm>> -> memref<1x120xi32, #tpu.memory_space<hbm>>
    %dma_start3A_20 = tpu.memref_squeeze %dma_start3A_19 : memref<1x120xi32, #tpu.memory_space<hbm>> -> memref<120xi32, #tpu.memory_space<hbm>>
    tpu.enqueue_dma source(%dma_start3A_20 : memref<120xi32, #tpu.memory_space<hbm>>) target(%arg7 : memref<120xi32, #tpu.memory_space<vmem>>) target_semaphore(%dma_start3A_17 : memref<!tpu.dma_semaphore, #tpu.memory_space<semaphore_mem>>)
    %add3A_21 = arith.constant 0 : i32
    %add3A_22 = arith.addi %select_n3A, %add3A_21 : i32
    %dma_start3A_23 = arith.constant 0 : i32
    %dma_start3A_24 = arith.constant 0 : i32
    %dma_start3A_25 = tpu.memref_slice %arg4[%add3A_22, %dma_start3A_24] : memref<2688x120xi32, #tpu.memory_space<hbm>> -> memref<1x120xi32, #tpu.memory_space<hbm>>
    %dma_start3A_26 = tpu.memref_squeeze %dma_start3A_25 : memref<1x120xi32, #tpu.memory_space<hbm>> -> memref<120xi32, #tpu.memory_space<hbm>>
    %dma_start3A_27 = tpu.memref_slice %arg23[%dma_start3A_23] : memref<6x!tpu.dma_semaphore, #tpu.memory_space<semaphore_mem>> -> memref<1x!tpu.dma_semaphore, #tpu.memory_space<semaphore_mem>>
    %dma_start3A_28 = tpu.memref_squeeze %dma_start3A_27 : memref<1x!tpu.dma_semaphore, #tpu.memory_space<semaphore_mem>> -> memref<!tpu.dma_semaphore, #tpu.memory_space<semaphore_mem>>
    %dma_start3A_29 = arith.constant 0 : i32
    %dma_start3A_30 = tpu.memref_slice %arg4[%add3A_22, %dma_start3A_29] : memref<2688x120xi32, #tpu.memory_space<hbm>> -> memref<1x120xi32, #tpu.memory_space<hbm>>
    %dma_start3A_31 = tpu.memref_squeeze %dma_start3A_30 : memref<1x120xi32, #tpu.memory_space<hbm>> -> memref<120xi32, #tpu.memory_space<hbm>>
    tpu.enqueue_dma source(%dma_start3A_31 : memref<120xi32, #tpu.memory_space<hbm>>) target(%arg13 : memref<120xi32, #tpu.memory_space<vmem>>) target_semaphore(%dma_start3A_28 : memref<!tpu.dma_semaphore, #tpu.memory_space<semaphore_mem>>)
    %add3A_32 = arith.constant 1 : i32
    %add3A_33 = arith.addi %select_n3A, %add3A_32 : i32
    %dma_start3A_34 = arith.constant 1 : i32
    %dma_start3A_35 = arith.constant 0 : i32
    %dma_start3A_36 = tpu.memref_slice %arg3[%add3A_33, %dma_start3A_35] : memref<2688x120xi32, #tpu.memory_space<hbm>> -> memref<1x120xi32, #tpu.memory_space<hbm>>
    %dma_start3A_37 = tpu.memref_squeeze %dma_start3A_36 : memref<1x120xi32, #tpu.memory_space<hbm>> -> memref<120xi32, #tpu.memory_space<hbm>>
    %dma_start3A_38 = tpu.memref_slice %arg23[%dma_start3A_34] : memref<6x!tpu.dma_semaphore, #tpu.memory_space<semaphore_mem>> -> memref<1x!tpu.dma_semaphore, #tpu.memory_space<semaphore_mem>>
    %dma_start3A_39 = tpu.memref_squeeze %dma_start3A_38 : memref<1x!tpu.dma_semaphore, #tpu.memory_space<semaphore_mem>> -> memref<!tpu.dma_semaphore, #tpu.memory_space<semaphore_mem>>
    %dma_start3A_40 = arith.constant 0 : i32
    %dma_start3A_41 = tpu.memref_slice %arg3[%add3A_33, %dma_start3A_40] : memref<2688x120xi32, #tpu.memory_space<hbm>> -> memref<1x120xi32, #tpu.memory_space<hbm>>
    %dma_start3A_42 = tpu.memref_squeeze %dma_start3A_41 : memref<1x120xi32, #tpu.memory_space<hbm>> -> memref<120xi32, #tpu.memory_space<hbm>>
    tpu.enqueue_dma source(%dma_start3A_42 : memref<120xi32, #tpu.memory_space<hbm>>) target(%arg8 : memref<120xi32, #tpu.memory_space<vmem>>) target_semaphore(%dma_start3A_39 : memref<!tpu.dma_semaphore, #tpu.memory_space<semaphore_mem>>)
    %add3A_43 = arith.constant 1 : i32
    %add3A_44 = arith.addi %select_n3A, %add3A_43 : i32
    %dma_start3A_45 = arith.constant 1 : i32
    %dma_start3A_46 = arith.constant 0 : i32
    %dma_start3A_47 = tpu.memref_slice %arg4[%add3A_44, %dma_start3A_46] : memref<2688x120xi32, #tpu.memory_space<hbm>> -> memref<1x120xi32, #tpu.memory_space<hbm>>
    %dma_start3A_48 = tpu.memref_squeeze %dma_start3A_47 : memref<1x120xi32, #tpu.memory_space<hbm>> -> memref<120xi32, #tpu.memory_space<hbm>>
    %dma_start3A_49 = tpu.memref_slice %arg23[%dma_start3A_45] : memref<6x!tpu.dma_semaphore, #tpu.memory_space<semaphore_mem>> -> memref<1x!tpu.dma_semaphore, #tpu.memory_space<semaphore_mem>>
    %dma_start3A_50 = tpu.memref_squeeze %dma_start3A_49 : memref<1x!tpu.dma_semaphore, #tpu.memory_space<semaphore_mem>> -> memref<!tpu.dma_semaphore, #tpu.memory_space<semaphore_mem>>
    %dma_start3A_51 = arith.constant 0 : i32
    %dma_start3A_52 = tpu.memref_slice %arg4[%add3A_44, %dma_start3A_51] : memref<2688x120xi32, #tpu.memory_space<hbm>> -> memref<1x120xi32, #tpu.memory_space<hbm>>
    %dma_start3A_53 = tpu.memref_squeeze %dma_start3A_52 : memref<1x120xi32, #tpu.memory_space<hbm>> -> memref<120xi32, #tpu.memory_space<hbm>>
    tpu.enqueue_dma source(%dma_start3A_53 : memref<120xi32, #tpu.memory_space<hbm>>) target(%arg14 : memref<120xi32, #tpu.memory_space<vmem>>) target_semaphore(%dma_start3A_50 : memref<!tpu.dma_semaphore, #tpu.memory_space<semaphore_mem>>)
    %add3A_54 = arith.constant 2 : i32
    %add3A_55 = arith.addi %select_n3A, %add3A_54 : i32
    %dma_start3A_56 = arith.constant 2 : i32
    %dma_start3A_57 = arith.constant 0 : i32
    %dma_start3A_58 = tpu.memref_slice %arg3[%add3A_55, %dma_start3A_57] : memref<2688x120xi32, #tpu.memory_space<hbm>> -> memref<1x120xi32, #tpu.memory_space<hbm>>
    %dma_start3A_59 = tpu.memref_squeeze %dma_start3A_58 : memref<1x120xi32, #tpu.memory_space<hbm>> -> memref<120xi32, #tpu.memory_space<hbm>>
    %dma_start3A_60 = tpu.memref_slice %arg23[%dma_start3A_56] : memref<6x!tpu.dma_semaphore, #tpu.memory_space<semaphore_mem>> -> memref<1x!tpu.dma_semaphore, #tpu.memory_space<semaphore_mem>>
    %dma_start3A_61 = tpu.memref_squeeze %dma_start3A_60 : memref<1x!tpu.dma_semaphore, #tpu.memory_space<semaphore_mem>> -> memref<!tpu.dma_semaphore, #tpu.memory_space<semaphore_mem>>
    %dma_start3A_62 = arith.constant 0 : i32
    %dma_start3A_63 = tpu.memref_slice %arg3[%add3A_55, %dma_start3A_62] : memref<2688x120xi32, #tpu.memory_space<hbm>> -> memref<1x120xi32, #tpu.memory_space<hbm>>
    %dma_start3A_64 = tpu.memref_squeeze %dma_start3A_63 : memref<1x120xi32, #tpu.memory_space<hbm>> -> memref<120xi32, #tpu.memory_space<hbm>>
    tpu.enqueue_dma source(%dma_start3A_64 : memref<120xi32, #tpu.memory_space<hbm>>) target(%arg9 : memref<120xi32, #tpu.memory_space<vmem>>) target_semaphore(%dma_start3A_61 : memref<!tpu.dma_semaphore, #tpu.memory_space<semaphore_mem>>)
    %add3A_65 = arith.constant 2 : i32
    %add3A_66 = arith.addi %select_n3A, %add3A_65 : i32
    %dma_start3A_67 = arith.constant 2 : i32
    %dma_start3A_68 = arith.constant 0 : i32
    %dma_start3A_69 = tpu.memref_slice %arg4[%add3A_66, %dma_start3A_68] : memref<2688x120xi32, #tpu.memory_space<hbm>> -> memref<1x120xi32, #tpu.memory_space<hbm>>
    %dma_start3A_70 = tpu.memref_squeeze %dma_start3A_69 : memref<1x120xi32, #tpu.memory_space<hbm>> -> memref<120xi32, #tpu.memory_space<hbm>>
    %dma_start3A_71 = tpu.memref_slice %arg23[%dma_start3A_67] : memref<6x!tpu.dma_semaphore, #tpu.memory_space<semaphore_mem>> -> memref<1x!tpu.dma_semaphore, #tpu.memory_space<semaphore_mem>>
    %dma_start3A_72 = tpu.memref_squeeze %dma_start3A_71 : memref<1x!tpu.dma_semaphore, #tpu.memory_space<semaphore_mem>> -> memref<!tpu.dma_semaphore, #tpu.memory_space<semaphore_mem>>
    %dma_start3A_73 = arith.constant 0 : i32
    %dma_start3A_74 = tpu.memref_slice %arg4[%add3A_66, %dma_start3A_73] : memref<2688x120xi32, #tpu.memory_space<hbm>> -> memref<1x120xi32, #tpu.memory_space<hbm>>
    %dma_start3A_75 = tpu.memref_squeeze %dma_start3A_74 : memref<1x120xi32, #tpu.memory_space<hbm>> -> memref<120xi32, #tpu.memory_space<hbm>>
    tpu.enqueue_dma source(%dma_start3A_75 : memref<120xi32, #tpu.memory_space<hbm>>) target(%arg15 : memref<120xi32, #tpu.memory_space<vmem>>) target_semaphore(%dma_start3A_72 : memref<!tpu.dma_semaphore, #tpu.memory_space<semaphore_mem>>)
    %add3A_76 = arith.constant 3 : i32
    %add3A_77 = arith.addi %select_n3A, %add3A_76 : i32
    %dma_start3A_78 = arith.constant 3 : i32
    %dma_start3A_79 = arith.constant 0 : i32
    %dma_start3A_80 = tpu.memref_slice %arg3[%add3A_77, %dma_start3A_79] : memref<2688x120xi32, #tpu.memory_space<hbm>> -> memref<1x120xi32, #tpu.memory_space<hbm>>
    %dma_start3A_81 = tpu.memref_squeeze %dma_start3A_80 : memref<1x120xi32, #tpu.memory_space<hbm>> -> memref<120xi32, #tpu.memory_space<hbm>>
    %dma_start3A_82 = tpu.memref_slice %arg23[%dma_start3A_78] : memref<6x!tpu.dma_semaphore, #tpu.memory_space<semaphore_mem>> -> memref<1x!tpu.dma_semaphore, #tpu.memory_space<semaphore_mem>>
    %dma_start3A_83 = tpu.memref_squeeze %dma_start3A_82 : memref<1x!tpu.dma_semaphore, #tpu.memory_space<semaphore_mem>> -> memref<!tpu.dma_semaphore, #tpu.memory_space<semaphore_mem>>
    %dma_start3A_84 = arith.constant 0 : i32
    %dma_start3A_85 = tpu.memref_slice %arg3[%add3A_77, %dma_start3A_84] : memref<2688x120xi32, #tpu.memory_space<hbm>> -> memref<1x120xi32, #tpu.memory_space<hbm>>
    %dma_start3A_86 = tpu.memref_squeeze %dma_start3A_85 : memref<1x120xi32, #tpu.memory_space<hbm>> -> memref<120xi32, #tpu.memory_space<hbm>>
    tpu.enqueue_dma source(%dma_start3A_86 : memref<120xi32, #tpu.memory_space<hbm>>) target(%arg10 : memref<120xi32, #tpu.memory_space<vmem>>) target_semaphore(%dma_start3A_83 : memref<!tpu.dma_semaphore, #tpu.memory_space<semaphore_mem>>)
    %add3A_87 = arith.constant 3 : i32
    %add3A_88 = arith.addi %select_n3A, %add3A_87 : i32
    %dma_start3A_89 = arith.constant 3 : i32
    %dma_start3A_90 = arith.constant 0 : i32
    %dma_start3A_91 = tpu.memref_slice %arg4[%add3A_88, %dma_start3A_90] : memref<2688x120xi32, #tpu.memory_space<hbm>> -> memref<1x120xi32, #tpu.memory_space<hbm>>
    %dma_start3A_92 = tpu.memref_squeeze %dma_start3A_91 : memref<1x120xi32, #tpu.memory_space<hbm>> -> memref<120xi32, #tpu.memory_space<hbm>>
    %dma_start3A_93 = tpu.memref_slice %arg23[%dma_start3A_89] : memref<6x!tpu.dma_semaphore, #tpu.memory_space<semaphore_mem>> -> memref<1x!tpu.dma_semaphore, #tpu.memory_space<semaphore_mem>>
    %dma_start3A_94 = tpu.memref_squeeze %dma_start3A_93 : memref<1x!tpu.dma_semaphore, #tpu.memory_space<semaphore_mem>> -> memref<!tpu.dma_semaphore, #tpu.memory_space<semaphore_mem>>
    %dma_start3A_95 = arith.constant 0 : i32
    %dma_start3A_96 = tpu.memref_slice %arg4[%add3A_88, %dma_start3A_95] : memref<2688x120xi32, #tpu.memory_space<hbm>> -> memref<1x120xi32, #tpu.memory_space<hbm>>
    %dma_start3A_97 = tpu.memref_squeeze %dma_start3A_96 : memref<1x120xi32, #tpu.memory_space<hbm>> -> memref<120xi32, #tpu.memory_space<hbm>>
    tpu.enqueue_dma source(%dma_start3A_97 : memref<120xi32, #tpu.memory_space<hbm>>) target(%arg16 : memref<120xi32, #tpu.memory_space<vmem>>) target_semaphore(%dma_start3A_94 : memref<!tpu.dma_semaphore, #tpu.memory_space<semaphore_mem>>)
    %add3A_98 = arith.constant 4 : i32
    %add3A_99 = arith.addi %select_n3A, %add3A_98 : i32
    %dma_start3A_100 = arith.constant 4 : i32
    %dma_start3A_101 = arith.constant 0 : i32
    %dma_start3A_102 = tpu.memref_slice %arg3[%add3A_99, %dma_start3A_101] : memref<2688x120xi32, #tpu.memory_space<hbm>> -> memref<1x120xi32, #tpu.memory_space<hbm>>
    %dma_start3A_103 = tpu.memref_squeeze %dma_start3A_102 : memref<1x120xi32, #tpu.memory_space<hbm>> -> memref<120xi32, #tpu.memory_space<hbm>>
    %dma_start3A_104 = tpu.memref_slice %arg23[%dma_start3A_100] : memref<6x!tpu.dma_semaphore, #tpu.memory_space<semaphore_mem>> -> memref<1x!tpu.dma_semaphore, #tpu.memory_space<semaphore_mem>>
    %dma_start3A_105 = tpu.memref_squeeze %dma_start3A_104 : memref<1x!tpu.dma_semaphore, #tpu.memory_space<semaphore_mem>> -> memref<!tpu.dma_semaphore, #tpu.memory_space<semaphore_mem>>
    %dma_start3A_106 = arith.constant 0 : i32
    %dma_start3A_107 = tpu.memref_slice %arg3[%add3A_99, %dma_start3A_106] : memref<2688x120xi32, #tpu.memory_space<hbm>> -> memref<1x120xi32, #tpu.memory_space<hbm>>
    %dma_start3A_108 = tpu.memref_squeeze %dma_start3A_107 : memref<1x120xi32, #tpu.memory_space<hbm>> -> memref<120xi32, #tpu.memory_space<hbm>>
    tpu.enqueue_dma source(%dma_start3A_108 : memref<120xi32, #tpu.memory_space<hbm>>) target(%arg11 : memref<120xi32, #tpu.memory_space<vmem>>) target_semaphore(%dma_start3A_105 : memref<!tpu.dma_semaphore, #tpu.memory_space<semaphore_mem>>)
    %add3A_109 = arith.constant 4 : i32
    %add3A_110 = arith.addi %select_n3A, %add3A_109 : i32
    %dma_start3A_111 = arith.constant 4 : i32
    %dma_start3A_112 = arith.constant 0 : i32
    %dma_start3A_113 = tpu.memref_slice %arg4[%add3A_110, %dma_start3A_112] : memref<2688x120xi32, #tpu.memory_space<hbm>> -> memref<1x120xi32, #tpu.memory_space<hbm>>
    %dma_start3A_114 = tpu.memref_squeeze %dma_start3A_113 : memref<1x120xi32, #tpu.memory_space<hbm>> -> memref<120xi32, #tpu.memory_space<hbm>>
    %dma_start3A_115 = tpu.memref_slice %arg23[%dma_start3A_111] : memref<6x!tpu.dma_semaphore, #tpu.memory_space<semaphore_mem>> -> memref<1x!tpu.dma_semaphore, #tpu.memory_space<semaphore_mem>>
    %dma_start3A_116 = tpu.memref_squeeze %dma_start3A_115 : memref<1x!tpu.dma_semaphore, #tpu.memory_space<semaphore_mem>> -> memref<!tpu.dma_semaphore, #tpu.memory_space<semaphore_mem>>
    %dma_start3A_117 = arith.constant 0 : i32
    %dma_start3A_118 = tpu.memref_slice %arg4[%add3A_110, %dma_start3A_117] : memref<2688x120xi32, #tpu.memory_space<hbm>> -> memref<1x120xi32, #tpu.memory_space<hbm>>
    %dma_start3A_119 = tpu.memref_squeeze %dma_start3A_118 : memref<1x120xi32, #tpu.memory_space<hbm>> -> memref<120xi32, #tpu.memory_space<hbm>>
    tpu.enqueue_dma source(%dma_start3A_119 : memref<120xi32, #tpu.memory_space<hbm>>) target(%arg17 : memref<120xi32, #tpu.memory_space<vmem>>) target_semaphore(%dma_start3A_116 : memref<!tpu.dma_semaphore, #tpu.memory_space<semaphore_mem>>)
    %add3A_120 = arith.constant 5 : i32
    %add3A_121 = arith.addi %select_n3A, %add3A_120 : i32
    %dma_start3A_122 = arith.constant 5 : i32
    %dma_start3A_123 = arith.constant 0 : i32
    %dma_start3A_124 = tpu.memref_slice %arg3[%add3A_121, %dma_start3A_123] : memref<2688x120xi32, #tpu.memory_space<hbm>> -> memref<1x120xi32, #tpu.memory_space<hbm>>
    %dma_start3A_125 = tpu.memref_squeeze %dma_start3A_124 : memref<1x120xi32, #tpu.memory_space<hbm>> -> memref<120xi32, #tpu.memory_space<hbm>>
    %dma_start3A_126 = tpu.memref_slice %arg23[%dma_start3A_122] : memref<6x!tpu.dma_semaphore, #tpu.memory_space<semaphore_mem>> -> memref<1x!tpu.dma_semaphore, #tpu.memory_space<semaphore_mem>>
    %dma_start3A_127 = tpu.memref_squeeze %dma_start3A_126 : memref<1x!tpu.dma_semaphore, #tpu.memory_space<semaphore_mem>> -> memref<!tpu.dma_semaphore, #tpu.memory_space<semaphore_mem>>
    %dma_start3A_128 = arith.constant 0 : i32
    %dma_start3A_129 = tpu.memref_slice %arg3[%add3A_121, %dma_start3A_128] : memref<2688x120xi32, #tpu.memory_space<hbm>> -> memref<1x120xi32, #tpu.memory_space<hbm>>
    %dma_start3A_130 = tpu.memref_squeeze %dma_start3A_129 : memref<1x120xi32, #tpu.memory_space<hbm>> -> memref<120xi32, #tpu.memory_space<hbm>>
    tpu.enqueue_dma source(%dma_start3A_130 : memref<120xi32, #tpu.memory_space<hbm>>) target(%arg12 : memref<120xi32, #tpu.memory_space<vmem>>) target_semaphore(%dma_start3A_127 : memref<!tpu.dma_semaphore, #tpu.memory_space<semaphore_mem>>)
    %add3A_131 = arith.constant 5 : i32
    %add3A_132 = arith.addi %select_n3A, %add3A_131 : i32
    %dma_start3A_133 = arith.constant 5 : i32
    %dma_start3A_134 = arith.constant 0 : i32
    %dma_start3A_135 = tpu.memref_slice %arg4[%add3A_132, %dma_start3A_134] : memref<2688x120xi32, #tpu.memory_space<hbm>> -> memref<1x120xi32, #tpu.memory_space<hbm>>
    %dma_start3A_136 = tpu.memref_squeeze %dma_start3A_135 : memref<1x120xi32, #tpu.memory_space<hbm>> -> memref<120xi32, #tpu.memory_space<hbm>>
    %dma_start3A_137 = tpu.memref_slice %arg23[%dma_start3A_133] : memref<6x!tpu.dma_semaphore, #tpu.memory_space<semaphore_mem>> -> memref<1x!tpu.dma_semaphore, #tpu.memory_space<semaphore_mem>>
    %dma_start3A_138 = tpu.memref_squeeze %dma_start3A_137 : memref<1x!tpu.dma_semaphore, #tpu.memory_space<semaphore_mem>> -> memref<!tpu.dma_semaphore, #tpu.memory_space<semaphore_mem>>
    %dma_start3A_139 = arith.constant 0 : i32
    %dma_start3A_140 = tpu.memref_slice %arg4[%add3A_132, %dma_start3A_139] : memref<2688x120xi32, #tpu.memory_space<hbm>> -> memref<1x120xi32, #tpu.memory_space<hbm>>
    %dma_start3A_141 = tpu.memref_squeeze %dma_start3A_140 : memref<1x120xi32, #tpu.memory_space<hbm>> -> memref<120xi32, #tpu.memory_space<hbm>>
    tpu.enqueue_dma source(%dma_start3A_141 : memref<120xi32, #tpu.memory_space<hbm>>) target(%arg18 : memref<120xi32, #tpu.memory_space<vmem>>) target_semaphore(%dma_start3A_138 : memref<!tpu.dma_semaphore, #tpu.memory_space<semaphore_mem>>)
    %add3A_142 = arith.constant 0 : i32
    %add3A_143 = arith.addi %select_n3A, %add3A_142 : i32
    %dma_wait3A = arith.constant 0 : i32
    %dma_wait3A_144 = arith.constant 0 : i32
    %dma_wait3A_145 = tpu.memref_slice %arg3[%add3A_143, %dma_wait3A_144] : memref<2688x120xi32, #tpu.memory_space<hbm>> -> memref<1x120xi32, #tpu.memory_space<hbm>>
    %dma_wait3A_146 = tpu.memref_squeeze %dma_wait3A_145 : memref<1x120xi32, #tpu.memory_space<hbm>> -> memref<120xi32, #tpu.memory_space<hbm>>
    %dma_wait3A_147 = tpu.memref_slice %arg23[%dma_wait3A] : memref<6x!tpu.dma_semaphore, #tpu.memory_space<semaphore_mem>> -> memref<1x!tpu.dma_semaphore, #tpu.memory_space<semaphore_mem>>
    %dma_wait3A_148 = tpu.memref_squeeze %dma_wait3A_147 : memref<1x!tpu.dma_semaphore, #tpu.memory_space<semaphore_mem>> -> memref<!tpu.dma_semaphore, #tpu.memory_space<semaphore_mem>>
    %dma_wait3A_149 = arith.constant 0 : i32
    %dma_wait3A_150 = tpu.memref_slice %arg3[%add3A_143, %dma_wait3A_149] : memref<2688x120xi32, #tpu.memory_space<hbm>> -> memref<1x120xi32, #tpu.memory_space<hbm>>
    %dma_wait3A_151 = tpu.memref_squeeze %dma_wait3A_150 : memref<1x120xi32, #tpu.memory_space<hbm>> -> memref<120xi32, #tpu.memory_space<hbm>>
    tpu.wait_dma2 semaphore(%dma_wait3A_148 : memref<!tpu.dma_semaphore, #tpu.memory_space<semaphore_mem>>) src(%dma_wait3A_151 : memref<120xi32, #tpu.memory_space<hbm>>) dst(%arg7 : memref<120xi32, #tpu.memory_space<vmem>>)
    %add3A_152 = arith.constant 0 : i32
    %add3A_153 = arith.addi %select_n3A, %add3A_152 : i32
    %dma_wait3A_154 = arith.constant 0 : i32
    %dma_wait3A_155 = arith.constant 0 : i32
    %dma_wait3A_156 = tpu.memref_slice %arg4[%add3A_153, %dma_wait3A_155] : memref<2688x120xi32, #tpu.memory_space<hbm>> -> memref<1x120xi32, #tpu.memory_space<hbm>>
    %dma_wait3A_157 = tpu.memref_squeeze %dma_wait3A_156 : memref<1x120xi32, #tpu.memory_space<hbm>> -> memref<120xi32, #tpu.memory_space<hbm>>
    %dma_wait3A_158 = tpu.memref_slice %arg23[%dma_wait3A_154] : memref<6x!tpu.dma_semaphore, #tpu.memory_space<semaphore_mem>> -> memref<1x!tpu.dma_semaphore, #tpu.memory_space<semaphore_mem>>
    %dma_wait3A_159 = tpu.memref_squeeze %dma_wait3A_158 : memref<1x!tpu.dma_semaphore, #tpu.memory_space<semaphore_mem>> -> memref<!tpu.dma_semaphore, #tpu.memory_space<semaphore_mem>>
    %dma_wait3A_160 = arith.constant 0 : i32
    %dma_wait3A_161 = tpu.memref_slice %arg4[%add3A_153, %dma_wait3A_160] : memref<2688x120xi32, #tpu.memory_space<hbm>> -> memref<1x120xi32, #tpu.memory_space<hbm>>
    %dma_wait3A_162 = tpu.memref_squeeze %dma_wait3A_161 : memref<1x120xi32, #tpu.memory_space<hbm>> -> memref<120xi32, #tpu.memory_space<hbm>>
    tpu.wait_dma2 semaphore(%dma_wait3A_159 : memref<!tpu.dma_semaphore, #tpu.memory_space<semaphore_mem>>) src(%dma_wait3A_162 : memref<120xi32, #tpu.memory_space<hbm>>) dst(%arg13 : memref<120xi32, #tpu.memory_space<vmem>>)
    %dma_start3A_163 = arith.constant 0 : i32
    %dma_start3A_164 = arith.constant 0 : i32
    %dma_start3A_165 = arith.constant 0 : i32
    %dma_start3A_166 = tpu.memref_slice %arg2[%dma_start3A_164, %dma_start3A_165] : memref<10112x128xf32, #tpu.memory_space<hbm>> -> memref<10112x128xf32, #tpu.memory_space<hbm>>
    %dma_start3A_167 = tpu.memref_slice %arg24[%dma_start3A_163] : memref<3x!tpu.dma_semaphore, #tpu.memory_space<semaphore_mem>> -> memref<1x!tpu.dma_semaphore, #tpu.memory_space<semaphore_mem>>
    %dma_start3A_168 = tpu.memref_squeeze %dma_start3A_167 : memref<1x!tpu.dma_semaphore, #tpu.memory_space<semaphore_mem>> -> memref<!tpu.dma_semaphore, #tpu.memory_space<semaphore_mem>>
    tpu.enqueue_indirect_dma source(%dma_start3A_166 : memref<10112x128xf32, #tpu.memory_space<hbm>>) target(%arg19 : memref<120x128xf32, #tpu.memory_space<vmem>>) offsets(%arg13 : memref<120xi32, #tpu.memory_space<vmem>>) semaphore(%dma_start3A_168 : memref<!tpu.dma_semaphore, #tpu.memory_space<semaphore_mem>>)
    %add3A_169 = arith.constant 1 : i32
    %add3A_170 = arith.addi %select_n3A, %add3A_169 : i32
    %dma_wait3A_171 = arith.constant 1 : i32
    %dma_wait3A_172 = arith.constant 0 : i32
    %dma_wait3A_173 = tpu.memref_slice %arg3[%add3A_170, %dma_wait3A_172] : memref<2688x120xi32, #tpu.memory_space<hbm>> -> memref<1x120xi32, #tpu.memory_space<hbm>>
    %dma_wait3A_174 = tpu.memref_squeeze %dma_wait3A_173 : memref<1x120xi32, #tpu.memory_space<hbm>> -> memref<120xi32, #tpu.memory_space<hbm>>
    %dma_wait3A_175 = tpu.memref_slice %arg23[%dma_wait3A_171] : memref<6x!tpu.dma_semaphore, #tpu.memory_space<semaphore_mem>> -> memref<1x!tpu.dma_semaphore, #tpu.memory_space<semaphore_mem>>
    %dma_wait3A_176 = tpu.memref_squeeze %dma_wait3A_175 : memref<1x!tpu.dma_semaphore, #tpu.memory_space<semaphore_mem>> -> memref<!tpu.dma_semaphore, #tpu.memory_space<semaphore_mem>>
    %dma_wait3A_177 = arith.constant 0 : i32
    %dma_wait3A_178 = tpu.memref_slice %arg3[%add3A_170, %dma_wait3A_177] : memref<2688x120xi32, #tpu.memory_space<hbm>> -> memref<1x120xi32, #tpu.memory_space<hbm>>
    %dma_wait3A_179 = tpu.memref_squeeze %dma_wait3A_178 : memref<1x120xi32, #tpu.memory_space<hbm>> -> memref<120xi32, #tpu.memory_space<hbm>>
    tpu.wait_dma2 semaphore(%dma_wait3A_176 : memref<!tpu.dma_semaphore, #tpu.memory_space<semaphore_mem>>) src(%dma_wait3A_179 : memref<120xi32, #tpu.memory_space<hbm>>) dst(%arg8 : memref<120xi32, #tpu.memory_space<vmem>>)
    %add3A_180 = arith.constant 1 : i32
    %add3A_181 = arith.addi %select_n3A, %add3A_180 : i32
    %dma_wait3A_182 = arith.constant 1 : i32
    %dma_wait3A_183 = arith.constant 0 : i32
    %dma_wait3A_184 = tpu.memref_slice %arg4[%add3A_181, %dma_wait3A_183] : memref<2688x120xi32, #tpu.memory_space<hbm>> -> memref<1x120xi32, #tpu.memory_space<hbm>>
    %dma_wait3A_185 = tpu.memref_squeeze %dma_wait3A_184 : memref<1x120xi32, #tpu.memory_space<hbm>> -> memref<120xi32, #tpu.memory_space<hbm>>
    %dma_wait3A_186 = tpu.memref_slice %arg23[%dma_wait3A_182] : memref<6x!tpu.dma_semaphore, #tpu.memory_space<semaphore_mem>> -> memref<1x!tpu.dma_semaphore, #tpu.memory_space<semaphore_mem>>
    %dma_wait3A_187 = tpu.memref_squeeze %dma_wait3A_186 : memref<1x!tpu.dma_semaphore, #tpu.memory_space<semaphore_mem>> -> memref<!tpu.dma_semaphore, #tpu.memory_space<semaphore_mem>>
    %dma_wait3A_188 = arith.constant 0 : i32
    %dma_wait3A_189 = tpu.memref_slice %arg4[%add3A_181, %dma_wait3A_188] : memref<2688x120xi32, #tpu.memory_space<hbm>> -> memref<1x120xi32, #tpu.memory_space<hbm>>
    %dma_wait3A_190 = tpu.memref_squeeze %dma_wait3A_189 : memref<1x120xi32, #tpu.memory_space<hbm>> -> memref<120xi32, #tpu.memory_space<hbm>>
    tpu.wait_dma2 semaphore(%dma_wait3A_187 : memref<!tpu.dma_semaphore, #tpu.memory_space<semaphore_mem>>) src(%dma_wait3A_190 : memref<120xi32, #tpu.memory_space<hbm>>) dst(%arg14 : memref<120xi32, #tpu.memory_space<vmem>>)
    %dma_start3A_191 = arith.constant 1 : i32
    %dma_start3A_192 = arith.constant 0 : i32
    %dma_start3A_193 = arith.constant 0 : i32
    %dma_start3A_194 = tpu.memref_slice %arg2[%dma_start3A_192, %dma_start3A_193] : memref<10112x128xf32, #tpu.memory_space<hbm>> -> memref<10112x128xf32, #tpu.memory_space<hbm>>
    %dma_start3A_195 = tpu.memref_slice %arg24[%dma_start3A_191] : memref<3x!tpu.dma_semaphore, #tpu.memory_space<semaphore_mem>> -> memref<1x!tpu.dma_semaphore, #tpu.memory_space<semaphore_mem>>
    %dma_start3A_196 = tpu.memref_squeeze %dma_start3A_195 : memref<1x!tpu.dma_semaphore, #tpu.memory_space<semaphore_mem>> -> memref<!tpu.dma_semaphore, #tpu.memory_space<semaphore_mem>>
    tpu.enqueue_indirect_dma source(%dma_start3A_194 : memref<10112x128xf32, #tpu.memory_space<hbm>>) target(%arg20 : memref<120x128xf32, #tpu.memory_space<vmem>>) offsets(%arg14 : memref<120xi32, #tpu.memory_space<vmem>>) semaphore(%dma_start3A_196 : memref<!tpu.dma_semaphore, #tpu.memory_space<semaphore_mem>>)
    %add3A_197 = arith.constant 2 : i32
    %add3A_198 = arith.addi %select_n3A, %add3A_197 : i32
    %dma_wait3A_199 = arith.constant 2 : i32
    %dma_wait3A_200 = arith.constant 0 : i32
    %dma_wait3A_201 = tpu.memref_slice %arg3[%add3A_198, %dma_wait3A_200] : memref<2688x120xi32, #tpu.memory_space<hbm>> -> memref<1x120xi32, #tpu.memory_space<hbm>>
    %dma_wait3A_202 = tpu.memref_squeeze %dma_wait3A_201 : memref<1x120xi32, #tpu.memory_space<hbm>> -> memref<120xi32, #tpu.memory_space<hbm>>
    %dma_wait3A_203 = tpu.memref_slice %arg23[%dma_wait3A_199] : memref<6x!tpu.dma_semaphore, #tpu.memory_space<semaphore_mem>> -> memref<1x!tpu.dma_semaphore, #tpu.memory_space<semaphore_mem>>
    %dma_wait3A_204 = tpu.memref_squeeze %dma_wait3A_203 : memref<1x!tpu.dma_semaphore, #tpu.memory_space<semaphore_mem>> -> memref<!tpu.dma_semaphore, #tpu.memory_space<semaphore_mem>>
    %dma_wait3A_205 = arith.constant 0 : i32
    %dma_wait3A_206 = tpu.memref_slice %arg3[%add3A_198, %dma_wait3A_205] : memref<2688x120xi32, #tpu.memory_space<hbm>> -> memref<1x120xi32, #tpu.memory_space<hbm>>
    %dma_wait3A_207 = tpu.memref_squeeze %dma_wait3A_206 : memref<1x120xi32, #tpu.memory_space<hbm>> -> memref<120xi32, #tpu.memory_space<hbm>>
    tpu.wait_dma2 semaphore(%dma_wait3A_204 : memref<!tpu.dma_semaphore, #tpu.memory_space<semaphore_mem>>) src(%dma_wait3A_207 : memref<120xi32, #tpu.memory_space<hbm>>) dst(%arg9 : memref<120xi32, #tpu.memory_space<vmem>>)
    %add3A_208 = arith.constant 2 : i32
    %add3A_209 = arith.addi %select_n3A, %add3A_208 : i32
    %dma_wait3A_210 = arith.constant 2 : i32
    %dma_wait3A_211 = arith.constant 0 : i32
    %dma_wait3A_212 = tpu.memref_slice %arg4[%add3A_209, %dma_wait3A_211] : memref<2688x120xi32, #tpu.memory_space<hbm>> -> memref<1x120xi32, #tpu.memory_space<hbm>>
    %dma_wait3A_213 = tpu.memref_squeeze %dma_wait3A_212 : memref<1x120xi32, #tpu.memory_space<hbm>> -> memref<120xi32, #tpu.memory_space<hbm>>
    %dma_wait3A_214 = tpu.memref_slice %arg23[%dma_wait3A_210] : memref<6x!tpu.dma_semaphore, #tpu.memory_space<semaphore_mem>> -> memref<1x!tpu.dma_semaphore, #tpu.memory_space<semaphore_mem>>
    %dma_wait3A_215 = tpu.memref_squeeze %dma_wait3A_214 : memref<1x!tpu.dma_semaphore, #tpu.memory_space<semaphore_mem>> -> memref<!tpu.dma_semaphore, #tpu.memory_space<semaphore_mem>>
    %dma_wait3A_216 = arith.constant 0 : i32
    %dma_wait3A_217 = tpu.memref_slice %arg4[%add3A_209, %dma_wait3A_216] : memref<2688x120xi32, #tpu.memory_space<hbm>> -> memref<1x120xi32, #tpu.memory_space<hbm>>
    %dma_wait3A_218 = tpu.memref_squeeze %dma_wait3A_217 : memref<1x120xi32, #tpu.memory_space<hbm>> -> memref<120xi32, #tpu.memory_space<hbm>>
    tpu.wait_dma2 semaphore(%dma_wait3A_215 : memref<!tpu.dma_semaphore, #tpu.memory_space<semaphore_mem>>) src(%dma_wait3A_218 : memref<120xi32, #tpu.memory_space<hbm>>) dst(%arg15 : memref<120xi32, #tpu.memory_space<vmem>>)
    %dma_start3A_219 = arith.constant 2 : i32
    %dma_start3A_220 = arith.constant 0 : i32
    %dma_start3A_221 = arith.constant 0 : i32
    %dma_start3A_222 = tpu.memref_slice %arg2[%dma_start3A_220, %dma_start3A_221] : memref<10112x128xf32, #tpu.memory_space<hbm>> -> memref<10112x128xf32, #tpu.memory_space<hbm>>
    %dma_start3A_223 = tpu.memref_slice %arg24[%dma_start3A_219] : memref<3x!tpu.dma_semaphore, #tpu.memory_space<semaphore_mem>> -> memref<1x!tpu.dma_semaphore, #tpu.memory_space<semaphore_mem>>
    %dma_start3A_224 = tpu.memref_squeeze %dma_start3A_223 : memref<1x!tpu.dma_semaphore, #tpu.memory_space<semaphore_mem>> -> memref<!tpu.dma_semaphore, #tpu.memory_space<semaphore_mem>>
    tpu.enqueue_indirect_dma source(%dma_start3A_222 : memref<10112x128xf32, #tpu.memory_space<hbm>>) target(%arg21 : memref<120x128xf32, #tpu.memory_space<vmem>>) offsets(%arg15 : memref<120xi32, #tpu.memory_space<vmem>>) semaphore(%dma_start3A_224 : memref<!tpu.dma_semaphore, #tpu.memory_space<semaphore_mem>>)
    %scan3A = arith.constant 0 : i32
    %scan3A_225 = arith.constant 0 : i32
    %scan3A_226 = arith.constant 14 : i32
    %scan3A_227 = arith.addi %scan3A_225, %scan3A_226 : i32
    %scan3A_228 = arith.constant 1 : i32
    scf.for %scan3A_253 = %scan3A_225 to %scan3A_227 step %scan3A_228  : i32 {
      %mul3A_254 = arith.constant 6 : i32
      %mul3A_255 = arith.muli %mul3A_254, %scan3A_253 : i32
      %lt3A = arith.constant 13 : i32
      %lt3A_256 = arith.cmpi slt, %scan3A_253, %lt3A : i32
      %dma_wait3A_257 = arith.constant 0 : i32
      %dma_wait3A_258 = arith.constant 0 : i32
      %dma_wait3A_259 = arith.constant 0 : i32
      %dma_wait3A_260 = tpu.memref_slice %arg2[%dma_wait3A_258, %dma_wait3A_259] : memref<10112x128xf32, #tpu.memory_space<hbm>> -> memref<10112x128xf32, #tpu.memory_space<hbm>>
      %dma_wait3A_261 = tpu.memref_slice %arg24[%dma_wait3A_257] : memref<3x!tpu.dma_semaphore, #tpu.memory_space<semaphore_mem>> -> memref<1x!tpu.dma_semaphore, #tpu.memory_space<semaphore_mem>>
      %dma_wait3A_262 = tpu.memref_squeeze %dma_wait3A_261 : memref<1x!tpu.dma_semaphore, #tpu.memory_space<semaphore_mem>> -> memref<!tpu.dma_semaphore, #tpu.memory_space<semaphore_mem>>
      tpu.wait_indirect_dma semaphore(%dma_wait3A_262 : memref<!tpu.dma_semaphore, #tpu.memory_space<semaphore_mem>>) src(%dma_wait3A_260 : memref<10112x128xf32, #tpu.memory_space<hbm>>) dst(%arg19 : memref<120x128xf32, #tpu.memory_space<vmem>>)
      %dma_start3A_263 = arith.constant 0 : i32
      %dma_start3A_264 = arith.constant 0 : i32
      %dma_start3A_265 = arith.constant 0 : i32
      %dma_start3A_266 = tpu.memref_slice %arg22[%dma_start3A_264, %dma_start3A_265] : memref<10112x128xf32, #tpu.memory_space<vmem_shared>> -> memref<10112x128xf32, #tpu.memory_space<vmem_shared>>
      %dma_start3A_267 = tpu.memref_slice %arg25[%dma_start3A_263] : memref<3x!tpu.dma_semaphore, #tpu.memory_space<semaphore_mem>> -> memref<1x!tpu.dma_semaphore, #tpu.memory_space<semaphore_mem>>
      %dma_start3A_268 = tpu.memref_squeeze %dma_start3A_267 : memref<1x!tpu.dma_semaphore, #tpu.memory_space<semaphore_mem>> -> memref<!tpu.dma_semaphore, #tpu.memory_space<semaphore_mem>>
      tpu.enqueue_indirect_dma source(%arg19 : memref<120x128xf32, #tpu.memory_space<vmem>>) target(%dma_start3A_266 : memref<10112x128xf32, #tpu.memory_space<vmem_shared>>) offsets(%arg7 : memref<120xi32, #tpu.memory_space<vmem>>) semaphore(%dma_start3A_268 : memref<!tpu.dma_semaphore, #tpu.memory_space<semaphore_mem>>) {add = true}
      %dma_wait3A_269 = arith.constant 1 : i32
      %dma_wait3A_270 = arith.constant 0 : i32
      %dma_wait3A_271 = arith.constant 0 : i32
      %dma_wait3A_272 = tpu.memref_slice %arg2[%dma_wait3A_270, %dma_wait3A_271] : memref<10112x128xf32, #tpu.memory_space<hbm>> -> memref<10112x128xf32, #tpu.memory_space<hbm>>
      %dma_wait3A_273 = tpu.memref_slice %arg24[%dma_wait3A_269] : memref<3x!tpu.dma_semaphore, #tpu.memory_space<semaphore_mem>> -> memref<1x!tpu.dma_semaphore, #tpu.memory_space<semaphore_mem>>
      %dma_wait3A_274 = tpu.memref_squeeze %dma_wait3A_273 : memref<1x!tpu.dma_semaphore, #tpu.memory_space<semaphore_mem>> -> memref<!tpu.dma_semaphore, #tpu.memory_space<semaphore_mem>>
      tpu.wait_indirect_dma semaphore(%dma_wait3A_274 : memref<!tpu.dma_semaphore, #tpu.memory_space<semaphore_mem>>) src(%dma_wait3A_272 : memref<10112x128xf32, #tpu.memory_space<hbm>>) dst(%arg20 : memref<120x128xf32, #tpu.memory_space<vmem>>)
      %dma_start3A_275 = arith.constant 1 : i32
      %dma_start3A_276 = arith.constant 0 : i32
      %dma_start3A_277 = arith.constant 0 : i32
      %dma_start3A_278 = tpu.memref_slice %arg22[%dma_start3A_276, %dma_start3A_277] : memref<10112x128xf32, #tpu.memory_space<vmem_shared>> -> memref<10112x128xf32, #tpu.memory_space<vmem_shared>>
      %dma_start3A_279 = tpu.memref_slice %arg25[%dma_start3A_275] : memref<3x!tpu.dma_semaphore, #tpu.memory_space<semaphore_mem>> -> memref<1x!tpu.dma_semaphore, #tpu.memory_space<semaphore_mem>>
      %dma_start3A_280 = tpu.memref_squeeze %dma_start3A_279 : memref<1x!tpu.dma_semaphore, #tpu.memory_space<semaphore_mem>> -> memref<!tpu.dma_semaphore, #tpu.memory_space<semaphore_mem>>
      tpu.enqueue_indirect_dma source(%arg20 : memref<120x128xf32, #tpu.memory_space<vmem>>) target(%dma_start3A_278 : memref<10112x128xf32, #tpu.memory_space<vmem_shared>>) offsets(%arg8 : memref<120xi32, #tpu.memory_space<vmem>>) semaphore(%dma_start3A_280 : memref<!tpu.dma_semaphore, #tpu.memory_space<semaphore_mem>>) {add = true}
      %dma_wait3A_281 = arith.constant 2 : i32
      %dma_wait3A_282 = arith.constant 0 : i32
      %dma_wait3A_283 = arith.constant 0 : i32
      %dma_wait3A_284 = tpu.memref_slice %arg2[%dma_wait3A_282, %dma_wait3A_283] : memref<10112x128xf32, #tpu.memory_space<hbm>> -> memref<10112x128xf32, #tpu.memory_space<hbm>>
      %dma_wait3A_285 = tpu.memref_slice %arg24[%dma_wait3A_281] : memref<3x!tpu.dma_semaphore, #tpu.memory_space<semaphore_mem>> -> memref<1x!tpu.dma_semaphore, #tpu.memory_space<semaphore_mem>>
      %dma_wait3A_286 = tpu.memref_squeeze %dma_wait3A_285 : memref<1x!tpu.dma_semaphore, #tpu.memory_space<semaphore_mem>> -> memref<!tpu.dma_semaphore, #tpu.memory_space<semaphore_mem>>
      tpu.wait_indirect_dma semaphore(%dma_wait3A_286 : memref<!tpu.dma_semaphore, #tpu.memory_space<semaphore_mem>>) src(%dma_wait3A_284 : memref<10112x128xf32, #tpu.memory_space<hbm>>) dst(%arg21 : memref<120x128xf32, #tpu.memory_space<vmem>>)
      %dma_start3A_287 = arith.constant 2 : i32
      %dma_start3A_288 = arith.constant 0 : i32
      %dma_start3A_289 = arith.constant 0 : i32
      %dma_start3A_290 = tpu.memref_slice %arg22[%dma_start3A_288, %dma_start3A_289] : memref<10112x128xf32, #tpu.memory_space<vmem_shared>> -> memref<10112x128xf32, #tpu.memory_space<vmem_shared>>
      %dma_start3A_291 = tpu.memref_slice %arg25[%dma_start3A_287] : memref<3x!tpu.dma_semaphore, #tpu.memory_space<semaphore_mem>> -> memref<1x!tpu.dma_semaphore, #tpu.memory_space<semaphore_mem>>
      %dma_start3A_292 = tpu.memref_squeeze %dma_start3A_291 : memref<1x!tpu.dma_semaphore, #tpu.memory_space<semaphore_mem>> -> memref<!tpu.dma_semaphore, #tpu.memory_space<semaphore_mem>>
      tpu.enqueue_indirect_dma source(%arg21 : memref<120x128xf32, #tpu.memory_space<vmem>>) target(%dma_start3A_290 : memref<10112x128xf32, #tpu.memory_space<vmem_shared>>) offsets(%arg9 : memref<120xi32, #tpu.memory_space<vmem>>) semaphore(%dma_start3A_292 : memref<!tpu.dma_semaphore, #tpu.memory_space<semaphore_mem>>) {add = true}
      %dma_wait3A_293 = arith.constant 0 : i32
      %dma_wait3A_294 = arith.constant 0 : i32
      %dma_wait3A_295 = arith.constant 0 : i32
      %dma_wait3A_296 = tpu.memref_slice %arg22[%dma_wait3A_294, %dma_wait3A_295] : memref<10112x128xf32, #tpu.memory_space<vmem_shared>> -> memref<10112x128xf32, #tpu.memory_space<vmem_shared>>
      %dma_wait3A_297 = tpu.memref_slice %arg25[%dma_wait3A_293] : memref<3x!tpu.dma_semaphore, #tpu.memory_space<semaphore_mem>> -> memref<1x!tpu.dma_semaphore, #tpu.memory_space<semaphore_mem>>
      %dma_wait3A_298 = tpu.memref_squeeze %dma_wait3A_297 : memref<1x!tpu.dma_semaphore, #tpu.memory_space<semaphore_mem>> -> memref<!tpu.dma_semaphore, #tpu.memory_space<semaphore_mem>>
      tpu.wait_indirect_dma semaphore(%dma_wait3A_298 : memref<!tpu.dma_semaphore, #tpu.memory_space<semaphore_mem>>) src(%arg19 : memref<120x128xf32, #tpu.memory_space<vmem>>) dst(%dma_wait3A_296 : memref<10112x128xf32, #tpu.memory_space<vmem_shared>>)
      %add3A_299 = arith.constant 3 : i32
      %add3A_300 = arith.addi %mul3A_255, %add3A_299 : i32
      %add3A_301 = arith.constant 0 : i32
      %add3A_302 = arith.addi %add3A_300, %add3A_301 : i32
      %add3A_303 = arith.addi %select_n3A, %add3A_302 : i32
      %dma_wait3A_304 = arith.constant 3 : i32
      %dma_wait3A_305 = arith.constant 0 : i32
      %dma_wait3A_306 = tpu.memref_slice %arg3[%add3A_303, %dma_wait3A_305] : memref<2688x120xi32, #tpu.memory_space<hbm>> -> memref<1x120xi32, #tpu.memory_space<hbm>>
      %dma_wait3A_307 = tpu.memref_squeeze %dma_wait3A_306 : memref<1x120xi32, #tpu.memory_space<hbm>> -> memref<120xi32, #tpu.memory_space<hbm>>
      %dma_wait3A_308 = tpu.memref_slice %arg23[%dma_wait3A_304] : memref<6x!tpu.dma_semaphore, #tpu.memory_space<semaphore_mem>> -> memref<1x!tpu.dma_semaphore, #tpu.memory_space<semaphore_mem>>
      %dma_wait3A_309 = tpu.memref_squeeze %dma_wait3A_308 : memref<1x!tpu.dma_semaphore, #tpu.memory_space<semaphore_mem>> -> memref<!tpu.dma_semaphore, #tpu.memory_space<semaphore_mem>>
      %dma_wait3A_310 = arith.constant 0 : i32
      %dma_wait3A_311 = tpu.memref_slice %arg3[%add3A_303, %dma_wait3A_310] : memref<2688x120xi32, #tpu.memory_space<hbm>> -> memref<1x120xi32, #tpu.memory_space<hbm>>
      %dma_wait3A_312 = tpu.memref_squeeze %dma_wait3A_311 : memref<1x120xi32, #tpu.memory_space<hbm>> -> memref<120xi32, #tpu.memory_space<hbm>>
      tpu.wait_dma2 semaphore(%dma_wait3A_309 : memref<!tpu.dma_semaphore, #tpu.memory_space<semaphore_mem>>) src(%dma_wait3A_312 : memref<120xi32, #tpu.memory_space<hbm>>) dst(%arg10 : memref<120xi32, #tpu.memory_space<vmem>>)
      %add3A_313 = arith.addi %select_n3A, %add3A_302 : i32
      %dma_wait3A_314 = arith.constant 3 : i32
      %dma_wait3A_315 = arith.constant 0 : i32
      %dma_wait3A_316 = tpu.memref_slice %arg4[%add3A_313, %dma_wait3A_315] : memref<2688x120xi32, #tpu.memory_space<hbm>> -> memref<1x120xi32, #tpu.memory_space<hbm>>
      %dma_wait3A_317 = tpu.memref_squeeze %dma_wait3A_316 : memref<1x120xi32, #tpu.memory_space<hbm>> -> memref<120xi32, #tpu.memory_space<hbm>>
      %dma_wait3A_318 = tpu.memref_slice %arg23[%dma_wait3A_314] : memref<6x!tpu.dma_semaphore, #tpu.memory_space<semaphore_mem>> -> memref<1x!tpu.dma_semaphore, #tpu.memory_space<semaphore_mem>>
      %dma_wait3A_319 = tpu.memref_squeeze %dma_wait3A_318 : memref<1x!tpu.dma_semaphore, #tpu.memory_space<semaphore_mem>> -> memref<!tpu.dma_semaphore, #tpu.memory_space<semaphore_mem>>
      %dma_wait3A_320 = arith.constant 0 : i32
      %dma_wait3A_321 = tpu.memref_slice %arg4[%add3A_313, %dma_wait3A_320] : memref<2688x120xi32, #tpu.memory_space<hbm>> -> memref<1x120xi32, #tpu.memory_space<hbm>>
      %dma_wait3A_322 = tpu.memref_squeeze %dma_wait3A_321 : memref<1x120xi32, #tpu.memory_space<hbm>> -> memref<120xi32, #tpu.memory_space<hbm>>
      tpu.wait_dma2 semaphore(%dma_wait3A_319 : memref<!tpu.dma_semaphore, #tpu.memory_space<semaphore_mem>>) src(%dma_wait3A_322 : memref<120xi32, #tpu.memory_space<hbm>>) dst(%arg16 : memref<120xi32, #tpu.memory_space<vmem>>)
      %dma_start3A_323 = arith.constant 0 : i32
      %dma_start3A_324 = arith.constant 0 : i32
      %dma_start3A_325 = arith.constant 0 : i32
      %dma_start3A_326 = tpu.memref_slice %arg2[%dma_start3A_324, %dma_start3A_325] : memref<10112x128xf32, #tpu.memory_space<hbm>> -> memref<10112x128xf32, #tpu.memory_space<hbm>>
      %dma_start3A_327 = tpu.memref_slice %arg24[%dma_start3A_323] : memref<3x!tpu.dma_semaphore, #tpu.memory_space<semaphore_mem>> -> memref<1x!tpu.dma_semaphore, #tpu.memory_space<semaphore_mem>>
      %dma_start3A_328 = tpu.memref_squeeze %dma_start3A_327 : memref<1x!tpu.dma_semaphore, #tpu.memory_space<semaphore_mem>> -> memref<!tpu.dma_semaphore, #tpu.memory_space<semaphore_mem>>
      tpu.enqueue_indirect_dma source(%dma_start3A_326 : memref<10112x128xf32, #tpu.memory_space<hbm>>) target(%arg19 : memref<120x128xf32, #tpu.memory_space<vmem>>) offsets(%arg16 : memref<120xi32, #tpu.memory_space<vmem>>) semaphore(%dma_start3A_328 : memref<!tpu.dma_semaphore, #tpu.memory_space<semaphore_mem>>)
      %convert_element_type3A = arith.extui %lt3A_256 : i1 to i32
      %cond3A = arith.constant 0 : i32
      %cond3A_329 = arith.cmpi ne, %convert_element_type3A, %cond3A : i32
      scf.if %cond3A_329 {
        %add3A_447 = arith.constant 6 : i32
        %add3A_448 = arith.addi %mul3A_255, %add3A_447 : i32
        %add3A_449 = arith.constant 0 : i32
        %add3A_450 = arith.addi %add3A_448, %add3A_449 : i32
        %add3A_451 = arith.addi %select_n3A, %add3A_450 : i32
        %dma_start3A_452 = arith.constant 0 : i32
        %dma_start3A_453 = arith.constant 0 : i32
        %dma_start3A_454 = tpu.memref_slice %arg3[%add3A_451, %dma_start3A_453] : memref<2688x120xi32, #tpu.memory_space<hbm>> -> memref<1x120xi32, #tpu.memory_space<hbm>>
        %dma_start3A_455 = tpu.memref_squeeze %dma_start3A_454 : memref<1x120xi32, #tpu.memory_space<hbm>> -> memref<120xi32, #tpu.memory_space<hbm>>
        %dma_start3A_456 = tpu.memref_slice %arg23[%dma_start3A_452] : memref<6x!tpu.dma_semaphore, #tpu.memory_space<semaphore_mem>> -> memref<1x!tpu.dma_semaphore, #tpu.memory_space<semaphore_mem>>
        %dma_start3A_457 = tpu.memref_squeeze %dma_start3A_456 : memref<1x!tpu.dma_semaphore, #tpu.memory_space<semaphore_mem>> -> memref<!tpu.dma_semaphore, #tpu.memory_space<semaphore_mem>>
        %dma_start3A_458 = arith.constant 0 : i32
        %dma_start3A_459 = tpu.memref_slice %arg3[%add3A_451, %dma_start3A_458] : memref<2688x120xi32, #tpu.memory_space<hbm>> -> memref<1x120xi32, #tpu.memory_space<hbm>>
        %dma_start3A_460 = tpu.memref_squeeze %dma_start3A_459 : memref<1x120xi32, #tpu.memory_space<hbm>> -> memref<120xi32, #tpu.memory_space<hbm>>
        tpu.enqueue_dma source(%dma_start3A_460 : memref<120xi32, #tpu.memory_space<hbm>>) target(%arg7 : memref<120xi32, #tpu.memory_space<vmem>>) target_semaphore(%dma_start3A_457 : memref<!tpu.dma_semaphore, #tpu.memory_space<semaphore_mem>>)
        %add3A_461 = arith.addi %select_n3A, %add3A_450 : i32
        %dma_start3A_462 = arith.constant 0 : i32
        %dma_start3A_463 = arith.constant 0 : i32
        %dma_start3A_464 = tpu.memref_slice %arg4[%add3A_461, %dma_start3A_463] : memref<2688x120xi32, #tpu.memory_space<hbm>> -> memref<1x120xi32, #tpu.memory_space<hbm>>
        %dma_start3A_465 = tpu.memref_squeeze %dma_start3A_464 : memref<1x120xi32, #tpu.memory_space<hbm>> -> memref<120xi32, #tpu.memory_space<hbm>>
        %dma_start3A_466 = tpu.memref_slice %arg23[%dma_start3A_462] : memref<6x!tpu.dma_semaphore, #tpu.memory_space<semaphore_mem>> -> memref<1x!tpu.dma_semaphore, #tpu.memory_space<semaphore_mem>>
        %dma_start3A_467 = tpu.memref_squeeze %dma_start3A_466 : memref<1x!tpu.dma_semaphore, #tpu.memory_space<semaphore_mem>> -> memref<!tpu.dma_semaphore, #tpu.memory_space<semaphore_mem>>
        %dma_start3A_468 = arith.constant 0 : i32
        %dma_start3A_469 = tpu.memref_slice %arg4[%add3A_461, %dma_start3A_468] : memref<2688x120xi32, #tpu.memory_space<hbm>> -> memref<1x120xi32, #tpu.memory_space<hbm>>
        %dma_start3A_470 = tpu.memref_squeeze %dma_start3A_469 : memref<1x120xi32, #tpu.memory_space<hbm>> -> memref<120xi32, #tpu.memory_space<hbm>>
        tpu.enqueue_dma source(%dma_start3A_470 : memref<120xi32, #tpu.memory_space<hbm>>) target(%arg13 : memref<120xi32, #tpu.memory_space<vmem>>) target_semaphore(%dma_start3A_467 : memref<!tpu.dma_semaphore, #tpu.memory_space<semaphore_mem>>)
      } else {
      }
      %dma_wait3A_330 = arith.constant 1 : i32
      %dma_wait3A_331 = arith.constant 0 : i32
      %dma_wait3A_332 = arith.constant 0 : i32
      %dma_wait3A_333 = tpu.memref_slice %arg22[%dma_wait3A_331, %dma_wait3A_332] : memref<10112x128xf32, #tpu.memory_space<vmem_shared>> -> memref<10112x128xf32, #tpu.memory_space<vmem_shared>>
      %dma_wait3A_334 = tpu.memref_slice %arg25[%dma_wait3A_330] : memref<3x!tpu.dma_semaphore, #tpu.memory_space<semaphore_mem>> -> memref<1x!tpu.dma_semaphore, #tpu.memory_space<semaphore_mem>>
      %dma_wait3A_335 = tpu.memref_squeeze %dma_wait3A_334 : memref<1x!tpu.dma_semaphore, #tpu.memory_space<semaphore_mem>> -> memref<!tpu.dma_semaphore, #tpu.memory_space<semaphore_mem>>
      tpu.wait_indirect_dma semaphore(%dma_wait3A_335 : memref<!tpu.dma_semaphore, #tpu.memory_space<semaphore_mem>>) src(%arg20 : memref<120x128xf32, #tpu.memory_space<vmem>>) dst(%dma_wait3A_333 : memref<10112x128xf32, #tpu.memory_space<vmem_shared>>)
      %add3A_336 = arith.constant 3 : i32
      %add3A_337 = arith.addi %mul3A_255, %add3A_336 : i32
      %add3A_338 = arith.constant 1 : i32
      %add3A_339 = arith.addi %add3A_337, %add3A_338 : i32
      %add3A_340 = arith.addi %select_n3A, %add3A_339 : i32
      %dma_wait3A_341 = arith.constant 4 : i32
      %dma_wait3A_342 = arith.constant 0 : i32
      %dma_wait3A_343 = tpu.memref_slice %arg3[%add3A_340, %dma_wait3A_342] : memref<2688x120xi32, #tpu.memory_space<hbm>> -> memref<1x120xi32, #tpu.memory_space<hbm>>
      %dma_wait3A_344 = tpu.memref_squeeze %dma_wait3A_343 : memref<1x120xi32, #tpu.memory_space<hbm>> -> memref<120xi32, #tpu.memory_space<hbm>>
      %dma_wait3A_345 = tpu.memref_slice %arg23[%dma_wait3A_341] : memref<6x!tpu.dma_semaphore, #tpu.memory_space<semaphore_mem>> -> memref<1x!tpu.dma_semaphore, #tpu.memory_space<semaphore_mem>>
      %dma_wait3A_346 = tpu.memref_squeeze %dma_wait3A_345 : memref<1x!tpu.dma_semaphore, #tpu.memory_space<semaphore_mem>> -> memref<!tpu.dma_semaphore, #tpu.memory_space<semaphore_mem>>
      %dma_wait3A_347 = arith.constant 0 : i32
      %dma_wait3A_348 = tpu.memref_slice %arg3[%add3A_340, %dma_wait3A_347] : memref<2688x120xi32, #tpu.memory_space<hbm>> -> memref<1x120xi32, #tpu.memory_space<hbm>>
      %dma_wait3A_349 = tpu.memref_squeeze %dma_wait3A_348 : memref<1x120xi32, #tpu.memory_space<hbm>> -> memref<120xi32, #tpu.memory_space<hbm>>
      tpu.wait_dma2 semaphore(%dma_wait3A_346 : memref<!tpu.dma_semaphore, #tpu.memory_space<semaphore_mem>>) src(%dma_wait3A_349 : memref<120xi32, #tpu.memory_space<hbm>>) dst(%arg11 : memref<120xi32, #tpu.memory_space<vmem>>)
      %add3A_350 = arith.addi %select_n3A, %add3A_339 : i32
      %dma_wait3A_351 = arith.constant 4 : i32
      %dma_wait3A_352 = arith.constant 0 : i32
      %dma_wait3A_353 = tpu.memref_slice %arg4[%add3A_350, %dma_wait3A_352] : memref<2688x120xi32, #tpu.memory_space<hbm>> -> memref<1x120xi32, #tpu.memory_space<hbm>>
      %dma_wait3A_354 = tpu.memref_squeeze %dma_wait3A_353 : memref<1x120xi32, #tpu.memory_space<hbm>> -> memref<120xi32, #tpu.memory_space<hbm>>
      %dma_wait3A_355 = tpu.memref_slice %arg23[%dma_wait3A_351] : memref<6x!tpu.dma_semaphore, #tpu.memory_space<semaphore_mem>> -> memref<1x!tpu.dma_semaphore, #tpu.memory_space<semaphore_mem>>
      %dma_wait3A_356 = tpu.memref_squeeze %dma_wait3A_355 : memref<1x!tpu.dma_semaphore, #tpu.memory_space<semaphore_mem>> -> memref<!tpu.dma_semaphore, #tpu.memory_space<semaphore_mem>>
      %dma_wait3A_357 = arith.constant 0 : i32
      %dma_wait3A_358 = tpu.memref_slice %arg4[%add3A_350, %dma_wait3A_357] : memref<2688x120xi32, #tpu.memory_space<hbm>> -> memref<1x120xi32, #tpu.memory_space<hbm>>
      %dma_wait3A_359 = tpu.memref_squeeze %dma_wait3A_358 : memref<1x120xi32, #tpu.memory_space<hbm>> -> memref<120xi32, #tpu.memory_space<hbm>>
      tpu.wait_dma2 semaphore(%dma_wait3A_356 : memref<!tpu.dma_semaphore, #tpu.memory_space<semaphore_mem>>) src(%dma_wait3A_359 : memref<120xi32, #tpu.memory_space<hbm>>) dst(%arg17 : memref<120xi32, #tpu.memory_space<vmem>>)
      %dma_start3A_360 = arith.constant 1 : i32
      %dma_start3A_361 = arith.constant 0 : i32
      %dma_start3A_362 = arith.constant 0 : i32
      %dma_start3A_363 = tpu.memref_slice %arg2[%dma_start3A_361, %dma_start3A_362] : memref<10112x128xf32, #tpu.memory_space<hbm>> -> memref<10112x128xf32, #tpu.memory_space<hbm>>
      %dma_start3A_364 = tpu.memref_slice %arg24[%dma_start3A_360] : memref<3x!tpu.dma_semaphore, #tpu.memory_space<semaphore_mem>> -> memref<1x!tpu.dma_semaphore, #tpu.memory_space<semaphore_mem>>
      %dma_start3A_365 = tpu.memref_squeeze %dma_start3A_364 : memref<1x!tpu.dma_semaphore, #tpu.memory_space<semaphore_mem>> -> memref<!tpu.dma_semaphore, #tpu.memory_space<semaphore_mem>>
      tpu.enqueue_indirect_dma source(%dma_start3A_363 : memref<10112x128xf32, #tpu.memory_space<hbm>>) target(%arg20 : memref<120x128xf32, #tpu.memory_space<vmem>>) offsets(%arg17 : memref<120xi32, #tpu.memory_space<vmem>>) semaphore(%dma_start3A_365 : memref<!tpu.dma_semaphore, #tpu.memory_space<semaphore_mem>>)
      %convert_element_type3A_366 = arith.extui %lt3A_256 : i1 to i32
      %cond3A_367 = arith.constant 0 : i32
      %cond3A_368 = arith.cmpi ne, %convert_element_type3A_366, %cond3A_367 : i32
      scf.if %cond3A_368 {
        %add3A_447 = arith.constant 6 : i32
        %add3A_448 = arith.addi %mul3A_255, %add3A_447 : i32
        %add3A_449 = arith.constant 1 : i32
        %add3A_450 = arith.addi %add3A_448, %add3A_449 : i32
        %add3A_451 = arith.addi %select_n3A, %add3A_450 : i32
        %dma_start3A_452 = arith.constant 1 : i32
        %dma_start3A_453 = arith.constant 0 : i32
        %dma_start3A_454 = tpu.memref_slice %arg3[%add3A_451, %dma_start3A_453] : memref<2688x120xi32, #tpu.memory_space<hbm>> -> memref<1x120xi32, #tpu.memory_space<hbm>>
        %dma_start3A_455 = tpu.memref_squeeze %dma_start3A_454 : memref<1x120xi32, #tpu.memory_space<hbm>> -> memref<120xi32, #tpu.memory_space<hbm>>
        %dma_start3A_456 = tpu.memref_slice %arg23[%dma_start3A_452] : memref<6x!tpu.dma_semaphore, #tpu.memory_space<semaphore_mem>> -> memref<1x!tpu.dma_semaphore, #tpu.memory_space<semaphore_mem>>
        %dma_start3A_457 = tpu.memref_squeeze %dma_start3A_456 : memref<1x!tpu.dma_semaphore, #tpu.memory_space<semaphore_mem>> -> memref<!tpu.dma_semaphore, #tpu.memory_space<semaphore_mem>>
        %dma_start3A_458 = arith.constant 0 : i32
        %dma_start3A_459 = tpu.memref_slice %arg3[%add3A_451, %dma_start3A_458] : memref<2688x120xi32, #tpu.memory_space<hbm>> -> memref<1x120xi32, #tpu.memory_space<hbm>>
        %dma_start3A_460 = tpu.memref_squeeze %dma_start3A_459 : memref<1x120xi32, #tpu.memory_space<hbm>> -> memref<120xi32, #tpu.memory_space<hbm>>
        tpu.enqueue_dma source(%dma_start3A_460 : memref<120xi32, #tpu.memory_space<hbm>>) target(%arg8 : memref<120xi32, #tpu.memory_space<vmem>>) target_semaphore(%dma_start3A_457 : memref<!tpu.dma_semaphore, #tpu.memory_space<semaphore_mem>>)
        %add3A_461 = arith.addi %select_n3A, %add3A_450 : i32
        %dma_start3A_462 = arith.constant 1 : i32
        %dma_start3A_463 = arith.constant 0 : i32
        %dma_start3A_464 = tpu.memref_slice %arg4[%add3A_461, %dma_start3A_463] : memref<2688x120xi32, #tpu.memory_space<hbm>> -> memref<1x120xi32, #tpu.memory_space<hbm>>
        %dma_start3A_465 = tpu.memref_squeeze %dma_start3A_464 : memref<1x120xi32, #tpu.memory_space<hbm>> -> memref<120xi32, #tpu.memory_space<hbm>>
        %dma_start3A_466 = tpu.memref_slice %arg23[%dma_start3A_462] : memref<6x!tpu.dma_semaphore, #tpu.memory_space<semaphore_mem>> -> memref<1x!tpu.dma_semaphore, #tpu.memory_space<semaphore_mem>>
        %dma_start3A_467 = tpu.memref_squeeze %dma_start3A_466 : memref<1x!tpu.dma_semaphore, #tpu.memory_space<semaphore_mem>> -> memref<!tpu.dma_semaphore, #tpu.memory_space<semaphore_mem>>
        %dma_start3A_468 = arith.constant 0 : i32
        %dma_start3A_469 = tpu.memref_slice %arg4[%add3A_461, %dma_start3A_468] : memref<2688x120xi32, #tpu.memory_space<hbm>> -> memref<1x120xi32, #tpu.memory_space<hbm>>
        %dma_start3A_470 = tpu.memref_squeeze %dma_start3A_469 : memref<1x120xi32, #tpu.memory_space<hbm>> -> memref<120xi32, #tpu.memory_space<hbm>>
        tpu.enqueue_dma source(%dma_start3A_470 : memref<120xi32, #tpu.memory_space<hbm>>) target(%arg14 : memref<120xi32, #tpu.memory_space<vmem>>) target_semaphore(%dma_start3A_467 : memref<!tpu.dma_semaphore, #tpu.memory_space<semaphore_mem>>)
      } else {
      }
      %dma_wait3A_369 = arith.constant 2 : i32
      %dma_wait3A_370 = arith.constant 0 : i32
      %dma_wait3A_371 = arith.constant 0 : i32
      %dma_wait3A_372 = tpu.memref_slice %arg22[%dma_wait3A_370, %dma_wait3A_371] : memref<10112x128xf32, #tpu.memory_space<vmem_shared>> -> memref<10112x128xf32, #tpu.memory_space<vmem_shared>>
      %dma_wait3A_373 = tpu.memref_slice %arg25[%dma_wait3A_369] : memref<3x!tpu.dma_semaphore, #tpu.memory_space<semaphore_mem>> -> memref<1x!tpu.dma_semaphore, #tpu.memory_space<semaphore_mem>>
      %dma_wait3A_374 = tpu.memref_squeeze %dma_wait3A_373 : memref<1x!tpu.dma_semaphore, #tpu.memory_space<semaphore_mem>> -> memref<!tpu.dma_semaphore, #tpu.memory_space<semaphore_mem>>
      tpu.wait_indirect_dma semaphore(%dma_wait3A_374 : memref<!tpu.dma_semaphore, #tpu.memory_space<semaphore_mem>>) src(%arg21 : memref<120x128xf32, #tpu.memory_space<vmem>>) dst(%dma_wait3A_372 : memref<10112x128xf32, #tpu.memory_space<vmem_shared>>)
      %add3A_375 = arith.constant 3 : i32
      %add3A_376 = arith.addi %mul3A_255, %add3A_375 : i32
      %add3A_377 = arith.constant 2 : i32
      %add3A_378 = arith.addi %add3A_376, %add3A_377 : i32
      %add3A_379 = arith.addi %select_n3A, %add3A_378 : i32
      %dma_wait3A_380 = arith.constant 5 : i32
      %dma_wait3A_381 = arith.constant 0 : i32
      %dma_wait3A_382 = tpu.memref_slice %arg3[%add3A_379, %dma_wait3A_381] : memref<2688x120xi32, #tpu.memory_space<hbm>> -> memref<1x120xi32, #tpu.memory_space<hbm>>
      %dma_wait3A_383 = tpu.memref_squeeze %dma_wait3A_382 : memref<1x120xi32, #tpu.memory_space<hbm>> -> memref<120xi32, #tpu.memory_space<hbm>>
      %dma_wait3A_384 = tpu.memref_slice %arg23[%dma_wait3A_380] : memref<6x!tpu.dma_semaphore, #tpu.memory_space<semaphore_mem>> -> memref<1x!tpu.dma_semaphore, #tpu.memory_space<semaphore_mem>>
      %dma_wait3A_385 = tpu.memref_squeeze %dma_wait3A_384 : memref<1x!tpu.dma_semaphore, #tpu.memory_space<semaphore_mem>> -> memref<!tpu.dma_semaphore, #tpu.memory_space<semaphore_mem>>
      %dma_wait3A_386 = arith.constant 0 : i32
      %dma_wait3A_387 = tpu.memref_slice %arg3[%add3A_379, %dma_wait3A_386] : memref<2688x120xi32, #tpu.memory_space<hbm>> -> memref<1x120xi32, #tpu.memory_space<hbm>>
      %dma_wait3A_388 = tpu.memref_squeeze %dma_wait3A_387 : memref<1x120xi32, #tpu.memory_space<hbm>> -> memref<120xi32, #tpu.memory_space<hbm>>
      tpu.wait_dma2 semaphore(%dma_wait3A_385 : memref<!tpu.dma_semaphore, #tpu.memory_space<semaphore_mem>>) src(%dma_wait3A_388 : memref<120xi32, #tpu.memory_space<hbm>>) dst(%arg12 : memref<120xi32, #tpu.memory_space<vmem>>)
      %add3A_389 = arith.addi %select_n3A, %add3A_378 : i32
      %dma_wait3A_390 = arith.constant 5 : i32
      %dma_wait3A_391 = arith.constant 0 : i32
      %dma_wait3A_392 = tpu.memref_slice %arg4[%add3A_389, %dma_wait3A_391] : memref<2688x120xi32, #tpu.memory_space<hbm>> -> memref<1x120xi32, #tpu.memory_space<hbm>>
      %dma_wait3A_393 = tpu.memref_squeeze %dma_wait3A_392 : memref<1x120xi32, #tpu.memory_space<hbm>> -> memref<120xi32, #tpu.memory_space<hbm>>
      %dma_wait3A_394 = tpu.memref_slice %arg23[%dma_wait3A_390] : memref<6x!tpu.dma_semaphore, #tpu.memory_space<semaphore_mem>> -> memref<1x!tpu.dma_semaphore, #tpu.memory_space<semaphore_mem>>
      %dma_wait3A_395 = tpu.memref_squeeze %dma_wait3A_394 : memref<1x!tpu.dma_semaphore, #tpu.memory_space<semaphore_mem>> -> memref<!tpu.dma_semaphore, #tpu.memory_space<semaphore_mem>>
      %dma_wait3A_396 = arith.constant 0 : i32
      %dma_wait3A_397 = tpu.memref_slice %arg4[%add3A_389, %dma_wait3A_396] : memref<2688x120xi32, #tpu.memory_space<hbm>> -> memref<1x120xi32, #tpu.memory_space<hbm>>
      %dma_wait3A_398 = tpu.memref_squeeze %dma_wait3A_397 : memref<1x120xi32, #tpu.memory_space<hbm>> -> memref<120xi32, #tpu.memory_space<hbm>>
      tpu.wait_dma2 semaphore(%dma_wait3A_395 : memref<!tpu.dma_semaphore, #tpu.memory_space<semaphore_mem>>) src(%dma_wait3A_398 : memref<120xi32, #tpu.memory_space<hbm>>) dst(%arg18 : memref<120xi32, #tpu.memory_space<vmem>>)
      %dma_start3A_399 = arith.constant 2 : i32
      %dma_start3A_400 = arith.constant 0 : i32
      %dma_start3A_401 = arith.constant 0 : i32
      %dma_start3A_402 = tpu.memref_slice %arg2[%dma_start3A_400, %dma_start3A_401] : memref<10112x128xf32, #tpu.memory_space<hbm>> -> memref<10112x128xf32, #tpu.memory_space<hbm>>
      %dma_start3A_403 = tpu.memref_slice %arg24[%dma_start3A_399] : memref<3x!tpu.dma_semaphore, #tpu.memory_space<semaphore_mem>> -> memref<1x!tpu.dma_semaphore, #tpu.memory_space<semaphore_mem>>
      %dma_start3A_404 = tpu.memref_squeeze %dma_start3A_403 : memref<1x!tpu.dma_semaphore, #tpu.memory_space<semaphore_mem>> -> memref<!tpu.dma_semaphore, #tpu.memory_space<semaphore_mem>>
      tpu.enqueue_indirect_dma source(%dma_start3A_402 : memref<10112x128xf32, #tpu.memory_space<hbm>>) target(%arg21 : memref<120x128xf32, #tpu.memory_space<vmem>>) offsets(%arg18 : memref<120xi32, #tpu.memory_space<vmem>>) semaphore(%dma_start3A_404 : memref<!tpu.dma_semaphore, #tpu.memory_space<semaphore_mem>>)
      %convert_element_type3A_405 = arith.extui %lt3A_256 : i1 to i32
      %cond3A_406 = arith.constant 0 : i32
      %cond3A_407 = arith.cmpi ne, %convert_element_type3A_405, %cond3A_406 : i32
      scf.if %cond3A_407 {
        %add3A_447 = arith.constant 6 : i32
        %add3A_448 = arith.addi %mul3A_255, %add3A_447 : i32
        %add3A_449 = arith.constant 2 : i32
        %add3A_450 = arith.addi %add3A_448, %add3A_449 : i32
        %add3A_451 = arith.addi %select_n3A, %add3A_450 : i32
        %dma_start3A_452 = arith.constant 2 : i32
        %dma_start3A_453 = arith.constant 0 : i32
        %dma_start3A_454 = tpu.memref_slice %arg3[%add3A_451, %dma_start3A_453] : memref<2688x120xi32, #tpu.memory_space<hbm>> -> memref<1x120xi32, #tpu.memory_space<hbm>>
        %dma_start3A_455 = tpu.memref_squeeze %dma_start3A_454 : memref<1x120xi32, #tpu.memory_space<hbm>> -> memref<120xi32, #tpu.memory_space<hbm>>
        %dma_start3A_456 = tpu.memref_slice %arg23[%dma_start3A_452] : memref<6x!tpu.dma_semaphore, #tpu.memory_space<semaphore_mem>> -> memref<1x!tpu.dma_semaphore, #tpu.memory_space<semaphore_mem>>
        %dma_start3A_457 = tpu.memref_squeeze %dma_start3A_456 : memref<1x!tpu.dma_semaphore, #tpu.memory_space<semaphore_mem>> -> memref<!tpu.dma_semaphore, #tpu.memory_space<semaphore_mem>>
        %dma_start3A_458 = arith.constant 0 : i32
        %dma_start3A_459 = tpu.memref_slice %arg3[%add3A_451, %dma_start3A_458] : memref<2688x120xi32, #tpu.memory_space<hbm>> -> memref<1x120xi32, #tpu.memory_space<hbm>>
        %dma_start3A_460 = tpu.memref_squeeze %dma_start3A_459 : memref<1x120xi32, #tpu.memory_space<hbm>> -> memref<120xi32, #tpu.memory_space<hbm>>
        tpu.enqueue_dma source(%dma_start3A_460 : memref<120xi32, #tpu.memory_space<hbm>>) target(%arg9 : memref<120xi32, #tpu.memory_space<vmem>>) target_semaphore(%dma_start3A_457 : memref<!tpu.dma_semaphore, #tpu.memory_space<semaphore_mem>>)
        %add3A_461 = arith.addi %select_n3A, %add3A_450 : i32
        %dma_start3A_462 = arith.constant 2 : i32
        %dma_start3A_463 = arith.constant 0 : i32
        %dma_start3A_464 = tpu.memref_slice %arg4[%add3A_461, %dma_start3A_463] : memref<2688x120xi32, #tpu.memory_space<hbm>> -> memref<1x120xi32, #tpu.memory_space<hbm>>
        %dma_start3A_465 = tpu.memref_squeeze %dma_start3A_464 : memref<1x120xi32, #tpu.memory_space<hbm>> -> memref<120xi32, #tpu.memory_space<hbm>>
        %dma_start3A_466 = tpu.memref_slice %arg23[%dma_start3A_462] : memref<6x!tpu.dma_semaphore, #tpu.memory_space<semaphore_mem>> -> memref<1x!tpu.dma_semaphore, #tpu.memory_space<semaphore_mem>>
        %dma_start3A_467 = tpu.memref_squeeze %dma_start3A_466 : memref<1x!tpu.dma_semaphore, #tpu.memory_space<semaphore_mem>> -> memref<!tpu.dma_semaphore, #tpu.memory_space<semaphore_mem>>
        %dma_start3A_468 = arith.constant 0 : i32
        %dma_start3A_469 = tpu.memref_slice %arg4[%add3A_461, %dma_start3A_468] : memref<2688x120xi32, #tpu.memory_space<hbm>> -> memref<1x120xi32, #tpu.memory_space<hbm>>
        %dma_start3A_470 = tpu.memref_squeeze %dma_start3A_469 : memref<1x120xi32, #tpu.memory_space<hbm>> -> memref<120xi32, #tpu.memory_space<hbm>>
        tpu.enqueue_dma source(%dma_start3A_470 : memref<120xi32, #tpu.memory_space<hbm>>) target(%arg15 : memref<120xi32, #tpu.memory_space<vmem>>) target_semaphore(%dma_start3A_467 : memref<!tpu.dma_semaphore, #tpu.memory_space<semaphore_mem>>)
      } else {
      }
      %dma_wait3A_408 = arith.constant 0 : i32
      %dma_wait3A_409 = arith.constant 0 : i32
      %dma_wait3A_410 = arith.constant 0 : i32
      %dma_wait3A_411 = tpu.memref_slice %arg2[%dma_wait3A_409, %dma_wait3A_410] : memref<10112x128xf32, #tpu.memory_space<hbm>> -> memref<10112x128xf32, #tpu.memory_space<hbm>>
      %dma_wait3A_412 = tpu.memref_slice %arg24[%dma_wait3A_408] : memref<3x!tpu.dma_semaphore, #tpu.memory_space<semaphore_mem>> -> memref<1x!tpu.dma_semaphore, #tpu.memory_space<semaphore_mem>>
      %dma_wait3A_413 = tpu.memref_squeeze %dma_wait3A_412 : memref<1x!tpu.dma_semaphore, #tpu.memory_space<semaphore_mem>> -> memref<!tpu.dma_semaphore, #tpu.memory_space<semaphore_mem>>
      tpu.wait_indirect_dma semaphore(%dma_wait3A_413 : memref<!tpu.dma_semaphore, #tpu.memory_space<semaphore_mem>>) src(%dma_wait3A_411 : memref<10112x128xf32, #tpu.memory_space<hbm>>) dst(%arg19 : memref<120x128xf32, #tpu.memory_space<vmem>>)
      %dma_start3A_414 = arith.constant 0 : i32
      %dma_start3A_415 = arith.constant 0 : i32
      %dma_start3A_416 = arith.constant 0 : i32
      %dma_start3A_417 = tpu.memref_slice %arg22[%dma_start3A_415, %dma_start3A_416] : memref<10112x128xf32, #tpu.memory_space<vmem_shared>> -> memref<10112x128xf32, #tpu.memory_space<vmem_shared>>
      %dma_start3A_418 = tpu.memref_slice %arg25[%dma_start3A_414] : memref<3x!tpu.dma_semaphore, #tpu.memory_space<semaphore_mem>> -> memref<1x!tpu.dma_semaphore, #tpu.memory_space<semaphore_mem>>
      %dma_start3A_419 = tpu.memref_squeeze %dma_start3A_418 : memref<1x!tpu.dma_semaphore, #tpu.memory_space<semaphore_mem>> -> memref<!tpu.dma_semaphore, #tpu.memory_space<semaphore_mem>>
      tpu.enqueue_indirect_dma source(%arg19 : memref<120x128xf32, #tpu.memory_space<vmem>>) target(%dma_start3A_417 : memref<10112x128xf32, #tpu.memory_space<vmem_shared>>) offsets(%arg10 : memref<120xi32, #tpu.memory_space<vmem>>) semaphore(%dma_start3A_419 : memref<!tpu.dma_semaphore, #tpu.memory_space<semaphore_mem>>) {add = true}
      %dma_wait3A_420 = arith.constant 1 : i32
      %dma_wait3A_421 = arith.constant 0 : i32
      %dma_wait3A_422 = arith.constant 0 : i32
      %dma_wait3A_423 = tpu.memref_slice %arg2[%dma_wait3A_421, %dma_wait3A_422] : memref<10112x128xf32, #tpu.memory_space<hbm>> -> memref<10112x128xf32, #tpu.memory_space<hbm>>
      %dma_wait3A_424 = tpu.memref_slice %arg24[%dma_wait3A_420] : memref<3x!tpu.dma_semaphore, #tpu.memory_space<semaphore_mem>> -> memref<1x!tpu.dma_semaphore, #tpu.memory_space<semaphore_mem>>
      %dma_wait3A_425 = tpu.memref_squeeze %dma_wait3A_424 : memref<1x!tpu.dma_semaphore, #tpu.memory_space<semaphore_mem>> -> memref<!tpu.dma_semaphore, #tpu.memory_space<semaphore_mem>>
      tpu.wait_indirect_dma semaphore(%dma_wait3A_425 : memref<!tpu.dma_semaphore, #tpu.memory_space<semaphore_mem>>) src(%dma_wait3A_423 : memref<10112x128xf32, #tpu.memory_space<hbm>>) dst(%arg20 : memref<120x128xf32, #tpu.memory_space<vmem>>)
      %dma_start3A_426 = arith.constant 1 : i32
      %dma_start3A_427 = arith.constant 0 : i32
      %dma_start3A_428 = arith.constant 0 : i32
      %dma_start3A_429 = tpu.memref_slice %arg22[%dma_start3A_427, %dma_start3A_428] : memref<10112x128xf32, #tpu.memory_space<vmem_shared>> -> memref<10112x128xf32, #tpu.memory_space<vmem_shared>>
      %dma_start3A_430 = tpu.memref_slice %arg25[%dma_start3A_426] : memref<3x!tpu.dma_semaphore, #tpu.memory_space<semaphore_mem>> -> memref<1x!tpu.dma_semaphore, #tpu.memory_space<semaphore_mem>>
      %dma_start3A_431 = tpu.memref_squeeze %dma_start3A_430 : memref<1x!tpu.dma_semaphore, #tpu.memory_space<semaphore_mem>> -> memref<!tpu.dma_semaphore, #tpu.memory_space<semaphore_mem>>
      tpu.enqueue_indirect_dma source(%arg20 : memref<120x128xf32, #tpu.memory_space<vmem>>) target(%dma_start3A_429 : memref<10112x128xf32, #tpu.memory_space<vmem_shared>>) offsets(%arg11 : memref<120xi32, #tpu.memory_space<vmem>>) semaphore(%dma_start3A_431 : memref<!tpu.dma_semaphore, #tpu.memory_space<semaphore_mem>>) {add = true}
      %dma_wait3A_432 = arith.constant 2 : i32
      %dma_wait3A_433 = arith.constant 0 : i32
      %dma_wait3A_434 = arith.constant 0 : i32
      %dma_wait3A_435 = tpu.memref_slice %arg2[%dma_wait3A_433, %dma_wait3A_434] : memref<10112x128xf32, #tpu.memory_space<hbm>> -> memref<10112x128xf32, #tpu.memory_space<hbm>>
      %dma_wait3A_436 = tpu.memref_slice %arg24[%dma_wait3A_432] : memref<3x!tpu.dma_semaphore, #tpu.memory_space<semaphore_mem>> -> memref<1x!tpu.dma_semaphore, #tpu.memory_space<semaphore_mem>>
      %dma_wait3A_437 = tpu.memref_squeeze %dma_wait3A_436 : memref<1x!tpu.dma_semaphore, #tpu.memory_space<semaphore_mem>> -> memref<!tpu.dma_semaphore, #tpu.memory_space<semaphore_mem>>
      tpu.wait_indirect_dma semaphore(%dma_wait3A_437 : memref<!tpu.dma_semaphore, #tpu.memory_space<semaphore_mem>>) src(%dma_wait3A_435 : memref<10112x128xf32, #tpu.memory_space<hbm>>) dst(%arg21 : memref<120x128xf32, #tpu.memory_space<vmem>>)
      %dma_start3A_438 = arith.constant 2 : i32
      %dma_start3A_439 = arith.constant 0 : i32
      %dma_start3A_440 = arith.constant 0 : i32
      %dma_start3A_441 = tpu.memref_slice %arg22[%dma_start3A_439, %dma_start3A_440] : memref<10112x128xf32, #tpu.memory_space<vmem_shared>> -> memref<10112x128xf32, #tpu.memory_space<vmem_shared>>
      %dma_start3A_442 = tpu.memref_slice %arg25[%dma_start3A_438] : memref<3x!tpu.dma_semaphore, #tpu.memory_space<semaphore_mem>> -> memref<1x!tpu.dma_semaphore, #tpu.memory_space<semaphore_mem>>
      %dma_start3A_443 = tpu.memref_squeeze %dma_start3A_442 : memref<1x!tpu.dma_semaphore, #tpu.memory_space<semaphore_mem>> -> memref<!tpu.dma_semaphore, #tpu.memory_space<semaphore_mem>>
      tpu.enqueue_indirect_dma source(%arg21 : memref<120x128xf32, #tpu.memory_space<vmem>>) target(%dma_start3A_441 : memref<10112x128xf32, #tpu.memory_space<vmem_shared>>) offsets(%arg12 : memref<120xi32, #tpu.memory_space<vmem>>) semaphore(%dma_start3A_443 : memref<!tpu.dma_semaphore, #tpu.memory_space<semaphore_mem>>) {add = true}
      %convert_element_type3A_444 = arith.extui %lt3A_256 : i1 to i32
      %cond3A_445 = arith.constant 0 : i32
      %cond3A_446 = arith.cmpi ne, %convert_element_type3A_444, %cond3A_445 : i32
      scf.if %cond3A_446 {
        %dma_wait3A_447 = arith.constant 0 : i32
        %dma_wait3A_448 = arith.constant 0 : i32
        %dma_wait3A_449 = arith.constant 0 : i32
        %dma_wait3A_450 = tpu.memref_slice %arg22[%dma_wait3A_448, %dma_wait3A_449] : memref<10112x128xf32, #tpu.memory_space<vmem_shared>> -> memref<10112x128xf32, #tpu.memory_space<vmem_shared>>
        %dma_wait3A_451 = tpu.memref_slice %arg25[%dma_wait3A_447] : memref<3x!tpu.dma_semaphore, #tpu.memory_space<semaphore_mem>> -> memref<1x!tpu.dma_semaphore, #tpu.memory_space<semaphore_mem>>
        %dma_wait3A_452 = tpu.memref_squeeze %dma_wait3A_451 : memref<1x!tpu.dma_semaphore, #tpu.memory_space<semaphore_mem>> -> memref<!tpu.dma_semaphore, #tpu.memory_space<semaphore_mem>>
        tpu.wait_indirect_dma semaphore(%dma_wait3A_452 : memref<!tpu.dma_semaphore, #tpu.memory_space<semaphore_mem>>) src(%arg19 : memref<120x128xf32, #tpu.memory_space<vmem>>) dst(%dma_wait3A_450 : memref<10112x128xf32, #tpu.memory_space<vmem_shared>>)
        %add3A_453 = arith.constant 6 : i32
        %add3A_454 = arith.addi %mul3A_255, %add3A_453 : i32
        %add3A_455 = arith.constant 0 : i32
        %add3A_456 = arith.addi %add3A_454, %add3A_455 : i32
        %add3A_457 = arith.addi %select_n3A, %add3A_456 : i32
        %dma_wait3A_458 = arith.constant 0 : i32
        %dma_wait3A_459 = arith.constant 0 : i32
        %dma_wait3A_460 = tpu.memref_slice %arg3[%add3A_457, %dma_wait3A_459] : memref<2688x120xi32, #tpu.memory_space<hbm>> -> memref<1x120xi32, #tpu.memory_space<hbm>>
        %dma_wait3A_461 = tpu.memref_squeeze %dma_wait3A_460 : memref<1x120xi32, #tpu.memory_space<hbm>> -> memref<120xi32, #tpu.memory_space<hbm>>
        %dma_wait3A_462 = tpu.memref_slice %arg23[%dma_wait3A_458] : memref<6x!tpu.dma_semaphore, #tpu.memory_space<semaphore_mem>> -> memref<1x!tpu.dma_semaphore, #tpu.memory_space<semaphore_mem>>
        %dma_wait3A_463 = tpu.memref_squeeze %dma_wait3A_462 : memref<1x!tpu.dma_semaphore, #tpu.memory_space<semaphore_mem>> -> memref<!tpu.dma_semaphore, #tpu.memory_space<semaphore_mem>>
        %dma_wait3A_464 = arith.constant 0 : i32
        %dma_wait3A_465 = tpu.memref_slice %arg3[%add3A_457, %dma_wait3A_464] : memref<2688x120xi32, #tpu.memory_space<hbm>> -> memref<1x120xi32, #tpu.memory_space<hbm>>
        %dma_wait3A_466 = tpu.memref_squeeze %dma_wait3A_465 : memref<1x120xi32, #tpu.memory_space<hbm>> -> memref<120xi32, #tpu.memory_space<hbm>>
        tpu.wait_dma2 semaphore(%dma_wait3A_463 : memref<!tpu.dma_semaphore, #tpu.memory_space<semaphore_mem>>) src(%dma_wait3A_466 : memref<120xi32, #tpu.memory_space<hbm>>) dst(%arg7 : memref<120xi32, #tpu.memory_space<vmem>>)
        %add3A_467 = arith.addi %select_n3A, %add3A_456 : i32
        %dma_wait3A_468 = arith.constant 0 : i32
        %dma_wait3A_469 = arith.constant 0 : i32
        %dma_wait3A_470 = tpu.memref_slice %arg4[%add3A_467, %dma_wait3A_469] : memref<2688x120xi32, #tpu.memory_space<hbm>> -> memref<1x120xi32, #tpu.memory_space<hbm>>
        %dma_wait3A_471 = tpu.memref_squeeze %dma_wait3A_470 : memref<1x120xi32, #tpu.memory_space<hbm>> -> memref<120xi32, #tpu.memory_space<hbm>>
        %dma_wait3A_472 = tpu.memref_slice %arg23[%dma_wait3A_468] : memref<6x!tpu.dma_semaphore, #tpu.memory_space<semaphore_mem>> -> memref<1x!tpu.dma_semaphore, #tpu.memory_space<semaphore_mem>>
        %dma_wait3A_473 = tpu.memref_squeeze %dma_wait3A_472 : memref<1x!tpu.dma_semaphore, #tpu.memory_space<semaphore_mem>> -> memref<!tpu.dma_semaphore, #tpu.memory_space<semaphore_mem>>
        %dma_wait3A_474 = arith.constant 0 : i32
        %dma_wait3A_475 = tpu.memref_slice %arg4[%add3A_467, %dma_wait3A_474] : memref<2688x120xi32, #tpu.memory_space<hbm>> -> memref<1x120xi32, #tpu.memory_space<hbm>>
        %dma_wait3A_476 = tpu.memref_squeeze %dma_wait3A_475 : memref<1x120xi32, #tpu.memory_space<hbm>> -> memref<120xi32, #tpu.memory_space<hbm>>
        tpu.wait_dma2 semaphore(%dma_wait3A_473 : memref<!tpu.dma_semaphore, #tpu.memory_space<semaphore_mem>>) src(%dma_wait3A_476 : memref<120xi32, #tpu.memory_space<hbm>>) dst(%arg13 : memref<120xi32, #tpu.memory_space<vmem>>)
        %dma_start3A_477 = arith.constant 0 : i32
        %dma_start3A_478 = arith.constant 0 : i32
        %dma_start3A_479 = arith.constant 0 : i32
        %dma_start3A_480 = tpu.memref_slice %arg2[%dma_start3A_478, %dma_start3A_479] : memref<10112x128xf32, #tpu.memory_space<hbm>> -> memref<10112x128xf32, #tpu.memory_space<hbm>>
        %dma_start3A_481 = tpu.memref_slice %arg24[%dma_start3A_477] : memref<3x!tpu.dma_semaphore, #tpu.memory_space<semaphore_mem>> -> memref<1x!tpu.dma_semaphore, #tpu.memory_space<semaphore_mem>>
        %dma_start3A_482 = tpu.memref_squeeze %dma_start3A_481 : memref<1x!tpu.dma_semaphore, #tpu.memory_space<semaphore_mem>> -> memref<!tpu.dma_semaphore, #tpu.memory_space<semaphore_mem>>
        tpu.enqueue_indirect_dma source(%dma_start3A_480 : memref<10112x128xf32, #tpu.memory_space<hbm>>) target(%arg19 : memref<120x128xf32, #tpu.memory_space<vmem>>) offsets(%arg13 : memref<120xi32, #tpu.memory_space<vmem>>) semaphore(%dma_start3A_482 : memref<!tpu.dma_semaphore, #tpu.memory_space<semaphore_mem>>)
        %add3A_483 = arith.constant 9 : i32
        %add3A_484 = arith.addi %mul3A_255, %add3A_483 : i32
        %add3A_485 = arith.constant 0 : i32
        %add3A_486 = arith.addi %add3A_484, %add3A_485 : i32
        %add3A_487 = arith.addi %select_n3A, %add3A_486 : i32
        %dma_start3A_488 = arith.constant 3 : i32
        %dma_start3A_489 = arith.constant 0 : i32
        %dma_start3A_490 = tpu.memref_slice %arg3[%add3A_487, %dma_start3A_489] : memref<2688x120xi32, #tpu.memory_space<hbm>> -> memref<1x120xi32, #tpu.memory_space<hbm>>
        %dma_start3A_491 = tpu.memref_squeeze %dma_start3A_490 : memref<1x120xi32, #tpu.memory_space<hbm>> -> memref<120xi32, #tpu.memory_space<hbm>>
        %dma_start3A_492 = tpu.memref_slice %arg23[%dma_start3A_488] : memref<6x!tpu.dma_semaphore, #tpu.memory_space<semaphore_mem>> -> memref<1x!tpu.dma_semaphore, #tpu.memory_space<semaphore_mem>>
        %dma_start3A_493 = tpu.memref_squeeze %dma_start3A_492 : memref<1x!tpu.dma_semaphore, #tpu.memory_space<semaphore_mem>> -> memref<!tpu.dma_semaphore, #tpu.memory_space<semaphore_mem>>
        %dma_start3A_494 = arith.constant 0 : i32
        %dma_start3A_495 = tpu.memref_slice %arg3[%add3A_487, %dma_start3A_494] : memref<2688x120xi32, #tpu.memory_space<hbm>> -> memref<1x120xi32, #tpu.memory_space<hbm>>
        %dma_start3A_496 = tpu.memref_squeeze %dma_start3A_495 : memref<1x120xi32, #tpu.memory_space<hbm>> -> memref<120xi32, #tpu.memory_space<hbm>>
        tpu.enqueue_dma source(%dma_start3A_496 : memref<120xi32, #tpu.memory_space<hbm>>) target(%arg10 : memref<120xi32, #tpu.memory_space<vmem>>) target_semaphore(%dma_start3A_493 : memref<!tpu.dma_semaphore, #tpu.memory_space<semaphore_mem>>)
        %add3A_497 = arith.addi %select_n3A, %add3A_486 : i32
        %dma_start3A_498 = arith.constant 3 : i32
        %dma_start3A_499 = arith.constant 0 : i32
        %dma_start3A_500 = tpu.memref_slice %arg4[%add3A_497, %dma_start3A_499] : memref<2688x120xi32, #tpu.memory_space<hbm>> -> memref<1x120xi32, #tpu.memory_space<hbm>>
        %dma_start3A_501 = tpu.memref_squeeze %dma_start3A_500 : memref<1x120xi32, #tpu.memory_space<hbm>> -> memref<120xi32, #tpu.memory_space<hbm>>
        %dma_start3A_502 = tpu.memref_slice %arg23[%dma_start3A_498] : memref<6x!tpu.dma_semaphore, #tpu.memory_space<semaphore_mem>> -> memref<1x!tpu.dma_semaphore, #tpu.memory_space<semaphore_mem>>
        %dma_start3A_503 = tpu.memref_squeeze %dma_start3A_502 : memref<1x!tpu.dma_semaphore, #tpu.memory_space<semaphore_mem>> -> memref<!tpu.dma_semaphore, #tpu.memory_space<semaphore_mem>>
        %dma_start3A_504 = arith.constant 0 : i32
        %dma_start3A_505 = tpu.memref_slice %arg4[%add3A_497, %dma_start3A_504] : memref<2688x120xi32, #tpu.memory_space<hbm>> -> memref<1x120xi32, #tpu.memory_space<hbm>>
        %dma_start3A_506 = tpu.memref_squeeze %dma_start3A_505 : memref<1x120xi32, #tpu.memory_space<hbm>> -> memref<120xi32, #tpu.memory_space<hbm>>
        tpu.enqueue_dma source(%dma_start3A_506 : memref<120xi32, #tpu.memory_space<hbm>>) target(%arg16 : memref<120xi32, #tpu.memory_space<vmem>>) target_semaphore(%dma_start3A_503 : memref<!tpu.dma_semaphore, #tpu.memory_space<semaphore_mem>>)
        %dma_wait3A_507 = arith.constant 1 : i32
        %dma_wait3A_508 = arith.constant 0 : i32
        %dma_wait3A_509 = arith.constant 0 : i32
        %dma_wait3A_510 = tpu.memref_slice %arg22[%dma_wait3A_508, %dma_wait3A_509] : memref<10112x128xf32, #tpu.memory_space<vmem_shared>> -> memref<10112x128xf32, #tpu.memory_space<vmem_shared>>
        %dma_wait3A_511 = tpu.memref_slice %arg25[%dma_wait3A_507] : memref<3x!tpu.dma_semaphore, #tpu.memory_space<semaphore_mem>> -> memref<1x!tpu.dma_semaphore, #tpu.memory_space<semaphore_mem>>
        %dma_wait3A_512 = tpu.memref_squeeze %dma_wait3A_511 : memref<1x!tpu.dma_semaphore, #tpu.memory_space<semaphore_mem>> -> memref<!tpu.dma_semaphore, #tpu.memory_space<semaphore_mem>>
        tpu.wait_indirect_dma semaphore(%dma_wait3A_512 : memref<!tpu.dma_semaphore, #tpu.memory_space<semaphore_mem>>) src(%arg20 : memref<120x128xf32, #tpu.memory_space<vmem>>) dst(%dma_wait3A_510 : memref<10112x128xf32, #tpu.memory_space<vmem_shared>>)
        %add3A_513 = arith.constant 6 : i32
        %add3A_514 = arith.addi %mul3A_255, %add3A_513 : i32
        %add3A_515 = arith.constant 1 : i32
        %add3A_516 = arith.addi %add3A_514, %add3A_515 : i32
        %add3A_517 = arith.addi %select_n3A, %add3A_516 : i32
        %dma_wait3A_518 = arith.constant 1 : i32
        %dma_wait3A_519 = arith.constant 0 : i32
        %dma_wait3A_520 = tpu.memref_slice %arg3[%add3A_517, %dma_wait3A_519] : memref<2688x120xi32, #tpu.memory_space<hbm>> -> memref<1x120xi32, #tpu.memory_space<hbm>>
        %dma_wait3A_521 = tpu.memref_squeeze %dma_wait3A_520 : memref<1x120xi32, #tpu.memory_space<hbm>> -> memref<120xi32, #tpu.memory_space<hbm>>
        %dma_wait3A_522 = tpu.memref_slice %arg23[%dma_wait3A_518] : memref<6x!tpu.dma_semaphore, #tpu.memory_space<semaphore_mem>> -> memref<1x!tpu.dma_semaphore, #tpu.memory_space<semaphore_mem>>
        %dma_wait3A_523 = tpu.memref_squeeze %dma_wait3A_522 : memref<1x!tpu.dma_semaphore, #tpu.memory_space<semaphore_mem>> -> memref<!tpu.dma_semaphore, #tpu.memory_space<semaphore_mem>>
        %dma_wait3A_524 = arith.constant 0 : i32
        %dma_wait3A_525 = tpu.memref_slice %arg3[%add3A_517, %dma_wait3A_524] : memref<2688x120xi32, #tpu.memory_space<hbm>> -> memref<1x120xi32, #tpu.memory_space<hbm>>
        %dma_wait3A_526 = tpu.memref_squeeze %dma_wait3A_525 : memref<1x120xi32, #tpu.memory_space<hbm>> -> memref<120xi32, #tpu.memory_space<hbm>>
        tpu.wait_dma2 semaphore(%dma_wait3A_523 : memref<!tpu.dma_semaphore, #tpu.memory_space<semaphore_mem>>) src(%dma_wait3A_526 : memref<120xi32, #tpu.memory_space<hbm>>) dst(%arg8 : memref<120xi32, #tpu.memory_space<vmem>>)
        %add3A_527 = arith.addi %select_n3A, %add3A_516 : i32
        %dma_wait3A_528 = arith.constant 1 : i32
        %dma_wait3A_529 = arith.constant 0 : i32
        %dma_wait3A_530 = tpu.memref_slice %arg4[%add3A_527, %dma_wait3A_529] : memref<2688x120xi32, #tpu.memory_space<hbm>> -> memref<1x120xi32, #tpu.memory_space<hbm>>
        %dma_wait3A_531 = tpu.memref_squeeze %dma_wait3A_530 : memref<1x120xi32, #tpu.memory_space<hbm>> -> memref<120xi32, #tpu.memory_space<hbm>>
        %dma_wait3A_532 = tpu.memref_slice %arg23[%dma_wait3A_528] : memref<6x!tpu.dma_semaphore, #tpu.memory_space<semaphore_mem>> -> memref<1x!tpu.dma_semaphore, #tpu.memory_space<semaphore_mem>>
        %dma_wait3A_533 = tpu.memref_squeeze %dma_wait3A_532 : memref<1x!tpu.dma_semaphore, #tpu.memory_space<semaphore_mem>> -> memref<!tpu.dma_semaphore, #tpu.memory_space<semaphore_mem>>
        %dma_wait3A_534 = arith.constant 0 : i32
        %dma_wait3A_535 = tpu.memref_slice %arg4[%add3A_527, %dma_wait3A_534] : memref<2688x120xi32, #tpu.memory_space<hbm>> -> memref<1x120xi32, #tpu.memory_space<hbm>>
        %dma_wait3A_536 = tpu.memref_squeeze %dma_wait3A_535 : memref<1x120xi32, #tpu.memory_space<hbm>> -> memref<120xi32, #tpu.memory_space<hbm>>
        tpu.wait_dma2 semaphore(%dma_wait3A_533 : memref<!tpu.dma_semaphore, #tpu.memory_space<semaphore_mem>>) src(%dma_wait3A_536 : memref<120xi32, #tpu.memory_space<hbm>>) dst(%arg14 : memref<120xi32, #tpu.memory_space<vmem>>)
        %dma_start3A_537 = arith.constant 1 : i32
        %dma_start3A_538 = arith.constant 0 : i32
        %dma_start3A_539 = arith.constant 0 : i32
        %dma_start3A_540 = tpu.memref_slice %arg2[%dma_start3A_538, %dma_start3A_539] : memref<10112x128xf32, #tpu.memory_space<hbm>> -> memref<10112x128xf32, #tpu.memory_space<hbm>>
        %dma_start3A_541 = tpu.memref_slice %arg24[%dma_start3A_537] : memref<3x!tpu.dma_semaphore, #tpu.memory_space<semaphore_mem>> -> memref<1x!tpu.dma_semaphore, #tpu.memory_space<semaphore_mem>>
        %dma_start3A_542 = tpu.memref_squeeze %dma_start3A_541 : memref<1x!tpu.dma_semaphore, #tpu.memory_space<semaphore_mem>> -> memref<!tpu.dma_semaphore, #tpu.memory_space<semaphore_mem>>
        tpu.enqueue_indirect_dma source(%dma_start3A_540 : memref<10112x128xf32, #tpu.memory_space<hbm>>) target(%arg20 : memref<120x128xf32, #tpu.memory_space<vmem>>) offsets(%arg14 : memref<120xi32, #tpu.memory_space<vmem>>) semaphore(%dma_start3A_542 : memref<!tpu.dma_semaphore, #tpu.memory_space<semaphore_mem>>)
        %add3A_543 = arith.constant 9 : i32
        %add3A_544 = arith.addi %mul3A_255, %add3A_543 : i32
        %add3A_545 = arith.constant 1 : i32
        %add3A_546 = arith.addi %add3A_544, %add3A_545 : i32
        %add3A_547 = arith.addi %select_n3A, %add3A_546 : i32
        %dma_start3A_548 = arith.constant 4 : i32
        %dma_start3A_549 = arith.constant 0 : i32
        %dma_start3A_550 = tpu.memref_slice %arg3[%add3A_547, %dma_start3A_549] : memref<2688x120xi32, #tpu.memory_space<hbm>> -> memref<1x120xi32, #tpu.memory_space<hbm>>
        %dma_start3A_551 = tpu.memref_squeeze %dma_start3A_550 : memref<1x120xi32, #tpu.memory_space<hbm>> -> memref<120xi32, #tpu.memory_space<hbm>>
        %dma_start3A_552 = tpu.memref_slice %arg23[%dma_start3A_548] : memref<6x!tpu.dma_semaphore, #tpu.memory_space<semaphore_mem>> -> memref<1x!tpu.dma_semaphore, #tpu.memory_space<semaphore_mem>>
        %dma_start3A_553 = tpu.memref_squeeze %dma_start3A_552 : memref<1x!tpu.dma_semaphore, #tpu.memory_space<semaphore_mem>> -> memref<!tpu.dma_semaphore, #tpu.memory_space<semaphore_mem>>
        %dma_start3A_554 = arith.constant 0 : i32
        %dma_start3A_555 = tpu.memref_slice %arg3[%add3A_547, %dma_start3A_554] : memref<2688x120xi32, #tpu.memory_space<hbm>> -> memref<1x120xi32, #tpu.memory_space<hbm>>
        %dma_start3A_556 = tpu.memref_squeeze %dma_start3A_555 : memref<1x120xi32, #tpu.memory_space<hbm>> -> memref<120xi32, #tpu.memory_space<hbm>>
        tpu.enqueue_dma source(%dma_start3A_556 : memref<120xi32, #tpu.memory_space<hbm>>) target(%arg11 : memref<120xi32, #tpu.memory_space<vmem>>) target_semaphore(%dma_start3A_553 : memref<!tpu.dma_semaphore, #tpu.memory_space<semaphore_mem>>)
        %add3A_557 = arith.addi %select_n3A, %add3A_546 : i32
        %dma_start3A_558 = arith.constant 4 : i32
        %dma_start3A_559 = arith.constant 0 : i32
        %dma_start3A_560 = tpu.memref_slice %arg4[%add3A_557, %dma_start3A_559] : memref<2688x120xi32, #tpu.memory_space<hbm>> -> memref<1x120xi32, #tpu.memory_space<hbm>>
        %dma_start3A_561 = tpu.memref_squeeze %dma_start3A_560 : memref<1x120xi32, #tpu.memory_space<hbm>> -> memref<120xi32, #tpu.memory_space<hbm>>
        %dma_start3A_562 = tpu.memref_slice %arg23[%dma_start3A_558] : memref<6x!tpu.dma_semaphore, #tpu.memory_space<semaphore_mem>> -> memref<1x!tpu.dma_semaphore, #tpu.memory_space<semaphore_mem>>
        %dma_start3A_563 = tpu.memref_squeeze %dma_start3A_562 : memref<1x!tpu.dma_semaphore, #tpu.memory_space<semaphore_mem>> -> memref<!tpu.dma_semaphore, #tpu.memory_space<semaphore_mem>>
        %dma_start3A_564 = arith.constant 0 : i32
        %dma_start3A_565 = tpu.memref_slice %arg4[%add3A_557, %dma_start3A_564] : memref<2688x120xi32, #tpu.memory_space<hbm>> -> memref<1x120xi32, #tpu.memory_space<hbm>>
        %dma_start3A_566 = tpu.memref_squeeze %dma_start3A_565 : memref<1x120xi32, #tpu.memory_space<hbm>> -> memref<120xi32, #tpu.memory_space<hbm>>
        tpu.enqueue_dma source(%dma_start3A_566 : memref<120xi32, #tpu.memory_space<hbm>>) target(%arg17 : memref<120xi32, #tpu.memory_space<vmem>>) target_semaphore(%dma_start3A_563 : memref<!tpu.dma_semaphore, #tpu.memory_space<semaphore_mem>>)
        %dma_wait3A_567 = arith.constant 2 : i32
        %dma_wait3A_568 = arith.constant 0 : i32
        %dma_wait3A_569 = arith.constant 0 : i32
        %dma_wait3A_570 = tpu.memref_slice %arg22[%dma_wait3A_568, %dma_wait3A_569] : memref<10112x128xf32, #tpu.memory_space<vmem_shared>> -> memref<10112x128xf32, #tpu.memory_space<vmem_shared>>
        %dma_wait3A_571 = tpu.memref_slice %arg25[%dma_wait3A_567] : memref<3x!tpu.dma_semaphore, #tpu.memory_space<semaphore_mem>> -> memref<1x!tpu.dma_semaphore, #tpu.memory_space<semaphore_mem>>
        %dma_wait3A_572 = tpu.memref_squeeze %dma_wait3A_571 : memref<1x!tpu.dma_semaphore, #tpu.memory_space<semaphore_mem>> -> memref<!tpu.dma_semaphore, #tpu.memory_space<semaphore_mem>>
        tpu.wait_indirect_dma semaphore(%dma_wait3A_572 : memref<!tpu.dma_semaphore, #tpu.memory_space<semaphore_mem>>) src(%arg21 : memref<120x128xf32, #tpu.memory_space<vmem>>) dst(%dma_wait3A_570 : memref<10112x128xf32, #tpu.memory_space<vmem_shared>>)
        %add3A_573 = arith.constant 6 : i32
        %add3A_574 = arith.addi %mul3A_255, %add3A_573 : i32
        %add3A_575 = arith.constant 2 : i32
        %add3A_576 = arith.addi %add3A_574, %add3A_575 : i32
        %add3A_577 = arith.addi %select_n3A, %add3A_576 : i32
        %dma_wait3A_578 = arith.constant 2 : i32
        %dma_wait3A_579 = arith.constant 0 : i32
        %dma_wait3A_580 = tpu.memref_slice %arg3[%add3A_577, %dma_wait3A_579] : memref<2688x120xi32, #tpu.memory_space<hbm>> -> memref<1x120xi32, #tpu.memory_space<hbm>>
        %dma_wait3A_581 = tpu.memref_squeeze %dma_wait3A_580 : memref<1x120xi32, #tpu.memory_space<hbm>> -> memref<120xi32, #tpu.memory_space<hbm>>
        %dma_wait3A_582 = tpu.memref_slice %arg23[%dma_wait3A_578] : memref<6x!tpu.dma_semaphore, #tpu.memory_space<semaphore_mem>> -> memref<1x!tpu.dma_semaphore, #tpu.memory_space<semaphore_mem>>
        %dma_wait3A_583 = tpu.memref_squeeze %dma_wait3A_582 : memref<1x!tpu.dma_semaphore, #tpu.memory_space<semaphore_mem>> -> memref<!tpu.dma_semaphore, #tpu.memory_space<semaphore_mem>>
        %dma_wait3A_584 = arith.constant 0 : i32
        %dma_wait3A_585 = tpu.memref_slice %arg3[%add3A_577, %dma_wait3A_584] : memref<2688x120xi32, #tpu.memory_space<hbm>> -> memref<1x120xi32, #tpu.memory_space<hbm>>
        %dma_wait3A_586 = tpu.memref_squeeze %dma_wait3A_585 : memref<1x120xi32, #tpu.memory_space<hbm>> -> memref<120xi32, #tpu.memory_space<hbm>>
        tpu.wait_dma2 semaphore(%dma_wait3A_583 : memref<!tpu.dma_semaphore, #tpu.memory_space<semaphore_mem>>) src(%dma_wait3A_586 : memref<120xi32, #tpu.memory_space<hbm>>) dst(%arg9 : memref<120xi32, #tpu.memory_space<vmem>>)
        %add3A_587 = arith.addi %select_n3A, %add3A_576 : i32
        %dma_wait3A_588 = arith.constant 2 : i32
        %dma_wait3A_589 = arith.constant 0 : i32
        %dma_wait3A_590 = tpu.memref_slice %arg4[%add3A_587, %dma_wait3A_589] : memref<2688x120xi32, #tpu.memory_space<hbm>> -> memref<1x120xi32, #tpu.memory_space<hbm>>
        %dma_wait3A_591 = tpu.memref_squeeze %dma_wait3A_590 : memref<1x120xi32, #tpu.memory_space<hbm>> -> memref<120xi32, #tpu.memory_space<hbm>>
        %dma_wait3A_592 = tpu.memref_slice %arg23[%dma_wait3A_588] : memref<6x!tpu.dma_semaphore, #tpu.memory_space<semaphore_mem>> -> memref<1x!tpu.dma_semaphore, #tpu.memory_space<semaphore_mem>>
        %dma_wait3A_593 = tpu.memref_squeeze %dma_wait3A_592 : memref<1x!tpu.dma_semaphore, #tpu.memory_space<semaphore_mem>> -> memref<!tpu.dma_semaphore, #tpu.memory_space<semaphore_mem>>
        %dma_wait3A_594 = arith.constant 0 : i32
        %dma_wait3A_595 = tpu.memref_slice %arg4[%add3A_587, %dma_wait3A_594] : memref<2688x120xi32, #tpu.memory_space<hbm>> -> memref<1x120xi32, #tpu.memory_space<hbm>>
        %dma_wait3A_596 = tpu.memref_squeeze %dma_wait3A_595 : memref<1x120xi32, #tpu.memory_space<hbm>> -> memref<120xi32, #tpu.memory_space<hbm>>
        tpu.wait_dma2 semaphore(%dma_wait3A_593 : memref<!tpu.dma_semaphore, #tpu.memory_space<semaphore_mem>>) src(%dma_wait3A_596 : memref<120xi32, #tpu.memory_space<hbm>>) dst(%arg15 : memref<120xi32, #tpu.memory_space<vmem>>)
        %dma_start3A_597 = arith.constant 2 : i32
        %dma_start3A_598 = arith.constant 0 : i32
        %dma_start3A_599 = arith.constant 0 : i32
        %dma_start3A_600 = tpu.memref_slice %arg2[%dma_start3A_598, %dma_start3A_599] : memref<10112x128xf32, #tpu.memory_space<hbm>> -> memref<10112x128xf32, #tpu.memory_space<hbm>>
        %dma_start3A_601 = tpu.memref_slice %arg24[%dma_start3A_597] : memref<3x!tpu.dma_semaphore, #tpu.memory_space<semaphore_mem>> -> memref<1x!tpu.dma_semaphore, #tpu.memory_space<semaphore_mem>>
        %dma_start3A_602 = tpu.memref_squeeze %dma_start3A_601 : memref<1x!tpu.dma_semaphore, #tpu.memory_space<semaphore_mem>> -> memref<!tpu.dma_semaphore, #tpu.memory_space<semaphore_mem>>
        tpu.enqueue_indirect_dma source(%dma_start3A_600 : memref<10112x128xf32, #tpu.memory_space<hbm>>) target(%arg21 : memref<120x128xf32, #tpu.memory_space<vmem>>) offsets(%arg15 : memref<120xi32, #tpu.memory_space<vmem>>) semaphore(%dma_start3A_602 : memref<!tpu.dma_semaphore, #tpu.memory_space<semaphore_mem>>)
        %add3A_603 = arith.constant 9 : i32
        %add3A_604 = arith.addi %mul3A_255, %add3A_603 : i32
        %add3A_605 = arith.constant 2 : i32
        %add3A_606 = arith.addi %add3A_604, %add3A_605 : i32
        %add3A_607 = arith.addi %select_n3A, %add3A_606 : i32
        %dma_start3A_608 = arith.constant 5 : i32
        %dma_start3A_609 = arith.constant 0 : i32
        %dma_start3A_610 = tpu.memref_slice %arg3[%add3A_607, %dma_start3A_609] : memref<2688x120xi32, #tpu.memory_space<hbm>> -> memref<1x120xi32, #tpu.memory_space<hbm>>
        %dma_start3A_611 = tpu.memref_squeeze %dma_start3A_610 : memref<1x120xi32, #tpu.memory_space<hbm>> -> memref<120xi32, #tpu.memory_space<hbm>>
        %dma_start3A_612 = tpu.memref_slice %arg23[%dma_start3A_608] : memref<6x!tpu.dma_semaphore, #tpu.memory_space<semaphore_mem>> -> memref<1x!tpu.dma_semaphore, #tpu.memory_space<semaphore_mem>>
        %dma_start3A_613 = tpu.memref_squeeze %dma_start3A_612 : memref<1x!tpu.dma_semaphore, #tpu.memory_space<semaphore_mem>> -> memref<!tpu.dma_semaphore, #tpu.memory_space<semaphore_mem>>
        %dma_start3A_614 = arith.constant 0 : i32
        %dma_start3A_615 = tpu.memref_slice %arg3[%add3A_607, %dma_start3A_614] : memref<2688x120xi32, #tpu.memory_space<hbm>> -> memref<1x120xi32, #tpu.memory_space<hbm>>
        %dma_start3A_616 = tpu.memref_squeeze %dma_start3A_615 : memref<1x120xi32, #tpu.memory_space<hbm>> -> memref<120xi32, #tpu.memory_space<hbm>>
        tpu.enqueue_dma source(%dma_start3A_616 : memref<120xi32, #tpu.memory_space<hbm>>) target(%arg12 : memref<120xi32, #tpu.memory_space<vmem>>) target_semaphore(%dma_start3A_613 : memref<!tpu.dma_semaphore, #tpu.memory_space<semaphore_mem>>)
        %add3A_617 = arith.addi %select_n3A, %add3A_606 : i32
        %dma_start3A_618 = arith.constant 5 : i32
        %dma_start3A_619 = arith.constant 0 : i32
        %dma_start3A_620 = tpu.memref_slice %arg4[%add3A_617, %dma_start3A_619] : memref<2688x120xi32, #tpu.memory_space<hbm>> -> memref<1x120xi32, #tpu.memory_space<hbm>>
        %dma_start3A_621 = tpu.memref_squeeze %dma_start3A_620 : memref<1x120xi32, #tpu.memory_space<hbm>> -> memref<120xi32, #tpu.memory_space<hbm>>
        %dma_start3A_622 = tpu.memref_slice %arg23[%dma_start3A_618] : memref<6x!tpu.dma_semaphore, #tpu.memory_space<semaphore_mem>> -> memref<1x!tpu.dma_semaphore, #tpu.memory_space<semaphore_mem>>
        %dma_start3A_623 = tpu.memref_squeeze %dma_start3A_622 : memref<1x!tpu.dma_semaphore, #tpu.memory_space<semaphore_mem>> -> memref<!tpu.dma_semaphore, #tpu.memory_space<semaphore_mem>>
        %dma_start3A_624 = arith.constant 0 : i32
        %dma_start3A_625 = tpu.memref_slice %arg4[%add3A_617, %dma_start3A_624] : memref<2688x120xi32, #tpu.memory_space<hbm>> -> memref<1x120xi32, #tpu.memory_space<hbm>>
        %dma_start3A_626 = tpu.memref_squeeze %dma_start3A_625 : memref<1x120xi32, #tpu.memory_space<hbm>> -> memref<120xi32, #tpu.memory_space<hbm>>
        tpu.enqueue_dma source(%dma_start3A_626 : memref<120xi32, #tpu.memory_space<hbm>>) target(%arg18 : memref<120xi32, #tpu.memory_space<vmem>>) target_semaphore(%dma_start3A_623 : memref<!tpu.dma_semaphore, #tpu.memory_space<semaphore_mem>>)
      } else {
      }
    }
    %scan3A_229 = arith.constant 14 : i32
    %dma_wait3A_230 = arith.constant 0 : i32
    %dma_wait3A_231 = arith.constant 0 : i32
    %dma_wait3A_232 = arith.constant 0 : i32
    %dma_wait3A_233 = tpu.memref_slice %arg22[%dma_wait3A_231, %dma_wait3A_232] : memref<10112x128xf32, #tpu.memory_space<vmem_shared>> -> memref<10112x128xf32, #tpu.memory_space<vmem_shared>>
    %dma_wait3A_234 = tpu.memref_slice %arg25[%dma_wait3A_230] : memref<3x!tpu.dma_semaphore, #tpu.memory_space<semaphore_mem>> -> memref<1x!tpu.dma_semaphore, #tpu.memory_space<semaphore_mem>>
    %dma_wait3A_235 = tpu.memref_squeeze %dma_wait3A_234 : memref<1x!tpu.dma_semaphore, #tpu.memory_space<semaphore_mem>> -> memref<!tpu.dma_semaphore, #tpu.memory_space<semaphore_mem>>
    tpu.wait_indirect_dma semaphore(%dma_wait3A_235 : memref<!tpu.dma_semaphore, #tpu.memory_space<semaphore_mem>>) src(%arg19 : memref<120x128xf32, #tpu.memory_space<vmem>>) dst(%dma_wait3A_233 : memref<10112x128xf32, #tpu.memory_space<vmem_shared>>)
    %dma_wait3A_236 = arith.constant 1 : i32
    %dma_wait3A_237 = arith.constant 0 : i32
    %dma_wait3A_238 = arith.constant 0 : i32
    %dma_wait3A_239 = tpu.memref_slice %arg22[%dma_wait3A_237, %dma_wait3A_238] : memref<10112x128xf32, #tpu.memory_space<vmem_shared>> -> memref<10112x128xf32, #tpu.memory_space<vmem_shared>>
    %dma_wait3A_240 = tpu.memref_slice %arg25[%dma_wait3A_236] : memref<3x!tpu.dma_semaphore, #tpu.memory_space<semaphore_mem>> -> memref<1x!tpu.dma_semaphore, #tpu.memory_space<semaphore_mem>>
    %dma_wait3A_241 = tpu.memref_squeeze %dma_wait3A_240 : memref<1x!tpu.dma_semaphore, #tpu.memory_space<semaphore_mem>> -> memref<!tpu.dma_semaphore, #tpu.memory_space<semaphore_mem>>
    tpu.wait_indirect_dma semaphore(%dma_wait3A_241 : memref<!tpu.dma_semaphore, #tpu.memory_space<semaphore_mem>>) src(%arg20 : memref<120x128xf32, #tpu.memory_space<vmem>>) dst(%dma_wait3A_239 : memref<10112x128xf32, #tpu.memory_space<vmem_shared>>)
    %dma_wait3A_242 = arith.constant 2 : i32
    %dma_wait3A_243 = arith.constant 0 : i32
    %dma_wait3A_244 = arith.constant 0 : i32
    %dma_wait3A_245 = tpu.memref_slice %arg22[%dma_wait3A_243, %dma_wait3A_244] : memref<10112x128xf32, #tpu.memory_space<vmem_shared>> -> memref<10112x128xf32, #tpu.memory_space<vmem_shared>>
    %dma_wait3A_246 = tpu.memref_slice %arg25[%dma_wait3A_242] : memref<3x!tpu.dma_semaphore, #tpu.memory_space<semaphore_mem>> -> memref<1x!tpu.dma_semaphore, #tpu.memory_space<semaphore_mem>>
    %dma_wait3A_247 = tpu.memref_squeeze %dma_wait3A_246 : memref<1x!tpu.dma_semaphore, #tpu.memory_space<semaphore_mem>> -> memref<!tpu.dma_semaphore, #tpu.memory_space<semaphore_mem>>
    tpu.wait_indirect_dma semaphore(%dma_wait3A_247 : memref<!tpu.dma_semaphore, #tpu.memory_space<semaphore_mem>>) src(%arg21 : memref<120x128xf32, #tpu.memory_space<vmem>>) dst(%dma_wait3A_245 : memref<10112x128xf32, #tpu.memory_space<vmem_shared>>)
    %barrier3A_248 = arith.constant 0 : index
    tpu.barrier barrier_id(%barrier3A_248)
    %mul3A_249 = arith.constant 632 : i32
    %mul3A_250 = arith.muli %arg1, %mul3A_249 : i32
    %mul3A_251 = arith.constant 632 : i32
    %mul3A_252 = arith.muli %arg1, %mul3A_251 : i32
    "tpu.region"() ({
      %run_scoped3A = tpu.sem_alloc : memref<!tpu.dma_semaphore, #tpu.memory_space<semaphore_mem>>
      %dma_start3A_253 = arith.constant 0 : i32
      %dma_start3A_254 = tpu.memref_slice %arg6[%arg0, %mul3A_252, %dma_start3A_253] : memref<2x10112x128xf32, #tpu.memory_space<hbm>> -> memref<1x632x128xf32, #tpu.memory_space<hbm>>
      %dma_start3A_255 = tpu.memref_squeeze %dma_start3A_254 : memref<1x632x128xf32, #tpu.memory_space<hbm>> -> memref<632x128xf32, #tpu.memory_space<hbm>>
      %dma_start3A_256 = arith.constant 0 : i32
      %dma_start3A_257 = tpu.memref_slice %arg22[%mul3A_250, %dma_start3A_256] : memref<10112x128xf32, #tpu.memory_space<vmem_shared>> -> memref<632x128xf32, #tpu.memory_space<vmem_shared>>
      tpu.enqueue_dma source(%dma_start3A_257 : memref<632x128xf32, #tpu.memory_space<vmem_shared>>) target(%dma_start3A_255 : memref<632x128xf32, #tpu.memory_space<hbm>>) target_semaphore(%run_scoped3A : memref<!tpu.dma_semaphore, #tpu.memory_space<semaphore_mem>>)
      %dma_wait3A_258 = arith.constant 0 : i32
      %dma_wait3A_259 = tpu.memref_slice %arg6[%arg0, %mul3A_252, %dma_wait3A_258] : memref<2x10112x128xf32, #tpu.memory_space<hbm>> -> memref<1x632x128xf32, #tpu.memory_space<hbm>>
      %dma_wait3A_260 = tpu.memref_squeeze %dma_wait3A_259 : memref<1x632x128xf32, #tpu.memory_space<hbm>> -> memref<632x128xf32, #tpu.memory_space<hbm>>
      %dma_wait3A_261 = arith.constant 0 : i32
      %dma_wait3A_262 = tpu.memref_slice %arg22[%mul3A_250, %dma_wait3A_261] : memref<10112x128xf32, #tpu.memory_space<vmem_shared>> -> memref<632x128xf32, #tpu.memory_space<vmem_shared>>
      tpu.wait_dma2 semaphore(%run_scoped3A : memref<!tpu.dma_semaphore, #tpu.memory_space<semaphore_mem>>) src(%dma_wait3A_262 : memref<632x128xf32, #tpu.memory_space<vmem_shared>>) dst(%dma_wait3A_260 : memref<632x128xf32, #tpu.memory_space<hbm>>)
      tpu.yield
    }) : () -> ()
    return
  }
}

#map = affine_map<(d0, d1) -> (0, 0)>
#map1 = affine_map<(d0, d1) -> (0, 0, 0)>
module attributes {stable_mosaic.version = 14 : i64} {
  func.func @_agg_kernel(%arg0: i32, %arg1: i32, %arg2: memref<10112x128xf32, #tpu.memory_space<hbm>>, %arg3: memref<2688x120xi32, #tpu.memory_space<hbm>>, %arg4: memref<2688x120xi32, #tpu.memory_space<hbm>>, %arg5: memref<632x128xf32, #tpu.memory_space<hbm>>, %arg6: memref<2x10112x128xf32, #tpu.memory_space<hbm>>, %arg7: memref<120xi32, #tpu.memory_space<vmem>>, %arg8: memref<120xi32, #tpu.memory_space<vmem>>, %arg9: memref<120xi32, #tpu.memory_space<vmem>>, %arg10: memref<120xi32, #tpu.memory_space<vmem>>, %arg11: memref<120xi32, #tpu.memory_space<vmem>>, %arg12: memref<120xi32, #tpu.memory_space<vmem>>, %arg13: memref<120xi32, #tpu.memory_space<vmem>>, %arg14: memref<120xi32, #tpu.memory_space<vmem>>, %arg15: memref<120xi32, #tpu.memory_space<vmem>>, %arg16: memref<120xi32, #tpu.memory_space<vmem>>, %arg17: memref<120xi32, #tpu.memory_space<vmem>>, %arg18: memref<120xi32, #tpu.memory_space<vmem>>, %arg19: memref<120x128xf32, #tpu.memory_space<vmem>>, %arg20: memref<120x128xf32, #tpu.memory_space<vmem>>, %arg21: memref<120x128xf32, #tpu.memory_space<vmem>>, %arg22: memref<10112x128xf32, #tpu.memory_space<vmem_shared>>, %arg23: memref<6x!tpu.dma_semaphore, #tpu.memory_space<semaphore_mem>>, %arg24: memref<3x!tpu.dma_semaphore, #tpu.memory_space<semaphore_mem>>, %arg25: memref<3x!tpu.dma_semaphore, #tpu.memory_space<semaphore_mem>>) attributes {dimension_semantics = [#tpu.dimension_semantics<core_parallel>, #tpu.dimension_semantics<subcore_parallel>], iteration_bounds = array<i64: 2, 16>, scalar_prefetch = 0 : i64, scratch_operands = 19 : i64, tpu.core_type = #tpu.core_type<sc_vector_subcore>, window_params = [{transform_indices = #map}, {transform_indices = #map}, {transform_indices = #map}, {transform_indices = #map}, {transform_indices = #map1}]} {
    %eq3A = arith.constant 0 : i32
    %eq3A_0 = arith.cmpi eq, %arg0, %eq3A : i32
    %mul3A = arith.constant 84 : i32
    %mul3A_1 = arith.muli %arg1, %mul3A : i32
    %mul3A_2 = arith.constant 84 : i32
    %mul3A_3 = arith.muli %arg1, %mul3A_2 : i32
    %add3A = arith.constant 1344 : i32
    %add3A_4 = arith.addi %add3A, %mul3A_3 : i32
    %select_n3A = arith.select %eq3A_0, %mul3A_1, %add3A_4 : i32
    %eq3A_5 = arith.constant 0 : i32
    %eq3A_6 = arith.cmpi eq, %arg0, %eq3A_5 : i32
    %jit3A = arith.constant 21 : i32
    %jit3A_7 = arith.constant 21 : i32
    %select_n3A_8 = arith.select %eq3A_6, %jit3A, %jit3A_7 : i32
    %mul3A_9 = arith.constant 632 : i32
    %mul3A_10 = arith.muli %arg1, %mul3A_9 : i32
    "tpu.region"() ({
      %run_scoped3A = tpu.sem_alloc : memref<!tpu.dma_semaphore, #tpu.memory_space<semaphore_mem>>
      %dma_start3A_253 = arith.constant 0 : i32
      %dma_start3A_254 = tpu.memref_slice %arg22[%mul3A_10, %dma_start3A_253] : memref<10112x128xf32, #tpu.memory_space<vmem_shared>> -> memref<632x128xf32, #tpu.memory_space<vmem_shared>>
      tpu.enqueue_dma source(%arg5 : memref<632x128xf32, #tpu.memory_space<hbm>>) target(%dma_start3A_254 : memref<632x128xf32, #tpu.memory_space<vmem_shared>>) target_semaphore(%run_scoped3A : memref<!tpu.dma_semaphore, #tpu.memory_space<semaphore_mem>>)
      %dma_wait3A_255 = arith.constant 0 : i32
      %dma_wait3A_256 = tpu.memref_slice %arg22[%mul3A_10, %dma_wait3A_255] : memref<10112x128xf32, #tpu.memory_space<vmem_shared>> -> memref<632x128xf32, #tpu.memory_space<vmem_shared>>
      tpu.wait_dma2 semaphore(%run_scoped3A : memref<!tpu.dma_semaphore, #tpu.memory_space<semaphore_mem>>) src(%arg5 : memref<632x128xf32, #tpu.memory_space<hbm>>) dst(%dma_wait3A_256 : memref<632x128xf32, #tpu.memory_space<vmem_shared>>)
      tpu.yield
    }) : () -> ()
    %barrier3A = arith.constant 0 : index
    tpu.barrier barrier_id(%barrier3A)
    %add3A_11 = arith.constant 0 : i32
    %add3A_12 = arith.addi %select_n3A, %add3A_11 : i32
    %dma_start3A = arith.constant 0 : i32
    %dma_start3A_13 = arith.constant 0 : i32
    %dma_start3A_14 = tpu.memref_slice %arg3[%add3A_12, %dma_start3A_13] : memref<2688x120xi32, #tpu.memory_space<hbm>> -> memref<1x120xi32, #tpu.memory_space<hbm>>
    %dma_start3A_15 = tpu.memref_squeeze %dma_start3A_14 : memref<1x120xi32, #tpu.memory_space<hbm>> -> memref<120xi32, #tpu.memory_space<hbm>>
    %dma_start3A_16 = tpu.memref_slice %arg23[%dma_start3A] : memref<6x!tpu.dma_semaphore, #tpu.memory_space<semaphore_mem>> -> memref<1x!tpu.dma_semaphore, #tpu.memory_space<semaphore_mem>>
    %dma_start3A_17 = tpu.memref_squeeze %dma_start3A_16 : memref<1x!tpu.dma_semaphore, #tpu.memory_space<semaphore_mem>> -> memref<!tpu.dma_semaphore, #tpu.memory_space<semaphore_mem>>
    %dma_start3A_18 = arith.constant 0 : i32
    %dma_start3A_19 = tpu.memref_slice %arg3[%add3A_12, %dma_start3A_18] : memref<2688x120xi32, #tpu.memory_space<hbm>> -> memref<1x120xi32, #tpu.memory_space<hbm>>
    %dma_start3A_20 = tpu.memref_squeeze %dma_start3A_19 : memref<1x120xi32, #tpu.memory_space<hbm>> -> memref<120xi32, #tpu.memory_space<hbm>>
    tpu.enqueue_dma source(%dma_start3A_20 : memref<120xi32, #tpu.memory_space<hbm>>) target(%arg7 : memref<120xi32, #tpu.memory_space<vmem>>) target_semaphore(%dma_start3A_17 : memref<!tpu.dma_semaphore, #tpu.memory_space<semaphore_mem>>)
    %add3A_21 = arith.constant 0 : i32
    %add3A_22 = arith.addi %select_n3A, %add3A_21 : i32
    %dma_start3A_23 = arith.constant 0 : i32
    %dma_start3A_24 = arith.constant 0 : i32
    %dma_start3A_25 = tpu.memref_slice %arg4[%add3A_22, %dma_start3A_24] : memref<2688x120xi32, #tpu.memory_space<hbm>> -> memref<1x120xi32, #tpu.memory_space<hbm>>
    %dma_start3A_26 = tpu.memref_squeeze %dma_start3A_25 : memref<1x120xi32, #tpu.memory_space<hbm>> -> memref<120xi32, #tpu.memory_space<hbm>>
    %dma_start3A_27 = tpu.memref_slice %arg23[%dma_start3A_23] : memref<6x!tpu.dma_semaphore, #tpu.memory_space<semaphore_mem>> -> memref<1x!tpu.dma_semaphore, #tpu.memory_space<semaphore_mem>>
    %dma_start3A_28 = tpu.memref_squeeze %dma_start3A_27 : memref<1x!tpu.dma_semaphore, #tpu.memory_space<semaphore_mem>> -> memref<!tpu.dma_semaphore, #tpu.memory_space<semaphore_mem>>
    %dma_start3A_29 = arith.constant 0 : i32
    %dma_start3A_30 = tpu.memref_slice %arg4[%add3A_22, %dma_start3A_29] : memref<2688x120xi32, #tpu.memory_space<hbm>> -> memref<1x120xi32, #tpu.memory_space<hbm>>
    %dma_start3A_31 = tpu.memref_squeeze %dma_start3A_30 : memref<1x120xi32, #tpu.memory_space<hbm>> -> memref<120xi32, #tpu.memory_space<hbm>>
    tpu.enqueue_dma source(%dma_start3A_31 : memref<120xi32, #tpu.memory_space<hbm>>) target(%arg13 : memref<120xi32, #tpu.memory_space<vmem>>) target_semaphore(%dma_start3A_28 : memref<!tpu.dma_semaphore, #tpu.memory_space<semaphore_mem>>)
    %add3A_32 = arith.constant 1 : i32
    %add3A_33 = arith.addi %select_n3A, %add3A_32 : i32
    %dma_start3A_34 = arith.constant 1 : i32
    %dma_start3A_35 = arith.constant 0 : i32
    %dma_start3A_36 = tpu.memref_slice %arg3[%add3A_33, %dma_start3A_35] : memref<2688x120xi32, #tpu.memory_space<hbm>> -> memref<1x120xi32, #tpu.memory_space<hbm>>
    %dma_start3A_37 = tpu.memref_squeeze %dma_start3A_36 : memref<1x120xi32, #tpu.memory_space<hbm>> -> memref<120xi32, #tpu.memory_space<hbm>>
    %dma_start3A_38 = tpu.memref_slice %arg23[%dma_start3A_34] : memref<6x!tpu.dma_semaphore, #tpu.memory_space<semaphore_mem>> -> memref<1x!tpu.dma_semaphore, #tpu.memory_space<semaphore_mem>>
    %dma_start3A_39 = tpu.memref_squeeze %dma_start3A_38 : memref<1x!tpu.dma_semaphore, #tpu.memory_space<semaphore_mem>> -> memref<!tpu.dma_semaphore, #tpu.memory_space<semaphore_mem>>
    %dma_start3A_40 = arith.constant 0 : i32
    %dma_start3A_41 = tpu.memref_slice %arg3[%add3A_33, %dma_start3A_40] : memref<2688x120xi32, #tpu.memory_space<hbm>> -> memref<1x120xi32, #tpu.memory_space<hbm>>
    %dma_start3A_42 = tpu.memref_squeeze %dma_start3A_41 : memref<1x120xi32, #tpu.memory_space<hbm>> -> memref<120xi32, #tpu.memory_space<hbm>>
    tpu.enqueue_dma source(%dma_start3A_42 : memref<120xi32, #tpu.memory_space<hbm>>) target(%arg8 : memref<120xi32, #tpu.memory_space<vmem>>) target_semaphore(%dma_start3A_39 : memref<!tpu.dma_semaphore, #tpu.memory_space<semaphore_mem>>)
    %add3A_43 = arith.constant 1 : i32
    %add3A_44 = arith.addi %select_n3A, %add3A_43 : i32
    %dma_start3A_45 = arith.constant 1 : i32
    %dma_start3A_46 = arith.constant 0 : i32
    %dma_start3A_47 = tpu.memref_slice %arg4[%add3A_44, %dma_start3A_46] : memref<2688x120xi32, #tpu.memory_space<hbm>> -> memref<1x120xi32, #tpu.memory_space<hbm>>
    %dma_start3A_48 = tpu.memref_squeeze %dma_start3A_47 : memref<1x120xi32, #tpu.memory_space<hbm>> -> memref<120xi32, #tpu.memory_space<hbm>>
    %dma_start3A_49 = tpu.memref_slice %arg23[%dma_start3A_45] : memref<6x!tpu.dma_semaphore, #tpu.memory_space<semaphore_mem>> -> memref<1x!tpu.dma_semaphore, #tpu.memory_space<semaphore_mem>>
    %dma_start3A_50 = tpu.memref_squeeze %dma_start3A_49 : memref<1x!tpu.dma_semaphore, #tpu.memory_space<semaphore_mem>> -> memref<!tpu.dma_semaphore, #tpu.memory_space<semaphore_mem>>
    %dma_start3A_51 = arith.constant 0 : i32
    %dma_start3A_52 = tpu.memref_slice %arg4[%add3A_44, %dma_start3A_51] : memref<2688x120xi32, #tpu.memory_space<hbm>> -> memref<1x120xi32, #tpu.memory_space<hbm>>
    %dma_start3A_53 = tpu.memref_squeeze %dma_start3A_52 : memref<1x120xi32, #tpu.memory_space<hbm>> -> memref<120xi32, #tpu.memory_space<hbm>>
    tpu.enqueue_dma source(%dma_start3A_53 : memref<120xi32, #tpu.memory_space<hbm>>) target(%arg14 : memref<120xi32, #tpu.memory_space<vmem>>) target_semaphore(%dma_start3A_50 : memref<!tpu.dma_semaphore, #tpu.memory_space<semaphore_mem>>)
    %add3A_54 = arith.constant 2 : i32
    %add3A_55 = arith.addi %select_n3A, %add3A_54 : i32
    %dma_start3A_56 = arith.constant 2 : i32
    %dma_start3A_57 = arith.constant 0 : i32
    %dma_start3A_58 = tpu.memref_slice %arg3[%add3A_55, %dma_start3A_57] : memref<2688x120xi32, #tpu.memory_space<hbm>> -> memref<1x120xi32, #tpu.memory_space<hbm>>
    %dma_start3A_59 = tpu.memref_squeeze %dma_start3A_58 : memref<1x120xi32, #tpu.memory_space<hbm>> -> memref<120xi32, #tpu.memory_space<hbm>>
    %dma_start3A_60 = tpu.memref_slice %arg23[%dma_start3A_56] : memref<6x!tpu.dma_semaphore, #tpu.memory_space<semaphore_mem>> -> memref<1x!tpu.dma_semaphore, #tpu.memory_space<semaphore_mem>>
    %dma_start3A_61 = tpu.memref_squeeze %dma_start3A_60 : memref<1x!tpu.dma_semaphore, #tpu.memory_space<semaphore_mem>> -> memref<!tpu.dma_semaphore, #tpu.memory_space<semaphore_mem>>
    %dma_start3A_62 = arith.constant 0 : i32
    %dma_start3A_63 = tpu.memref_slice %arg3[%add3A_55, %dma_start3A_62] : memref<2688x120xi32, #tpu.memory_space<hbm>> -> memref<1x120xi32, #tpu.memory_space<hbm>>
    %dma_start3A_64 = tpu.memref_squeeze %dma_start3A_63 : memref<1x120xi32, #tpu.memory_space<hbm>> -> memref<120xi32, #tpu.memory_space<hbm>>
    tpu.enqueue_dma source(%dma_start3A_64 : memref<120xi32, #tpu.memory_space<hbm>>) target(%arg9 : memref<120xi32, #tpu.memory_space<vmem>>) target_semaphore(%dma_start3A_61 : memref<!tpu.dma_semaphore, #tpu.memory_space<semaphore_mem>>)
    %add3A_65 = arith.constant 2 : i32
    %add3A_66 = arith.addi %select_n3A, %add3A_65 : i32
    %dma_start3A_67 = arith.constant 2 : i32
    %dma_start3A_68 = arith.constant 0 : i32
    %dma_start3A_69 = tpu.memref_slice %arg4[%add3A_66, %dma_start3A_68] : memref<2688x120xi32, #tpu.memory_space<hbm>> -> memref<1x120xi32, #tpu.memory_space<hbm>>
    %dma_start3A_70 = tpu.memref_squeeze %dma_start3A_69 : memref<1x120xi32, #tpu.memory_space<hbm>> -> memref<120xi32, #tpu.memory_space<hbm>>
    %dma_start3A_71 = tpu.memref_slice %arg23[%dma_start3A_67] : memref<6x!tpu.dma_semaphore, #tpu.memory_space<semaphore_mem>> -> memref<1x!tpu.dma_semaphore, #tpu.memory_space<semaphore_mem>>
    %dma_start3A_72 = tpu.memref_squeeze %dma_start3A_71 : memref<1x!tpu.dma_semaphore, #tpu.memory_space<semaphore_mem>> -> memref<!tpu.dma_semaphore, #tpu.memory_space<semaphore_mem>>
    %dma_start3A_73 = arith.constant 0 : i32
    %dma_start3A_74 = tpu.memref_slice %arg4[%add3A_66, %dma_start3A_73] : memref<2688x120xi32, #tpu.memory_space<hbm>> -> memref<1x120xi32, #tpu.memory_space<hbm>>
    %dma_start3A_75 = tpu.memref_squeeze %dma_start3A_74 : memref<1x120xi32, #tpu.memory_space<hbm>> -> memref<120xi32, #tpu.memory_space<hbm>>
    tpu.enqueue_dma source(%dma_start3A_75 : memref<120xi32, #tpu.memory_space<hbm>>) target(%arg15 : memref<120xi32, #tpu.memory_space<vmem>>) target_semaphore(%dma_start3A_72 : memref<!tpu.dma_semaphore, #tpu.memory_space<semaphore_mem>>)
    %add3A_76 = arith.constant 3 : i32
    %add3A_77 = arith.addi %select_n3A, %add3A_76 : i32
    %dma_start3A_78 = arith.constant 3 : i32
    %dma_start3A_79 = arith.constant 0 : i32
    %dma_start3A_80 = tpu.memref_slice %arg3[%add3A_77, %dma_start3A_79] : memref<2688x120xi32, #tpu.memory_space<hbm>> -> memref<1x120xi32, #tpu.memory_space<hbm>>
    %dma_start3A_81 = tpu.memref_squeeze %dma_start3A_80 : memref<1x120xi32, #tpu.memory_space<hbm>> -> memref<120xi32, #tpu.memory_space<hbm>>
    %dma_start3A_82 = tpu.memref_slice %arg23[%dma_start3A_78] : memref<6x!tpu.dma_semaphore, #tpu.memory_space<semaphore_mem>> -> memref<1x!tpu.dma_semaphore, #tpu.memory_space<semaphore_mem>>
    %dma_start3A_83 = tpu.memref_squeeze %dma_start3A_82 : memref<1x!tpu.dma_semaphore, #tpu.memory_space<semaphore_mem>> -> memref<!tpu.dma_semaphore, #tpu.memory_space<semaphore_mem>>
    %dma_start3A_84 = arith.constant 0 : i32
    %dma_start3A_85 = tpu.memref_slice %arg3[%add3A_77, %dma_start3A_84] : memref<2688x120xi32, #tpu.memory_space<hbm>> -> memref<1x120xi32, #tpu.memory_space<hbm>>
    %dma_start3A_86 = tpu.memref_squeeze %dma_start3A_85 : memref<1x120xi32, #tpu.memory_space<hbm>> -> memref<120xi32, #tpu.memory_space<hbm>>
    tpu.enqueue_dma source(%dma_start3A_86 : memref<120xi32, #tpu.memory_space<hbm>>) target(%arg10 : memref<120xi32, #tpu.memory_space<vmem>>) target_semaphore(%dma_start3A_83 : memref<!tpu.dma_semaphore, #tpu.memory_space<semaphore_mem>>)
    %add3A_87 = arith.constant 3 : i32
    %add3A_88 = arith.addi %select_n3A, %add3A_87 : i32
    %dma_start3A_89 = arith.constant 3 : i32
    %dma_start3A_90 = arith.constant 0 : i32
    %dma_start3A_91 = tpu.memref_slice %arg4[%add3A_88, %dma_start3A_90] : memref<2688x120xi32, #tpu.memory_space<hbm>> -> memref<1x120xi32, #tpu.memory_space<hbm>>
    %dma_start3A_92 = tpu.memref_squeeze %dma_start3A_91 : memref<1x120xi32, #tpu.memory_space<hbm>> -> memref<120xi32, #tpu.memory_space<hbm>>
    %dma_start3A_93 = tpu.memref_slice %arg23[%dma_start3A_89] : memref<6x!tpu.dma_semaphore, #tpu.memory_space<semaphore_mem>> -> memref<1x!tpu.dma_semaphore, #tpu.memory_space<semaphore_mem>>
    %dma_start3A_94 = tpu.memref_squeeze %dma_start3A_93 : memref<1x!tpu.dma_semaphore, #tpu.memory_space<semaphore_mem>> -> memref<!tpu.dma_semaphore, #tpu.memory_space<semaphore_mem>>
    %dma_start3A_95 = arith.constant 0 : i32
    %dma_start3A_96 = tpu.memref_slice %arg4[%add3A_88, %dma_start3A_95] : memref<2688x120xi32, #tpu.memory_space<hbm>> -> memref<1x120xi32, #tpu.memory_space<hbm>>
    %dma_start3A_97 = tpu.memref_squeeze %dma_start3A_96 : memref<1x120xi32, #tpu.memory_space<hbm>> -> memref<120xi32, #tpu.memory_space<hbm>>
    tpu.enqueue_dma source(%dma_start3A_97 : memref<120xi32, #tpu.memory_space<hbm>>) target(%arg16 : memref<120xi32, #tpu.memory_space<vmem>>) target_semaphore(%dma_start3A_94 : memref<!tpu.dma_semaphore, #tpu.memory_space<semaphore_mem>>)
    %add3A_98 = arith.constant 4 : i32
    %add3A_99 = arith.addi %select_n3A, %add3A_98 : i32
    %dma_start3A_100 = arith.constant 4 : i32
    %dma_start3A_101 = arith.constant 0 : i32
    %dma_start3A_102 = tpu.memref_slice %arg3[%add3A_99, %dma_start3A_101] : memref<2688x120xi32, #tpu.memory_space<hbm>> -> memref<1x120xi32, #tpu.memory_space<hbm>>
    %dma_start3A_103 = tpu.memref_squeeze %dma_start3A_102 : memref<1x120xi32, #tpu.memory_space<hbm>> -> memref<120xi32, #tpu.memory_space<hbm>>
    %dma_start3A_104 = tpu.memref_slice %arg23[%dma_start3A_100] : memref<6x!tpu.dma_semaphore, #tpu.memory_space<semaphore_mem>> -> memref<1x!tpu.dma_semaphore, #tpu.memory_space<semaphore_mem>>
    %dma_start3A_105 = tpu.memref_squeeze %dma_start3A_104 : memref<1x!tpu.dma_semaphore, #tpu.memory_space<semaphore_mem>> -> memref<!tpu.dma_semaphore, #tpu.memory_space<semaphore_mem>>
    %dma_start3A_106 = arith.constant 0 : i32
    %dma_start3A_107 = tpu.memref_slice %arg3[%add3A_99, %dma_start3A_106] : memref<2688x120xi32, #tpu.memory_space<hbm>> -> memref<1x120xi32, #tpu.memory_space<hbm>>
    %dma_start3A_108 = tpu.memref_squeeze %dma_start3A_107 : memref<1x120xi32, #tpu.memory_space<hbm>> -> memref<120xi32, #tpu.memory_space<hbm>>
    tpu.enqueue_dma source(%dma_start3A_108 : memref<120xi32, #tpu.memory_space<hbm>>) target(%arg11 : memref<120xi32, #tpu.memory_space<vmem>>) target_semaphore(%dma_start3A_105 : memref<!tpu.dma_semaphore, #tpu.memory_space<semaphore_mem>>)
    %add3A_109 = arith.constant 4 : i32
    %add3A_110 = arith.addi %select_n3A, %add3A_109 : i32
    %dma_start3A_111 = arith.constant 4 : i32
    %dma_start3A_112 = arith.constant 0 : i32
    %dma_start3A_113 = tpu.memref_slice %arg4[%add3A_110, %dma_start3A_112] : memref<2688x120xi32, #tpu.memory_space<hbm>> -> memref<1x120xi32, #tpu.memory_space<hbm>>
    %dma_start3A_114 = tpu.memref_squeeze %dma_start3A_113 : memref<1x120xi32, #tpu.memory_space<hbm>> -> memref<120xi32, #tpu.memory_space<hbm>>
    %dma_start3A_115 = tpu.memref_slice %arg23[%dma_start3A_111] : memref<6x!tpu.dma_semaphore, #tpu.memory_space<semaphore_mem>> -> memref<1x!tpu.dma_semaphore, #tpu.memory_space<semaphore_mem>>
    %dma_start3A_116 = tpu.memref_squeeze %dma_start3A_115 : memref<1x!tpu.dma_semaphore, #tpu.memory_space<semaphore_mem>> -> memref<!tpu.dma_semaphore, #tpu.memory_space<semaphore_mem>>
    %dma_start3A_117 = arith.constant 0 : i32
    %dma_start3A_118 = tpu.memref_slice %arg4[%add3A_110, %dma_start3A_117] : memref<2688x120xi32, #tpu.memory_space<hbm>> -> memref<1x120xi32, #tpu.memory_space<hbm>>
    %dma_start3A_119 = tpu.memref_squeeze %dma_start3A_118 : memref<1x120xi32, #tpu.memory_space<hbm>> -> memref<120xi32, #tpu.memory_space<hbm>>
    tpu.enqueue_dma source(%dma_start3A_119 : memref<120xi32, #tpu.memory_space<hbm>>) target(%arg17 : memref<120xi32, #tpu.memory_space<vmem>>) target_semaphore(%dma_start3A_116 : memref<!tpu.dma_semaphore, #tpu.memory_space<semaphore_mem>>)
    %add3A_120 = arith.constant 5 : i32
    %add3A_121 = arith.addi %select_n3A, %add3A_120 : i32
    %dma_start3A_122 = arith.constant 5 : i32
    %dma_start3A_123 = arith.constant 0 : i32
    %dma_start3A_124 = tpu.memref_slice %arg3[%add3A_121, %dma_start3A_123] : memref<2688x120xi32, #tpu.memory_space<hbm>> -> memref<1x120xi32, #tpu.memory_space<hbm>>
    %dma_start3A_125 = tpu.memref_squeeze %dma_start3A_124 : memref<1x120xi32, #tpu.memory_space<hbm>> -> memref<120xi32, #tpu.memory_space<hbm>>
    %dma_start3A_126 = tpu.memref_slice %arg23[%dma_start3A_122] : memref<6x!tpu.dma_semaphore, #tpu.memory_space<semaphore_mem>> -> memref<1x!tpu.dma_semaphore, #tpu.memory_space<semaphore_mem>>
    %dma_start3A_127 = tpu.memref_squeeze %dma_start3A_126 : memref<1x!tpu.dma_semaphore, #tpu.memory_space<semaphore_mem>> -> memref<!tpu.dma_semaphore, #tpu.memory_space<semaphore_mem>>
    %dma_start3A_128 = arith.constant 0 : i32
    %dma_start3A_129 = tpu.memref_slice %arg3[%add3A_121, %dma_start3A_128] : memref<2688x120xi32, #tpu.memory_space<hbm>> -> memref<1x120xi32, #tpu.memory_space<hbm>>
    %dma_start3A_130 = tpu.memref_squeeze %dma_start3A_129 : memref<1x120xi32, #tpu.memory_space<hbm>> -> memref<120xi32, #tpu.memory_space<hbm>>
    tpu.enqueue_dma source(%dma_start3A_130 : memref<120xi32, #tpu.memory_space<hbm>>) target(%arg12 : memref<120xi32, #tpu.memory_space<vmem>>) target_semaphore(%dma_start3A_127 : memref<!tpu.dma_semaphore, #tpu.memory_space<semaphore_mem>>)
    %add3A_131 = arith.constant 5 : i32
    %add3A_132 = arith.addi %select_n3A, %add3A_131 : i32
    %dma_start3A_133 = arith.constant 5 : i32
    %dma_start3A_134 = arith.constant 0 : i32
    %dma_start3A_135 = tpu.memref_slice %arg4[%add3A_132, %dma_start3A_134] : memref<2688x120xi32, #tpu.memory_space<hbm>> -> memref<1x120xi32, #tpu.memory_space<hbm>>
    %dma_start3A_136 = tpu.memref_squeeze %dma_start3A_135 : memref<1x120xi32, #tpu.memory_space<hbm>> -> memref<120xi32, #tpu.memory_space<hbm>>
    %dma_start3A_137 = tpu.memref_slice %arg23[%dma_start3A_133] : memref<6x!tpu.dma_semaphore, #tpu.memory_space<semaphore_mem>> -> memref<1x!tpu.dma_semaphore, #tpu.memory_space<semaphore_mem>>
    %dma_start3A_138 = tpu.memref_squeeze %dma_start3A_137 : memref<1x!tpu.dma_semaphore, #tpu.memory_space<semaphore_mem>> -> memref<!tpu.dma_semaphore, #tpu.memory_space<semaphore_mem>>
    %dma_start3A_139 = arith.constant 0 : i32
    %dma_start3A_140 = tpu.memref_slice %arg4[%add3A_132, %dma_start3A_139] : memref<2688x120xi32, #tpu.memory_space<hbm>> -> memref<1x120xi32, #tpu.memory_space<hbm>>
    %dma_start3A_141 = tpu.memref_squeeze %dma_start3A_140 : memref<1x120xi32, #tpu.memory_space<hbm>> -> memref<120xi32, #tpu.memory_space<hbm>>
    tpu.enqueue_dma source(%dma_start3A_141 : memref<120xi32, #tpu.memory_space<hbm>>) target(%arg18 : memref<120xi32, #tpu.memory_space<vmem>>) target_semaphore(%dma_start3A_138 : memref<!tpu.dma_semaphore, #tpu.memory_space<semaphore_mem>>)
    %add3A_142 = arith.constant 0 : i32
    %add3A_143 = arith.addi %select_n3A, %add3A_142 : i32
    %dma_wait3A = arith.constant 0 : i32
    %dma_wait3A_144 = arith.constant 0 : i32
    %dma_wait3A_145 = tpu.memref_slice %arg3[%add3A_143, %dma_wait3A_144] : memref<2688x120xi32, #tpu.memory_space<hbm>> -> memref<1x120xi32, #tpu.memory_space<hbm>>
    %dma_wait3A_146 = tpu.memref_squeeze %dma_wait3A_145 : memref<1x120xi32, #tpu.memory_space<hbm>> -> memref<120xi32, #tpu.memory_space<hbm>>
    %dma_wait3A_147 = tpu.memref_slice %arg23[%dma_wait3A] : memref<6x!tpu.dma_semaphore, #tpu.memory_space<semaphore_mem>> -> memref<1x!tpu.dma_semaphore, #tpu.memory_space<semaphore_mem>>
    %dma_wait3A_148 = tpu.memref_squeeze %dma_wait3A_147 : memref<1x!tpu.dma_semaphore, #tpu.memory_space<semaphore_mem>> -> memref<!tpu.dma_semaphore, #tpu.memory_space<semaphore_mem>>
    %dma_wait3A_149 = arith.constant 0 : i32
    %dma_wait3A_150 = tpu.memref_slice %arg3[%add3A_143, %dma_wait3A_149] : memref<2688x120xi32, #tpu.memory_space<hbm>> -> memref<1x120xi32, #tpu.memory_space<hbm>>
    %dma_wait3A_151 = tpu.memref_squeeze %dma_wait3A_150 : memref<1x120xi32, #tpu.memory_space<hbm>> -> memref<120xi32, #tpu.memory_space<hbm>>
    tpu.wait_dma2 semaphore(%dma_wait3A_148 : memref<!tpu.dma_semaphore, #tpu.memory_space<semaphore_mem>>) src(%dma_wait3A_151 : memref<120xi32, #tpu.memory_space<hbm>>) dst(%arg7 : memref<120xi32, #tpu.memory_space<vmem>>)
    %add3A_152 = arith.constant 0 : i32
    %add3A_153 = arith.addi %select_n3A, %add3A_152 : i32
    %dma_wait3A_154 = arith.constant 0 : i32
    %dma_wait3A_155 = arith.constant 0 : i32
    %dma_wait3A_156 = tpu.memref_slice %arg4[%add3A_153, %dma_wait3A_155] : memref<2688x120xi32, #tpu.memory_space<hbm>> -> memref<1x120xi32, #tpu.memory_space<hbm>>
    %dma_wait3A_157 = tpu.memref_squeeze %dma_wait3A_156 : memref<1x120xi32, #tpu.memory_space<hbm>> -> memref<120xi32, #tpu.memory_space<hbm>>
    %dma_wait3A_158 = tpu.memref_slice %arg23[%dma_wait3A_154] : memref<6x!tpu.dma_semaphore, #tpu.memory_space<semaphore_mem>> -> memref<1x!tpu.dma_semaphore, #tpu.memory_space<semaphore_mem>>
    %dma_wait3A_159 = tpu.memref_squeeze %dma_wait3A_158 : memref<1x!tpu.dma_semaphore, #tpu.memory_space<semaphore_mem>> -> memref<!tpu.dma_semaphore, #tpu.memory_space<semaphore_mem>>
    %dma_wait3A_160 = arith.constant 0 : i32
    %dma_wait3A_161 = tpu.memref_slice %arg4[%add3A_153, %dma_wait3A_160] : memref<2688x120xi32, #tpu.memory_space<hbm>> -> memref<1x120xi32, #tpu.memory_space<hbm>>
    %dma_wait3A_162 = tpu.memref_squeeze %dma_wait3A_161 : memref<1x120xi32, #tpu.memory_space<hbm>> -> memref<120xi32, #tpu.memory_space<hbm>>
    tpu.wait_dma2 semaphore(%dma_wait3A_159 : memref<!tpu.dma_semaphore, #tpu.memory_space<semaphore_mem>>) src(%dma_wait3A_162 : memref<120xi32, #tpu.memory_space<hbm>>) dst(%arg13 : memref<120xi32, #tpu.memory_space<vmem>>)
    %dma_start3A_163 = arith.constant 0 : i32
    %dma_start3A_164 = arith.constant 0 : i32
    %dma_start3A_165 = arith.constant 0 : i32
    %dma_start3A_166 = tpu.memref_slice %arg2[%dma_start3A_164, %dma_start3A_165] : memref<10112x128xf32, #tpu.memory_space<hbm>> -> memref<10112x128xf32, #tpu.memory_space<hbm>>
    %dma_start3A_167 = tpu.memref_slice %arg24[%dma_start3A_163] : memref<3x!tpu.dma_semaphore, #tpu.memory_space<semaphore_mem>> -> memref<1x!tpu.dma_semaphore, #tpu.memory_space<semaphore_mem>>
    %dma_start3A_168 = tpu.memref_squeeze %dma_start3A_167 : memref<1x!tpu.dma_semaphore, #tpu.memory_space<semaphore_mem>> -> memref<!tpu.dma_semaphore, #tpu.memory_space<semaphore_mem>>
    tpu.enqueue_indirect_dma source(%dma_start3A_166 : memref<10112x128xf32, #tpu.memory_space<hbm>>) target(%arg19 : memref<120x128xf32, #tpu.memory_space<vmem>>) offsets(%arg13 : memref<120xi32, #tpu.memory_space<vmem>>) semaphore(%dma_start3A_168 : memref<!tpu.dma_semaphore, #tpu.memory_space<semaphore_mem>>)
    %add3A_169 = arith.constant 1 : i32
    %add3A_170 = arith.addi %select_n3A, %add3A_169 : i32
    %dma_wait3A_171 = arith.constant 1 : i32
    %dma_wait3A_172 = arith.constant 0 : i32
    %dma_wait3A_173 = tpu.memref_slice %arg3[%add3A_170, %dma_wait3A_172] : memref<2688x120xi32, #tpu.memory_space<hbm>> -> memref<1x120xi32, #tpu.memory_space<hbm>>
    %dma_wait3A_174 = tpu.memref_squeeze %dma_wait3A_173 : memref<1x120xi32, #tpu.memory_space<hbm>> -> memref<120xi32, #tpu.memory_space<hbm>>
    %dma_wait3A_175 = tpu.memref_slice %arg23[%dma_wait3A_171] : memref<6x!tpu.dma_semaphore, #tpu.memory_space<semaphore_mem>> -> memref<1x!tpu.dma_semaphore, #tpu.memory_space<semaphore_mem>>
    %dma_wait3A_176 = tpu.memref_squeeze %dma_wait3A_175 : memref<1x!tpu.dma_semaphore, #tpu.memory_space<semaphore_mem>> -> memref<!tpu.dma_semaphore, #tpu.memory_space<semaphore_mem>>
    %dma_wait3A_177 = arith.constant 0 : i32
    %dma_wait3A_178 = tpu.memref_slice %arg3[%add3A_170, %dma_wait3A_177] : memref<2688x120xi32, #tpu.memory_space<hbm>> -> memref<1x120xi32, #tpu.memory_space<hbm>>
    %dma_wait3A_179 = tpu.memref_squeeze %dma_wait3A_178 : memref<1x120xi32, #tpu.memory_space<hbm>> -> memref<120xi32, #tpu.memory_space<hbm>>
    tpu.wait_dma2 semaphore(%dma_wait3A_176 : memref<!tpu.dma_semaphore, #tpu.memory_space<semaphore_mem>>) src(%dma_wait3A_179 : memref<120xi32, #tpu.memory_space<hbm>>) dst(%arg8 : memref<120xi32, #tpu.memory_space<vmem>>)
    %add3A_180 = arith.constant 1 : i32
    %add3A_181 = arith.addi %select_n3A, %add3A_180 : i32
    %dma_wait3A_182 = arith.constant 1 : i32
    %dma_wait3A_183 = arith.constant 0 : i32
    %dma_wait3A_184 = tpu.memref_slice %arg4[%add3A_181, %dma_wait3A_183] : memref<2688x120xi32, #tpu.memory_space<hbm>> -> memref<1x120xi32, #tpu.memory_space<hbm>>
    %dma_wait3A_185 = tpu.memref_squeeze %dma_wait3A_184 : memref<1x120xi32, #tpu.memory_space<hbm>> -> memref<120xi32, #tpu.memory_space<hbm>>
    %dma_wait3A_186 = tpu.memref_slice %arg23[%dma_wait3A_182] : memref<6x!tpu.dma_semaphore, #tpu.memory_space<semaphore_mem>> -> memref<1x!tpu.dma_semaphore, #tpu.memory_space<semaphore_mem>>
    %dma_wait3A_187 = tpu.memref_squeeze %dma_wait3A_186 : memref<1x!tpu.dma_semaphore, #tpu.memory_space<semaphore_mem>> -> memref<!tpu.dma_semaphore, #tpu.memory_space<semaphore_mem>>
    %dma_wait3A_188 = arith.constant 0 : i32
    %dma_wait3A_189 = tpu.memref_slice %arg4[%add3A_181, %dma_wait3A_188] : memref<2688x120xi32, #tpu.memory_space<hbm>> -> memref<1x120xi32, #tpu.memory_space<hbm>>
    %dma_wait3A_190 = tpu.memref_squeeze %dma_wait3A_189 : memref<1x120xi32, #tpu.memory_space<hbm>> -> memref<120xi32, #tpu.memory_space<hbm>>
    tpu.wait_dma2 semaphore(%dma_wait3A_187 : memref<!tpu.dma_semaphore, #tpu.memory_space<semaphore_mem>>) src(%dma_wait3A_190 : memref<120xi32, #tpu.memory_space<hbm>>) dst(%arg14 : memref<120xi32, #tpu.memory_space<vmem>>)
    %dma_start3A_191 = arith.constant 1 : i32
    %dma_start3A_192 = arith.constant 0 : i32
    %dma_start3A_193 = arith.constant 0 : i32
    %dma_start3A_194 = tpu.memref_slice %arg2[%dma_start3A_192, %dma_start3A_193] : memref<10112x128xf32, #tpu.memory_space<hbm>> -> memref<10112x128xf32, #tpu.memory_space<hbm>>
    %dma_start3A_195 = tpu.memref_slice %arg24[%dma_start3A_191] : memref<3x!tpu.dma_semaphore, #tpu.memory_space<semaphore_mem>> -> memref<1x!tpu.dma_semaphore, #tpu.memory_space<semaphore_mem>>
    %dma_start3A_196 = tpu.memref_squeeze %dma_start3A_195 : memref<1x!tpu.dma_semaphore, #tpu.memory_space<semaphore_mem>> -> memref<!tpu.dma_semaphore, #tpu.memory_space<semaphore_mem>>
    tpu.enqueue_indirect_dma source(%dma_start3A_194 : memref<10112x128xf32, #tpu.memory_space<hbm>>) target(%arg20 : memref<120x128xf32, #tpu.memory_space<vmem>>) offsets(%arg14 : memref<120xi32, #tpu.memory_space<vmem>>) semaphore(%dma_start3A_196 : memref<!tpu.dma_semaphore, #tpu.memory_space<semaphore_mem>>)
    %add3A_197 = arith.constant 2 : i32
    %add3A_198 = arith.addi %select_n3A, %add3A_197 : i32
    %dma_wait3A_199 = arith.constant 2 : i32
    %dma_wait3A_200 = arith.constant 0 : i32
    %dma_wait3A_201 = tpu.memref_slice %arg3[%add3A_198, %dma_wait3A_200] : memref<2688x120xi32, #tpu.memory_space<hbm>> -> memref<1x120xi32, #tpu.memory_space<hbm>>
    %dma_wait3A_202 = tpu.memref_squeeze %dma_wait3A_201 : memref<1x120xi32, #tpu.memory_space<hbm>> -> memref<120xi32, #tpu.memory_space<hbm>>
    %dma_wait3A_203 = tpu.memref_slice %arg23[%dma_wait3A_199] : memref<6x!tpu.dma_semaphore, #tpu.memory_space<semaphore_mem>> -> memref<1x!tpu.dma_semaphore, #tpu.memory_space<semaphore_mem>>
    %dma_wait3A_204 = tpu.memref_squeeze %dma_wait3A_203 : memref<1x!tpu.dma_semaphore, #tpu.memory_space<semaphore_mem>> -> memref<!tpu.dma_semaphore, #tpu.memory_space<semaphore_mem>>
    %dma_wait3A_205 = arith.constant 0 : i32
    %dma_wait3A_206 = tpu.memref_slice %arg3[%add3A_198, %dma_wait3A_205] : memref<2688x120xi32, #tpu.memory_space<hbm>> -> memref<1x120xi32, #tpu.memory_space<hbm>>
    %dma_wait3A_207 = tpu.memref_squeeze %dma_wait3A_206 : memref<1x120xi32, #tpu.memory_space<hbm>> -> memref<120xi32, #tpu.memory_space<hbm>>
    tpu.wait_dma2 semaphore(%dma_wait3A_204 : memref<!tpu.dma_semaphore, #tpu.memory_space<semaphore_mem>>) src(%dma_wait3A_207 : memref<120xi32, #tpu.memory_space<hbm>>) dst(%arg9 : memref<120xi32, #tpu.memory_space<vmem>>)
    %add3A_208 = arith.constant 2 : i32
    %add3A_209 = arith.addi %select_n3A, %add3A_208 : i32
    %dma_wait3A_210 = arith.constant 2 : i32
    %dma_wait3A_211 = arith.constant 0 : i32
    %dma_wait3A_212 = tpu.memref_slice %arg4[%add3A_209, %dma_wait3A_211] : memref<2688x120xi32, #tpu.memory_space<hbm>> -> memref<1x120xi32, #tpu.memory_space<hbm>>
    %dma_wait3A_213 = tpu.memref_squeeze %dma_wait3A_212 : memref<1x120xi32, #tpu.memory_space<hbm>> -> memref<120xi32, #tpu.memory_space<hbm>>
    %dma_wait3A_214 = tpu.memref_slice %arg23[%dma_wait3A_210] : memref<6x!tpu.dma_semaphore, #tpu.memory_space<semaphore_mem>> -> memref<1x!tpu.dma_semaphore, #tpu.memory_space<semaphore_mem>>
    %dma_wait3A_215 = tpu.memref_squeeze %dma_wait3A_214 : memref<1x!tpu.dma_semaphore, #tpu.memory_space<semaphore_mem>> -> memref<!tpu.dma_semaphore, #tpu.memory_space<semaphore_mem>>
    %dma_wait3A_216 = arith.constant 0 : i32
    %dma_wait3A_217 = tpu.memref_slice %arg4[%add3A_209, %dma_wait3A_216] : memref<2688x120xi32, #tpu.memory_space<hbm>> -> memref<1x120xi32, #tpu.memory_space<hbm>>
    %dma_wait3A_218 = tpu.memref_squeeze %dma_wait3A_217 : memref<1x120xi32, #tpu.memory_space<hbm>> -> memref<120xi32, #tpu.memory_space<hbm>>
    tpu.wait_dma2 semaphore(%dma_wait3A_215 : memref<!tpu.dma_semaphore, #tpu.memory_space<semaphore_mem>>) src(%dma_wait3A_218 : memref<120xi32, #tpu.memory_space<hbm>>) dst(%arg15 : memref<120xi32, #tpu.memory_space<vmem>>)
    %dma_start3A_219 = arith.constant 2 : i32
    %dma_start3A_220 = arith.constant 0 : i32
    %dma_start3A_221 = arith.constant 0 : i32
    %dma_start3A_222 = tpu.memref_slice %arg2[%dma_start3A_220, %dma_start3A_221] : memref<10112x128xf32, #tpu.memory_space<hbm>> -> memref<10112x128xf32, #tpu.memory_space<hbm>>
    %dma_start3A_223 = tpu.memref_slice %arg24[%dma_start3A_219] : memref<3x!tpu.dma_semaphore, #tpu.memory_space<semaphore_mem>> -> memref<1x!tpu.dma_semaphore, #tpu.memory_space<semaphore_mem>>
    %dma_start3A_224 = tpu.memref_squeeze %dma_start3A_223 : memref<1x!tpu.dma_semaphore, #tpu.memory_space<semaphore_mem>> -> memref<!tpu.dma_semaphore, #tpu.memory_space<semaphore_mem>>
    tpu.enqueue_indirect_dma source(%dma_start3A_222 : memref<10112x128xf32, #tpu.memory_space<hbm>>) target(%arg21 : memref<120x128xf32, #tpu.memory_space<vmem>>) offsets(%arg15 : memref<120xi32, #tpu.memory_space<vmem>>) semaphore(%dma_start3A_224 : memref<!tpu.dma_semaphore, #tpu.memory_space<semaphore_mem>>)
    %scan3A = arith.constant 0 : i32
    %scan3A_225 = arith.constant 0 : i32
    %scan3A_226 = arith.constant 14 : i32
    %scan3A_227 = arith.addi %scan3A_225, %scan3A_226 : i32
    %scan3A_228 = arith.constant 1 : i32
    scf.for %scan3A_253 = %scan3A_225 to %scan3A_227 step %scan3A_228  : i32 {
      %mul3A_254 = arith.constant 6 : i32
      %mul3A_255 = arith.muli %mul3A_254, %scan3A_253 : i32
      %lt3A = arith.constant 13 : i32
      %lt3A_256 = arith.cmpi slt, %scan3A_253, %lt3A : i32
      %dma_wait3A_257 = arith.constant 0 : i32
      %dma_wait3A_258 = arith.constant 0 : i32
      %dma_wait3A_259 = arith.constant 0 : i32
      %dma_wait3A_260 = tpu.memref_slice %arg2[%dma_wait3A_258, %dma_wait3A_259] : memref<10112x128xf32, #tpu.memory_space<hbm>> -> memref<10112x128xf32, #tpu.memory_space<hbm>>
      %dma_wait3A_261 = tpu.memref_slice %arg24[%dma_wait3A_257] : memref<3x!tpu.dma_semaphore, #tpu.memory_space<semaphore_mem>> -> memref<1x!tpu.dma_semaphore, #tpu.memory_space<semaphore_mem>>
      %dma_wait3A_262 = tpu.memref_squeeze %dma_wait3A_261 : memref<1x!tpu.dma_semaphore, #tpu.memory_space<semaphore_mem>> -> memref<!tpu.dma_semaphore, #tpu.memory_space<semaphore_mem>>
      tpu.wait_indirect_dma semaphore(%dma_wait3A_262 : memref<!tpu.dma_semaphore, #tpu.memory_space<semaphore_mem>>) src(%dma_wait3A_260 : memref<10112x128xf32, #tpu.memory_space<hbm>>) dst(%arg19 : memref<120x128xf32, #tpu.memory_space<vmem>>)
      %dma_start3A_263 = arith.constant 0 : i32
      %dma_start3A_264 = arith.constant 0 : i32
      %dma_start3A_265 = arith.constant 0 : i32
      %dma_start3A_266 = tpu.memref_slice %arg22[%dma_start3A_264, %dma_start3A_265] : memref<10112x128xf32, #tpu.memory_space<vmem_shared>> -> memref<10112x128xf32, #tpu.memory_space<vmem_shared>>
      %dma_start3A_267 = tpu.memref_slice %arg25[%dma_start3A_263] : memref<3x!tpu.dma_semaphore, #tpu.memory_space<semaphore_mem>> -> memref<1x!tpu.dma_semaphore, #tpu.memory_space<semaphore_mem>>
      %dma_start3A_268 = tpu.memref_squeeze %dma_start3A_267 : memref<1x!tpu.dma_semaphore, #tpu.memory_space<semaphore_mem>> -> memref<!tpu.dma_semaphore, #tpu.memory_space<semaphore_mem>>
      tpu.enqueue_indirect_dma source(%arg19 : memref<120x128xf32, #tpu.memory_space<vmem>>) target(%dma_start3A_266 : memref<10112x128xf32, #tpu.memory_space<vmem_shared>>) offsets(%arg7 : memref<120xi32, #tpu.memory_space<vmem>>) semaphore(%dma_start3A_268 : memref<!tpu.dma_semaphore, #tpu.memory_space<semaphore_mem>>) {add = true}
      %dma_wait3A_269 = arith.constant 1 : i32
      %dma_wait3A_270 = arith.constant 0 : i32
      %dma_wait3A_271 = arith.constant 0 : i32
      %dma_wait3A_272 = tpu.memref_slice %arg2[%dma_wait3A_270, %dma_wait3A_271] : memref<10112x128xf32, #tpu.memory_space<hbm>> -> memref<10112x128xf32, #tpu.memory_space<hbm>>
      %dma_wait3A_273 = tpu.memref_slice %arg24[%dma_wait3A_269] : memref<3x!tpu.dma_semaphore, #tpu.memory_space<semaphore_mem>> -> memref<1x!tpu.dma_semaphore, #tpu.memory_space<semaphore_mem>>
      %dma_wait3A_274 = tpu.memref_squeeze %dma_wait3A_273 : memref<1x!tpu.dma_semaphore, #tpu.memory_space<semaphore_mem>> -> memref<!tpu.dma_semaphore, #tpu.memory_space<semaphore_mem>>
      tpu.wait_indirect_dma semaphore(%dma_wait3A_274 : memref<!tpu.dma_semaphore, #tpu.memory_space<semaphore_mem>>) src(%dma_wait3A_272 : memref<10112x128xf32, #tpu.memory_space<hbm>>) dst(%arg20 : memref<120x128xf32, #tpu.memory_space<vmem>>)
      %dma_start3A_275 = arith.constant 1 : i32
      %dma_start3A_276 = arith.constant 0 : i32
      %dma_start3A_277 = arith.constant 0 : i32
      %dma_start3A_278 = tpu.memref_slice %arg22[%dma_start3A_276, %dma_start3A_277] : memref<10112x128xf32, #tpu.memory_space<vmem_shared>> -> memref<10112x128xf32, #tpu.memory_space<vmem_shared>>
      %dma_start3A_279 = tpu.memref_slice %arg25[%dma_start3A_275] : memref<3x!tpu.dma_semaphore, #tpu.memory_space<semaphore_mem>> -> memref<1x!tpu.dma_semaphore, #tpu.memory_space<semaphore_mem>>
      %dma_start3A_280 = tpu.memref_squeeze %dma_start3A_279 : memref<1x!tpu.dma_semaphore, #tpu.memory_space<semaphore_mem>> -> memref<!tpu.dma_semaphore, #tpu.memory_space<semaphore_mem>>
      tpu.enqueue_indirect_dma source(%arg20 : memref<120x128xf32, #tpu.memory_space<vmem>>) target(%dma_start3A_278 : memref<10112x128xf32, #tpu.memory_space<vmem_shared>>) offsets(%arg8 : memref<120xi32, #tpu.memory_space<vmem>>) semaphore(%dma_start3A_280 : memref<!tpu.dma_semaphore, #tpu.memory_space<semaphore_mem>>) {add = true}
      %dma_wait3A_281 = arith.constant 2 : i32
      %dma_wait3A_282 = arith.constant 0 : i32
      %dma_wait3A_283 = arith.constant 0 : i32
      %dma_wait3A_284 = tpu.memref_slice %arg2[%dma_wait3A_282, %dma_wait3A_283] : memref<10112x128xf32, #tpu.memory_space<hbm>> -> memref<10112x128xf32, #tpu.memory_space<hbm>>
      %dma_wait3A_285 = tpu.memref_slice %arg24[%dma_wait3A_281] : memref<3x!tpu.dma_semaphore, #tpu.memory_space<semaphore_mem>> -> memref<1x!tpu.dma_semaphore, #tpu.memory_space<semaphore_mem>>
      %dma_wait3A_286 = tpu.memref_squeeze %dma_wait3A_285 : memref<1x!tpu.dma_semaphore, #tpu.memory_space<semaphore_mem>> -> memref<!tpu.dma_semaphore, #tpu.memory_space<semaphore_mem>>
      tpu.wait_indirect_dma semaphore(%dma_wait3A_286 : memref<!tpu.dma_semaphore, #tpu.memory_space<semaphore_mem>>) src(%dma_wait3A_284 : memref<10112x128xf32, #tpu.memory_space<hbm>>) dst(%arg21 : memref<120x128xf32, #tpu.memory_space<vmem>>)
      %dma_start3A_287 = arith.constant 2 : i32
      %dma_start3A_288 = arith.constant 0 : i32
      %dma_start3A_289 = arith.constant 0 : i32
      %dma_start3A_290 = tpu.memref_slice %arg22[%dma_start3A_288, %dma_start3A_289] : memref<10112x128xf32, #tpu.memory_space<vmem_shared>> -> memref<10112x128xf32, #tpu.memory_space<vmem_shared>>
      %dma_start3A_291 = tpu.memref_slice %arg25[%dma_start3A_287] : memref<3x!tpu.dma_semaphore, #tpu.memory_space<semaphore_mem>> -> memref<1x!tpu.dma_semaphore, #tpu.memory_space<semaphore_mem>>
      %dma_start3A_292 = tpu.memref_squeeze %dma_start3A_291 : memref<1x!tpu.dma_semaphore, #tpu.memory_space<semaphore_mem>> -> memref<!tpu.dma_semaphore, #tpu.memory_space<semaphore_mem>>
      tpu.enqueue_indirect_dma source(%arg21 : memref<120x128xf32, #tpu.memory_space<vmem>>) target(%dma_start3A_290 : memref<10112x128xf32, #tpu.memory_space<vmem_shared>>) offsets(%arg9 : memref<120xi32, #tpu.memory_space<vmem>>) semaphore(%dma_start3A_292 : memref<!tpu.dma_semaphore, #tpu.memory_space<semaphore_mem>>) {add = true}
      %dma_wait3A_293 = arith.constant 0 : i32
      %dma_wait3A_294 = arith.constant 0 : i32
      %dma_wait3A_295 = arith.constant 0 : i32
      %dma_wait3A_296 = tpu.memref_slice %arg22[%dma_wait3A_294, %dma_wait3A_295] : memref<10112x128xf32, #tpu.memory_space<vmem_shared>> -> memref<10112x128xf32, #tpu.memory_space<vmem_shared>>
      %dma_wait3A_297 = tpu.memref_slice %arg25[%dma_wait3A_293] : memref<3x!tpu.dma_semaphore, #tpu.memory_space<semaphore_mem>> -> memref<1x!tpu.dma_semaphore, #tpu.memory_space<semaphore_mem>>
      %dma_wait3A_298 = tpu.memref_squeeze %dma_wait3A_297 : memref<1x!tpu.dma_semaphore, #tpu.memory_space<semaphore_mem>> -> memref<!tpu.dma_semaphore, #tpu.memory_space<semaphore_mem>>
      tpu.wait_indirect_dma semaphore(%dma_wait3A_298 : memref<!tpu.dma_semaphore, #tpu.memory_space<semaphore_mem>>) src(%arg19 : memref<120x128xf32, #tpu.memory_space<vmem>>) dst(%dma_wait3A_296 : memref<10112x128xf32, #tpu.memory_space<vmem_shared>>)
      %add3A_299 = arith.constant 3 : i32
      %add3A_300 = arith.addi %mul3A_255, %add3A_299 : i32
      %add3A_301 = arith.constant 0 : i32
      %add3A_302 = arith.addi %add3A_300, %add3A_301 : i32
      %add3A_303 = arith.addi %select_n3A, %add3A_302 : i32
      %dma_wait3A_304 = arith.constant 3 : i32
      %dma_wait3A_305 = arith.constant 0 : i32
      %dma_wait3A_306 = tpu.memref_slice %arg3[%add3A_303, %dma_wait3A_305] : memref<2688x120xi32, #tpu.memory_space<hbm>> -> memref<1x120xi32, #tpu.memory_space<hbm>>
      %dma_wait3A_307 = tpu.memref_squeeze %dma_wait3A_306 : memref<1x120xi32, #tpu.memory_space<hbm>> -> memref<120xi32, #tpu.memory_space<hbm>>
      %dma_wait3A_308 = tpu.memref_slice %arg23[%dma_wait3A_304] : memref<6x!tpu.dma_semaphore, #tpu.memory_space<semaphore_mem>> -> memref<1x!tpu.dma_semaphore, #tpu.memory_space<semaphore_mem>>
      %dma_wait3A_309 = tpu.memref_squeeze %dma_wait3A_308 : memref<1x!tpu.dma_semaphore, #tpu.memory_space<semaphore_mem>> -> memref<!tpu.dma_semaphore, #tpu.memory_space<semaphore_mem>>
      %dma_wait3A_310 = arith.constant 0 : i32
      %dma_wait3A_311 = tpu.memref_slice %arg3[%add3A_303, %dma_wait3A_310] : memref<2688x120xi32, #tpu.memory_space<hbm>> -> memref<1x120xi32, #tpu.memory_space<hbm>>
      %dma_wait3A_312 = tpu.memref_squeeze %dma_wait3A_311 : memref<1x120xi32, #tpu.memory_space<hbm>> -> memref<120xi32, #tpu.memory_space<hbm>>
      tpu.wait_dma2 semaphore(%dma_wait3A_309 : memref<!tpu.dma_semaphore, #tpu.memory_space<semaphore_mem>>) src(%dma_wait3A_312 : memref<120xi32, #tpu.memory_space<hbm>>) dst(%arg10 : memref<120xi32, #tpu.memory_space<vmem>>)
      %add3A_313 = arith.addi %select_n3A, %add3A_302 : i32
      %dma_wait3A_314 = arith.constant 3 : i32
      %dma_wait3A_315 = arith.constant 0 : i32
      %dma_wait3A_316 = tpu.memref_slice %arg4[%add3A_313, %dma_wait3A_315] : memref<2688x120xi32, #tpu.memory_space<hbm>> -> memref<1x120xi32, #tpu.memory_space<hbm>>
      %dma_wait3A_317 = tpu.memref_squeeze %dma_wait3A_316 : memref<1x120xi32, #tpu.memory_space<hbm>> -> memref<120xi32, #tpu.memory_space<hbm>>
      %dma_wait3A_318 = tpu.memref_slice %arg23[%dma_wait3A_314] : memref<6x!tpu.dma_semaphore, #tpu.memory_space<semaphore_mem>> -> memref<1x!tpu.dma_semaphore, #tpu.memory_space<semaphore_mem>>
      %dma_wait3A_319 = tpu.memref_squeeze %dma_wait3A_318 : memref<1x!tpu.dma_semaphore, #tpu.memory_space<semaphore_mem>> -> memref<!tpu.dma_semaphore, #tpu.memory_space<semaphore_mem>>
      %dma_wait3A_320 = arith.constant 0 : i32
      %dma_wait3A_321 = tpu.memref_slice %arg4[%add3A_313, %dma_wait3A_320] : memref<2688x120xi32, #tpu.memory_space<hbm>> -> memref<1x120xi32, #tpu.memory_space<hbm>>
      %dma_wait3A_322 = tpu.memref_squeeze %dma_wait3A_321 : memref<1x120xi32, #tpu.memory_space<hbm>> -> memref<120xi32, #tpu.memory_space<hbm>>
      tpu.wait_dma2 semaphore(%dma_wait3A_319 : memref<!tpu.dma_semaphore, #tpu.memory_space<semaphore_mem>>) src(%dma_wait3A_322 : memref<120xi32, #tpu.memory_space<hbm>>) dst(%arg16 : memref<120xi32, #tpu.memory_space<vmem>>)
      %dma_start3A_323 = arith.constant 0 : i32
      %dma_start3A_324 = arith.constant 0 : i32
      %dma_start3A_325 = arith.constant 0 : i32
      %dma_start3A_326 = tpu.memref_slice %arg2[%dma_start3A_324, %dma_start3A_325] : memref<10112x128xf32, #tpu.memory_space<hbm>> -> memref<10112x128xf32, #tpu.memory_space<hbm>>
      %dma_start3A_327 = tpu.memref_slice %arg24[%dma_start3A_323] : memref<3x!tpu.dma_semaphore, #tpu.memory_space<semaphore_mem>> -> memref<1x!tpu.dma_semaphore, #tpu.memory_space<semaphore_mem>>
      %dma_start3A_328 = tpu.memref_squeeze %dma_start3A_327 : memref<1x!tpu.dma_semaphore, #tpu.memory_space<semaphore_mem>> -> memref<!tpu.dma_semaphore, #tpu.memory_space<semaphore_mem>>
      tpu.enqueue_indirect_dma source(%dma_start3A_326 : memref<10112x128xf32, #tpu.memory_space<hbm>>) target(%arg19 : memref<120x128xf32, #tpu.memory_space<vmem>>) offsets(%arg16 : memref<120xi32, #tpu.memory_space<vmem>>) semaphore(%dma_start3A_328 : memref<!tpu.dma_semaphore, #tpu.memory_space<semaphore_mem>>)
      %convert_element_type3A = arith.extui %lt3A_256 : i1 to i32
      %cond3A = arith.constant 0 : i32
      %cond3A_329 = arith.cmpi ne, %convert_element_type3A, %cond3A : i32
      scf.if %cond3A_329 {
        %add3A_447 = arith.constant 6 : i32
        %add3A_448 = arith.addi %mul3A_255, %add3A_447 : i32
        %add3A_449 = arith.constant 0 : i32
        %add3A_450 = arith.addi %add3A_448, %add3A_449 : i32
        %add3A_451 = arith.addi %select_n3A, %add3A_450 : i32
        %dma_start3A_452 = arith.constant 0 : i32
        %dma_start3A_453 = arith.constant 0 : i32
        %dma_start3A_454 = tpu.memref_slice %arg3[%add3A_451, %dma_start3A_453] : memref<2688x120xi32, #tpu.memory_space<hbm>> -> memref<1x120xi32, #tpu.memory_space<hbm>>
        %dma_start3A_455 = tpu.memref_squeeze %dma_start3A_454 : memref<1x120xi32, #tpu.memory_space<hbm>> -> memref<120xi32, #tpu.memory_space<hbm>>
        %dma_start3A_456 = tpu.memref_slice %arg23[%dma_start3A_452] : memref<6x!tpu.dma_semaphore, #tpu.memory_space<semaphore_mem>> -> memref<1x!tpu.dma_semaphore, #tpu.memory_space<semaphore_mem>>
        %dma_start3A_457 = tpu.memref_squeeze %dma_start3A_456 : memref<1x!tpu.dma_semaphore, #tpu.memory_space<semaphore_mem>> -> memref<!tpu.dma_semaphore, #tpu.memory_space<semaphore_mem>>
        %dma_start3A_458 = arith.constant 0 : i32
        %dma_start3A_459 = tpu.memref_slice %arg3[%add3A_451, %dma_start3A_458] : memref<2688x120xi32, #tpu.memory_space<hbm>> -> memref<1x120xi32, #tpu.memory_space<hbm>>
        %dma_start3A_460 = tpu.memref_squeeze %dma_start3A_459 : memref<1x120xi32, #tpu.memory_space<hbm>> -> memref<120xi32, #tpu.memory_space<hbm>>
        tpu.enqueue_dma source(%dma_start3A_460 : memref<120xi32, #tpu.memory_space<hbm>>) target(%arg7 : memref<120xi32, #tpu.memory_space<vmem>>) target_semaphore(%dma_start3A_457 : memref<!tpu.dma_semaphore, #tpu.memory_space<semaphore_mem>>)
        %add3A_461 = arith.addi %select_n3A, %add3A_450 : i32
        %dma_start3A_462 = arith.constant 0 : i32
        %dma_start3A_463 = arith.constant 0 : i32
        %dma_start3A_464 = tpu.memref_slice %arg4[%add3A_461, %dma_start3A_463] : memref<2688x120xi32, #tpu.memory_space<hbm>> -> memref<1x120xi32, #tpu.memory_space<hbm>>
        %dma_start3A_465 = tpu.memref_squeeze %dma_start3A_464 : memref<1x120xi32, #tpu.memory_space<hbm>> -> memref<120xi32, #tpu.memory_space<hbm>>
        %dma_start3A_466 = tpu.memref_slice %arg23[%dma_start3A_462] : memref<6x!tpu.dma_semaphore, #tpu.memory_space<semaphore_mem>> -> memref<1x!tpu.dma_semaphore, #tpu.memory_space<semaphore_mem>>
        %dma_start3A_467 = tpu.memref_squeeze %dma_start3A_466 : memref<1x!tpu.dma_semaphore, #tpu.memory_space<semaphore_mem>> -> memref<!tpu.dma_semaphore, #tpu.memory_space<semaphore_mem>>
        %dma_start3A_468 = arith.constant 0 : i32
        %dma_start3A_469 = tpu.memref_slice %arg4[%add3A_461, %dma_start3A_468] : memref<2688x120xi32, #tpu.memory_space<hbm>> -> memref<1x120xi32, #tpu.memory_space<hbm>>
        %dma_start3A_470 = tpu.memref_squeeze %dma_start3A_469 : memref<1x120xi32, #tpu.memory_space<hbm>> -> memref<120xi32, #tpu.memory_space<hbm>>
        tpu.enqueue_dma source(%dma_start3A_470 : memref<120xi32, #tpu.memory_space<hbm>>) target(%arg13 : memref<120xi32, #tpu.memory_space<vmem>>) target_semaphore(%dma_start3A_467 : memref<!tpu.dma_semaphore, #tpu.memory_space<semaphore_mem>>)
      } else {
      }
      %dma_wait3A_330 = arith.constant 1 : i32
      %dma_wait3A_331 = arith.constant 0 : i32
      %dma_wait3A_332 = arith.constant 0 : i32
      %dma_wait3A_333 = tpu.memref_slice %arg22[%dma_wait3A_331, %dma_wait3A_332] : memref<10112x128xf32, #tpu.memory_space<vmem_shared>> -> memref<10112x128xf32, #tpu.memory_space<vmem_shared>>
      %dma_wait3A_334 = tpu.memref_slice %arg25[%dma_wait3A_330] : memref<3x!tpu.dma_semaphore, #tpu.memory_space<semaphore_mem>> -> memref<1x!tpu.dma_semaphore, #tpu.memory_space<semaphore_mem>>
      %dma_wait3A_335 = tpu.memref_squeeze %dma_wait3A_334 : memref<1x!tpu.dma_semaphore, #tpu.memory_space<semaphore_mem>> -> memref<!tpu.dma_semaphore, #tpu.memory_space<semaphore_mem>>
      tpu.wait_indirect_dma semaphore(%dma_wait3A_335 : memref<!tpu.dma_semaphore, #tpu.memory_space<semaphore_mem>>) src(%arg20 : memref<120x128xf32, #tpu.memory_space<vmem>>) dst(%dma_wait3A_333 : memref<10112x128xf32, #tpu.memory_space<vmem_shared>>)
      %add3A_336 = arith.constant 3 : i32
      %add3A_337 = arith.addi %mul3A_255, %add3A_336 : i32
      %add3A_338 = arith.constant 1 : i32
      %add3A_339 = arith.addi %add3A_337, %add3A_338 : i32
      %add3A_340 = arith.addi %select_n3A, %add3A_339 : i32
      %dma_wait3A_341 = arith.constant 4 : i32
      %dma_wait3A_342 = arith.constant 0 : i32
      %dma_wait3A_343 = tpu.memref_slice %arg3[%add3A_340, %dma_wait3A_342] : memref<2688x120xi32, #tpu.memory_space<hbm>> -> memref<1x120xi32, #tpu.memory_space<hbm>>
      %dma_wait3A_344 = tpu.memref_squeeze %dma_wait3A_343 : memref<1x120xi32, #tpu.memory_space<hbm>> -> memref<120xi32, #tpu.memory_space<hbm>>
      %dma_wait3A_345 = tpu.memref_slice %arg23[%dma_wait3A_341] : memref<6x!tpu.dma_semaphore, #tpu.memory_space<semaphore_mem>> -> memref<1x!tpu.dma_semaphore, #tpu.memory_space<semaphore_mem>>
      %dma_wait3A_346 = tpu.memref_squeeze %dma_wait3A_345 : memref<1x!tpu.dma_semaphore, #tpu.memory_space<semaphore_mem>> -> memref<!tpu.dma_semaphore, #tpu.memory_space<semaphore_mem>>
      %dma_wait3A_347 = arith.constant 0 : i32
      %dma_wait3A_348 = tpu.memref_slice %arg3[%add3A_340, %dma_wait3A_347] : memref<2688x120xi32, #tpu.memory_space<hbm>> -> memref<1x120xi32, #tpu.memory_space<hbm>>
      %dma_wait3A_349 = tpu.memref_squeeze %dma_wait3A_348 : memref<1x120xi32, #tpu.memory_space<hbm>> -> memref<120xi32, #tpu.memory_space<hbm>>
      tpu.wait_dma2 semaphore(%dma_wait3A_346 : memref<!tpu.dma_semaphore, #tpu.memory_space<semaphore_mem>>) src(%dma_wait3A_349 : memref<120xi32, #tpu.memory_space<hbm>>) dst(%arg11 : memref<120xi32, #tpu.memory_space<vmem>>)
      %add3A_350 = arith.addi %select_n3A, %add3A_339 : i32
      %dma_wait3A_351 = arith.constant 4 : i32
      %dma_wait3A_352 = arith.constant 0 : i32
      %dma_wait3A_353 = tpu.memref_slice %arg4[%add3A_350, %dma_wait3A_352] : memref<2688x120xi32, #tpu.memory_space<hbm>> -> memref<1x120xi32, #tpu.memory_space<hbm>>
      %dma_wait3A_354 = tpu.memref_squeeze %dma_wait3A_353 : memref<1x120xi32, #tpu.memory_space<hbm>> -> memref<120xi32, #tpu.memory_space<hbm>>
      %dma_wait3A_355 = tpu.memref_slice %arg23[%dma_wait3A_351] : memref<6x!tpu.dma_semaphore, #tpu.memory_space<semaphore_mem>> -> memref<1x!tpu.dma_semaphore, #tpu.memory_space<semaphore_mem>>
      %dma_wait3A_356 = tpu.memref_squeeze %dma_wait3A_355 : memref<1x!tpu.dma_semaphore, #tpu.memory_space<semaphore_mem>> -> memref<!tpu.dma_semaphore, #tpu.memory_space<semaphore_mem>>
      %dma_wait3A_357 = arith.constant 0 : i32
      %dma_wait3A_358 = tpu.memref_slice %arg4[%add3A_350, %dma_wait3A_357] : memref<2688x120xi32, #tpu.memory_space<hbm>> -> memref<1x120xi32, #tpu.memory_space<hbm>>
      %dma_wait3A_359 = tpu.memref_squeeze %dma_wait3A_358 : memref<1x120xi32, #tpu.memory_space<hbm>> -> memref<120xi32, #tpu.memory_space<hbm>>
      tpu.wait_dma2 semaphore(%dma_wait3A_356 : memref<!tpu.dma_semaphore, #tpu.memory_space<semaphore_mem>>) src(%dma_wait3A_359 : memref<120xi32, #tpu.memory_space<hbm>>) dst(%arg17 : memref<120xi32, #tpu.memory_space<vmem>>)
      %dma_start3A_360 = arith.constant 1 : i32
      %dma_start3A_361 = arith.constant 0 : i32
      %dma_start3A_362 = arith.constant 0 : i32
      %dma_start3A_363 = tpu.memref_slice %arg2[%dma_start3A_361, %dma_start3A_362] : memref<10112x128xf32, #tpu.memory_space<hbm>> -> memref<10112x128xf32, #tpu.memory_space<hbm>>
      %dma_start3A_364 = tpu.memref_slice %arg24[%dma_start3A_360] : memref<3x!tpu.dma_semaphore, #tpu.memory_space<semaphore_mem>> -> memref<1x!tpu.dma_semaphore, #tpu.memory_space<semaphore_mem>>
      %dma_start3A_365 = tpu.memref_squeeze %dma_start3A_364 : memref<1x!tpu.dma_semaphore, #tpu.memory_space<semaphore_mem>> -> memref<!tpu.dma_semaphore, #tpu.memory_space<semaphore_mem>>
      tpu.enqueue_indirect_dma source(%dma_start3A_363 : memref<10112x128xf32, #tpu.memory_space<hbm>>) target(%arg20 : memref<120x128xf32, #tpu.memory_space<vmem>>) offsets(%arg17 : memref<120xi32, #tpu.memory_space<vmem>>) semaphore(%dma_start3A_365 : memref<!tpu.dma_semaphore, #tpu.memory_space<semaphore_mem>>)
      %convert_element_type3A_366 = arith.extui %lt3A_256 : i1 to i32
      %cond3A_367 = arith.constant 0 : i32
      %cond3A_368 = arith.cmpi ne, %convert_element_type3A_366, %cond3A_367 : i32
      scf.if %cond3A_368 {
        %add3A_447 = arith.constant 6 : i32
        %add3A_448 = arith.addi %mul3A_255, %add3A_447 : i32
        %add3A_449 = arith.constant 1 : i32
        %add3A_450 = arith.addi %add3A_448, %add3A_449 : i32
        %add3A_451 = arith.addi %select_n3A, %add3A_450 : i32
        %dma_start3A_452 = arith.constant 1 : i32
        %dma_start3A_453 = arith.constant 0 : i32
        %dma_start3A_454 = tpu.memref_slice %arg3[%add3A_451, %dma_start3A_453] : memref<2688x120xi32, #tpu.memory_space<hbm>> -> memref<1x120xi32, #tpu.memory_space<hbm>>
        %dma_start3A_455 = tpu.memref_squeeze %dma_start3A_454 : memref<1x120xi32, #tpu.memory_space<hbm>> -> memref<120xi32, #tpu.memory_space<hbm>>
        %dma_start3A_456 = tpu.memref_slice %arg23[%dma_start3A_452] : memref<6x!tpu.dma_semaphore, #tpu.memory_space<semaphore_mem>> -> memref<1x!tpu.dma_semaphore, #tpu.memory_space<semaphore_mem>>
        %dma_start3A_457 = tpu.memref_squeeze %dma_start3A_456 : memref<1x!tpu.dma_semaphore, #tpu.memory_space<semaphore_mem>> -> memref<!tpu.dma_semaphore, #tpu.memory_space<semaphore_mem>>
        %dma_start3A_458 = arith.constant 0 : i32
        %dma_start3A_459 = tpu.memref_slice %arg3[%add3A_451, %dma_start3A_458] : memref<2688x120xi32, #tpu.memory_space<hbm>> -> memref<1x120xi32, #tpu.memory_space<hbm>>
        %dma_start3A_460 = tpu.memref_squeeze %dma_start3A_459 : memref<1x120xi32, #tpu.memory_space<hbm>> -> memref<120xi32, #tpu.memory_space<hbm>>
        tpu.enqueue_dma source(%dma_start3A_460 : memref<120xi32, #tpu.memory_space<hbm>>) target(%arg8 : memref<120xi32, #tpu.memory_space<vmem>>) target_semaphore(%dma_start3A_457 : memref<!tpu.dma_semaphore, #tpu.memory_space<semaphore_mem>>)
        %add3A_461 = arith.addi %select_n3A, %add3A_450 : i32
        %dma_start3A_462 = arith.constant 1 : i32
        %dma_start3A_463 = arith.constant 0 : i32
        %dma_start3A_464 = tpu.memref_slice %arg4[%add3A_461, %dma_start3A_463] : memref<2688x120xi32, #tpu.memory_space<hbm>> -> memref<1x120xi32, #tpu.memory_space<hbm>>
        %dma_start3A_465 = tpu.memref_squeeze %dma_start3A_464 : memref<1x120xi32, #tpu.memory_space<hbm>> -> memref<120xi32, #tpu.memory_space<hbm>>
        %dma_start3A_466 = tpu.memref_slice %arg23[%dma_start3A_462] : memref<6x!tpu.dma_semaphore, #tpu.memory_space<semaphore_mem>> -> memref<1x!tpu.dma_semaphore, #tpu.memory_space<semaphore_mem>>
        %dma_start3A_467 = tpu.memref_squeeze %dma_start3A_466 : memref<1x!tpu.dma_semaphore, #tpu.memory_space<semaphore_mem>> -> memref<!tpu.dma_semaphore, #tpu.memory_space<semaphore_mem>>
        %dma_start3A_468 = arith.constant 0 : i32
        %dma_start3A_469 = tpu.memref_slice %arg4[%add3A_461, %dma_start3A_468] : memref<2688x120xi32, #tpu.memory_space<hbm>> -> memref<1x120xi32, #tpu.memory_space<hbm>>
        %dma_start3A_470 = tpu.memref_squeeze %dma_start3A_469 : memref<1x120xi32, #tpu.memory_space<hbm>> -> memref<120xi32, #tpu.memory_space<hbm>>
        tpu.enqueue_dma source(%dma_start3A_470 : memref<120xi32, #tpu.memory_space<hbm>>) target(%arg14 : memref<120xi32, #tpu.memory_space<vmem>>) target_semaphore(%dma_start3A_467 : memref<!tpu.dma_semaphore, #tpu.memory_space<semaphore_mem>>)
      } else {
      }
      %dma_wait3A_369 = arith.constant 2 : i32
      %dma_wait3A_370 = arith.constant 0 : i32
      %dma_wait3A_371 = arith.constant 0 : i32
      %dma_wait3A_372 = tpu.memref_slice %arg22[%dma_wait3A_370, %dma_wait3A_371] : memref<10112x128xf32, #tpu.memory_space<vmem_shared>> -> memref<10112x128xf32, #tpu.memory_space<vmem_shared>>
      %dma_wait3A_373 = tpu.memref_slice %arg25[%dma_wait3A_369] : memref<3x!tpu.dma_semaphore, #tpu.memory_space<semaphore_mem>> -> memref<1x!tpu.dma_semaphore, #tpu.memory_space<semaphore_mem>>
      %dma_wait3A_374 = tpu.memref_squeeze %dma_wait3A_373 : memref<1x!tpu.dma_semaphore, #tpu.memory_space<semaphore_mem>> -> memref<!tpu.dma_semaphore, #tpu.memory_space<semaphore_mem>>
      tpu.wait_indirect_dma semaphore(%dma_wait3A_374 : memref<!tpu.dma_semaphore, #tpu.memory_space<semaphore_mem>>) src(%arg21 : memref<120x128xf32, #tpu.memory_space<vmem>>) dst(%dma_wait3A_372 : memref<10112x128xf32, #tpu.memory_space<vmem_shared>>)
      %add3A_375 = arith.constant 3 : i32
      %add3A_376 = arith.addi %mul3A_255, %add3A_375 : i32
      %add3A_377 = arith.constant 2 : i32
      %add3A_378 = arith.addi %add3A_376, %add3A_377 : i32
      %add3A_379 = arith.addi %select_n3A, %add3A_378 : i32
      %dma_wait3A_380 = arith.constant 5 : i32
      %dma_wait3A_381 = arith.constant 0 : i32
      %dma_wait3A_382 = tpu.memref_slice %arg3[%add3A_379, %dma_wait3A_381] : memref<2688x120xi32, #tpu.memory_space<hbm>> -> memref<1x120xi32, #tpu.memory_space<hbm>>
      %dma_wait3A_383 = tpu.memref_squeeze %dma_wait3A_382 : memref<1x120xi32, #tpu.memory_space<hbm>> -> memref<120xi32, #tpu.memory_space<hbm>>
      %dma_wait3A_384 = tpu.memref_slice %arg23[%dma_wait3A_380] : memref<6x!tpu.dma_semaphore, #tpu.memory_space<semaphore_mem>> -> memref<1x!tpu.dma_semaphore, #tpu.memory_space<semaphore_mem>>
      %dma_wait3A_385 = tpu.memref_squeeze %dma_wait3A_384 : memref<1x!tpu.dma_semaphore, #tpu.memory_space<semaphore_mem>> -> memref<!tpu.dma_semaphore, #tpu.memory_space<semaphore_mem>>
      %dma_wait3A_386 = arith.constant 0 : i32
      %dma_wait3A_387 = tpu.memref_slice %arg3[%add3A_379, %dma_wait3A_386] : memref<2688x120xi32, #tpu.memory_space<hbm>> -> memref<1x120xi32, #tpu.memory_space<hbm>>
      %dma_wait3A_388 = tpu.memref_squeeze %dma_wait3A_387 : memref<1x120xi32, #tpu.memory_space<hbm>> -> memref<120xi32, #tpu.memory_space<hbm>>
      tpu.wait_dma2 semaphore(%dma_wait3A_385 : memref<!tpu.dma_semaphore, #tpu.memory_space<semaphore_mem>>) src(%dma_wait3A_388 : memref<120xi32, #tpu.memory_space<hbm>>) dst(%arg12 : memref<120xi32, #tpu.memory_space<vmem>>)
      %add3A_389 = arith.addi %select_n3A, %add3A_378 : i32
      %dma_wait3A_390 = arith.constant 5 : i32
      %dma_wait3A_391 = arith.constant 0 : i32
      %dma_wait3A_392 = tpu.memref_slice %arg4[%add3A_389, %dma_wait3A_391] : memref<2688x120xi32, #tpu.memory_space<hbm>> -> memref<1x120xi32, #tpu.memory_space<hbm>>
      %dma_wait3A_393 = tpu.memref_squeeze %dma_wait3A_392 : memref<1x120xi32, #tpu.memory_space<hbm>> -> memref<120xi32, #tpu.memory_space<hbm>>
      %dma_wait3A_394 = tpu.memref_slice %arg23[%dma_wait3A_390] : memref<6x!tpu.dma_semaphore, #tpu.memory_space<semaphore_mem>> -> memref<1x!tpu.dma_semaphore, #tpu.memory_space<semaphore_mem>>
      %dma_wait3A_395 = tpu.memref_squeeze %dma_wait3A_394 : memref<1x!tpu.dma_semaphore, #tpu.memory_space<semaphore_mem>> -> memref<!tpu.dma_semaphore, #tpu.memory_space<semaphore_mem>>
      %dma_wait3A_396 = arith.constant 0 : i32
      %dma_wait3A_397 = tpu.memref_slice %arg4[%add3A_389, %dma_wait3A_396] : memref<2688x120xi32, #tpu.memory_space<hbm>> -> memref<1x120xi32, #tpu.memory_space<hbm>>
      %dma_wait3A_398 = tpu.memref_squeeze %dma_wait3A_397 : memref<1x120xi32, #tpu.memory_space<hbm>> -> memref<120xi32, #tpu.memory_space<hbm>>
      tpu.wait_dma2 semaphore(%dma_wait3A_395 : memref<!tpu.dma_semaphore, #tpu.memory_space<semaphore_mem>>) src(%dma_wait3A_398 : memref<120xi32, #tpu.memory_space<hbm>>) dst(%arg18 : memref<120xi32, #tpu.memory_space<vmem>>)
      %dma_start3A_399 = arith.constant 2 : i32
      %dma_start3A_400 = arith.constant 0 : i32
      %dma_start3A_401 = arith.constant 0 : i32
      %dma_start3A_402 = tpu.memref_slice %arg2[%dma_start3A_400, %dma_start3A_401] : memref<10112x128xf32, #tpu.memory_space<hbm>> -> memref<10112x128xf32, #tpu.memory_space<hbm>>
      %dma_start3A_403 = tpu.memref_slice %arg24[%dma_start3A_399] : memref<3x!tpu.dma_semaphore, #tpu.memory_space<semaphore_mem>> -> memref<1x!tpu.dma_semaphore, #tpu.memory_space<semaphore_mem>>
      %dma_start3A_404 = tpu.memref_squeeze %dma_start3A_403 : memref<1x!tpu.dma_semaphore, #tpu.memory_space<semaphore_mem>> -> memref<!tpu.dma_semaphore, #tpu.memory_space<semaphore_mem>>
      tpu.enqueue_indirect_dma source(%dma_start3A_402 : memref<10112x128xf32, #tpu.memory_space<hbm>>) target(%arg21 : memref<120x128xf32, #tpu.memory_space<vmem>>) offsets(%arg18 : memref<120xi32, #tpu.memory_space<vmem>>) semaphore(%dma_start3A_404 : memref<!tpu.dma_semaphore, #tpu.memory_space<semaphore_mem>>)
      %convert_element_type3A_405 = arith.extui %lt3A_256 : i1 to i32
      %cond3A_406 = arith.constant 0 : i32
      %cond3A_407 = arith.cmpi ne, %convert_element_type3A_405, %cond3A_406 : i32
      scf.if %cond3A_407 {
        %add3A_447 = arith.constant 6 : i32
        %add3A_448 = arith.addi %mul3A_255, %add3A_447 : i32
        %add3A_449 = arith.constant 2 : i32
        %add3A_450 = arith.addi %add3A_448, %add3A_449 : i32
        %add3A_451 = arith.addi %select_n3A, %add3A_450 : i32
        %dma_start3A_452 = arith.constant 2 : i32
        %dma_start3A_453 = arith.constant 0 : i32
        %dma_start3A_454 = tpu.memref_slice %arg3[%add3A_451, %dma_start3A_453] : memref<2688x120xi32, #tpu.memory_space<hbm>> -> memref<1x120xi32, #tpu.memory_space<hbm>>
        %dma_start3A_455 = tpu.memref_squeeze %dma_start3A_454 : memref<1x120xi32, #tpu.memory_space<hbm>> -> memref<120xi32, #tpu.memory_space<hbm>>
        %dma_start3A_456 = tpu.memref_slice %arg23[%dma_start3A_452] : memref<6x!tpu.dma_semaphore, #tpu.memory_space<semaphore_mem>> -> memref<1x!tpu.dma_semaphore, #tpu.memory_space<semaphore_mem>>
        %dma_start3A_457 = tpu.memref_squeeze %dma_start3A_456 : memref<1x!tpu.dma_semaphore, #tpu.memory_space<semaphore_mem>> -> memref<!tpu.dma_semaphore, #tpu.memory_space<semaphore_mem>>
        %dma_start3A_458 = arith.constant 0 : i32
        %dma_start3A_459 = tpu.memref_slice %arg3[%add3A_451, %dma_start3A_458] : memref<2688x120xi32, #tpu.memory_space<hbm>> -> memref<1x120xi32, #tpu.memory_space<hbm>>
        %dma_start3A_460 = tpu.memref_squeeze %dma_start3A_459 : memref<1x120xi32, #tpu.memory_space<hbm>> -> memref<120xi32, #tpu.memory_space<hbm>>
        tpu.enqueue_dma source(%dma_start3A_460 : memref<120xi32, #tpu.memory_space<hbm>>) target(%arg9 : memref<120xi32, #tpu.memory_space<vmem>>) target_semaphore(%dma_start3A_457 : memref<!tpu.dma_semaphore, #tpu.memory_space<semaphore_mem>>)
        %add3A_461 = arith.addi %select_n3A, %add3A_450 : i32
        %dma_start3A_462 = arith.constant 2 : i32
        %dma_start3A_463 = arith.constant 0 : i32
        %dma_start3A_464 = tpu.memref_slice %arg4[%add3A_461, %dma_start3A_463] : memref<2688x120xi32, #tpu.memory_space<hbm>> -> memref<1x120xi32, #tpu.memory_space<hbm>>
        %dma_start3A_465 = tpu.memref_squeeze %dma_start3A_464 : memref<1x120xi32, #tpu.memory_space<hbm>> -> memref<120xi32, #tpu.memory_space<hbm>>
        %dma_start3A_466 = tpu.memref_slice %arg23[%dma_start3A_462] : memref<6x!tpu.dma_semaphore, #tpu.memory_space<semaphore_mem>> -> memref<1x!tpu.dma_semaphore, #tpu.memory_space<semaphore_mem>>
        %dma_start3A_467 = tpu.memref_squeeze %dma_start3A_466 : memref<1x!tpu.dma_semaphore, #tpu.memory_space<semaphore_mem>> -> memref<!tpu.dma_semaphore, #tpu.memory_space<semaphore_mem>>
        %dma_start3A_468 = arith.constant 0 : i32
        %dma_start3A_469 = tpu.memref_slice %arg4[%add3A_461, %dma_start3A_468] : memref<2688x120xi32, #tpu.memory_space<hbm>> -> memref<1x120xi32, #tpu.memory_space<hbm>>
        %dma_start3A_470 = tpu.memref_squeeze %dma_start3A_469 : memref<1x120xi32, #tpu.memory_space<hbm>> -> memref<120xi32, #tpu.memory_space<hbm>>
        tpu.enqueue_dma source(%dma_start3A_470 : memref<120xi32, #tpu.memory_space<hbm>>) target(%arg15 : memref<120xi32, #tpu.memory_space<vmem>>) target_semaphore(%dma_start3A_467 : memref<!tpu.dma_semaphore, #tpu.memory_space<semaphore_mem>>)
      } else {
      }
      %dma_wait3A_408 = arith.constant 0 : i32
      %dma_wait3A_409 = arith.constant 0 : i32
      %dma_wait3A_410 = arith.constant 0 : i32
      %dma_wait3A_411 = tpu.memref_slice %arg2[%dma_wait3A_409, %dma_wait3A_410] : memref<10112x128xf32, #tpu.memory_space<hbm>> -> memref<10112x128xf32, #tpu.memory_space<hbm>>
      %dma_wait3A_412 = tpu.memref_slice %arg24[%dma_wait3A_408] : memref<3x!tpu.dma_semaphore, #tpu.memory_space<semaphore_mem>> -> memref<1x!tpu.dma_semaphore, #tpu.memory_space<semaphore_mem>>
      %dma_wait3A_413 = tpu.memref_squeeze %dma_wait3A_412 : memref<1x!tpu.dma_semaphore, #tpu.memory_space<semaphore_mem>> -> memref<!tpu.dma_semaphore, #tpu.memory_space<semaphore_mem>>
      tpu.wait_indirect_dma semaphore(%dma_wait3A_413 : memref<!tpu.dma_semaphore, #tpu.memory_space<semaphore_mem>>) src(%dma_wait3A_411 : memref<10112x128xf32, #tpu.memory_space<hbm>>) dst(%arg19 : memref<120x128xf32, #tpu.memory_space<vmem>>)
      %dma_start3A_414 = arith.constant 0 : i32
      %dma_start3A_415 = arith.constant 0 : i32
      %dma_start3A_416 = arith.constant 0 : i32
      %dma_start3A_417 = tpu.memref_slice %arg22[%dma_start3A_415, %dma_start3A_416] : memref<10112x128xf32, #tpu.memory_space<vmem_shared>> -> memref<10112x128xf32, #tpu.memory_space<vmem_shared>>
      %dma_start3A_418 = tpu.memref_slice %arg25[%dma_start3A_414] : memref<3x!tpu.dma_semaphore, #tpu.memory_space<semaphore_mem>> -> memref<1x!tpu.dma_semaphore, #tpu.memory_space<semaphore_mem>>
      %dma_start3A_419 = tpu.memref_squeeze %dma_start3A_418 : memref<1x!tpu.dma_semaphore, #tpu.memory_space<semaphore_mem>> -> memref<!tpu.dma_semaphore, #tpu.memory_space<semaphore_mem>>
      tpu.enqueue_indirect_dma source(%arg19 : memref<120x128xf32, #tpu.memory_space<vmem>>) target(%dma_start3A_417 : memref<10112x128xf32, #tpu.memory_space<vmem_shared>>) offsets(%arg10 : memref<120xi32, #tpu.memory_space<vmem>>) semaphore(%dma_start3A_419 : memref<!tpu.dma_semaphore, #tpu.memory_space<semaphore_mem>>) {add = true}
      %dma_wait3A_420 = arith.constant 1 : i32
      %dma_wait3A_421 = arith.constant 0 : i32
      %dma_wait3A_422 = arith.constant 0 : i32
      %dma_wait3A_423 = tpu.memref_slice %arg2[%dma_wait3A_421, %dma_wait3A_422] : memref<10112x128xf32, #tpu.memory_space<hbm>> -> memref<10112x128xf32, #tpu.memory_space<hbm>>
      %dma_wait3A_424 = tpu.memref_slice %arg24[%dma_wait3A_420] : memref<3x!tpu.dma_semaphore, #tpu.memory_space<semaphore_mem>> -> memref<1x!tpu.dma_semaphore, #tpu.memory_space<semaphore_mem>>
      %dma_wait3A_425 = tpu.memref_squeeze %dma_wait3A_424 : memref<1x!tpu.dma_semaphore, #tpu.memory_space<semaphore_mem>> -> memref<!tpu.dma_semaphore, #tpu.memory_space<semaphore_mem>>
      tpu.wait_indirect_dma semaphore(%dma_wait3A_425 : memref<!tpu.dma_semaphore, #tpu.memory_space<semaphore_mem>>) src(%dma_wait3A_423 : memref<10112x128xf32, #tpu.memory_space<hbm>>) dst(%arg20 : memref<120x128xf32, #tpu.memory_space<vmem>>)
      %dma_start3A_426 = arith.constant 1 : i32
      %dma_start3A_427 = arith.constant 0 : i32
      %dma_start3A_428 = arith.constant 0 : i32
      %dma_start3A_429 = tpu.memref_slice %arg22[%dma_start3A_427, %dma_start3A_428] : memref<10112x128xf32, #tpu.memory_space<vmem_shared>> -> memref<10112x128xf32, #tpu.memory_space<vmem_shared>>
      %dma_start3A_430 = tpu.memref_slice %arg25[%dma_start3A_426] : memref<3x!tpu.dma_semaphore, #tpu.memory_space<semaphore_mem>> -> memref<1x!tpu.dma_semaphore, #tpu.memory_space<semaphore_mem>>
      %dma_start3A_431 = tpu.memref_squeeze %dma_start3A_430 : memref<1x!tpu.dma_semaphore, #tpu.memory_space<semaphore_mem>> -> memref<!tpu.dma_semaphore, #tpu.memory_space<semaphore_mem>>
      tpu.enqueue_indirect_dma source(%arg20 : memref<120x128xf32, #tpu.memory_space<vmem>>) target(%dma_start3A_429 : memref<10112x128xf32, #tpu.memory_space<vmem_shared>>) offsets(%arg11 : memref<120xi32, #tpu.memory_space<vmem>>) semaphore(%dma_start3A_431 : memref<!tpu.dma_semaphore, #tpu.memory_space<semaphore_mem>>) {add = true}
      %dma_wait3A_432 = arith.constant 2 : i32
      %dma_wait3A_433 = arith.constant 0 : i32
      %dma_wait3A_434 = arith.constant 0 : i32
      %dma_wait3A_435 = tpu.memref_slice %arg2[%dma_wait3A_433, %dma_wait3A_434] : memref<10112x128xf32, #tpu.memory_space<hbm>> -> memref<10112x128xf32, #tpu.memory_space<hbm>>
      %dma_wait3A_436 = tpu.memref_slice %arg24[%dma_wait3A_432] : memref<3x!tpu.dma_semaphore, #tpu.memory_space<semaphore_mem>> -> memref<1x!tpu.dma_semaphore, #tpu.memory_space<semaphore_mem>>
      %dma_wait3A_437 = tpu.memref_squeeze %dma_wait3A_436 : memref<1x!tpu.dma_semaphore, #tpu.memory_space<semaphore_mem>> -> memref<!tpu.dma_semaphore, #tpu.memory_space<semaphore_mem>>
      tpu.wait_indirect_dma semaphore(%dma_wait3A_437 : memref<!tpu.dma_semaphore, #tpu.memory_space<semaphore_mem>>) src(%dma_wait3A_435 : memref<10112x128xf32, #tpu.memory_space<hbm>>) dst(%arg21 : memref<120x128xf32, #tpu.memory_space<vmem>>)
      %dma_start3A_438 = arith.constant 2 : i32
      %dma_start3A_439 = arith.constant 0 : i32
      %dma_start3A_440 = arith.constant 0 : i32
      %dma_start3A_441 = tpu.memref_slice %arg22[%dma_start3A_439, %dma_start3A_440] : memref<10112x128xf32, #tpu.memory_space<vmem_shared>> -> memref<10112x128xf32, #tpu.memory_space<vmem_shared>>
      %dma_start3A_442 = tpu.memref_slice %arg25[%dma_start3A_438] : memref<3x!tpu.dma_semaphore, #tpu.memory_space<semaphore_mem>> -> memref<1x!tpu.dma_semaphore, #tpu.memory_space<semaphore_mem>>
      %dma_start3A_443 = tpu.memref_squeeze %dma_start3A_442 : memref<1x!tpu.dma_semaphore, #tpu.memory_space<semaphore_mem>> -> memref<!tpu.dma_semaphore, #tpu.memory_space<semaphore_mem>>
      tpu.enqueue_indirect_dma source(%arg21 : memref<120x128xf32, #tpu.memory_space<vmem>>) target(%dma_start3A_441 : memref<10112x128xf32, #tpu.memory_space<vmem_shared>>) offsets(%arg12 : memref<120xi32, #tpu.memory_space<vmem>>) semaphore(%dma_start3A_443 : memref<!tpu.dma_semaphore, #tpu.memory_space<semaphore_mem>>) {add = true}
      %convert_element_type3A_444 = arith.extui %lt3A_256 : i1 to i32
      %cond3A_445 = arith.constant 0 : i32
      %cond3A_446 = arith.cmpi ne, %convert_element_type3A_444, %cond3A_445 : i32
      scf.if %cond3A_446 {
        %dma_wait3A_447 = arith.constant 0 : i32
        %dma_wait3A_448 = arith.constant 0 : i32
        %dma_wait3A_449 = arith.constant 0 : i32
        %dma_wait3A_450 = tpu.memref_slice %arg22[%dma_wait3A_448, %dma_wait3A_449] : memref<10112x128xf32, #tpu.memory_space<vmem_shared>> -> memref<10112x128xf32, #tpu.memory_space<vmem_shared>>
        %dma_wait3A_451 = tpu.memref_slice %arg25[%dma_wait3A_447] : memref<3x!tpu.dma_semaphore, #tpu.memory_space<semaphore_mem>> -> memref<1x!tpu.dma_semaphore, #tpu.memory_space<semaphore_mem>>
        %dma_wait3A_452 = tpu.memref_squeeze %dma_wait3A_451 : memref<1x!tpu.dma_semaphore, #tpu.memory_space<semaphore_mem>> -> memref<!tpu.dma_semaphore, #tpu.memory_space<semaphore_mem>>
        tpu.wait_indirect_dma semaphore(%dma_wait3A_452 : memref<!tpu.dma_semaphore, #tpu.memory_space<semaphore_mem>>) src(%arg19 : memref<120x128xf32, #tpu.memory_space<vmem>>) dst(%dma_wait3A_450 : memref<10112x128xf32, #tpu.memory_space<vmem_shared>>)
        %add3A_453 = arith.constant 6 : i32
        %add3A_454 = arith.addi %mul3A_255, %add3A_453 : i32
        %add3A_455 = arith.constant 0 : i32
        %add3A_456 = arith.addi %add3A_454, %add3A_455 : i32
        %add3A_457 = arith.addi %select_n3A, %add3A_456 : i32
        %dma_wait3A_458 = arith.constant 0 : i32
        %dma_wait3A_459 = arith.constant 0 : i32
        %dma_wait3A_460 = tpu.memref_slice %arg3[%add3A_457, %dma_wait3A_459] : memref<2688x120xi32, #tpu.memory_space<hbm>> -> memref<1x120xi32, #tpu.memory_space<hbm>>
        %dma_wait3A_461 = tpu.memref_squeeze %dma_wait3A_460 : memref<1x120xi32, #tpu.memory_space<hbm>> -> memref<120xi32, #tpu.memory_space<hbm>>
        %dma_wait3A_462 = tpu.memref_slice %arg23[%dma_wait3A_458] : memref<6x!tpu.dma_semaphore, #tpu.memory_space<semaphore_mem>> -> memref<1x!tpu.dma_semaphore, #tpu.memory_space<semaphore_mem>>
        %dma_wait3A_463 = tpu.memref_squeeze %dma_wait3A_462 : memref<1x!tpu.dma_semaphore, #tpu.memory_space<semaphore_mem>> -> memref<!tpu.dma_semaphore, #tpu.memory_space<semaphore_mem>>
        %dma_wait3A_464 = arith.constant 0 : i32
        %dma_wait3A_465 = tpu.memref_slice %arg3[%add3A_457, %dma_wait3A_464] : memref<2688x120xi32, #tpu.memory_space<hbm>> -> memref<1x120xi32, #tpu.memory_space<hbm>>
        %dma_wait3A_466 = tpu.memref_squeeze %dma_wait3A_465 : memref<1x120xi32, #tpu.memory_space<hbm>> -> memref<120xi32, #tpu.memory_space<hbm>>
        tpu.wait_dma2 semaphore(%dma_wait3A_463 : memref<!tpu.dma_semaphore, #tpu.memory_space<semaphore_mem>>) src(%dma_wait3A_466 : memref<120xi32, #tpu.memory_space<hbm>>) dst(%arg7 : memref<120xi32, #tpu.memory_space<vmem>>)
        %add3A_467 = arith.addi %select_n3A, %add3A_456 : i32
        %dma_wait3A_468 = arith.constant 0 : i32
        %dma_wait3A_469 = arith.constant 0 : i32
        %dma_wait3A_470 = tpu.memref_slice %arg4[%add3A_467, %dma_wait3A_469] : memref<2688x120xi32, #tpu.memory_space<hbm>> -> memref<1x120xi32, #tpu.memory_space<hbm>>
        %dma_wait3A_471 = tpu.memref_squeeze %dma_wait3A_470 : memref<1x120xi32, #tpu.memory_space<hbm>> -> memref<120xi32, #tpu.memory_space<hbm>>
        %dma_wait3A_472 = tpu.memref_slice %arg23[%dma_wait3A_468] : memref<6x!tpu.dma_semaphore, #tpu.memory_space<semaphore_mem>> -> memref<1x!tpu.dma_semaphore, #tpu.memory_space<semaphore_mem>>
        %dma_wait3A_473 = tpu.memref_squeeze %dma_wait3A_472 : memref<1x!tpu.dma_semaphore, #tpu.memory_space<semaphore_mem>> -> memref<!tpu.dma_semaphore, #tpu.memory_space<semaphore_mem>>
        %dma_wait3A_474 = arith.constant 0 : i32
        %dma_wait3A_475 = tpu.memref_slice %arg4[%add3A_467, %dma_wait3A_474] : memref<2688x120xi32, #tpu.memory_space<hbm>> -> memref<1x120xi32, #tpu.memory_space<hbm>>
        %dma_wait3A_476 = tpu.memref_squeeze %dma_wait3A_475 : memref<1x120xi32, #tpu.memory_space<hbm>> -> memref<120xi32, #tpu.memory_space<hbm>>
        tpu.wait_dma2 semaphore(%dma_wait3A_473 : memref<!tpu.dma_semaphore, #tpu.memory_space<semaphore_mem>>) src(%dma_wait3A_476 : memref<120xi32, #tpu.memory_space<hbm>>) dst(%arg13 : memref<120xi32, #tpu.memory_space<vmem>>)
        %dma_start3A_477 = arith.constant 0 : i32
        %dma_start3A_478 = arith.constant 0 : i32
        %dma_start3A_479 = arith.constant 0 : i32
        %dma_start3A_480 = tpu.memref_slice %arg2[%dma_start3A_478, %dma_start3A_479] : memref<10112x128xf32, #tpu.memory_space<hbm>> -> memref<10112x128xf32, #tpu.memory_space<hbm>>
        %dma_start3A_481 = tpu.memref_slice %arg24[%dma_start3A_477] : memref<3x!tpu.dma_semaphore, #tpu.memory_space<semaphore_mem>> -> memref<1x!tpu.dma_semaphore, #tpu.memory_space<semaphore_mem>>
        %dma_start3A_482 = tpu.memref_squeeze %dma_start3A_481 : memref<1x!tpu.dma_semaphore, #tpu.memory_space<semaphore_mem>> -> memref<!tpu.dma_semaphore, #tpu.memory_space<semaphore_mem>>
        tpu.enqueue_indirect_dma source(%dma_start3A_480 : memref<10112x128xf32, #tpu.memory_space<hbm>>) target(%arg19 : memref<120x128xf32, #tpu.memory_space<vmem>>) offsets(%arg13 : memref<120xi32, #tpu.memory_space<vmem>>) semaphore(%dma_start3A_482 : memref<!tpu.dma_semaphore, #tpu.memory_space<semaphore_mem>>)
        %add3A_483 = arith.constant 9 : i32
        %add3A_484 = arith.addi %mul3A_255, %add3A_483 : i32
        %add3A_485 = arith.constant 0 : i32
        %add3A_486 = arith.addi %add3A_484, %add3A_485 : i32
        %add3A_487 = arith.addi %select_n3A, %add3A_486 : i32
        %dma_start3A_488 = arith.constant 3 : i32
        %dma_start3A_489 = arith.constant 0 : i32
        %dma_start3A_490 = tpu.memref_slice %arg3[%add3A_487, %dma_start3A_489] : memref<2688x120xi32, #tpu.memory_space<hbm>> -> memref<1x120xi32, #tpu.memory_space<hbm>>
        %dma_start3A_491 = tpu.memref_squeeze %dma_start3A_490 : memref<1x120xi32, #tpu.memory_space<hbm>> -> memref<120xi32, #tpu.memory_space<hbm>>
        %dma_start3A_492 = tpu.memref_slice %arg23[%dma_start3A_488] : memref<6x!tpu.dma_semaphore, #tpu.memory_space<semaphore_mem>> -> memref<1x!tpu.dma_semaphore, #tpu.memory_space<semaphore_mem>>
        %dma_start3A_493 = tpu.memref_squeeze %dma_start3A_492 : memref<1x!tpu.dma_semaphore, #tpu.memory_space<semaphore_mem>> -> memref<!tpu.dma_semaphore, #tpu.memory_space<semaphore_mem>>
        %dma_start3A_494 = arith.constant 0 : i32
        %dma_start3A_495 = tpu.memref_slice %arg3[%add3A_487, %dma_start3A_494] : memref<2688x120xi32, #tpu.memory_space<hbm>> -> memref<1x120xi32, #tpu.memory_space<hbm>>
        %dma_start3A_496 = tpu.memref_squeeze %dma_start3A_495 : memref<1x120xi32, #tpu.memory_space<hbm>> -> memref<120xi32, #tpu.memory_space<hbm>>
        tpu.enqueue_dma source(%dma_start3A_496 : memref<120xi32, #tpu.memory_space<hbm>>) target(%arg10 : memref<120xi32, #tpu.memory_space<vmem>>) target_semaphore(%dma_start3A_493 : memref<!tpu.dma_semaphore, #tpu.memory_space<semaphore_mem>>)
        %add3A_497 = arith.addi %select_n3A, %add3A_486 : i32
        %dma_start3A_498 = arith.constant 3 : i32
        %dma_start3A_499 = arith.constant 0 : i32
        %dma_start3A_500 = tpu.memref_slice %arg4[%add3A_497, %dma_start3A_499] : memref<2688x120xi32, #tpu.memory_space<hbm>> -> memref<1x120xi32, #tpu.memory_space<hbm>>
        %dma_start3A_501 = tpu.memref_squeeze %dma_start3A_500 : memref<1x120xi32, #tpu.memory_space<hbm>> -> memref<120xi32, #tpu.memory_space<hbm>>
        %dma_start3A_502 = tpu.memref_slice %arg23[%dma_start3A_498] : memref<6x!tpu.dma_semaphore, #tpu.memory_space<semaphore_mem>> -> memref<1x!tpu.dma_semaphore, #tpu.memory_space<semaphore_mem>>
        %dma_start3A_503 = tpu.memref_squeeze %dma_start3A_502 : memref<1x!tpu.dma_semaphore, #tpu.memory_space<semaphore_mem>> -> memref<!tpu.dma_semaphore, #tpu.memory_space<semaphore_mem>>
        %dma_start3A_504 = arith.constant 0 : i32
        %dma_start3A_505 = tpu.memref_slice %arg4[%add3A_497, %dma_start3A_504] : memref<2688x120xi32, #tpu.memory_space<hbm>> -> memref<1x120xi32, #tpu.memory_space<hbm>>
        %dma_start3A_506 = tpu.memref_squeeze %dma_start3A_505 : memref<1x120xi32, #tpu.memory_space<hbm>> -> memref<120xi32, #tpu.memory_space<hbm>>
        tpu.enqueue_dma source(%dma_start3A_506 : memref<120xi32, #tpu.memory_space<hbm>>) target(%arg16 : memref<120xi32, #tpu.memory_space<vmem>>) target_semaphore(%dma_start3A_503 : memref<!tpu.dma_semaphore, #tpu.memory_space<semaphore_mem>>)
        %dma_wait3A_507 = arith.constant 1 : i32
        %dma_wait3A_508 = arith.constant 0 : i32
        %dma_wait3A_509 = arith.constant 0 : i32
        %dma_wait3A_510 = tpu.memref_slice %arg22[%dma_wait3A_508, %dma_wait3A_509] : memref<10112x128xf32, #tpu.memory_space<vmem_shared>> -> memref<10112x128xf32, #tpu.memory_space<vmem_shared>>
        %dma_wait3A_511 = tpu.memref_slice %arg25[%dma_wait3A_507] : memref<3x!tpu.dma_semaphore, #tpu.memory_space<semaphore_mem>> -> memref<1x!tpu.dma_semaphore, #tpu.memory_space<semaphore_mem>>
        %dma_wait3A_512 = tpu.memref_squeeze %dma_wait3A_511 : memref<1x!tpu.dma_semaphore, #tpu.memory_space<semaphore_mem>> -> memref<!tpu.dma_semaphore, #tpu.memory_space<semaphore_mem>>
        tpu.wait_indirect_dma semaphore(%dma_wait3A_512 : memref<!tpu.dma_semaphore, #tpu.memory_space<semaphore_mem>>) src(%arg20 : memref<120x128xf32, #tpu.memory_space<vmem>>) dst(%dma_wait3A_510 : memref<10112x128xf32, #tpu.memory_space<vmem_shared>>)
        %add3A_513 = arith.constant 6 : i32
        %add3A_514 = arith.addi %mul3A_255, %add3A_513 : i32
        %add3A_515 = arith.constant 1 : i32
        %add3A_516 = arith.addi %add3A_514, %add3A_515 : i32
        %add3A_517 = arith.addi %select_n3A, %add3A_516 : i32
        %dma_wait3A_518 = arith.constant 1 : i32
        %dma_wait3A_519 = arith.constant 0 : i32
        %dma_wait3A_520 = tpu.memref_slice %arg3[%add3A_517, %dma_wait3A_519] : memref<2688x120xi32, #tpu.memory_space<hbm>> -> memref<1x120xi32, #tpu.memory_space<hbm>>
        %dma_wait3A_521 = tpu.memref_squeeze %dma_wait3A_520 : memref<1x120xi32, #tpu.memory_space<hbm>> -> memref<120xi32, #tpu.memory_space<hbm>>
        %dma_wait3A_522 = tpu.memref_slice %arg23[%dma_wait3A_518] : memref<6x!tpu.dma_semaphore, #tpu.memory_space<semaphore_mem>> -> memref<1x!tpu.dma_semaphore, #tpu.memory_space<semaphore_mem>>
        %dma_wait3A_523 = tpu.memref_squeeze %dma_wait3A_522 : memref<1x!tpu.dma_semaphore, #tpu.memory_space<semaphore_mem>> -> memref<!tpu.dma_semaphore, #tpu.memory_space<semaphore_mem>>
        %dma_wait3A_524 = arith.constant 0 : i32
        %dma_wait3A_525 = tpu.memref_slice %arg3[%add3A_517, %dma_wait3A_524] : memref<2688x120xi32, #tpu.memory_space<hbm>> -> memref<1x120xi32, #tpu.memory_space<hbm>>
        %dma_wait3A_526 = tpu.memref_squeeze %dma_wait3A_525 : memref<1x120xi32, #tpu.memory_space<hbm>> -> memref<120xi32, #tpu.memory_space<hbm>>
        tpu.wait_dma2 semaphore(%dma_wait3A_523 : memref<!tpu.dma_semaphore, #tpu.memory_space<semaphore_mem>>) src(%dma_wait3A_526 : memref<120xi32, #tpu.memory_space<hbm>>) dst(%arg8 : memref<120xi32, #tpu.memory_space<vmem>>)
        %add3A_527 = arith.addi %select_n3A, %add3A_516 : i32
        %dma_wait3A_528 = arith.constant 1 : i32
        %dma_wait3A_529 = arith.constant 0 : i32
        %dma_wait3A_530 = tpu.memref_slice %arg4[%add3A_527, %dma_wait3A_529] : memref<2688x120xi32, #tpu.memory_space<hbm>> -> memref<1x120xi32, #tpu.memory_space<hbm>>
        %dma_wait3A_531 = tpu.memref_squeeze %dma_wait3A_530 : memref<1x120xi32, #tpu.memory_space<hbm>> -> memref<120xi32, #tpu.memory_space<hbm>>
        %dma_wait3A_532 = tpu.memref_slice %arg23[%dma_wait3A_528] : memref<6x!tpu.dma_semaphore, #tpu.memory_space<semaphore_mem>> -> memref<1x!tpu.dma_semaphore, #tpu.memory_space<semaphore_mem>>
        %dma_wait3A_533 = tpu.memref_squeeze %dma_wait3A_532 : memref<1x!tpu.dma_semaphore, #tpu.memory_space<semaphore_mem>> -> memref<!tpu.dma_semaphore, #tpu.memory_space<semaphore_mem>>
        %dma_wait3A_534 = arith.constant 0 : i32
        %dma_wait3A_535 = tpu.memref_slice %arg4[%add3A_527, %dma_wait3A_534] : memref<2688x120xi32, #tpu.memory_space<hbm>> -> memref<1x120xi32, #tpu.memory_space<hbm>>
        %dma_wait3A_536 = tpu.memref_squeeze %dma_wait3A_535 : memref<1x120xi32, #tpu.memory_space<hbm>> -> memref<120xi32, #tpu.memory_space<hbm>>
        tpu.wait_dma2 semaphore(%dma_wait3A_533 : memref<!tpu.dma_semaphore, #tpu.memory_space<semaphore_mem>>) src(%dma_wait3A_536 : memref<120xi32, #tpu.memory_space<hbm>>) dst(%arg14 : memref<120xi32, #tpu.memory_space<vmem>>)
        %dma_start3A_537 = arith.constant 1 : i32
        %dma_start3A_538 = arith.constant 0 : i32
        %dma_start3A_539 = arith.constant 0 : i32
        %dma_start3A_540 = tpu.memref_slice %arg2[%dma_start3A_538, %dma_start3A_539] : memref<10112x128xf32, #tpu.memory_space<hbm>> -> memref<10112x128xf32, #tpu.memory_space<hbm>>
        %dma_start3A_541 = tpu.memref_slice %arg24[%dma_start3A_537] : memref<3x!tpu.dma_semaphore, #tpu.memory_space<semaphore_mem>> -> memref<1x!tpu.dma_semaphore, #tpu.memory_space<semaphore_mem>>
        %dma_start3A_542 = tpu.memref_squeeze %dma_start3A_541 : memref<1x!tpu.dma_semaphore, #tpu.memory_space<semaphore_mem>> -> memref<!tpu.dma_semaphore, #tpu.memory_space<semaphore_mem>>
        tpu.enqueue_indirect_dma source(%dma_start3A_540 : memref<10112x128xf32, #tpu.memory_space<hbm>>) target(%arg20 : memref<120x128xf32, #tpu.memory_space<vmem>>) offsets(%arg14 : memref<120xi32, #tpu.memory_space<vmem>>) semaphore(%dma_start3A_542 : memref<!tpu.dma_semaphore, #tpu.memory_space<semaphore_mem>>)
        %add3A_543 = arith.constant 9 : i32
        %add3A_544 = arith.addi %mul3A_255, %add3A_543 : i32
        %add3A_545 = arith.constant 1 : i32
        %add3A_546 = arith.addi %add3A_544, %add3A_545 : i32
        %add3A_547 = arith.addi %select_n3A, %add3A_546 : i32
        %dma_start3A_548 = arith.constant 4 : i32
        %dma_start3A_549 = arith.constant 0 : i32
        %dma_start3A_550 = tpu.memref_slice %arg3[%add3A_547, %dma_start3A_549] : memref<2688x120xi32, #tpu.memory_space<hbm>> -> memref<1x120xi32, #tpu.memory_space<hbm>>
        %dma_start3A_551 = tpu.memref_squeeze %dma_start3A_550 : memref<1x120xi32, #tpu.memory_space<hbm>> -> memref<120xi32, #tpu.memory_space<hbm>>
        %dma_start3A_552 = tpu.memref_slice %arg23[%dma_start3A_548] : memref<6x!tpu.dma_semaphore, #tpu.memory_space<semaphore_mem>> -> memref<1x!tpu.dma_semaphore, #tpu.memory_space<semaphore_mem>>
        %dma_start3A_553 = tpu.memref_squeeze %dma_start3A_552 : memref<1x!tpu.dma_semaphore, #tpu.memory_space<semaphore_mem>> -> memref<!tpu.dma_semaphore, #tpu.memory_space<semaphore_mem>>
        %dma_start3A_554 = arith.constant 0 : i32
        %dma_start3A_555 = tpu.memref_slice %arg3[%add3A_547, %dma_start3A_554] : memref<2688x120xi32, #tpu.memory_space<hbm>> -> memref<1x120xi32, #tpu.memory_space<hbm>>
        %dma_start3A_556 = tpu.memref_squeeze %dma_start3A_555 : memref<1x120xi32, #tpu.memory_space<hbm>> -> memref<120xi32, #tpu.memory_space<hbm>>
        tpu.enqueue_dma source(%dma_start3A_556 : memref<120xi32, #tpu.memory_space<hbm>>) target(%arg11 : memref<120xi32, #tpu.memory_space<vmem>>) target_semaphore(%dma_start3A_553 : memref<!tpu.dma_semaphore, #tpu.memory_space<semaphore_mem>>)
        %add3A_557 = arith.addi %select_n3A, %add3A_546 : i32
        %dma_start3A_558 = arith.constant 4 : i32
        %dma_start3A_559 = arith.constant 0 : i32
        %dma_start3A_560 = tpu.memref_slice %arg4[%add3A_557, %dma_start3A_559] : memref<2688x120xi32, #tpu.memory_space<hbm>> -> memref<1x120xi32, #tpu.memory_space<hbm>>
        %dma_start3A_561 = tpu.memref_squeeze %dma_start3A_560 : memref<1x120xi32, #tpu.memory_space<hbm>> -> memref<120xi32, #tpu.memory_space<hbm>>
        %dma_start3A_562 = tpu.memref_slice %arg23[%dma_start3A_558] : memref<6x!tpu.dma_semaphore, #tpu.memory_space<semaphore_mem>> -> memref<1x!tpu.dma_semaphore, #tpu.memory_space<semaphore_mem>>
        %dma_start3A_563 = tpu.memref_squeeze %dma_start3A_562 : memref<1x!tpu.dma_semaphore, #tpu.memory_space<semaphore_mem>> -> memref<!tpu.dma_semaphore, #tpu.memory_space<semaphore_mem>>
        %dma_start3A_564 = arith.constant 0 : i32
        %dma_start3A_565 = tpu.memref_slice %arg4[%add3A_557, %dma_start3A_564] : memref<2688x120xi32, #tpu.memory_space<hbm>> -> memref<1x120xi32, #tpu.memory_space<hbm>>
        %dma_start3A_566 = tpu.memref_squeeze %dma_start3A_565 : memref<1x120xi32, #tpu.memory_space<hbm>> -> memref<120xi32, #tpu.memory_space<hbm>>
        tpu.enqueue_dma source(%dma_start3A_566 : memref<120xi32, #tpu.memory_space<hbm>>) target(%arg17 : memref<120xi32, #tpu.memory_space<vmem>>) target_semaphore(%dma_start3A_563 : memref<!tpu.dma_semaphore, #tpu.memory_space<semaphore_mem>>)
        %dma_wait3A_567 = arith.constant 2 : i32
        %dma_wait3A_568 = arith.constant 0 : i32
        %dma_wait3A_569 = arith.constant 0 : i32
        %dma_wait3A_570 = tpu.memref_slice %arg22[%dma_wait3A_568, %dma_wait3A_569] : memref<10112x128xf32, #tpu.memory_space<vmem_shared>> -> memref<10112x128xf32, #tpu.memory_space<vmem_shared>>
        %dma_wait3A_571 = tpu.memref_slice %arg25[%dma_wait3A_567] : memref<3x!tpu.dma_semaphore, #tpu.memory_space<semaphore_mem>> -> memref<1x!tpu.dma_semaphore, #tpu.memory_space<semaphore_mem>>
        %dma_wait3A_572 = tpu.memref_squeeze %dma_wait3A_571 : memref<1x!tpu.dma_semaphore, #tpu.memory_space<semaphore_mem>> -> memref<!tpu.dma_semaphore, #tpu.memory_space<semaphore_mem>>
        tpu.wait_indirect_dma semaphore(%dma_wait3A_572 : memref<!tpu.dma_semaphore, #tpu.memory_space<semaphore_mem>>) src(%arg21 : memref<120x128xf32, #tpu.memory_space<vmem>>) dst(%dma_wait3A_570 : memref<10112x128xf32, #tpu.memory_space<vmem_shared>>)
        %add3A_573 = arith.constant 6 : i32
        %add3A_574 = arith.addi %mul3A_255, %add3A_573 : i32
        %add3A_575 = arith.constant 2 : i32
        %add3A_576 = arith.addi %add3A_574, %add3A_575 : i32
        %add3A_577 = arith.addi %select_n3A, %add3A_576 : i32
        %dma_wait3A_578 = arith.constant 2 : i32
        %dma_wait3A_579 = arith.constant 0 : i32
        %dma_wait3A_580 = tpu.memref_slice %arg3[%add3A_577, %dma_wait3A_579] : memref<2688x120xi32, #tpu.memory_space<hbm>> -> memref<1x120xi32, #tpu.memory_space<hbm>>
        %dma_wait3A_581 = tpu.memref_squeeze %dma_wait3A_580 : memref<1x120xi32, #tpu.memory_space<hbm>> -> memref<120xi32, #tpu.memory_space<hbm>>
        %dma_wait3A_582 = tpu.memref_slice %arg23[%dma_wait3A_578] : memref<6x!tpu.dma_semaphore, #tpu.memory_space<semaphore_mem>> -> memref<1x!tpu.dma_semaphore, #tpu.memory_space<semaphore_mem>>
        %dma_wait3A_583 = tpu.memref_squeeze %dma_wait3A_582 : memref<1x!tpu.dma_semaphore, #tpu.memory_space<semaphore_mem>> -> memref<!tpu.dma_semaphore, #tpu.memory_space<semaphore_mem>>
        %dma_wait3A_584 = arith.constant 0 : i32
        %dma_wait3A_585 = tpu.memref_slice %arg3[%add3A_577, %dma_wait3A_584] : memref<2688x120xi32, #tpu.memory_space<hbm>> -> memref<1x120xi32, #tpu.memory_space<hbm>>
        %dma_wait3A_586 = tpu.memref_squeeze %dma_wait3A_585 : memref<1x120xi32, #tpu.memory_space<hbm>> -> memref<120xi32, #tpu.memory_space<hbm>>
        tpu.wait_dma2 semaphore(%dma_wait3A_583 : memref<!tpu.dma_semaphore, #tpu.memory_space<semaphore_mem>>) src(%dma_wait3A_586 : memref<120xi32, #tpu.memory_space<hbm>>) dst(%arg9 : memref<120xi32, #tpu.memory_space<vmem>>)
        %add3A_587 = arith.addi %select_n3A, %add3A_576 : i32
        %dma_wait3A_588 = arith.constant 2 : i32
        %dma_wait3A_589 = arith.constant 0 : i32
        %dma_wait3A_590 = tpu.memref_slice %arg4[%add3A_587, %dma_wait3A_589] : memref<2688x120xi32, #tpu.memory_space<hbm>> -> memref<1x120xi32, #tpu.memory_space<hbm>>
        %dma_wait3A_591 = tpu.memref_squeeze %dma_wait3A_590 : memref<1x120xi32, #tpu.memory_space<hbm>> -> memref<120xi32, #tpu.memory_space<hbm>>
        %dma_wait3A_592 = tpu.memref_slice %arg23[%dma_wait3A_588] : memref<6x!tpu.dma_semaphore, #tpu.memory_space<semaphore_mem>> -> memref<1x!tpu.dma_semaphore, #tpu.memory_space<semaphore_mem>>
        %dma_wait3A_593 = tpu.memref_squeeze %dma_wait3A_592 : memref<1x!tpu.dma_semaphore, #tpu.memory_space<semaphore_mem>> -> memref<!tpu.dma_semaphore, #tpu.memory_space<semaphore_mem>>
        %dma_wait3A_594 = arith.constant 0 : i32
        %dma_wait3A_595 = tpu.memref_slice %arg4[%add3A_587, %dma_wait3A_594] : memref<2688x120xi32, #tpu.memory_space<hbm>> -> memref<1x120xi32, #tpu.memory_space<hbm>>
        %dma_wait3A_596 = tpu.memref_squeeze %dma_wait3A_595 : memref<1x120xi32, #tpu.memory_space<hbm>> -> memref<120xi32, #tpu.memory_space<hbm>>
        tpu.wait_dma2 semaphore(%dma_wait3A_593 : memref<!tpu.dma_semaphore, #tpu.memory_space<semaphore_mem>>) src(%dma_wait3A_596 : memref<120xi32, #tpu.memory_space<hbm>>) dst(%arg15 : memref<120xi32, #tpu.memory_space<vmem>>)
        %dma_start3A_597 = arith.constant 2 : i32
        %dma_start3A_598 = arith.constant 0 : i32
        %dma_start3A_599 = arith.constant 0 : i32
        %dma_start3A_600 = tpu.memref_slice %arg2[%dma_start3A_598, %dma_start3A_599] : memref<10112x128xf32, #tpu.memory_space<hbm>> -> memref<10112x128xf32, #tpu.memory_space<hbm>>
        %dma_start3A_601 = tpu.memref_slice %arg24[%dma_start3A_597] : memref<3x!tpu.dma_semaphore, #tpu.memory_space<semaphore_mem>> -> memref<1x!tpu.dma_semaphore, #tpu.memory_space<semaphore_mem>>
        %dma_start3A_602 = tpu.memref_squeeze %dma_start3A_601 : memref<1x!tpu.dma_semaphore, #tpu.memory_space<semaphore_mem>> -> memref<!tpu.dma_semaphore, #tpu.memory_space<semaphore_mem>>
        tpu.enqueue_indirect_dma source(%dma_start3A_600 : memref<10112x128xf32, #tpu.memory_space<hbm>>) target(%arg21 : memref<120x128xf32, #tpu.memory_space<vmem>>) offsets(%arg15 : memref<120xi32, #tpu.memory_space<vmem>>) semaphore(%dma_start3A_602 : memref<!tpu.dma_semaphore, #tpu.memory_space<semaphore_mem>>)
        %add3A_603 = arith.constant 9 : i32
        %add3A_604 = arith.addi %mul3A_255, %add3A_603 : i32
        %add3A_605 = arith.constant 2 : i32
        %add3A_606 = arith.addi %add3A_604, %add3A_605 : i32
        %add3A_607 = arith.addi %select_n3A, %add3A_606 : i32
        %dma_start3A_608 = arith.constant 5 : i32
        %dma_start3A_609 = arith.constant 0 : i32
        %dma_start3A_610 = tpu.memref_slice %arg3[%add3A_607, %dma_start3A_609] : memref<2688x120xi32, #tpu.memory_space<hbm>> -> memref<1x120xi32, #tpu.memory_space<hbm>>
        %dma_start3A_611 = tpu.memref_squeeze %dma_start3A_610 : memref<1x120xi32, #tpu.memory_space<hbm>> -> memref<120xi32, #tpu.memory_space<hbm>>
        %dma_start3A_612 = tpu.memref_slice %arg23[%dma_start3A_608] : memref<6x!tpu.dma_semaphore, #tpu.memory_space<semaphore_mem>> -> memref<1x!tpu.dma_semaphore, #tpu.memory_space<semaphore_mem>>
        %dma_start3A_613 = tpu.memref_squeeze %dma_start3A_612 : memref<1x!tpu.dma_semaphore, #tpu.memory_space<semaphore_mem>> -> memref<!tpu.dma_semaphore, #tpu.memory_space<semaphore_mem>>
        %dma_start3A_614 = arith.constant 0 : i32
        %dma_start3A_615 = tpu.memref_slice %arg3[%add3A_607, %dma_start3A_614] : memref<2688x120xi32, #tpu.memory_space<hbm>> -> memref<1x120xi32, #tpu.memory_space<hbm>>
        %dma_start3A_616 = tpu.memref_squeeze %dma_start3A_615 : memref<1x120xi32, #tpu.memory_space<hbm>> -> memref<120xi32, #tpu.memory_space<hbm>>
        tpu.enqueue_dma source(%dma_start3A_616 : memref<120xi32, #tpu.memory_space<hbm>>) target(%arg12 : memref<120xi32, #tpu.memory_space<vmem>>) target_semaphore(%dma_start3A_613 : memref<!tpu.dma_semaphore, #tpu.memory_space<semaphore_mem>>)
        %add3A_617 = arith.addi %select_n3A, %add3A_606 : i32
        %dma_start3A_618 = arith.constant 5 : i32
        %dma_start3A_619 = arith.constant 0 : i32
        %dma_start3A_620 = tpu.memref_slice %arg4[%add3A_617, %dma_start3A_619] : memref<2688x120xi32, #tpu.memory_space<hbm>> -> memref<1x120xi32, #tpu.memory_space<hbm>>
        %dma_start3A_621 = tpu.memref_squeeze %dma_start3A_620 : memref<1x120xi32, #tpu.memory_space<hbm>> -> memref<120xi32, #tpu.memory_space<hbm>>
        %dma_start3A_622 = tpu.memref_slice %arg23[%dma_start3A_618] : memref<6x!tpu.dma_semaphore, #tpu.memory_space<semaphore_mem>> -> memref<1x!tpu.dma_semaphore, #tpu.memory_space<semaphore_mem>>
        %dma_start3A_623 = tpu.memref_squeeze %dma_start3A_622 : memref<1x!tpu.dma_semaphore, #tpu.memory_space<semaphore_mem>> -> memref<!tpu.dma_semaphore, #tpu.memory_space<semaphore_mem>>
        %dma_start3A_624 = arith.constant 0 : i32
        %dma_start3A_625 = tpu.memref_slice %arg4[%add3A_617, %dma_start3A_624] : memref<2688x120xi32, #tpu.memory_space<hbm>> -> memref<1x120xi32, #tpu.memory_space<hbm>>
        %dma_start3A_626 = tpu.memref_squeeze %dma_start3A_625 : memref<1x120xi32, #tpu.memory_space<hbm>> -> memref<120xi32, #tpu.memory_space<hbm>>
        tpu.enqueue_dma source(%dma_start3A_626 : memref<120xi32, #tpu.memory_space<hbm>>) target(%arg18 : memref<120xi32, #tpu.memory_space<vmem>>) target_semaphore(%dma_start3A_623 : memref<!tpu.dma_semaphore, #tpu.memory_space<semaphore_mem>>)
      } else {
      }
    }
    %scan3A_229 = arith.constant 14 : i32
    %dma_wait3A_230 = arith.constant 0 : i32
    %dma_wait3A_231 = arith.constant 0 : i32
    %dma_wait3A_232 = arith.constant 0 : i32
    %dma_wait3A_233 = tpu.memref_slice %arg22[%dma_wait3A_231, %dma_wait3A_232] : memref<10112x128xf32, #tpu.memory_space<vmem_shared>> -> memref<10112x128xf32, #tpu.memory_space<vmem_shared>>
    %dma_wait3A_234 = tpu.memref_slice %arg25[%dma_wait3A_230] : memref<3x!tpu.dma_semaphore, #tpu.memory_space<semaphore_mem>> -> memref<1x!tpu.dma_semaphore, #tpu.memory_space<semaphore_mem>>
    %dma_wait3A_235 = tpu.memref_squeeze %dma_wait3A_234 : memref<1x!tpu.dma_semaphore, #tpu.memory_space<semaphore_mem>> -> memref<!tpu.dma_semaphore, #tpu.memory_space<semaphore_mem>>
    tpu.wait_indirect_dma semaphore(%dma_wait3A_235 : memref<!tpu.dma_semaphore, #tpu.memory_space<semaphore_mem>>) src(%arg19 : memref<120x128xf32, #tpu.memory_space<vmem>>) dst(%dma_wait3A_233 : memref<10112x128xf32, #tpu.memory_space<vmem_shared>>)
    %dma_wait3A_236 = arith.constant 1 : i32
    %dma_wait3A_237 = arith.constant 0 : i32
    %dma_wait3A_238 = arith.constant 0 : i32
    %dma_wait3A_239 = tpu.memref_slice %arg22[%dma_wait3A_237, %dma_wait3A_238] : memref<10112x128xf32, #tpu.memory_space<vmem_shared>> -> memref<10112x128xf32, #tpu.memory_space<vmem_shared>>
    %dma_wait3A_240 = tpu.memref_slice %arg25[%dma_wait3A_236] : memref<3x!tpu.dma_semaphore, #tpu.memory_space<semaphore_mem>> -> memref<1x!tpu.dma_semaphore, #tpu.memory_space<semaphore_mem>>
    %dma_wait3A_241 = tpu.memref_squeeze %dma_wait3A_240 : memref<1x!tpu.dma_semaphore, #tpu.memory_space<semaphore_mem>> -> memref<!tpu.dma_semaphore, #tpu.memory_space<semaphore_mem>>
    tpu.wait_indirect_dma semaphore(%dma_wait3A_241 : memref<!tpu.dma_semaphore, #tpu.memory_space<semaphore_mem>>) src(%arg20 : memref<120x128xf32, #tpu.memory_space<vmem>>) dst(%dma_wait3A_239 : memref<10112x128xf32, #tpu.memory_space<vmem_shared>>)
    %dma_wait3A_242 = arith.constant 2 : i32
    %dma_wait3A_243 = arith.constant 0 : i32
    %dma_wait3A_244 = arith.constant 0 : i32
    %dma_wait3A_245 = tpu.memref_slice %arg22[%dma_wait3A_243, %dma_wait3A_244] : memref<10112x128xf32, #tpu.memory_space<vmem_shared>> -> memref<10112x128xf32, #tpu.memory_space<vmem_shared>>
    %dma_wait3A_246 = tpu.memref_slice %arg25[%dma_wait3A_242] : memref<3x!tpu.dma_semaphore, #tpu.memory_space<semaphore_mem>> -> memref<1x!tpu.dma_semaphore, #tpu.memory_space<semaphore_mem>>
    %dma_wait3A_247 = tpu.memref_squeeze %dma_wait3A_246 : memref<1x!tpu.dma_semaphore, #tpu.memory_space<semaphore_mem>> -> memref<!tpu.dma_semaphore, #tpu.memory_space<semaphore_mem>>
    tpu.wait_indirect_dma semaphore(%dma_wait3A_247 : memref<!tpu.dma_semaphore, #tpu.memory_space<semaphore_mem>>) src(%arg21 : memref<120x128xf32, #tpu.memory_space<vmem>>) dst(%dma_wait3A_245 : memref<10112x128xf32, #tpu.memory_space<vmem_shared>>)
    %barrier3A_248 = arith.constant 0 : index
    tpu.barrier barrier_id(%barrier3A_248)
    %mul3A_249 = arith.constant 632 : i32
    %mul3A_250 = arith.muli %arg1, %mul3A_249 : i32
    %mul3A_251 = arith.constant 632 : i32
    %mul3A_252 = arith.muli %arg1, %mul3A_251 : i32
    "tpu.region"() ({
      %run_scoped3A = tpu.sem_alloc : memref<!tpu.dma_semaphore, #tpu.memory_space<semaphore_mem>>
      %dma_start3A_253 = arith.constant 0 : i32
      %dma_start3A_254 = tpu.memref_slice %arg6[%arg0, %mul3A_252, %dma_start3A_253] : memref<2x10112x128xf32, #tpu.memory_space<hbm>> -> memref<1x632x128xf32, #tpu.memory_space<hbm>>
      %dma_start3A_255 = tpu.memref_squeeze %dma_start3A_254 : memref<1x632x128xf32, #tpu.memory_space<hbm>> -> memref<632x128xf32, #tpu.memory_space<hbm>>
      %dma_start3A_256 = arith.constant 0 : i32
      %dma_start3A_257 = tpu.memref_slice %arg22[%mul3A_250, %dma_start3A_256] : memref<10112x128xf32, #tpu.memory_space<vmem_shared>> -> memref<632x128xf32, #tpu.memory_space<vmem_shared>>
      tpu.enqueue_dma source(%dma_start3A_257 : memref<632x128xf32, #tpu.memory_space<vmem_shared>>) target(%dma_start3A_255 : memref<632x128xf32, #tpu.memory_space<hbm>>) target_semaphore(%run_scoped3A : memref<!tpu.dma_semaphore, #tpu.memory_space<semaphore_mem>>)
      %dma_wait3A_258 = arith.constant 0 : i32
      %dma_wait3A_259 = tpu.memref_slice %arg6[%arg0, %mul3A_252, %dma_wait3A_258] : memref<2x10112x128xf32, #tpu.memory_space<hbm>> -> memref<1x632x128xf32, #tpu.memory_space<hbm>>
      %dma_wait3A_260 = tpu.memref_squeeze %dma_wait3A_259 : memref<1x632x128xf32, #tpu.memory_space<hbm>> -> memref<632x128xf32, #tpu.memory_space<hbm>>
      %dma_wait3A_261 = arith.constant 0 : i32
      %dma_wait3A_262 = tpu.memref_slice %arg22[%mul3A_250, %dma_wait3A_261] : memref<10112x128xf32, #tpu.memory_space<vmem_shared>> -> memref<632x128xf32, #tpu.memory_space<vmem_shared>>
      tpu.wait_dma2 semaphore(%run_scoped3A : memref<!tpu.dma_semaphore, #tpu.memory_space<semaphore_mem>>) src(%dma_wait3A_262 : memref<632x128xf32, #tpu.memory_space<vmem_shared>>) dst(%dma_wait3A_260 : memref<632x128xf32, #tpu.memory_space<hbm>>)
      tpu.yield
    }) : () -> ()
    return
  }
}

module attributes {stable_mosaic.version = 14 : i64} {
  func.func @_prep_body(%arg0: memref<32x10112xf32, #tpu.memory_space<vmem>>, %arg1: memref<10000x128xf32, #tpu.memory_space<vmem>>, %arg2: memref<10000x128xf32, #tpu.memory_space<vmem>>, %arg3: memref<10112x128xf32, #tpu.memory_space<vmem>>) attributes {dimension_semantics = [], scalar_prefetch = 0 : i64, scratch_operands = 0 : i64, tpu.core_type = #tpu.core_type<tc>} {
    %get3A = arith.constant 0 : index
    %get3A_0 = arith.constant 0 : index
    %get3A_1 = vector.load %arg0[%get3A, %get3A_0] : memref<32x10112xf32, #tpu.memory_space<vmem>>, vector<32x10112xf32>
    %broadcast_in_dim3A = arith.constant 1.000000e+00 : f32
    %broadcast_in_dim3A_2 = vector.broadcast %broadcast_in_dim3A : f32 to vector<32x1xf32>
    %dot_general3A = arith.constant dense<0.000000e+00> : vector<10112x1xf32>
    %dot_general3A_3 = tpu.matmul %get3A_1, %broadcast_in_dim3A_2, %dot_general3A {dimension_numbers = #tpu.dot_dimension_numbers<[0], [0], [1], [1], [0, 1, 1, 1], [], []>, transpose_lhs_hint = false} : vector<32x10112xf32>, vector<32x1xf32>, vector<10112x1xf32> -> vector<10112x1xf32>
    %slice3A = vector.extract_strided_slice %dot_general3A_3 {offsets = [0, 0], sizes = [10000, 1], strides = [1, 1]} : vector<10112x1xf32> to vector<10000x1xf32>
    %gt3A = arith.constant 0.000000e+00 : f32
    %gt3A_4 = vector.broadcast %gt3A : f32 to vector<10000x1xf32>
    %gt3A_5 = arith.cmpf ogt, %slice3A, %gt3A_4 : vector<10000x1xf32>
    %max3A = arith.constant 9.99999996E-13 : f32
    %max3A_6 = vector.broadcast %max3A : f32 to vector<10000x1xf32>
    %max3A_7 = arith.maximumf %slice3A, %max3A_6 : vector<10000x1xf32>
    %rsqrt3A = math.rsqrt %max3A_7 : vector<10000x1xf32>
    %jit3A = arith.constant 0.000000e+00 : f32
    %broadcast_in_dim3A_8 = vector.broadcast %jit3A : f32 to vector<10000x1xf32>
    %select_n3A = arith.select %gt3A_5, %rsqrt3A, %broadcast_in_dim3A_8 : vector<10000x1xi1>, vector<10000x1xf32>
    %broadcast_in_dim3A_9 = vector.shape_cast %select_n3A : vector<10000x1xf32> to vector<10000x1xf32>
    %broadcast_in_dim3A_10 = vector.broadcast %broadcast_in_dim3A_9 : vector<10000x1xf32> to vector<10000x128xf32>
    %swap3A = arith.constant 0 : index
    %swap3A_11 = arith.constant 0 : index
    %swap3A_12 = vector.load %arg2[%swap3A, %swap3A_11] : memref<10000x128xf32, #tpu.memory_space<vmem>>, vector<10000x128xf32>
    tpu.vector_store %arg2[%swap3A, %swap3A_11], %broadcast_in_dim3A_10 {strides = array<i32>} : memref<10000x128xf32, #tpu.memory_space<vmem>>, vector<10000x128xf32>,
    %get3A_13 = arith.constant 0 : index
    %get3A_14 = arith.constant 0 : index
    %get3A_15 = vector.load %arg1[%get3A_13, %get3A_14] : memref<10000x128xf32, #tpu.memory_space<vmem>>, vector<10000x128xf32>
    %mul3A = arith.mulf %get3A_15, %broadcast_in_dim3A_10 : vector<10000x128xf32>
    %swap3A_16 = arith.constant 0 : index
    %swap3A_17 = arith.constant 0 : index
    %swap3A_18 = vector.load %arg3[%swap3A_16, %swap3A_17] : memref<10112x128xf32, #tpu.memory_space<vmem>>, vector<10000x128xf32>
    tpu.vector_store %arg3[%swap3A_16, %swap3A_17], %mul3A {strides = array<i32>} : memref<10112x128xf32, #tpu.memory_space<vmem>>, vector<10000x128xf32>,
    %broadcast_in_dim3A_19 = arith.constant 0.000000e+00 : f32
    %broadcast_in_dim3A_20 = vector.broadcast %broadcast_in_dim3A_19 : f32 to vector<112x128xf32>
    %swap3A_21 = arith.constant 10000 : index
    %swap3A_22 = arith.constant 0 : index
    %swap3A_23 = vector.load %arg3[%swap3A_21, %swap3A_22] : memref<10112x128xf32, #tpu.memory_space<vmem>>, vector<112x128xf32>
    tpu.vector_store %arg3[%swap3A_21, %swap3A_22], %broadcast_in_dim3A_20 {strides = array<i32>} : memref<10112x128xf32, #tpu.memory_space<vmem>>, vector<112x128xf32>,
    return
  }
}

module attributes {stable_mosaic.version = 14 : i64} {
  func.func @_dense_body(%arg0: i32, %arg1: memref<1x2000x128xf32, #tpu.memory_space<vmem>>, %arg2: memref<1x2000x128xf32, #tpu.memory_space<vmem>>, %arg3: memref<2000x128xf32, #tpu.memory_space<vmem>>, %arg4: memref<2000x128xf32, #tpu.memory_space<vmem>>, %arg5: memref<128x128xf32, #tpu.memory_space<vmem>>, %arg6: memref<1x128xf32, #tpu.memory_space<vmem>>, %arg7: memref<128x128xf32, #tpu.memory_space<vmem>>, %arg8: memref<1x128xf32, #tpu.memory_space<vmem>>, %arg9: memref<10112x128xf32, #tpu.memory_space<any>>, %arg10: memref<2000x128xf32, #tpu.memory_space<vmem>>, %arg11: memref<2000x128xf32, #tpu.memory_space<vmem>>) attributes {dimension_semantics = [#tpu.dimension_semantics<arbitrary>], iteration_bounds = array<i64: 5>, scalar_prefetch = 0 : i64, scratch_operands = 0 : i64, tpu.core_type = #tpu.core_type<tc>, window_params = [{transform_indices = @transform_0, window_bounds = array<i64: 1, 2000, 128>}, {transform_indices = @transform_1, window_bounds = array<i64: 1, 2000, 128>}, {transform_indices = @transform_2, window_bounds = array<i64: 2000, 128>}, {transform_indices = @transform_3, window_bounds = array<i64: 2000, 128>}, {pipeline_mode = #tpu.pipeline_mode<synchronous>, transform_indices = @transform_4, window_bounds = array<i64: 128, 128>}, {pipeline_mode = #tpu.pipeline_mode<synchronous>, transform_indices = @transform_5, window_bounds = array<i64: 1, 128>}, {pipeline_mode = #tpu.pipeline_mode<synchronous>, transform_indices = @transform_6, window_bounds = array<i64: 128, 128>}, {pipeline_mode = #tpu.pipeline_mode<synchronous>, transform_indices = @transform_7, window_bounds = array<i64: 1, 128>}, {}, {transform_indices = @transform_9, window_bounds = array<i64: 2000, 128>}, {transform_indices = @transform_10, window_bounds = array<i64: 2000, 128>}]} {
    %get3A = arith.constant 0 : index
    %get3A_0 = arith.constant 0 : index
    %get3A_1 = vector.load %arg4[%get3A, %get3A_0] : memref<2000x128xf32, #tpu.memory_space<vmem>>, vector<2000x128xf32>
    %get3A_2 = arith.constant 0 : index
    %get3A_3 = arith.constant 0 : index
    %get3A_4 = arith.constant 0 : index
    %get3A_5 = vector.load %arg1[%get3A_2, %get3A_3, %get3A_4] : memref<1x2000x128xf32, #tpu.memory_space<vmem>>, vector<1x2000x128xf32>
    %get3A_6 = vector.shape_cast %get3A_5 : vector<1x2000x128xf32> to vector<2000x128xf32>
    %get3A_7 = arith.constant 0 : index
    %get3A_8 = arith.constant 0 : index
    %get3A_9 = arith.constant 0 : index
    %get3A_10 = vector.load %arg2[%get3A_7, %get3A_8, %get3A_9] : memref<1x2000x128xf32, #tpu.memory_space<vmem>>, vector<1x2000x128xf32>
    %get3A_11 = vector.shape_cast %get3A_10 : vector<1x2000x128xf32> to vector<2000x128xf32>
    %add3A = arith.addf %get3A_6, %get3A_11 : vector<2000x128xf32>
    %mul3A = arith.mulf %add3A, %get3A_1 : vector<2000x128xf32>
    %get3A_12 = arith.constant 0 : index
    %get3A_13 = arith.constant 0 : index
    %get3A_14 = vector.load %arg3[%get3A_12, %get3A_13] : memref<2000x128xf32, #tpu.memory_space<vmem>>, vector<2000x128xf32>
    %get3A_15 = arith.constant 0 : index
    %get3A_16 = arith.constant 0 : index
    %get3A_17 = vector.load %arg5[%get3A_15, %get3A_16] : memref<128x128xf32, #tpu.memory_space<vmem>>, vector<128x128xf32>
    %dot_general3A = arith.constant dense<0.000000e+00> : vector<2000x128xf32>
    %dot_general3A_18 = tpu.matmul %mul3A, %get3A_17, %dot_general3A {dimension_numbers = #tpu.dot_dimension_numbers<[1], [0], [0], [1], [0, 0, 1, 1], [], []>, transpose_lhs_hint = false} : vector<2000x128xf32>, vector<128x128xf32>, vector<2000x128xf32> -> vector<2000x128xf32>
    %get3A_19 = arith.constant 0 : index
    %get3A_20 = arith.constant 0 : index
    %get3A_21 = vector.load %arg6[%get3A_19, %get3A_20] : memref<1x128xf32, #tpu.memory_space<vmem>>, vector<1x128xf32>
    %add3A_22 = vector.broadcast %get3A_21 : vector<1x128xf32> to vector<2000x128xf32>
    %add3A_23 = arith.addf %dot_general3A_18, %add3A_22 : vector<2000x128xf32>
    %jit3A = arith.constant 2.000000e-01 : f32
    %ge3A = arith.constant 0.000000e+00 : f32
    %ge3A_24 = vector.broadcast %ge3A : f32 to vector<2000x128xf32>
    %ge3A_25 = arith.cmpf oge, %add3A_23, %ge3A_24 : vector<2000x128xf32>
    %mul3A_26 = vector.broadcast %jit3A : f32 to vector<2000x128xf32>
    %mul3A_27 = arith.mulf %mul3A_26, %add3A_23 : vector<2000x128xf32>
    %select_n3A = arith.select %ge3A_25, %add3A_23, %mul3A_27 : vector<2000x128xi1>, vector<2000x128xf32>
    %mul3A_28 = arith.mulf %get3A_14, %mul3A : vector<2000x128xf32>
    %get3A_29 = arith.constant 0 : index
    %get3A_30 = arith.constant 0 : index
    %get3A_31 = vector.load %arg7[%get3A_29, %get3A_30] : memref<128x128xf32, #tpu.memory_space<vmem>>, vector<128x128xf32>
    %dot_general3A_32 = arith.constant dense<0.000000e+00> : vector<2000x128xf32>
    %dot_general3A_33 = tpu.matmul %mul3A_28, %get3A_31, %dot_general3A_32 {dimension_numbers = #tpu.dot_dimension_numbers<[1], [0], [0], [1], [0, 0, 1, 1], [], []>, transpose_lhs_hint = false} : vector<2000x128xf32>, vector<128x128xf32>, vector<2000x128xf32> -> vector<2000x128xf32>
    %get3A_34 = arith.constant 0 : index
    %get3A_35 = arith.constant 0 : index
    %get3A_36 = vector.load %arg8[%get3A_34, %get3A_35] : memref<1x128xf32, #tpu.memory_space<vmem>>, vector<1x128xf32>
    %add3A_37 = vector.broadcast %get3A_36 : vector<1x128xf32> to vector<2000x128xf32>
    %add3A_38 = arith.addf %dot_general3A_33, %add3A_37 : vector<2000x128xf32>
    %jit3A_39 = arith.constant 2.000000e-01 : f32
    %ge3A_40 = arith.constant 0.000000e+00 : f32
    %ge3A_41 = vector.broadcast %ge3A_40 : f32 to vector<2000x128xf32>
    %ge3A_42 = arith.cmpf oge, %add3A_38, %ge3A_41 : vector<2000x128xf32>
    %mul3A_43 = vector.broadcast %jit3A_39 : f32 to vector<2000x128xf32>
    %mul3A_44 = arith.mulf %mul3A_43, %add3A_38 : vector<2000x128xf32>
    %select_n3A_45 = arith.select %ge3A_42, %add3A_38, %mul3A_44 : vector<2000x128xi1>, vector<2000x128xf32>
    %add3A_46 = arith.addf %select_n3A, %select_n3A_45 : vector<2000x128xf32>
    %mul3A_47 = arith.mulf %add3A_46, %add3A_46 : vector<2000x128xf32>
    %reduce_sum3A = arith.constant dense<0.000000e+00> : vector<2000xf32>
    %reduce_sum3A_48 = vector.multi_reduction <add>, %mul3A_47, %reduce_sum3A [1] : vector<2000x128xf32> to vector<2000xf32>
    %broadcast_in_dim3A = vector.shape_cast %reduce_sum3A_48 : vector<2000xf32> to vector<2000x1xf32>
    %max3A = arith.constant 9.99999996E-13 : f32
    %max3A_49 = vector.broadcast %max3A : f32 to vector<2000x1xf32>
    %max3A_50 = arith.maximumf %broadcast_in_dim3A, %max3A_49 : vector<2000x1xf32>
    %rsqrt3A = math.rsqrt %max3A_50 : vector<2000x1xf32>
    %mul3A_51 = vector.broadcast %rsqrt3A : vector<2000x1xf32> to vector<2000x128xf32>
    %mul3A_52 = arith.mulf %add3A_46, %mul3A_51 : vector<2000x128xf32>
    %swap3A = arith.constant 0 : index
    %swap3A_53 = arith.constant 0 : index
    %swap3A_54 = vector.load %arg10[%swap3A, %swap3A_53] : memref<2000x128xf32, #tpu.memory_space<vmem>>, vector<2000x128xf32>
    tpu.vector_store %arg10[%swap3A, %swap3A_53], %mul3A_52 {strides = array<i32>} : memref<2000x128xf32, #tpu.memory_space<vmem>>, vector<2000x128xf32>,
    %mul3A_55 = arith.mulf %mul3A_52, %get3A_1 : vector<2000x128xf32>
    %swap3A_56 = arith.constant 0 : index
    %swap3A_57 = arith.constant 0 : index
    %swap3A_58 = vector.load %arg11[%swap3A_56, %swap3A_57] : memref<2000x128xf32, #tpu.memory_space<vmem>>, vector<2000x128xf32>
    tpu.vector_store %arg11[%swap3A_56, %swap3A_57], %mul3A_55 {strides = array<i32>} : memref<2000x128xf32, #tpu.memory_space<vmem>>, vector<2000x128xf32>,
    return
  }
  func.func @transform_0(%arg0: i32) -> (i32, i32, i32) {
    %c0_i32 = arith.constant 0 : i32
    %c0_i32_0 = arith.constant 0 : i32
    %c0_i32_1 = arith.constant 0 : i32
    return %c0_i32, %arg0, %c0_i32_0 : i32, i32, i32
  }
  func.func @transform_1(%arg0: i32) -> (i32, i32, i32) {
    %c1_i32 = arith.constant 1 : i32
    %c0_i32 = arith.constant 0 : i32
    %c0_i32_0 = arith.constant 0 : i32
    return %c1_i32, %arg0, %c0_i32 : i32, i32, i32
  }
  func.func @transform_2(%arg0: i32) -> (i32, i32) {
    %c0_i32 = arith.constant 0 : i32
    %c0_i32_0 = arith.constant 0 : i32
    return %arg0, %c0_i32 : i32, i32
  }
  func.func @transform_3(%arg0: i32) -> (i32, i32) {
    %c0_i32 = arith.constant 0 : i32
    %c0_i32_0 = arith.constant 0 : i32
    return %arg0, %c0_i32 : i32, i32
  }
  func.func @transform_4(%arg0: i32) -> (i32, i32) {
    %c0_i32 = arith.constant 0 : i32
    %c0_i32_0 = arith.constant 0 : i32
    %c0_i32_1 = arith.constant 0 : i32
    return %c0_i32, %c0_i32_0 : i32, i32
  }
  func.func @transform_5(%arg0: i32) -> (i32, i32) {
    %c0_i32 = arith.constant 0 : i32
    %c0_i32_0 = arith.constant 0 : i32
    %c0_i32_1 = arith.constant 0 : i32
    return %c0_i32, %c0_i32_0 : i32, i32
  }
  func.func @transform_6(%arg0: i32) -> (i32, i32) {
    %c0_i32 = arith.constant 0 : i32
    %c0_i32_0 = arith.constant 0 : i32
    %c0_i32_1 = arith.constant 0 : i32
    return %c0_i32, %c0_i32_0 : i32, i32
  }
  func.func @transform_7(%arg0: i32) -> (i32, i32) {
    %c0_i32 = arith.constant 0 : i32
    %c0_i32_0 = arith.constant 0 : i32
    %c0_i32_1 = arith.constant 0 : i32
    return %c0_i32, %c0_i32_0 : i32, i32
  }
  func.func @transform_9(%arg0: i32) -> (i32, i32) {
    %c0_i32 = arith.constant 0 : i32
    %c0_i32_0 = arith.constant 0 : i32
    return %arg0, %c0_i32 : i32, i32
  }
  func.func @transform_10(%arg0: i32) -> (i32, i32) {
    %c0_i32 = arith.constant 0 : i32
    %c0_i32_0 = arith.constant 0 : i32
    return %arg0, %c0_i32 : i32, i32
  }
}

</mosaic_0001>

<sc_bundles>
// kernel: _run.10.cloned.1.call-start
scs
__scs_entry_jumppad:
0x0: {  	(pc) =	sbr.rel $0x88, $3  }
0x1: {  	(tag) =	ssettag $0x0;
	lr =	simm.s32 $0x1  }
0x2: {  	[smem:$0x3F93] =	sst lr;
	_ =	strace $0xD0000000  }
0x3: {  	_ = 	snop  }
0x4: {  	_ = 	snop  }
0x5: {  	_ = 	snop  }
0x6: {  	_ = 	snop  }
0x7: {  	_ = 	snop  }
__scs_overlays_trampoline_lowered:
0x8: {  	[smem:$0x3FA2] =	sst s0  }
0x9: {  	[smem:$0x3FA3] =	sst s1  }
0xa: {  	[smem:$0x3FA4] =	sst s2  }
0xb: {  	[smem:$0x3FA5] =	sst s3  }
0xc: {  	[smem:$0x3FA6] =	sst s4  }
0xd: {  	[smem:$0x3FA7] =	sst s5  }
0xe: {  	[smem:$0x3FA8] =	sst s6  }
0xf: {  	[smem:$0x3FA9] =	sst s7  }
0x10: {  	[smem:$0x3FAA] =	sst s8  }
0x11: {  	[smem:$0x3FAB] =	sst s9;
	s0 =	simm.s32 @!p0 $0x0  }
0x12: {  	s1 =	sld [smem:$0x3F91];
	s0 =	simm.s32 @p0 $0x1  }
0x13: {  	[smem:$0x3FAC] =	sst s0;
	s0 =	simm.s32 @!p1 $0x0  }
0x14: {  	s2 =	sld [smem:$0x3F90];
	s0 =	simm.s32 @p1 $0x1  }
0x15: {  	[smem:$0x3FAD] =	sst s0;
	s0 =	simm.s32 @!p2 $0x0  }
0x16: {  	s3 =	sld [smem:$0x3FDB];
	s0 =	simm.s32 @p2 $0x1  }
0x17: {  	s4 =	simm.s32 $0x1BF5;
	[smem:$0x3FAF] =	sst s0  }
0x18: {  	s0 =	sld [smem:$0x3F92];
	_ =	swait.ge [sflag:s4], $0x0  }
0x19: {  	s7 =	sld [smem:$0x3F93]  }
0x1a: {  	s8 =	sadd.s32 $0xFFFFE003, lr  }
0x1b: {  	s9 =	sadd.s32 $0xFFFFFEF7, lr;
	s5 =	simm.s32 $0xFFFFFFFF;
	p2 =	slt.u32 s8, $0xFFFFF086  }
0x1c: {  	p1 =	slt.u32 s9, $0xF7A;
	s5 =	simm.s32 @!p2 $0x0  }
0x1d: {  	s5 =	simm.s32 @p1 $0x1;
	p0 =	seq.s32 s7, s2  }
0x1e: {  	s7 =	smul.u32 @!p0 $0xF7A, s2;
	p2 =	seq.s32 @!p0 s5, $0x0  }
0x1f: {  	s9 =	smul.u32 $0xF7A, s1;
	s8 =	simm.s32 @!p0 $0x1BF5;
	p2 =	por !p2, p0  }
0x20: {  	[sflag:s8] =	ssyncset.s32 @!p0 $0xFFFFF086;
	s6 =	sadd.s32 @!p0 s3, s7;
	s7 =	simm.s32 @!p0 $0x108  }
0x21: {  	s3 =	sadd.s32 s3, s9;
	s6 =	sadd.s32 @!p0 $0x88, s6;
	s7 =	simm.s32 @p2 $0x1082  }
0x22: {  	[simem:s7], [sflag:s8] =	dma.local @!p0 [hbm:s6], $0xF7A  }
0x23: {  	s9 =	sor.u32 $0xD0000000, s2;
	s6 =	simm.s32 $0x108;
	_ =	swait.ge @!p0 [sflag:s8], $0x0  }
0x24: {  	s3 =	sadd.s32 $0x88, s3;
	s6 =	simm.s32 @!p1 $0x1082;
	[sflag:s4] =	ssyncset.s32 $0xFFFFF086  }
0x25: {  	[simem:s6], [sflag:s4] =	dma.local [hbm:s3], $0xF7A  }
0x26: {  	[smem:$0x3F93] =	sst s1;
	(tag) =	ssettag s2;
	_ =	strace s9  }
0x27: {  	s1 =	sld [smem:$0x3FA3]  }
0x28: {  	s2 =	sld [smem:$0x3FA4]  }
0x29: {  	s4 =	sld [smem:$0x3FA6]  }
0x2a: {  	p0 =	seq.s32 s5, $0x0;
	s5 =	sld [smem:$0x3FA7]  }
0x2b: {  	s6 =	sld [smem:$0x3FA8]  }
0x2c: {  	s7 =	sld [smem:$0x3FA9]  }
0x2d: {  	s3 =	simm.s32 $0x108;
	s8 =	sld [smem:$0x3FAA]  }
0x2e: {  	s3 =	simm.s32 @!p0 $0x1082;
	s9 =	sld [smem:$0x3FAB]  }
0x2f: {  	lr =	sadd.s32 s0, s3;
	s0 =	sld [smem:$0x3FA2]  }
0x30: {  	s3 =	sld [smem:$0x3FA5]  }
0x31: {  	[smem:$0x3FAE] =	sst s10  }
0x32: {  	s10 =	sld [smem:$0x3FAC];
	_ =	sdelay $0x3  }
0x33: {  	p0 =	seq.s32 s10, $0x1;
	s10 =	sld [smem:$0x3FAE];
	_ =	sdelay $0x3  }
0x34: {  	[smem:$0x3FAE] =	sst s10  }
0x35: {  	s10 =	sld [smem:$0x3FAD];
	_ =	sdelay $0x3  }
0x36: {  	p1 =	seq.s32 s10, $0x1;
	s10 =	sld [smem:$0x3FAE];
	_ =	sdelay $0x3  }
0x37: {  	[smem:$0x3FAE] =	sst s10  }
0x38: {  	s10 =	sld [smem:$0x3FAF]  }
0x39: {  	_ = 	snop;
	(pc) =	sbr.ind lr, $3  }
0x3a: {  	_ = 	snop  }
0x3b: {  	_ = 	snop  }
0x3c: {  	p2 =	seq.s32 s10, $0x1;
	s10 =	sld [smem:$0x3FAE]  }
0x3d: {  	_ =	shalt  }
0x3e: {  	_ =	shalt  }
0x3f: {  	_ =	shalt  }
0x40: {  	_ =	shalt  }
0x41: {  	_ =	shalt  }
0x42: {  	_ =	shalt  }
0x43: {  	_ =	shalt  }
0x44: {  	_ =	shalt  }
0x45: {  	_ =	shalt  }
0x46: {  	_ =	shalt  }
0x47: {  	_ =	shalt  }
0x48: {  	_ =	shalt  }
0x49: {  	_ =	shalt  }
0x4a: {  	_ =	shalt  }
0x4b: {  	_ =	shalt  }
0x4c: {  	_ =	shalt  }
0x4d: {  	_ =	shalt  }
0x4e: {  	_ =	shalt  }
0x4f: {  	_ =	shalt  }
0x50: {  	_ =	shalt  }
0x51: {  	_ =	shalt  }
0x52: {  	_ =	shalt  }
0x53: {  	_ =	shalt  }
0x54: {  	_ =	shalt  }
0x55: {  	_ =	shalt  }
0x56: {  	_ =	shalt  }
0x57: {  	_ =	shalt  }
0x58: {  	_ =	shalt  }
0x59: {  	_ =	shalt  }
0x5a: {  	_ =	shalt  }
0x5b: {  	_ =	shalt  }
0x5c: {  	_ =	shalt  }
0x5d: {  	_ =	shalt  }
0x5e: {  	_ =	shalt  }
0x5f: {  	_ =	shalt  }
0x60: {  	_ =	shalt  }
0x61: {  	_ =	shalt  }
0x62: {  	_ =	shalt  }
0x63: {  	_ =	shalt  }
0x64: {  	_ =	shalt  }
0x65: {  	_ =	shalt  }
0x66: {  	_ =	shalt  }
0x67: {  	_ =	shalt  }
0x68: {  	_ =	shalt  }
0x69: {  	_ =	shalt  }
0x6a: {  	_ =	shalt  }
0x6b: {  	_ =	shalt  }
0x6c: {  	_ =	shalt  }
0x6d: {  	_ =	shalt  }
0x6e: {  	_ =	shalt  }
0x6f: {  	_ =	shalt  }
0x70: {  	_ =	shalt  }
0x71: {  	_ =	shalt  }
0x72: {  	_ =	shalt  }
0x73: {  	_ =	shalt  }
0x74: {  	_ =	shalt  }
0x75: {  	_ =	shalt  }
0x76: {  	_ =	shalt  }
0x77: {  	_ =	shalt  }
0x78: {  	_ =	shalt  }
0x79: {  	_ =	shalt  }
0x7a: {  	_ =	shalt  }
0x7b: {  	_ =	shalt  }
0x7c: {  	_ =	shalt  }
0x7d: {  	_ =	shalt  }
0x7e: {  	_ =	shalt  }
0x7f: {  	_ =	shalt  }
0x80: {  	_ =	shalt  }
0x81: {  	_ =	shalt  }
0x82: {  	_ =	shalt  }
0x83: {  	_ =	shalt  }
0x84: {  	_ =	shalt  }
0x85: {  	_ =	shalt  }
0x86: {  	_ =	shalt  }
0x87: {  	_ =	shalt  }
.Lfunc_end0:
.L_simem_size_0:
called_computation_lowered:
.L_overlay_start_0:
0x88: {  	s2 =	sld [smem:$0x3FD9]  }
0x89: {  	s3 =	sld [smem:$0x3FFE];
	_ =	sdelay $0x1  }
0x8a: {  	s1 =	srdreg.scid  }
0x8b: {  	s0 =	sand.u32 $0x1, s1  }
0x8c: {  	s17 =	sshll.u32 s0, $0xA;
	s2 =	sadd.s32 s3, s2  }
0x8d: {  	s2 =	sadd.s32 s2, s17  }
0x8e: {  	[smem:$0x3FBA] =	sst s2  }
0x8f: {  	_ = 	snop  }
0x90: {  	s2 =	sld [smem:$0x3FD0];
	(tm) =	ssettm $0x1  }
0x91: {  	s18 =	sld [smem:$0x3FFB];
	_ =	sdelay $0x3  }
0x92: {  	_ =	strace s18  }
0x93: {  	s3 =	sld [smem:$0x3FFC];
	_ =	sdelay $0x3  }
0x94: {  	_ =	strace s3  }
0x95: {  	s3 =	sld [smem:$0x3FFD];
	_ =	sdelay $0x3  }
0x96: {  	_ =	strace s3  }
0x97: {  	_ =	strace $0x8FFFFFFF  }
0x98: {  	s19 =	sld [smem:$0x3FDB];
	_ =	sdelay $0x1  }
0x99: {  	s4 =	simm.s32 $_scs_section_size  }
0x9a: {  	s5 =	simm.s32 $_size__tile_overlayer_lowered;
	s6 =	simm.s32 $_tile_overlayer_lowered  }
0x9b: {  	s22 =	simm.s32 $0x1BFF;
	s21 =	sshll.u32 s6, $0x1;
	s3 =	sadd.s32 s4, s19  }
0x9c: {  	s7 =	simm.s32 $0x0;
	s20 =	sshll.u32 s5, $0x1;
	s5 =	sadd.s32 s21, s3  }
0x9d: {  	[timem:s7], [sflag:s22] =	dma.local [hbm:s5], s20  }
0x9e: {  	_ =	swait.ge [sflag:s22], s20  }
0x9f: {  	s4 =	ssub.s32 $0x0, s20;
	[sflag:s22] =	ssyncset.done $0x0  }
0xa0: {  	[sflag:s22] =	ssyncadd.s32 s4;
	_ =	sdelay $0x1  }
0xa1: {  	s23 =	simm.s32 $0x1B8B  }
0xa2: {  	_ =	swait.ge [sflag:s23], $0x1  }
0xa3: {  	[sflag:s23] =	ssyncset.done $0x0  }
0xa4: {  	s25 =	simm.s32 $0x1B8E;
	s24 =	sld [smem:$0x3FFE];
	[sflag:s23] =	ssyncadd.s32 $0xFFFFFFFF  }
0xa5: {  	s26 =	simm.s32 $execute0_lowered;
	[smem:$0x3FD2] =	sst s25  }
0xa6: {  	s5 =	sshll.u32 s26, $0x1;
	_ =	strace $0x80000046;
	[dreg:$0x1] =	wrdreg $0xFFFFFFFF  }
0xa7: {  	s28 =	simm.s32 $_size_execute0_lowered;
	s3 =	sadd.s32 s3, s5;
	[dreg:$0x0] =	wrdreg $0x0  }
0xa8: {  	s5 =	sshll.u32 s28, $0x1;
	[dreg:$0x2] =	wrdreg s3  }
0xa9: {  	[dreg:$0x3] =	wrdreg s5  }
0xaa: {  	[dreg:$0x4] =	wrdreg $0xC0  }
0xab: {  	_ =	task [dreg:s7], $0x5FFFF  }
0xac: {  	[dreg:$0x1] =	wrdreg $0xFFFFFFFF  }
0xad: {  	[dreg:$0x0] =	wrdreg $0x60  }
0xae: {  	[dreg:$0x2] =	wrdreg s24  }
0xaf: {  	[dreg:$0x3] =	wrdreg s2  }
0xb0: {  	[dreg:$0x4] =	wrdreg $0x9  }
0xb1: {  	_ =	task.clear_ibuf [dreg:s7], $0x5FFFF;
	_ =	strace $0x90000046  }
0xb2: {  	s29 =	simm.s32 $0x9;
	_ =	strace $0x80000048  }
0xb3: {  	_ =	swait.ge [sflag:s29], $0x1  }
0xb4: {  	[sflag:s29] =	ssyncadd.s32 $0xFFFFFFFF  }
0xb5: {  	_ =	strace $0x90000048  }
0xb6: {  	_ =	sfence  }
0xb7: {  	s30 =	sld [smem:$0x0];
	_ =	sdelay $0x2  }
0xb8: {  	s31 =	sshll.u32 s1, $0xD;
	s1 =	sshrl.u32 s1, $0x2  }
0xb9: {  	s3 =	sand.u32 $0x4000, s31;
	s1 =	sadd.s32 s1, s30  }
0xba: {  	s0 =	sor.u32 s3, s0;
	s1 =	sshll.u32 s1, $0x11  }
0xbb: {  	s0 =	sor.u32 s1, s0  }
0xbc: {  	s0 =	sadd.s32 $0x8F2B, s0  }
0xbd: {  	[sflag:s0] =	ssyncadd.remote.s32 $0x1  }
0xbe: {  	_ =	sfence.sel $0xFFFF  }
0xbf: {  	[dreg:$0x0] =	wrdreg $0xFFFFFFFF;
	(pc) =	sbr.abs _section_cstart, $3  }
0xc0: {  	[dreg:$0x1] =	wrdreg $0xFFFFFFFF  }
0xc1: {  	_ =	task.clear_ibuf [dreg:s7], $0x2FFFF;
	_ =	strace $0x9FFFFFFF  }
0xc2: {  	(tm) =	ssettm $0x7FFFFFFF  }
0xc3: {  	_ =	shalt  }
tec
execute0_lowered:
.L_overlay_start_1:
0x0: {  	(tag) =	ssettag $0x1  }
0x1: {  	s3 =	rddreg [dreg:$0x0]  }
0x2: {  	s1 =	srdreg.scid;
	s0 =	stileid.u32  }
0x3: {  	s4 =	rddreg [dreg:$0x1];
	s9 =	simm.s32 $0x400;
	s10 =	simm.s32 $0x0  }
0x4: {  	s5 =	sand.u32 $0x1, s1;
	s2 =	sshll.u32 s0, $0x1;
	s1 =	rddreg [dreg:$0x2]  }
0x5: {  	s7 =	sshrl.u32 s0, $0x2;
	s6 =	sor.u32 s5, s2;
	s2 =	simm.s32 $0x0  }
0x6: {  	s7 =	smul.u32 $0x13C00, s7;
	s5 =	ssub.s32 $0x2, s5;
	s8 =	sshll.u32 s6, $0x7  }
0x7: {  	[smem:$0x7FF] =	sst s2;
	s6 =	smul.u32 $0x4EC, s6;
	s31 =	sshrl.u32 s5, $0x1  }
0x8: {  	s8 =	sand.u32 $0x380, s8;
	_ =	strace $0x80000047;
	s5 =	ssub.s32 s5, s31  }
0x9: {  	s7 =	sor.u32 s7, s8;
	s3 =	sadd.s32 s6, s3;
	s5 =	smax.u32 s5, $0x1  }
0xa: {  	s6 =	simm.s32 $0x1;
	s8 =	simm.s32 $0x80;
	s7 =	sshrl.u32 s7, $0x3  }
0xb: {  	v0 =	vimm.f32 $0.0e+00;
	v1 =	vimm.f32 $1.000000000e+00;
	s3 =	sadd.s32 $0x5800, s3;
	s4 =	sadd.s32 s4, s7;
	s7 =	simm.s32 $0x2780  }
.LBB2_1:
0xc: {  	[tilespmem:s2], [sflag:$0x1] =	stream.linear.gather [hbm4b:s3+s2], $0x2760, $0x38;
	[tilespmem:$0x4F00] =	vst v63  }
0xd: {  	_ =	swait.ge [sflag:s6], $0x2760  }
0xe: {  	[sflag:s6] =	ssyncset.done $0x0  }
0xf: {  	s11 =	simm.s32 $0x0;
	[sflag:s6] =	ssyncadd.s32 $0xFFFFD8A0  }
.LBB2_2:
0x10: {  	p0 =	sne.s32 s11, $0x9DC0  }
.Ltmp0:
0x11: {  	_ = 	snop;
	(pc) =	sbr.rel @p0 .LBB2_2-.Ltmp0, $3  }
0x12: {  	_ =	sdelay $0x1  }
0x13: {  	s12 =	sshra.s32 s11, $0x2  }
0x14: {  	s11 =	sadd.s32 $0x40, s11;
	[tilespmem:s12+$0x2780] =	vst v0  }
0x15: {  	s11 =	simm.s32 $0x0  }
.LBB2_4:
0x16: {  	s12 =	sshra.s32 s11, $0x2  }
0x17: {  	v2 =	vld [tilespmem:s12+$0x0];
	_ =	sdelay $0x7  }
0x18: {  	[tilespmem:v2+s7+$0x0] =	vst.idx.add.f32.msk $0xffff, v1  }
0x19: {  	v2 =	vld [tilespmem:s12+$0x10];
	_ =	sdelay $0x7  }
0x1a: {  	[tilespmem:v2+s7+$0x0] =	vst.idx.add.f32.msk $0xffff, v1  }
0x1b: {  	v2 =	vld [tilespmem:s12+$0x20];
	_ =	sdelay $0x7  }
0x1c: {  	[tilespmem:v2+s7+$0x0] =	vst.idx.add.f32.msk $0xffff, v1  }
0x1d: {  	v2 =	vld [tilespmem:s12+$0x30];
	_ =	sdelay $0x7  }
0x1e: {  	[tilespmem:v2+s7+$0x0] =	vst.idx.add.f32.msk $0xffff, v1  }
0x1f: {  	v2 =	vld [tilespmem:s12+$0x40];
	_ =	sdelay $0x7  }
0x20: {  	[tilespmem:v2+s7+$0x0] =	vst.idx.add.f32.msk $0xffff, v1  }
0x21: {  	v2 =	vld [tilespmem:s12+$0x50];
	_ =	sdelay $0x2  }
0x22: {  	p0 =	sne.s32 s11, $0x9C00  }
.Ltmp1:
0x23: {  	_ = 	snop;
	(pc) =	sbr.rel @p0 .LBB2_4-.Ltmp1, $2  }
0x24: {  	_ =	sdelay $0x2  }
0x25: {  	s11 =	sadd.s32 $0x180, s11;
	[tilespmem:v2+s7+$0x0] =	vst.idx.add.f32.msk $0xffff, v1  }
0x26: {  	s10 =	sadd.s32 $0x1, s10  }
0x27: {  	p0 =	sne.s32 s10, s5  }
.Ltmp2:
0x28: {  	_ = 	snop;
	(pc) =	sbr.rel @p0 .LBB2_1-.Ltmp2, $4  }
0x29: {  	[hbm4b:s4+s8] =	stream.strided.scatter [tilespmem:s7], [sflag:$0x1], $0x2780, s9, s8, $0x38;
	[tilespmem:$0x4F00] =	vst v63  }
0x2a: {  	_ =	swait.ge [sflag:s6], $0x2780  }
0x2b: {  	[sflag:s6] =	ssyncset.done $0x0  }
0x2c: {  	[sflag:s6] =	ssyncadd.s32 $0xFFFFD880  }
0x2d: {  	_ =	sfence.sel $0x180000  }
0x2e: {  	[bflag:$0x0] =	sbarrier.arrive $0xFFFF  }
0x2f: {  	p0 =	sne.s32 s0, $0x0;
	_ =	strace $0x90000047  }
0x30: {  	s0 =	sadd.s32 @!p0 $0x100000, s1;
	[bflag:$0x2] =	sbarrier.arrive $0xFFFF  }
0x31: {  	[sflag:s0] =	ssyncadd.tile.s32 @!p0 $0x1;
	_ =	shalt  }
.Lfunc_end2:
_tile_overlayer_lowered:
.L_overlay_start_2:
0x32: {  	(tag) =	ssettag $0x2  }
0x33: {  	s0 =	rddreg [dreg:$0x0];
	s2 =	stileid.u32  }
0x34: {  	s1 =	rddreg [dreg:$0x1];
	p0 =	sne.s32 s2, $0x0  }
0x35: {  	s3 =	rddreg [dreg:$0x2];
	[bflag:$0x3] =	sbarrier.arrive $0xFFFF;
	s2 =	simm.s32 @!p0 $0x1C01  }
0x36: {  	[timem:s3], [sflag:s2] =	dma.local @!p0 [hbm:s0], s1  }
0x37: {  	s0 =	simm.s32 @!p0 $0x1  }
0x38: {  	_ =	swait.ge @!p0 [sflag:s0], s1  }
0x39: {  	s1 =	ssub.s32 @!p0 $0x0, s1;
	[sflag:s0] =	ssyncset.done @!p0 $0x0  }
0x3a: {  	[sflag:s0] =	ssyncadd.s32 @!p0 s1  }
0x3b: {  	[bflag:$0x3] =	sbarrier.arrive $0xFFFF  }
0x3c: {  	_ =	shalt  }

// kernel: _run.13.cloned.1.call-start
scs
__scs_entry_jumppad:
0x0: {  	(pc) =	sbr.rel $0x88, $3  }
0x1: {  	(tag) =	ssettag $0x0;
	lr =	simm.s32 $0x1  }
0x2: {  	[smem:$0x3F93] =	sst lr;
	_ =	strace $0xD0000000  }
0x3: {  	_ = 	snop  }
0x4: {  	_ = 	snop  }
0x5: {  	_ = 	snop  }
0x6: {  	_ = 	snop  }
0x7: {  	_ = 	snop  }
__scs_overlays_trampoline_lowered:
0x8: {  	[smem:$0x3FA2] =	sst s0  }
0x9: {  	[smem:$0x3FA3] =	sst s1  }
0xa: {  	[smem:$0x3FA4] =	sst s2  }
0xb: {  	[smem:$0x3FA5] =	sst s3  }
0xc: {  	[smem:$0x3FA6] =	sst s4  }
0xd: {  	[smem:$0x3FA7] =	sst s5  }
0xe: {  	[smem:$0x3FA8] =	sst s6  }
0xf: {  	[smem:$0x3FA9] =	sst s7  }
0x10: {  	[smem:$0x3FAA] =	sst s8  }
0x11: {  	[smem:$0x3FAB] =	sst s9;
	s0 =	simm.s32 @!p0 $0x0  }
0x12: {  	s1 =	sld [smem:$0x3F91];
	s0 =	simm.s32 @p0 $0x1  }
0x13: {  	[smem:$0x3FAC] =	sst s0;
	s0 =	simm.s32 @!p1 $0x0  }
0x14: {  	s2 =	sld [smem:$0x3F90];
	s0 =	simm.s32 @p1 $0x1  }
0x15: {  	[smem:$0x3FAD] =	sst s0;
	s0 =	simm.s32 @!p2 $0x0  }
0x16: {  	s3 =	sld [smem:$0x3FDB];
	s0 =	simm.s32 @p2 $0x1  }
0x17: {  	s4 =	simm.s32 $0x1BF5;
	[smem:$0x3FAF] =	sst s0  }
0x18: {  	s0 =	sld [smem:$0x3F92];
	_ =	swait.ge [sflag:s4], $0x0  }
0x19: {  	s7 =	sld [smem:$0x3F93]  }
0x1a: {  	s8 =	sadd.s32 $0xFFFFE003, lr  }
0x1b: {  	s9 =	sadd.s32 $0xFFFFFEF7, lr;
	s5 =	simm.s32 $0xFFFFFFFF;
	p2 =	slt.u32 s8, $0xFFFFF086  }
0x1c: {  	p1 =	slt.u32 s9, $0xF7A;
	s5 =	simm.s32 @!p2 $0x0  }
0x1d: {  	s5 =	simm.s32 @p1 $0x1;
	p0 =	seq.s32 s7, s2  }
0x1e: {  	s7 =	smul.u32 @!p0 $0xF7A, s2;
	p2 =	seq.s32 @!p0 s5, $0x0  }
0x1f: {  	s9 =	smul.u32 $0xF7A, s1;
	s8 =	simm.s32 @!p0 $0x1BF5;
	p2 =	por !p2, p0  }
0x20: {  	[sflag:s8] =	ssyncset.s32 @!p0 $0xFFFFF086;
	s6 =	sadd.s32 @!p0 s3, s7;
	s7 =	simm.s32 @!p0 $0x108  }
0x21: {  	s3 =	sadd.s32 s3, s9;
	s6 =	sadd.s32 @!p0 $0x88, s6;
	s7 =	simm.s32 @p2 $0x1082  }
0x22: {  	[simem:s7], [sflag:s8] =	dma.local @!p0 [hbm:s6], $0xF7A  }
0x23: {  	s9 =	sor.u32 $0xD0000000, s2;
	s6 =	simm.s32 $0x108;
	_ =	swait.ge @!p0 [sflag:s8], $0x0  }
0x24: {  	s3 =	sadd.s32 $0x88, s3;
	s6 =	simm.s32 @!p1 $0x1082;
	[sflag:s4] =	ssyncset.s32 $0xFFFFF086  }
0x25: {  	[simem:s6], [sflag:s4] =	dma.local [hbm:s3], $0xF7A  }
0x26: {  	[smem:$0x3F93] =	sst s1;
	(tag) =	ssettag s2;
	_ =	strace s9  }
0x27: {  	s1 =	sld [smem:$0x3FA3]  }
0x28: {  	s2 =	sld [smem:$0x3FA4]  }
0x29: {  	s4 =	sld [smem:$0x3FA6]  }
0x2a: {  	p0 =	seq.s32 s5, $0x0;
	s5 =	sld [smem:$0x3FA7]  }
0x2b: {  	s6 =	sld [smem:$0x3FA8]  }
0x2c: {  	s7 =	sld [smem:$0x3FA9]  }
0x2d: {  	s3 =	simm.s32 $0x108;
	s8 =	sld [smem:$0x3FAA]  }
0x2e: {  	s3 =	simm.s32 @!p0 $0x1082;
	s9 =	sld [smem:$0x3FAB]  }
0x2f: {  	lr =	sadd.s32 s0, s3;
	s0 =	sld [smem:$0x3FA2]  }
0x30: {  	s3 =	sld [smem:$0x3FA5]  }
0x31: {  	[smem:$0x3FAE] =	sst s10  }
0x32: {  	s10 =	sld [smem:$0x3FAC];
	_ =	sdelay $0x3  }
0x33: {  	p0 =	seq.s32 s10, $0x1;
	s10 =	sld [smem:$0x3FAE];
	_ =	sdelay $0x3  }
0x34: {  	[smem:$0x3FAE] =	sst s10  }
0x35: {  	s10 =	sld [smem:$0x3FAD];
	_ =	sdelay $0x3  }
0x36: {  	p1 =	seq.s32 s10, $0x1;
	s10 =	sld [smem:$0x3FAE];
	_ =	sdelay $0x3  }
0x37: {  	[smem:$0x3FAE] =	sst s10  }
0x38: {  	s10 =	sld [smem:$0x3FAF]  }
0x39: {  	_ = 	snop;
	(pc) =	sbr.ind lr, $3  }
0x3a: {  	_ = 	snop  }
0x3b: {  	_ = 	snop  }
0x3c: {  	p2 =	seq.s32 s10, $0x1;
	s10 =	sld [smem:$0x3FAE]  }
0x3d: {  	_ =	shalt  }
0x3e: {  	_ =	shalt  }
0x3f: {  	_ =	shalt  }
0x40: {  	_ =	shalt  }
0x41: {  	_ =	shalt  }
0x42: {  	_ =	shalt  }
0x43: {  	_ =	shalt  }
0x44: {  	_ =	shalt  }
0x45: {  	_ =	shalt  }
0x46: {  	_ =	shalt  }
0x47: {  	_ =	shalt  }
0x48: {  	_ =	shalt  }
0x49: {  	_ =	shalt  }
0x4a: {  	_ =	shalt  }
0x4b: {  	_ =	shalt  }
0x4c: {  	_ =	shalt  }
0x4d: {  	_ =	shalt  }
0x4e: {  	_ =	shalt  }
0x4f: {  	_ =	shalt  }
0x50: {  	_ =	shalt  }
0x51: {  	_ =	shalt  }
0x52: {  	_ =	shalt  }
0x53: {  	_ =	shalt  }
0x54: {  	_ =	shalt  }
0x55: {  	_ =	shalt  }
0x56: {  	_ =	shalt  }
0x57: {  	_ =	shalt  }
0x58: {  	_ =	shalt  }
0x59: {  	_ =	shalt  }
0x5a: {  	_ =	shalt  }
0x5b: {  	_ =	shalt  }
0x5c: {  	_ =	shalt  }
0x5d: {  	_ =	shalt  }
0x5e: {  	_ =	shalt  }
0x5f: {  	_ =	shalt  }
0x60: {  	_ =	shalt  }
0x61: {  	_ =	shalt  }
0x62: {  	_ =	shalt  }
0x63: {  	_ =	shalt  }
0x64: {  	_ =	shalt  }
0x65: {  	_ =	shalt  }
0x66: {  	_ =	shalt  }
0x67: {  	_ =	shalt  }
0x68: {  	_ =	shalt  }
0x69: {  	_ =	shalt  }
0x6a: {  	_ =	shalt  }
0x6b: {  	_ =	shalt  }
0x6c: {  	_ =	shalt  }
0x6d: {  	_ =	shalt  }
0x6e: {  	_ =	shalt  }
0x6f: {  	_ =	shalt  }
0x70: {  	_ =	shalt  }
0x71: {  	_ =	shalt  }
0x72: {  	_ =	shalt  }
0x73: {  	_ =	shalt  }
0x74: {  	_ =	shalt  }
0x75: {  	_ =	shalt  }
0x76: {  	_ =	shalt  }
0x77: {  	_ =	shalt  }
0x78: {  	_ =	shalt  }
0x79: {  	_ =	shalt  }
0x7a: {  	_ =	shalt  }
0x7b: {  	_ =	shalt  }
0x7c: {  	_ =	shalt  }
0x7d: {  	_ =	shalt  }
0x7e: {  	_ =	shalt  }
0x7f: {  	_ =	shalt  }
0x80: {  	_ =	shalt  }
0x81: {  	_ =	shalt  }
0x82: {  	_ =	shalt  }
0x83: {  	_ =	shalt  }
0x84: {  	_ =	shalt  }
0x85: {  	_ =	shalt  }
0x86: {  	_ =	shalt  }
0x87: {  	_ =	shalt  }
.Lfunc_end0:
.L_simem_size_0:
called_computation.1_lowered:
.L_overlay_start_0:
0x88: {  	s2 =	sld [smem:$0x3FD9]  }
0x89: {  	s3 =	sld [smem:$0x3FFE];
	_ =	sdelay $0x1  }
0x8a: {  	s1 =	srdreg.scid  }
0x8b: {  	s0 =	sand.u32 $0x1, s1  }
0x8c: {  	s17 =	sshll.u32 s0, $0xA;
	s2 =	sadd.s32 s3, s2  }
0x8d: {  	s2 =	sadd.s32 s2, s17  }
0x8e: {  	[smem:$0x3FBA] =	sst s2  }
0x8f: {  	_ = 	snop  }
0x90: {  	s2 =	sld [smem:$0x3FD0];
	(tm) =	ssettm $0x1  }
0x91: {  	s18 =	sld [smem:$0x3FFB];
	_ =	sdelay $0x3  }
0x92: {  	_ =	strace s18  }
0x93: {  	s3 =	sld [smem:$0x3FFC];
	_ =	sdelay $0x3  }
0x94: {  	_ =	strace s3  }
0x95: {  	s3 =	sld [smem:$0x3FFD];
	_ =	sdelay $0x3  }
0x96: {  	_ =	strace s3  }
0x97: {  	_ =	strace $0x8FFFFFFF  }
0x98: {  	s19 =	sld [smem:$0x3FDB];
	_ =	sdelay $0x1  }
0x99: {  	s4 =	simm.s32 $_scs_section_size  }
0x9a: {  	s5 =	simm.s32 $_size__tile_overlayer_lowered;
	s6 =	simm.s32 $_tile_overlayer_lowered  }
0x9b: {  	s22 =	simm.s32 $0x1BFF;
	s21 =	sshll.u32 s6, $0x1;
	s3 =	sadd.s32 s4, s19  }
0x9c: {  	s7 =	simm.s32 $0x0;
	s20 =	sshll.u32 s5, $0x1;
	s5 =	sadd.s32 s21, s3  }
0x9d: {  	[timem:s7], [sflag:s22] =	dma.local [hbm:s5], s20  }
0x9e: {  	_ =	swait.ge [sflag:s22], s20  }
0x9f: {  	s4 =	ssub.s32 $0x0, s20;
	[sflag:s22] =	ssyncset.done $0x0  }
0xa0: {  	[sflag:s22] =	ssyncadd.s32 s4;
	_ =	sdelay $0x1  }
0xa1: {  	s23 =	simm.s32 $0x1B8B  }
0xa2: {  	_ =	swait.ge [sflag:s23], $0x1  }
0xa3: {  	[sflag:s23] =	ssyncset.done $0x0  }
0xa4: {  	s25 =	simm.s32 $0x1B8E;
	s24 =	sld [smem:$0x3FFE];
	[sflag:s23] =	ssyncadd.s32 $0xFFFFFFFF  }
0xa5: {  	s26 =	simm.s32 $execute0_lowered;
	[smem:$0x3FD2] =	sst s25  }
0xa6: {  	s5 =	sshll.u32 s26, $0x1;
	_ =	strace $0x80000049;
	[dreg:$0x1] =	wrdreg $0xFFFFFFFF  }
0xa7: {  	s28 =	simm.s32 $_size_execute0_lowered;
	s3 =	sadd.s32 s3, s5;
	[dreg:$0x0] =	wrdreg $0x0  }
0xa8: {  	s5 =	sshll.u32 s28, $0x1;
	[dreg:$0x2] =	wrdreg s3  }
0xa9: {  	[dreg:$0x3] =	wrdreg s5  }
0xaa: {  	[dreg:$0x4] =	wrdreg $0xC0  }
0xab: {  	_ =	task [dreg:s7], $0x5FFFF  }
0xac: {  	[dreg:$0x1] =	wrdreg $0xFFFFFFFF  }
0xad: {  	[dreg:$0x0] =	wrdreg $0x60  }
0xae: {  	[dreg:$0x2] =	wrdreg s24  }
0xaf: {  	[dreg:$0x3] =	wrdreg s2  }
0xb0: {  	[dreg:$0x4] =	wrdreg $0xBA000  }
0xb1: {  	[dreg:$0x5] =	wrdreg $0x9  }
0xb2: {  	_ =	task.clear_ibuf [dreg:s7], $0x6FFFF;
	_ =	strace $0x90000049  }
0xb3: {  	s29 =	simm.s32 $0x9;
	_ =	strace $0x8000004B  }
0xb4: {  	_ =	swait.ge [sflag:s29], $0x1  }
0xb5: {  	[sflag:s29] =	ssyncadd.s32 $0xFFFFFFFF  }
0xb6: {  	_ =	strace $0x9000004B  }
0xb7: {  	_ =	sfence  }
0xb8: {  	s30 =	sld [smem:$0x0];
	_ =	sdelay $0x2  }
0xb9: {  	s31 =	sshll.u32 s1, $0xD;
	s1 =	sshrl.u32 s1, $0x2  }
0xba: {  	s3 =	sand.u32 $0x4000, s31;
	s1 =	sadd.s32 s1, s30  }
0xbb: {  	s0 =	sor.u32 s3, s0;
	s1 =	sshll.u32 s1, $0x11  }
0xbc: {  	s0 =	sor.u32 s1, s0  }
0xbd: {  	s0 =	sadd.s32 $0x8F2B, s0  }
0xbe: {  	[sflag:s0] =	ssyncadd.remote.s32 $0x1  }
0xbf: {  	_ =	sfence.sel $0xFFFF  }
0xc0: {  	[dreg:$0x0] =	wrdreg $0xFFFFFFFF;
	(pc) =	sbr.abs _section_cstart, $3  }
0xc1: {  	[dreg:$0x1] =	wrdreg $0xFFFFFFFF  }
0xc2: {  	_ =	task.clear_ibuf [dreg:s7], $0x2FFFF;
	_ =	strace $0x9FFFFFFF  }
0xc3: {  	(tm) =	ssettm $0x7FFFFFFF  }
tec
execute0_lowered:
.L_overlay_start_1:
0x0: {  	(tag) =	ssettag $0x1  }
0x1: {  	s0 =	rddreg [dreg:$0x0]  }
0x2: {  	s3 =	rddreg [dreg:$0x1]  }
0x3: {  	s1 =	rddreg [dreg:$0x2]  }
0x4: {  	s2 =	simm.s32 $0x0;
	s5 =	srdreg.scid;
	s13 =	stileid.u32  }
0x5: {  	s28 =	simm.s32 $0x480;
	s29 =	simm.s32 $0x580;
	s15 =	simm.s32 $0x7E00  }
0x6: {  	s31 =	simm.s32 $0x480;
	[smem:$0x7FF] =	sst s2;
	s4 =	sadd.s32 $0x24600, s0  }
0x7: {  	s6 =	sadd.s32 $0xF600, s0;
	s5 =	sand.u32 $0x1, s5;
	s9 =	smul.u32 $0x54, s13  }
0x8: {  	s7 =	sadd.s32 $0x19E00, s0;
	s0 =	sadd.s32 $0x5800, s0;
	s10 =	smul.u32 $0x4F000, s13  }
0x9: {  	s18 =	sshll.u32 s13, $0x6;
	s13 =	smul.u32 $0x13C00, s13;
	_ =	strace $0x8000004A  }
0xa: {  	s8 =	ssub.s32 $0x2, s5;
	[dreg:$0x4] =	wrdreg s0;
	p0 =	seq.s32 s5, $0x0  }
0xb: {  	s23 =	sor.u32 $0x1C0D, s18;
	s5 =	smul.u32 $0x13C000, s5;
	s18 =	simm.s32 $0x9  }
0xc: {  	s16 =	sshrl.u32 s8, $0x1;
	s17 =	sshrl.u32 s10, $0x2;
	[dreg:$0x6] =	wrdreg s23  }
0xd: {  	s0 =	ssub.s32 s8, s16;
	s8 =	sadd.s32 $0x540, s9;
	s5 =	sadd.s32 s13, s5  }
0xe: {  	s13 =	simm.s32 $0x4200;
	s16 =	simm.s32 $0x7;
	s8 =	smov.u32 @p0 s9  }
0xf: {  	s9 =	sadd.s32 s17, s1;
	s5 =	sshrl.u32 s5, $0x3;
	s0 =	smax.u32 s0, $0x1  }
0x10: {  	s17 =	simm.s32 $0x8;
	[dreg:$0x5] =	wrdreg s9;
	s19 =	sshll.u32 s8, $0x4  }
0x11: {  	s3 =	sadd.s32 s3, s5;
	[dreg:$0x12] =	wrdreg s0;
	s5 =	simm.s32 $0x280  }
0x12: {  	s8 =	sadd.s32 s6, s19;
	s9 =	sadd.s32 s7, s19;
	s11 =	sor.u32 $0x10, s19  }
0x13: {  	s20 =	sor.u32 $0x20, s19;
	[dreg:$0x11] =	wrdreg s3;
	s12 =	sadd.s32 s6, s11  }
0x14: {  	s22 =	sor.u32 $0x30, s19;
	s11 =	sadd.s32 s7, s11;
	[dreg:$0x7] =	wrdreg s12  }
0x15: {  	s24 =	sadd.s32 $0x40, s19;
	s21 =	sadd.s32 s6, s20;
	[dreg:$0x8] =	wrdreg s11  }
0x16: {  	s10 =	sadd.s32 $0x50, s19;
	s14 =	sadd.s32 s6, s22;
	[dreg:$0x9] =	wrdreg s21  }
0x17: {  	s3 =	simm.s32 $0x200;
	s25 =	sadd.s32 s6, s24;
	[dreg:$0xb] =	wrdreg s14  }
0x18: {  	s19 =	simm.s32 $0xA;
	s26 =	sadd.s32 s7, s24;
	[dreg:$0xd] =	wrdreg s25  }
0x19: {  	s6 =	sadd.s32 s6, s10;
	s30 =	sadd.s32 s7, s10;
	[dreg:$0xe] =	wrdreg s26  }
0x1a: {  	s24 =	simm.s32 $0xD;
	s10 =	simm.s32 $0x78;
	[dreg:$0xf] =	wrdreg s6  }
.Ltmp0:
0x1b: {  	s11 =	sadd.s32 s7, s20;
	[dreg:$0x10] =	wrdreg s30;
	(pc) =	sbr.rel .LBB2_1-.Ltmp0, $4  }
0x1c: {  	s26 =	simm.s32 $0x180;
	s6 =	simm.s32 $0x1;
	s12 =	simm.s32 $0x2  }
0x1d: {  	s14 =	simm.s32 $0x3;
	s20 =	simm.s32 $0x4;
	s21 =	simm.s32 $0xC  }
0x1e: {  	[dreg:$0xa] =	wrdreg s11;
	s11 =	sadd.s32 s7, s22;
	s7 =	simm.s32 $0x6  }
0x1f: {  	s22 =	simm.s32 $0x0;
	[dreg:$0xc] =	wrdreg s11;
	s11 =	simm.s32 $0x600  }
.LBB2_4:
0x20: {  	s0 =	simm.s32 $0xB  }
0x21: {  	_ =	swait.ge [sflag:s0], $0x3C00  }
0x22: {  	[sflag:s0] =	ssyncset.done $0x0  }
0x23: {  	[sflag:s0] =	ssyncadd.s32 $0xFFFFC400  }
0x24: {  	_ =	swait.ge [sflag:s21], $0x3C00  }
0x25: {  	[sflag:s21] =	ssyncset.done $0x0  }
0x26: {  	[sflag:s21] =	ssyncadd.s32 $0xFFFFC400  }
0x27: {  	[bflag:$0x0] =	sbarrier.arrive $0xFFFF  }
0x28: {  	s23 =	rddreg [dreg:$0x6]  }
0x29: {  	s24 =	rddreg [dreg:$0x11]  }
0x2a: {  	s22 =	rddreg [dreg:$0x14]  }
0x2b: {  	[hbm:s24], [sflag:s23] =	dma.local [spmem:s22], $0x2780  }
0x2c: {  	s24 =	simm.s32 $0xD  }
0x2d: {  	_ =	swait.ge [sflag:s24], $0x2780  }
0x2e: {  	s25 =	rddreg [dreg:$0x13]  }
0x2f: {  	s30 =	rddreg [dreg:$0x12];
	s22 =	sadd.s32 $0x1, s25  }
0x30: {  	p0 =	sne.s32 s22, s30  }
.Ltmp1:
0x31: {  	_ = 	snop;
	(pc) =	sbr.rel @!p0 .LBB2_5-.Ltmp1, $3  }
0x32: {  	_ =	sdelay $0x1  }
0x33: {  	[sflag:s24] =	ssyncset.done $0x0  }
0x34: {  	s28 =	simm.s32 $0x480;
	[sflag:s24] =	ssyncadd.s32 $0xFFFFD880  }
.LBB2_1:
0x35: {  	[dreg:$0x13] =	wrdreg s22  }
0x36: {  	s0 =	rddreg [dreg:$0x5]  }
0x37: {  	s25 =	rddreg [dreg:$0x4];
	s0 =	sshrl.u32 s0, $0x3  }
0x38: {  	[dreg:$0x14] =	wrdreg s0  }
0x39: {  	[spmem:s0], [sflag:s23] =	dma.local [hbm:s25], $0x2780  }
0x3a: {  	_ =	swait.ge [sflag:s24], $0x2780  }
0x3b: {  	[sflag:s24] =	ssyncset.done $0x0  }
0x3c: {  	[sflag:s24] =	ssyncadd.s32 $0xFFFFD880  }
0x3d: {  	[bflag:$0x0] =	sbarrier.arrive $0xFFFF  }
0x3e: {  	[tilespmem:s2], [sflag:$0x1] =	stream.linear.gather [hbm4b:s8+s2], $0x80, $0x38;
	[tilespmem:$0x1F600] =	vst v63  }
0x3f: {  	s23 =	simm.s32 $0x300  }
0x40: {  	[tilespmem:s23], [sflag:$0x1] =	stream.linear.gather [hbm4b:s9+s2], $0x80, $0x38;
	[tilespmem:$0x1F600] =	vst v63  }
0x41: {  	s22 =	simm.s32 $0x80;
	s25 =	rddreg [dreg:$0x7]  }
0x42: {  	[tilespmem:s22], [sflag:$0x2] =	stream.linear.gather [hbm4b:s25+s2], $0x80, $0x38;
	[tilespmem:$0x1F600] =	vst v63  }
0x43: {  	s24 =	simm.s32 $0x380;
	s25 =	rddreg [dreg:$0x8]  }
0x44: {  	[tilespmem:s24], [sflag:$0x2] =	stream.linear.gather [hbm4b:s25+s2], $0x80, $0x38;
	[tilespmem:$0x1F600] =	vst v63  }
0x45: {  	s22 =	rddreg [dreg:$0x9];
	s25 =	simm.s32 $0x100  }
0x46: {  	[tilespmem:s25], [sflag:$0x3] =	stream.linear.gather [hbm4b:s22+s2], $0x80, $0x38;
	[tilespmem:$0x1F600] =	vst v63  }
0x47: {  	s22 =	rddreg [dreg:$0xa];
	s25 =	simm.s32 $0x400  }
0x48: {  	[tilespmem:s25], [sflag:$0x3] =	stream.linear.gather [hbm4b:s22+s2], $0x80, $0x38;
	[tilespmem:$0x1F600] =	vst v63  }
0x49: {  	s22 =	rddreg [dreg:$0xb]  }
0x4a: {  	[tilespmem:s26], [sflag:$0x4] =	stream.linear.gather [hbm4b:s22+s2], $0x80, $0x38;
	[tilespmem:$0x1F600] =	vst v63  }
0x4b: {  	s22 =	rddreg [dreg:$0xc]  }
0x4c: {  	[tilespmem:s28], [sflag:$0x4] =	stream.linear.gather [hbm4b:s22+s2], $0x80, $0x38;
	[tilespmem:$0x1F600] =	vst v63  }
0x4d: {  	s26 =	rddreg [dreg:$0xd]  }
0x4e: {  	[tilespmem:s3], [sflag:$0x5] =	stream.linear.gather [hbm4b:s26+s2], $0x80, $0x38;
	[tilespmem:$0x1F600] =	vst v63  }
0x4f: {  	s22 =	rddreg [dreg:$0xe];
	s26 =	simm.s32 $0x500  }
0x50: {  	[tilespmem:s26], [sflag:$0x5] =	stream.linear.gather [hbm4b:s22+s2], $0x80, $0x38;
	[tilespmem:$0x1F600] =	vst v63  }
0x51: {  	s22 =	rddreg [dreg:$0xf]  }
0x52: {  	[tilespmem:s5], [sflag:$0x6] =	stream.linear.gather [hbm4b:s22+s2], $0x80, $0x38;
	[tilespmem:$0x1F600] =	vst v63  }
0x53: {  	s26 =	rddreg [dreg:$0x10]  }
0x54: {  	[tilespmem:s29], [sflag:$0x6] =	stream.linear.gather [hbm4b:s26+s2], $0x80, $0x38;
	[tilespmem:$0x1F600] =	vst v63  }
0x55: {  	_ =	swait.ge [sflag:s6], $0x80  }
0x56: {  	[sflag:s6] =	ssyncset.done $0x0  }
0x57: {  	[sflag:s6] =	ssyncadd.s32 $0xFFFFFF80  }
0x58: {  	_ =	swait.ge [sflag:s6], $0x80  }
0x59: {  	[sflag:s6] =	ssyncset.done $0x0  }
0x5a: {  	[sflag:s6] =	ssyncadd.s32 $0xFFFFFF80  }
0x5b: {  	[tilespmem:s11], [sflag:$0x7] =	stream.indirect.gather [hbm4b:s4+s10], $0x80, s23, s10, $0xb8;
	[tilespmem:$0x1F600] =	vst v63  }
0x5c: {  	_ =	swait.ge [sflag:s12], $0x80  }
0x5d: {  	[sflag:s12] =	ssyncset.done $0x0  }
0x5e: {  	[sflag:s12] =	ssyncadd.s32 $0xFFFFFF80  }
0x5f: {  	_ =	swait.ge [sflag:s12], $0x80  }
0x60: {  	[sflag:s12] =	ssyncset.done $0x0  }
0x61: {  	[sflag:s12] =	ssyncadd.s32 $0xFFFFFF80  }
0x62: {  	[tilespmem:s13], [sflag:$0x8] =	stream.indirect.gather [hbm4b:s4+s10], $0x80, s24, s10, $0xb8;
	[tilespmem:$0x1F600] =	vst v63  }
0x63: {  	_ =	swait.ge [sflag:s14], $0x80  }
0x64: {  	[sflag:s14] =	ssyncset.done $0x0  }
0x65: {  	[sflag:s14] =	ssyncadd.s32 $0xFFFFFF80  }
0x66: {  	s30 =	simm.s32 $0x180;
	s3 =	simm.s32 $0x200;
	_ =	swait.ge [sflag:s14], $0x80  }
0x67: {  	s5 =	simm.s32 $0x280;
	s22 =	simm.s32 $0x4200;
	[sflag:s14] =	ssyncset.done $0x0  }
0x68: {  	s23 =	simm.s32 $0x0;
	s13 =	simm.s32 $0x580;
	[sflag:s14] =	ssyncadd.s32 $0xFFFFFF80  }
0x69: {  	[tilespmem:s15], [sflag:$0x9] =	stream.indirect.gather [hbm4b:s4+s10], $0x80, s25, s10, $0xb8;
	[tilespmem:$0x1F600] =	vst v63  }
.LBB2_2:
0x6a: {  	_ =	swait.ge [sflag:s16], $0x3C00  }
0x6b: {  	[sflag:s16] =	ssyncset.done $0x0  }
0x6c: {  	[sflag:s16] =	ssyncadd.s32 $0xFFFFC400  }
0x6d: {  	[spmem:s1] =	stream.indirect.scatter.add.f32 [tilespmem:s11], [sflag:$0xA], $0x80, s2, s10, $0xb8;
	[tilespmem:$0x1F600] =	vst v63  }
0x6e: {  	_ =	swait.ge [sflag:s17], $0x3C00  }
0x6f: {  	[sflag:s17] =	ssyncset.done $0x0  }
0x70: {  	s0 =	simm.s32 $0x80;
	[sflag:s17] =	ssyncadd.s32 $0xFFFFC400  }
0x71: {  	[spmem:s1] =	stream.indirect.scatter.add.f32 [tilespmem:s22], [sflag:$0xB], $0x80, s0, s10, $0xb8;
	[tilespmem:$0x1F600] =	vst v63  }
0x72: {  	_ =	swait.ge [sflag:s18], $0x3C00  }
0x73: {  	[sflag:s18] =	ssyncset.done $0x0  }
0x74: {  	s26 =	simm.s32 $0x100;
	[sflag:s18] =	ssyncadd.s32 $0xFFFFC400  }
0x75: {  	[spmem:s1] =	stream.indirect.scatter.add.f32 [tilespmem:s15], [sflag:$0xC], $0x80, s26, s10, $0xb8;
	[tilespmem:$0x1F600] =	vst v63  }
0x76: {  	_ =	swait.ge [sflag:s19], $0x3C00  }
0x77: {  	[sflag:s19] =	ssyncset.done $0x0  }
0x78: {  	[sflag:s19] =	ssyncadd.s32 $0xFFFFC400  }
0x79: {  	_ =	swait.ge [sflag:s20], $0x80  }
0x7a: {  	[sflag:s20] =	ssyncset.done $0x0  }
0x7b: {  	[sflag:s20] =	ssyncadd.s32 $0xFFFFFF80  }
0x7c: {  	_ =	swait.ge [sflag:s20], $0x80  }
0x7d: {  	p0 =	seq.s32 s23, $0x4E0;
	[sflag:s20] =	ssyncset.done $0x0  }
0x7e: {  	s0 =	simm.s32 @p0 $0xB;
	[sflag:s20] =	ssyncadd.s32 $0xFFFFFF80  }
0x7f: {  	[tilespmem:s11], [sflag:$0x7] =	stream.indirect.gather [hbm4b:s4+s10], $0x80, s28, s10, $0xb8;
	[tilespmem:$0x1F600] =	vst v63  }
0x80: {  	_ =	swait.ge @p0 [sflag:s0], $0x3C00  }
0x81: {  	[sflag:s0] =	ssyncset.done @p0 $0x0  }
0x82: {  	[sflag:s0] =	ssyncadd.s32 @p0 $0xFFFFC400;
	s0 =	simm.s32 @p0 $0x5  }
0x83: {  	_ =	swait.ge @p0 [sflag:s0], $0x80  }
0x84: {  	[sflag:s0] =	ssyncset.done @p0 $0x0  }
0x85: {  	[sflag:s0] =	ssyncadd.s32 @p0 $0xFFFFFF80  }
0x86: {  	_ =	swait.ge @p0 [sflag:s0], $0x80  }
0x87: {  	s24 =	simm.s32 @p0 $0x500;
	[sflag:s0] =	ssyncset.done @p0 $0x0  }
0x88: {  	s25 =	simm.s32 @p0 $0x4200;
	[sflag:s0] =	ssyncadd.s32 @p0 $0xFFFFFF80;
	s0 =	simm.s32 @p0 $0x78  }
0x89: {  	[tilespmem:s25], [sflag:$0x8] =	stream.indirect.gather @p0 [hbm4b:s4+s0], $0x80, s24, s0, $0xb8;
	[tilespmem:$0x1F600] =	vst v63  }
0x8a: {  	s0 =	sadd.s32 @!p0 s23, s8  }
0x8b: {  	s25 =	simm.s32 @!p0 $0x0;
	s24 =	sadd.s32 @!p0 $0x60, s0  }
0x8c: {  	[tilespmem:s25], [sflag:$0x1] =	stream.linear.gather @!p0 [hbm4b:s24+s25], $0x80, $0x38;
	[tilespmem:$0x1F600] =	vst v63  }
0x8d: {  	s24 =	sadd.s32 @!p0 s23, s9  }
0x8e: {  	s28 =	simm.s32 @!p0 $0x300;
	s26 =	sadd.s32 @!p0 $0x60, s24  }
0x8f: {  	[tilespmem:s28], [sflag:$0x1] =	stream.linear.gather @!p0 [hbm4b:s26+s25], $0x80, $0x38;
	[tilespmem:$0x1F600] =	vst v63  }
0x90: {  	s26 =	simm.s32 @!p0 $0xB  }
0x91: {  	_ =	swait.ge @!p0 [sflag:s26], $0x3C00  }
0x92: {  	[sflag:s26] =	ssyncset.done @!p0 $0x0  }
0x93: {  	[sflag:s26] =	ssyncadd.s32 @!p0 $0xFFFFC400;
	s26 =	simm.s32 @!p0 $0x5  }
0x94: {  	_ =	swait.ge @!p0 [sflag:s26], $0x80  }
0x95: {  	[sflag:s26] =	ssyncset.done @!p0 $0x0  }
0x96: {  	[sflag:s26] =	ssyncadd.s32 @!p0 $0xFFFFFF80  }
0x97: {  	_ =	swait.ge @!p0 [sflag:s26], $0x80  }
0x98: {  	s29 =	simm.s32 @!p0 $0x4200;
	[sflag:s26] =	ssyncset.done @!p0 $0x0  }
0x99: {  	s28 =	simm.s32 @!p0 $0x500;
	[sflag:s26] =	ssyncadd.s32 @!p0 $0xFFFFFF80;
	s26 =	simm.s32 @!p0 $0x78  }
0x9a: {  	[tilespmem:s29], [sflag:$0x8] =	stream.indirect.gather @!p0 [hbm4b:s4+s26], $0x80, s28, s26, $0xb8;
	[tilespmem:$0x1F600] =	vst v63  }
0x9b: {  	s26 =	sadd.s32 @!p0 $0x70, s0;
	s28 =	simm.s32 @!p0 $0x80  }
0x9c: {  	[tilespmem:s28], [sflag:$0x2] =	stream.linear.gather @!p0 [hbm4b:s26+s25], $0x80, $0x38;
	[tilespmem:$0x1F600] =	vst v63  }
0x9d: {  	s26 =	sadd.s32 @!p0 $0x70, s24;
	s28 =	simm.s32 @!p0 $0x380  }
0x9e: {  	[tilespmem:s28], [sflag:$0x2] =	stream.linear.gather @!p0 [hbm4b:s26+s25], $0x80, $0x38;
	[tilespmem:$0x1F600] =	vst v63  }
0x9f: {  	_ =	swait.ge [sflag:s21], $0x3C00  }
0xa0: {  	[sflag:s21] =	ssyncset.done $0x0  }
0xa1: {  	[sflag:s21] =	ssyncadd.s32 $0xFFFFC400  }
0xa2: {  	_ =	swait.ge [sflag:s7], $0x80  }
0xa3: {  	[sflag:s7] =	ssyncset.done $0x0  }
0xa4: {  	[sflag:s7] =	ssyncadd.s32 $0xFFFFFF80  }
0xa5: {  	_ =	swait.ge [sflag:s7], $0x80  }
0xa6: {  	[sflag:s7] =	ssyncset.done $0x0  }
0xa7: {  	[sflag:s7] =	ssyncadd.s32 $0xFFFFFF80  }
0xa8: {  	[tilespmem:s15], [sflag:$0x9] =	stream.indirect.gather [hbm4b:s4+s10], $0x80, s13, s10, $0xb8;
	[tilespmem:$0x1F600] =	vst v63  }
0xa9: {  	s0 =	sadd.s32 @!p0 $0x80, s0;
	s26 =	simm.s32 @!p0 $0x100  }
0xaa: {  	[tilespmem:s26], [sflag:$0x3] =	stream.linear.gather @!p0 [hbm4b:s0+s25], $0x80, $0x38;
	[tilespmem:$0x1F600] =	vst v63  }
0xab: {  	s0 =	sadd.s32 @!p0 $0x80, s24;
	s24 =	simm.s32 @!p0 $0x400  }
0xac: {  	[tilespmem:s24], [sflag:$0x3] =	stream.linear.gather @!p0 [hbm4b:s0+s25], $0x80, $0x38;
	[tilespmem:$0x1F600] =	vst v63  }
0xad: {  	_ =	swait.ge [sflag:s16], $0x3C00  }
0xae: {  	[sflag:s16] =	ssyncset.done $0x0  }
0xaf: {  	[sflag:s16] =	ssyncadd.s32 $0xFFFFC400  }
0xb0: {  	[spmem:s1] =	stream.indirect.scatter.add.f32 [tilespmem:s11], [sflag:$0xA], $0x80, s30, s10, $0xb8;
	[tilespmem:$0x1F600] =	vst v63  }
0xb1: {  	_ =	swait.ge [sflag:s17], $0x3C00  }
0xb2: {  	[sflag:s17] =	ssyncset.done $0x0  }
0xb3: {  	[sflag:s17] =	ssyncadd.s32 $0xFFFFC400  }
0xb4: {  	[spmem:s1] =	stream.indirect.scatter.add.f32 [tilespmem:s22], [sflag:$0xB], $0x80, s3, s10, $0xb8;
	[tilespmem:$0x1F600] =	vst v63  }
0xb5: {  	_ =	swait.ge [sflag:s18], $0x3C00  }
0xb6: {  	[sflag:s18] =	ssyncset.done $0x0  }
.Ltmp2:
0xb7: {  	[sflag:s18] =	ssyncadd.s32 $0xFFFFC400;
	(pc) =	sbr.rel @p0 .LBB2_4-.Ltmp2, $4  }
0xb8: {  	[spmem:s1] =	stream.indirect.scatter.add.f32 [tilespmem:s15], [sflag:$0xC], $0x80, s5, s10, $0xb8;
	[tilespmem:$0x1F600] =	vst v63  }
0xb9: {  	s29 =	simm.s32 $0x580;
	_ =	swait.ge [sflag:s19], $0x3C00  }
0xba: {  	s13 =	simm.s32 $0x4200;
	s26 =	simm.s32 $0x180;
	[sflag:s19] =	ssyncset.done $0x0  }
0xbb: {  	s3 =	simm.s32 $0x200;
	s5 =	simm.s32 $0x280;
	[sflag:s19] =	ssyncadd.s32 $0xFFFFC400  }
0xbc: {  	_ =	swait.ge [sflag:s6], $0x80  }
0xbd: {  	[sflag:s6] =	ssyncset.done $0x0  }
0xbe: {  	[sflag:s6] =	ssyncadd.s32 $0xFFFFFF80  }
0xbf: {  	_ =	swait.ge [sflag:s6], $0x80  }
0xc0: {  	[sflag:s6] =	ssyncset.done $0x0  }
0xc1: {  	s0 =	simm.s32 $0x300;
	[sflag:s6] =	ssyncadd.s32 $0xFFFFFF80  }
0xc2: {  	[tilespmem:s11], [sflag:$0x7] =	stream.indirect.gather [hbm4b:s4+s10], $0x80, s0, s10, $0xb8;
	[tilespmem:$0x1F600] =	vst v63  }
0xc3: {  	s0 =	sadd.s32 s23, s8  }
0xc4: {  	s24 =	sadd.s32 $0x90, s0  }
0xc5: {  	[tilespmem:s26], [sflag:$0x4] =	stream.linear.gather [hbm4b:s24+s2], $0x80, $0x38;
	[tilespmem:$0x1F600] =	vst v63  }
0xc6: {  	s24 =	sadd.s32 s23, s9  }
0xc7: {  	s22 =	simm.s32 $0xB;
	s25 =	sadd.s32 $0x90, s24  }
0xc8: {  	[tilespmem:s31], [sflag:$0x4] =	stream.linear.gather [hbm4b:s25+s2], $0x80, $0x38;
	[tilespmem:$0x1F600] =	vst v63  }
0xc9: {  	_ =	swait.ge [sflag:s22], $0x3C00  }
0xca: {  	[sflag:s22] =	ssyncset.done $0x0  }
0xcb: {  	[sflag:s22] =	ssyncadd.s32 $0xFFFFC400  }
0xcc: {  	_ =	swait.ge [sflag:s12], $0x80  }
0xcd: {  	[sflag:s12] =	ssyncset.done $0x0  }
0xce: {  	[sflag:s12] =	ssyncadd.s32 $0xFFFFFF80  }
0xcf: {  	_ =	swait.ge [sflag:s12], $0x80  }
0xd0: {  	[sflag:s12] =	ssyncset.done $0x0  }
0xd1: {  	s22 =	simm.s32 $0x380;
	[sflag:s12] =	ssyncadd.s32 $0xFFFFFF80  }
0xd2: {  	[tilespmem:s13], [sflag:$0x8] =	stream.indirect.gather [hbm4b:s4+s10], $0x80, s22, s10, $0xb8;
	[tilespmem:$0x1F600] =	vst v63  }
0xd3: {  	s26 =	sadd.s32 $0xA0, s0  }
0xd4: {  	[tilespmem:s3], [sflag:$0x5] =	stream.linear.gather [hbm4b:s26+s2], $0x80, $0x38;
	[tilespmem:$0x1F600] =	vst v63  }
0xd5: {  	s13 =	simm.s32 $0x500;
	s3 =	sadd.s32 $0xA0, s24  }
0xd6: {  	[tilespmem:s13], [sflag:$0x5] =	stream.linear.gather [hbm4b:s3+s2], $0x80, $0x38;
	[tilespmem:$0x1F600] =	vst v63  }
0xd7: {  	_ =	swait.ge [sflag:s21], $0x3C00  }
0xd8: {  	[sflag:s21] =	ssyncset.done $0x0  }
0xd9: {  	[sflag:s21] =	ssyncadd.s32 $0xFFFFC400  }
0xda: {  	_ =	swait.ge [sflag:s14], $0x80  }
0xdb: {  	[sflag:s14] =	ssyncset.done $0x0  }
0xdc: {  	[sflag:s14] =	ssyncadd.s32 $0xFFFFFF80  }
0xdd: {  	_ =	swait.ge [sflag:s14], $0x80  }
0xde: {  	[sflag:s14] =	ssyncset.done $0x0  }
0xdf: {  	s30 =	simm.s32 $0x180;
	s22 =	simm.s32 $0x400;
	[sflag:s14] =	ssyncadd.s32 $0xFFFFFF80  }
0xe0: {  	[tilespmem:s15], [sflag:$0x9] =	stream.indirect.gather [hbm4b:s4+s10], $0x80, s22, s10, $0xb8;
	[tilespmem:$0x1F600] =	vst v63  }
.Ltmp3:
0xe1: {  	s28 =	simm.s32 $0x480;
	s0 =	sadd.s32 $0xB0, s0;
	(pc) =	sbr.rel .LBB2_2-.Ltmp3, $4  }
0xe2: {  	s23 =	sadd.s32 $0x60, s23;
	s26 =	sadd.s32 $0xB0, s24;
	s3 =	simm.s32 $0x200  }
0xe3: {  	[tilespmem:s5], [sflag:$0x6] =	stream.linear.gather [hbm4b:s0+s2], $0x80, $0x38;
	[tilespmem:$0x1F600] =	vst v63  }
0xe4: {  	s13 =	simm.s32 $0x580;
	s22 =	simm.s32 $0x4200;
	s5 =	simm.s32 $0x280  }
0xe5: {  	[tilespmem:s29], [sflag:$0x6] =	stream.linear.gather [hbm4b:s26+s2], $0x80, $0x38;
	[tilespmem:$0x1F600] =	vst v63  }
.LBB2_5:
0xe6: {  	_ =	sfence.sel $0x180000  }
0xe7: {  	[bflag:$0x0] =	sbarrier.arrive $0xFFFF  }
0xe8: {  	_ =	strace $0x9000004A  }
0xe9: {  	s0 =	stileid.u32;
	[bflag:$0x2] =	sbarrier.arrive $0xFFFF  }
0xea: {  	p0 =	sne.s32 s0, $0x0;
	s0 =	rddreg [dreg:$0x3]  }
0xeb: {  	s0 =	sadd.s32 @!p0 $0x100000, s0  }
0xec: {  	[sflag:s0] =	ssyncadd.tile.s32 @!p0 $0x1;
	_ =	shalt  }
.Lfunc_end2:
_tile_overlayer_lowered:
.L_overlay_start_2:
0xed: {  	(tag) =	ssettag $0x2  }
0xee: {  	s0 =	rddreg [dreg:$0x0];
	s2 =	stileid.u32  }
0xef: {  	s1 =	rddreg [dreg:$0x1];
	p0 =	sne.s32 s2, $0x0  }
0xf0: {  	s3 =	rddreg [dreg:$0x2];
	[bflag:$0x3] =	sbarrier.arrive $0xFFFF;
	s2 =	simm.s32 @!p0 $0x1C0D  }
0xf1: {  	[timem:s3], [sflag:s2] =	dma.local @!p0 [hbm:s0], s1  }
0xf2: {  	s0 =	simm.s32 @!p0 $0xD  }
0xf3: {  	_ =	swait.ge @!p0 [sflag:s0], s1  }
0xf4: {  	s1 =	ssub.s32 @!p0 $0x0, s1;
	[sflag:s0] =	ssyncset.done @!p0 $0x0  }
0xf5: {  	[sflag:s0] =	ssyncadd.s32 @!p0 s1  }
0xf6: {  	[bflag:$0x3] =	sbarrier.arrive $0xFFFF  }
0xf7: {  	_ =	shalt  }

// kernel: _run.16.cloned.1.call-start
scs
__scs_entry_jumppad:
0x0: {  	(pc) =	sbr.rel $0x88, $3  }
0x1: {  	(tag) =	ssettag $0x0;
	lr =	simm.s32 $0x1  }
0x2: {  	[smem:$0x3F93] =	sst lr;
	_ =	strace $0xD0000000  }
0x3: {  	_ = 	snop  }
0x4: {  	_ = 	snop  }
0x5: {  	_ = 	snop  }
0x6: {  	_ = 	snop  }
0x7: {  	_ = 	snop  }
__scs_overlays_trampoline_lowered:
0x8: {  	[smem:$0x3FA2] =	sst s0  }
0x9: {  	[smem:$0x3FA3] =	sst s1  }
0xa: {  	[smem:$0x3FA4] =	sst s2  }
0xb: {  	[smem:$0x3FA5] =	sst s3  }
0xc: {  	[smem:$0x3FA6] =	sst s4  }
0xd: {  	[smem:$0x3FA7] =	sst s5  }
0xe: {  	[smem:$0x3FA8] =	sst s6  }
0xf: {  	[smem:$0x3FA9] =	sst s7  }
0x10: {  	[smem:$0x3FAA] =	sst s8  }
0x11: {  	[smem:$0x3FAB] =	sst s9;
	s0 =	simm.s32 @!p0 $0x0  }
0x12: {  	s1 =	sld [smem:$0x3F91];
	s0 =	simm.s32 @p0 $0x1  }
0x13: {  	[smem:$0x3FAC] =	sst s0;
	s0 =	simm.s32 @!p1 $0x0  }
0x14: {  	s2 =	sld [smem:$0x3F90];
	s0 =	simm.s32 @p1 $0x1  }
0x15: {  	[smem:$0x3FAD] =	sst s0;
	s0 =	simm.s32 @!p2 $0x0  }
0x16: {  	s3 =	sld [smem:$0x3FDB];
	s0 =	simm.s32 @p2 $0x1  }
0x17: {  	s4 =	simm.s32 $0x1BF5;
	[smem:$0x3FAF] =	sst s0  }
0x18: {  	s0 =	sld [smem:$0x3F92];
	_ =	swait.ge [sflag:s4], $0x0  }
0x19: {  	s7 =	sld [smem:$0x3F93]  }
0x1a: {  	s8 =	sadd.s32 $0xFFFFE003, lr  }
0x1b: {  	s9 =	sadd.s32 $0xFFFFFEF7, lr;
	s5 =	simm.s32 $0xFFFFFFFF;
	p2 =	slt.u32 s8, $0xFFFFF086  }
0x1c: {  	p1 =	slt.u32 s9, $0xF7A;
	s5 =	simm.s32 @!p2 $0x0  }
0x1d: {  	s5 =	simm.s32 @p1 $0x1;
	p0 =	seq.s32 s7, s2  }
0x1e: {  	s7 =	smul.u32 @!p0 $0xF7A, s2;
	p2 =	seq.s32 @!p0 s5, $0x0  }
0x1f: {  	s9 =	smul.u32 $0xF7A, s1;
	s8 =	simm.s32 @!p0 $0x1BF5;
	p2 =	por !p2, p0  }
0x20: {  	[sflag:s8] =	ssyncset.s32 @!p0 $0xFFFFF086;
	s6 =	sadd.s32 @!p0 s3, s7;
	s7 =	simm.s32 @!p0 $0x108  }
0x21: {  	s3 =	sadd.s32 s3, s9;
	s6 =	sadd.s32 @!p0 $0x88, s6;
	s7 =	simm.s32 @p2 $0x1082  }
0x22: {  	[simem:s7], [sflag:s8] =	dma.local @!p0 [hbm:s6], $0xF7A  }
0x23: {  	s9 =	sor.u32 $0xD0000000, s2;
	s6 =	simm.s32 $0x108;
	_ =	swait.ge @!p0 [sflag:s8], $0x0  }
0x24: {  	s3 =	sadd.s32 $0x88, s3;
	s6 =	simm.s32 @!p1 $0x1082;
	[sflag:s4] =	ssyncset.s32 $0xFFFFF086  }
0x25: {  	[simem:s6], [sflag:s4] =	dma.local [hbm:s3], $0xF7A  }
0x26: {  	[smem:$0x3F93] =	sst s1;
	(tag) =	ssettag s2;
	_ =	strace s9  }
0x27: {  	s1 =	sld [smem:$0x3FA3]  }
0x28: {  	s2 =	sld [smem:$0x3FA4]  }
0x29: {  	s4 =	sld [smem:$0x3FA6]  }
0x2a: {  	p0 =	seq.s32 s5, $0x0;
	s5 =	sld [smem:$0x3FA7]  }
0x2b: {  	s6 =	sld [smem:$0x3FA8]  }
0x2c: {  	s7 =	sld [smem:$0x3FA9]  }
0x2d: {  	s3 =	simm.s32 $0x108;
	s8 =	sld [smem:$0x3FAA]  }
0x2e: {  	s3 =	simm.s32 @!p0 $0x1082;
	s9 =	sld [smem:$0x3FAB]  }
0x2f: {  	lr =	sadd.s32 s0, s3;
	s0 =	sld [smem:$0x3FA2]  }
0x30: {  	s3 =	sld [smem:$0x3FA5]  }
0x31: {  	[smem:$0x3FAE] =	sst s10  }
0x32: {  	s10 =	sld [smem:$0x3FAC];
	_ =	sdelay $0x3  }
0x33: {  	p0 =	seq.s32 s10, $0x1;
	s10 =	sld [smem:$0x3FAE];
	_ =	sdelay $0x3  }
0x34: {  	[smem:$0x3FAE] =	sst s10  }
0x35: {  	s10 =	sld [smem:$0x3FAD];
	_ =	sdelay $0x3  }
0x36: {  	p1 =	seq.s32 s10, $0x1;
	s10 =	sld [smem:$0x3FAE];
	_ =	sdelay $0x3  }
0x37: {  	[smem:$0x3FAE] =	sst s10  }
0x38: {  	s10 =	sld [smem:$0x3FAF]  }
0x39: {  	_ = 	snop;
	(pc) =	sbr.ind lr, $3  }
0x3a: {  	_ = 	snop  }
0x3b: {  	_ = 	snop  }
0x3c: {  	p2 =	seq.s32 s10, $0x1;
	s10 =	sld [smem:$0x3FAE]  }
0x3d: {  	_ =	shalt  }
0x3e: {  	_ =	shalt  }
0x3f: {  	_ =	shalt  }
0x40: {  	_ =	shalt  }
0x41: {  	_ =	shalt  }
0x42: {  	_ =	shalt  }
0x43: {  	_ =	shalt  }
0x44: {  	_ =	shalt  }
0x45: {  	_ =	shalt  }
0x46: {  	_ =	shalt  }
0x47: {  	_ =	shalt  }
0x48: {  	_ =	shalt  }
0x49: {  	_ =	shalt  }
0x4a: {  	_ =	shalt  }
0x4b: {  	_ =	shalt  }
0x4c: {  	_ =	shalt  }
0x4d: {  	_ =	shalt  }
0x4e: {  	_ =	shalt  }
0x4f: {  	_ =	shalt  }
0x50: {  	_ =	shalt  }
0x51: {  	_ =	shalt  }
0x52: {  	_ =	shalt  }
0x53: {  	_ =	shalt  }
0x54: {  	_ =	shalt  }
0x55: {  	_ =	shalt  }
0x56: {  	_ =	shalt  }
0x57: {  	_ =	shalt  }
0x58: {  	_ =	shalt  }
0x59: {  	_ =	shalt  }
0x5a: {  	_ =	shalt  }
0x5b: {  	_ =	shalt  }
0x5c: {  	_ =	shalt  }
0x5d: {  	_ =	shalt  }
0x5e: {  	_ =	shalt  }
0x5f: {  	_ =	shalt  }
0x60: {  	_ =	shalt  }
0x61: {  	_ =	shalt  }
0x62: {  	_ =	shalt  }
0x63: {  	_ =	shalt  }
0x64: {  	_ =	shalt  }
0x65: {  	_ =	shalt  }
0x66: {  	_ =	shalt  }
0x67: {  	_ =	shalt  }
0x68: {  	_ =	shalt  }
0x69: {  	_ =	shalt  }
0x6a: {  	_ =	shalt  }
0x6b: {  	_ =	shalt  }
0x6c: {  	_ =	shalt  }
0x6d: {  	_ =	shalt  }
0x6e: {  	_ =	shalt  }
0x6f: {  	_ =	shalt  }
0x70: {  	_ =	shalt  }
0x71: {  	_ =	shalt  }
0x72: {  	_ =	shalt  }
0x73: {  	_ =	shalt  }
0x74: {  	_ =	shalt  }
0x75: {  	_ =	shalt  }
0x76: {  	_ =	shalt  }
0x77: {  	_ =	shalt  }
0x78: {  	_ =	shalt  }
0x79: {  	_ =	shalt  }
0x7a: {  	_ =	shalt  }
0x7b: {  	_ =	shalt  }
0x7c: {  	_ =	shalt  }
0x7d: {  	_ =	shalt  }
0x7e: {  	_ =	shalt  }
0x7f: {  	_ =	shalt  }
0x80: {  	_ =	shalt  }
0x81: {  	_ =	shalt  }
0x82: {  	_ =	shalt  }
0x83: {  	_ =	shalt  }
0x84: {  	_ =	shalt  }
0x85: {  	_ =	shalt  }
0x86: {  	_ =	shalt  }
0x87: {  	_ =	shalt  }
.Lfunc_end0:
.L_simem_size_0:
called_computation.2_lowered:
.L_overlay_start_0:
0x88: {  	s2 =	sld [smem:$0x3FD9]  }
0x89: {  	s3 =	sld [smem:$0x3FFE];
	_ =	sdelay $0x1  }
0x8a: {  	s1 =	srdreg.scid  }
0x8b: {  	s0 =	sand.u32 $0x1, s1  }
0x8c: {  	s17 =	sshll.u32 s0, $0xA;
	s2 =	sadd.s32 s3, s2  }
0x8d: {  	s2 =	sadd.s32 s2, s17  }
0x8e: {  	[smem:$0x3FBA] =	sst s2  }
0x8f: {  	_ = 	snop  }
0x90: {  	s2 =	sld [smem:$0x3FD0];
	(tm) =	ssettm $0x1  }
0x91: {  	s18 =	sld [smem:$0x3FFB];
	_ =	sdelay $0x3  }
0x92: {  	_ =	strace s18  }
0x93: {  	s3 =	sld [smem:$0x3FFC];
	_ =	sdelay $0x3  }
0x94: {  	_ =	strace s3  }
0x95: {  	s3 =	sld [smem:$0x3FFD];
	_ =	sdelay $0x3  }
0x96: {  	_ =	strace s3  }
0x97: {  	_ =	strace $0x8FFFFFFF  }
0x98: {  	s19 =	sld [smem:$0x3FDB];
	_ =	sdelay $0x1  }
0x99: {  	s4 =	simm.s32 $_scs_section_size  }
0x9a: {  	s5 =	simm.s32 $_size__tile_overlayer_lowered;
	s6 =	simm.s32 $_tile_overlayer_lowered  }
0x9b: {  	s22 =	simm.s32 $0x1BFF;
	s21 =	sshll.u32 s6, $0x1;
	s3 =	sadd.s32 s4, s19  }
0x9c: {  	s7 =	simm.s32 $0x0;
	s20 =	sshll.u32 s5, $0x1;
	s5 =	sadd.s32 s21, s3  }
0x9d: {  	[timem:s7], [sflag:s22] =	dma.local [hbm:s5], s20  }
0x9e: {  	_ =	swait.ge [sflag:s22], s20  }
0x9f: {  	s4 =	ssub.s32 $0x0, s20;
	[sflag:s22] =	ssyncset.done $0x0  }
0xa0: {  	[sflag:s22] =	ssyncadd.s32 s4;
	_ =	sdelay $0x1  }
0xa1: {  	s23 =	simm.s32 $0x1B8B  }
0xa2: {  	_ =	swait.ge [sflag:s23], $0x1  }
0xa3: {  	[sflag:s23] =	ssyncset.done $0x0  }
0xa4: {  	s25 =	simm.s32 $0x1B8E;
	s24 =	sld [smem:$0x3FFE];
	[sflag:s23] =	ssyncadd.s32 $0xFFFFFFFF  }
0xa5: {  	s26 =	simm.s32 $execute0_lowered;
	[smem:$0x3FD2] =	sst s25  }
0xa6: {  	s5 =	sshll.u32 s26, $0x1;
	_ =	strace $0x8000004C;
	[dreg:$0x1] =	wrdreg $0xFFFFFFFF  }
0xa7: {  	s28 =	simm.s32 $_size_execute0_lowered;
	s3 =	sadd.s32 s3, s5;
	[dreg:$0x0] =	wrdreg $0x0  }
0xa8: {  	s5 =	sshll.u32 s28, $0x1;
	[dreg:$0x2] =	wrdreg s3  }
0xa9: {  	[dreg:$0x3] =	wrdreg s5  }
0xaa: {  	[dreg:$0x4] =	wrdreg $0xC0  }
0xab: {  	_ =	task [dreg:s7], $0x5FFFF  }
0xac: {  	[dreg:$0x1] =	wrdreg $0xFFFFFFFF  }
0xad: {  	[dreg:$0x0] =	wrdreg $0x60  }
0xae: {  	[dreg:$0x2] =	wrdreg s24  }
0xaf: {  	[dreg:$0x3] =	wrdreg s2  }
0xb0: {  	[dreg:$0x4] =	wrdreg $0xBA000  }
0xb1: {  	[dreg:$0x5] =	wrdreg $0x9  }
0xb2: {  	_ =	task.clear_ibuf [dreg:s7], $0x6FFFF;
	_ =	strace $0x9000004C  }
0xb3: {  	s29 =	simm.s32 $0x9;
	_ =	strace $0x8000004E  }
0xb4: {  	_ =	swait.ge [sflag:s29], $0x1  }
0xb5: {  	[sflag:s29] =	ssyncadd.s32 $0xFFFFFFFF  }
0xb6: {  	_ =	strace $0x9000004E  }
0xb7: {  	_ =	sfence  }
0xb8: {  	s30 =	sld [smem:$0x0];
	_ =	sdelay $0x2  }
0xb9: {  	s31 =	sshll.u32 s1, $0xD;
	s1 =	sshrl.u32 s1, $0x2  }
0xba: {  	s3 =	sand.u32 $0x4000, s31;
	s1 =	sadd.s32 s1, s30  }
0xbb: {  	s0 =	sor.u32 s3, s0;
	s1 =	sshll.u32 s1, $0x11  }
0xbc: {  	s0 =	sor.u32 s1, s0  }
0xbd: {  	s0 =	sadd.s32 $0x8F2B, s0  }
0xbe: {  	[sflag:s0] =	ssyncadd.remote.s32 $0x1  }
0xbf: {  	_ =	sfence.sel $0xFFFF  }
0xc0: {  	[dreg:$0x0] =	wrdreg $0xFFFFFFFF;
	(pc) =	sbr.abs _section_cstart, $3  }
0xc1: {  	[dreg:$0x1] =	wrdreg $0xFFFFFFFF  }
0xc2: {  	_ =	task.clear_ibuf [dreg:s7], $0x2FFFF;
	_ =	strace $0x9FFFFFFF  }
0xc3: {  	(tm) =	ssettm $0x7FFFFFFF  }
tec
execute0_lowered:
.L_overlay_start_1:
0x0: {  	(tag) =	ssettag $0x1  }
0x1: {  	s0 =	rddreg [dreg:$0x0]  }
0x2: {  	s3 =	rddreg [dreg:$0x1]  }
0x3: {  	s1 =	rddreg [dreg:$0x2]  }
0x4: {  	s2 =	simm.s32 $0x0;
	s5 =	srdreg.scid;
	s13 =	stileid.u32  }
0x5: {  	s28 =	simm.s32 $0x480;
	s29 =	simm.s32 $0x580;
	s15 =	simm.s32 $0x7E00  }
0x6: {  	s31 =	simm.s32 $0x480;
	[smem:$0x7FF] =	sst s2;
	s4 =	sadd.s32 $0x24600, s0  }
0x7: {  	s6 =	sadd.s32 $0xF600, s0;
	s5 =	sand.u32 $0x1, s5;
	s9 =	smul.u32 $0x54, s13  }
0x8: {  	s7 =	sadd.s32 $0x19E00, s0;
	s0 =	sadd.s32 $0x5800, s0;
	s10 =	smul.u32 $0x4F000, s13  }
0x9: {  	s18 =	sshll.u32 s13, $0x6;
	s13 =	smul.u32 $0x13C00, s13;
	_ =	strace $0x8000004D  }
0xa: {  	s8 =	ssub.s32 $0x2, s5;
	[dreg:$0x4] =	wrdreg s0;
	p0 =	seq.s32 s5, $0x0  }
0xb: {  	s23 =	sor.u32 $0x1C0D, s18;
	s5 =	smul.u32 $0x13C000, s5;
	s18 =	simm.s32 $0x9  }
0xc: {  	s16 =	sshrl.u32 s8, $0x1;
	s17 =	sshrl.u32 s10, $0x2;
	[dreg:$0x6] =	wrdreg s23  }
0xd: {  	s0 =	ssub.s32 s8, s16;
	s8 =	sadd.s32 $0x540, s9;
	s5 =	sadd.s32 s13, s5  }
0xe: {  	s13 =	simm.s32 $0x4200;
	s16 =	simm.s32 $0x7;
	s8 =	smov.u32 @p0 s9  }
0xf: {  	s9 =	sadd.s32 s17, s1;
	s5 =	sshrl.u32 s5, $0x3;
	s0 =	smax.u32 s0, $0x1  }
0x10: {  	s17 =	simm.s32 $0x8;
	[dreg:$0x5] =	wrdreg s9;
	s19 =	sshll.u32 s8, $0x4  }
0x11: {  	s3 =	sadd.s32 s3, s5;
	[dreg:$0x12] =	wrdreg s0;
	s5 =	simm.s32 $0x280  }
0x12: {  	s8 =	sadd.s32 s6, s19;
	s9 =	sadd.s32 s7, s19;
	s11 =	sor.u32 $0x10, s19  }
0x13: {  	s20 =	sor.u32 $0x20, s19;
	[dreg:$0x11] =	wrdreg s3;
	s12 =	sadd.s32 s6, s11  }
0x14: {  	s22 =	sor.u32 $0x30, s19;
	s11 =	sadd.s32 s7, s11;
	[dreg:$0x7] =	wrdreg s12  }
0x15: {  	s24 =	sadd.s32 $0x40, s19;
	s21 =	sadd.s32 s6, s20;
	[dreg:$0x8] =	wrdreg s11  }
0x16: {  	s10 =	sadd.s32 $0x50, s19;
	s14 =	sadd.s32 s6, s22;
	[dreg:$0x9] =	wrdreg s21  }
0x17: {  	s3 =	simm.s32 $0x200;
	s25 =	sadd.s32 s6, s24;
	[dreg:$0xb] =	wrdreg s14  }
0x18: {  	s19 =	simm.s32 $0xA;
	s26 =	sadd.s32 s7, s24;
	[dreg:$0xd] =	wrdreg s25  }
0x19: {  	s6 =	sadd.s32 s6, s10;
	s30 =	sadd.s32 s7, s10;
	[dreg:$0xe] =	wrdreg s26  }
0x1a: {  	s24 =	simm.s32 $0xD;
	s10 =	simm.s32 $0x78;
	[dreg:$0xf] =	wrdreg s6  }
.Ltmp0:
0x1b: {  	s11 =	sadd.s32 s7, s20;
	[dreg:$0x10] =	wrdreg s30;
	(pc) =	sbr.rel .LBB2_1-.Ltmp0, $4  }
0x1c: {  	s26 =	simm.s32 $0x180;
	s6 =	simm.s32 $0x1;
	s12 =	simm.s32 $0x2  }
0x1d: {  	s14 =	simm.s32 $0x3;
	s20 =	simm.s32 $0x4;
	s21 =	simm.s32 $0xC  }
0x1e: {  	[dreg:$0xa] =	wrdreg s11;
	s11 =	sadd.s32 s7, s22;
	s7 =	simm.s32 $0x6  }
0x1f: {  	s22 =	simm.s32 $0x0;
	[dreg:$0xc] =	wrdreg s11;
	s11 =	simm.s32 $0x600  }
.LBB2_4:
0x20: {  	s0 =	simm.s32 $0xB  }
0x21: {  	_ =	swait.ge [sflag:s0], $0x3C00  }
0x22: {  	[sflag:s0] =	ssyncset.done $0x0  }
0x23: {  	[sflag:s0] =	ssyncadd.s32 $0xFFFFC400  }
0x24: {  	_ =	swait.ge [sflag:s21], $0x3C00  }
0x25: {  	[sflag:s21] =	ssyncset.done $0x0  }
0x26: {  	[sflag:s21] =	ssyncadd.s32 $0xFFFFC400  }
0x27: {  	[bflag:$0x0] =	sbarrier.arrive $0xFFFF  }
0x28: {  	s23 =	rddreg [dreg:$0x6]  }
0x29: {  	s24 =	rddreg [dreg:$0x11]  }
0x2a: {  	s22 =	rddreg [dreg:$0x14]  }
0x2b: {  	[hbm:s24], [sflag:s23] =	dma.local [spmem:s22], $0x2780  }
0x2c: {  	s24 =	simm.s32 $0xD  }
0x2d: {  	_ =	swait.ge [sflag:s24], $0x2780  }
0x2e: {  	s25 =	rddreg [dreg:$0x13]  }
0x2f: {  	s30 =	rddreg [dreg:$0x12];
	s22 =	sadd.s32 $0x1, s25  }
0x30: {  	p0 =	sne.s32 s22, s30  }
.Ltmp1:
0x31: {  	_ = 	snop;
	(pc) =	sbr.rel @!p0 .LBB2_5-.Ltmp1, $3  }
0x32: {  	_ =	sdelay $0x1  }
0x33: {  	[sflag:s24] =	ssyncset.done $0x0  }
0x34: {  	s28 =	simm.s32 $0x480;
	[sflag:s24] =	ssyncadd.s32 $0xFFFFD880  }
.LBB2_1:
0x35: {  	[dreg:$0x13] =	wrdreg s22  }
0x36: {  	s0 =	rddreg [dreg:$0x5]  }
0x37: {  	s25 =	rddreg [dreg:$0x4];
	s0 =	sshrl.u32 s0, $0x3  }
0x38: {  	[dreg:$0x14] =	wrdreg s0  }
0x39: {  	[spmem:s0], [sflag:s23] =	dma.local [hbm:s25], $0x2780  }
0x3a: {  	_ =	swait.ge [sflag:s24], $0x2780  }
0x3b: {  	[sflag:s24] =	ssyncset.done $0x0  }
0x3c: {  	[sflag:s24] =	ssyncadd.s32 $0xFFFFD880  }
0x3d: {  	[bflag:$0x0] =	sbarrier.arrive $0xFFFF  }
0x3e: {  	[tilespmem:s2], [sflag:$0x1] =	stream.linear.gather [hbm4b:s8+s2], $0x80, $0x38;
	[tilespmem:$0x1F600] =	vst v63  }
0x3f: {  	s23 =	simm.s32 $0x300  }
0x40: {  	[tilespmem:s23], [sflag:$0x1] =	stream.linear.gather [hbm4b:s9+s2], $0x80, $0x38;
	[tilespmem:$0x1F600] =	vst v63  }
0x41: {  	s22 =	simm.s32 $0x80;
	s25 =	rddreg [dreg:$0x7]  }
0x42: {  	[tilespmem:s22], [sflag:$0x2] =	stream.linear.gather [hbm4b:s25+s2], $0x80, $0x38;
	[tilespmem:$0x1F600] =	vst v63  }
0x43: {  	s24 =	simm.s32 $0x380;
	s25 =	rddreg [dreg:$0x8]  }
0x44: {  	[tilespmem:s24], [sflag:$0x2] =	stream.linear.gather [hbm4b:s25+s2], $0x80, $0x38;
	[tilespmem:$0x1F600] =	vst v63  }
0x45: {  	s22 =	rddreg [dreg:$0x9];
	s25 =	simm.s32 $0x100  }
0x46: {  	[tilespmem:s25], [sflag:$0x3] =	stream.linear.gather [hbm4b:s22+s2], $0x80, $0x38;
	[tilespmem:$0x1F600] =	vst v63  }
0x47: {  	s22 =	rddreg [dreg:$0xa];
	s25 =	simm.s32 $0x400  }
0x48: {  	[tilespmem:s25], [sflag:$0x3] =	stream.linear.gather [hbm4b:s22+s2], $0x80, $0x38;
	[tilespmem:$0x1F600] =	vst v63  }
0x49: {  	s22 =	rddreg [dreg:$0xb]  }
0x4a: {  	[tilespmem:s26], [sflag:$0x4] =	stream.linear.gather [hbm4b:s22+s2], $0x80, $0x38;
	[tilespmem:$0x1F600] =	vst v63  }
0x4b: {  	s22 =	rddreg [dreg:$0xc]  }
0x4c: {  	[tilespmem:s28], [sflag:$0x4] =	stream.linear.gather [hbm4b:s22+s2], $0x80, $0x38;
	[tilespmem:$0x1F600] =	vst v63  }
0x4d: {  	s26 =	rddreg [dreg:$0xd]  }
0x4e: {  	[tilespmem:s3], [sflag:$0x5] =	stream.linear.gather [hbm4b:s26+s2], $0x80, $0x38;
	[tilespmem:$0x1F600] =	vst v63  }
0x4f: {  	s22 =	rddreg [dreg:$0xe];
	s26 =	simm.s32 $0x500  }
0x50: {  	[tilespmem:s26], [sflag:$0x5] =	stream.linear.gather [hbm4b:s22+s2], $0x80, $0x38;
	[tilespmem:$0x1F600] =	vst v63  }
0x51: {  	s22 =	rddreg [dreg:$0xf]  }
0x52: {  	[tilespmem:s5], [sflag:$0x6] =	stream.linear.gather [hbm4b:s22+s2], $0x80, $0x38;
	[tilespmem:$0x1F600] =	vst v63  }
0x53: {  	s26 =	rddreg [dreg:$0x10]  }
0x54: {  	[tilespmem:s29], [sflag:$0x6] =	stream.linear.gather [hbm4b:s26+s2], $0x80, $0x38;
	[tilespmem:$0x1F600] =	vst v63  }
0x55: {  	_ =	swait.ge [sflag:s6], $0x80  }
0x56: {  	[sflag:s6] =	ssyncset.done $0x0  }
0x57: {  	[sflag:s6] =	ssyncadd.s32 $0xFFFFFF80  }
0x58: {  	_ =	swait.ge [sflag:s6], $0x80  }
0x59: {  	[sflag:s6] =	ssyncset.done $0x0  }
0x5a: {  	[sflag:s6] =	ssyncadd.s32 $0xFFFFFF80  }
0x5b: {  	[tilespmem:s11], [sflag:$0x7] =	stream.indirect.gather [hbm4b:s4+s10], $0x80, s23, s10, $0xb8;
	[tilespmem:$0x1F600] =	vst v63  }
0x5c: {  	_ =	swait.ge [sflag:s12], $0x80  }
0x5d: {  	[sflag:s12] =	ssyncset.done $0x0  }
0x5e: {  	[sflag:s12] =	ssyncadd.s32 $0xFFFFFF80  }
0x5f: {  	_ =	swait.ge [sflag:s12], $0x80  }
0x60: {  	[sflag:s12] =	ssyncset.done $0x0  }
0x61: {  	[sflag:s12] =	ssyncadd.s32 $0xFFFFFF80  }
0x62: {  	[tilespmem:s13], [sflag:$0x8] =	stream.indirect.gather [hbm4b:s4+s10], $0x80, s24, s10, $0xb8;
	[tilespmem:$0x1F600] =	vst v63  }
0x63: {  	_ =	swait.ge [sflag:s14], $0x80  }
0x64: {  	[sflag:s14] =	ssyncset.done $0x0  }
0x65: {  	[sflag:s14] =	ssyncadd.s32 $0xFFFFFF80  }
0x66: {  	s30 =	simm.s32 $0x180;
	s3 =	simm.s32 $0x200;
	_ =	swait.ge [sflag:s14], $0x80  }
0x67: {  	s5 =	simm.s32 $0x280;
	s22 =	simm.s32 $0x4200;
	[sflag:s14] =	ssyncset.done $0x0  }
0x68: {  	s23 =	simm.s32 $0x0;
	s13 =	simm.s32 $0x580;
	[sflag:s14] =	ssyncadd.s32 $0xFFFFFF80  }
0x69: {  	[tilespmem:s15], [sflag:$0x9] =	stream.indirect.gather [hbm4b:s4+s10], $0x80, s25, s10, $0xb8;
	[tilespmem:$0x1F600] =	vst v63  }
.LBB2_2:
0x6a: {  	_ =	swait.ge [sflag:s16], $0x3C00  }
0x6b: {  	[sflag:s16] =	ssyncset.done $0x0  }
0x6c: {  	[sflag:s16] =	ssyncadd.s32 $0xFFFFC400  }
0x6d: {  	[spmem:s1] =	stream.indirect.scatter.add.f32 [tilespmem:s11], [sflag:$0xA], $0x80, s2, s10, $0xb8;
	[tilespmem:$0x1F600] =	vst v63  }
0x6e: {  	_ =	swait.ge [sflag:s17], $0x3C00  }
0x6f: {  	[sflag:s17] =	ssyncset.done $0x0  }
0x70: {  	s0 =	simm.s32 $0x80;
	[sflag:s17] =	ssyncadd.s32 $0xFFFFC400  }
0x71: {  	[spmem:s1] =	stream.indirect.scatter.add.f32 [tilespmem:s22], [sflag:$0xB], $0x80, s0, s10, $0xb8;
	[tilespmem:$0x1F600] =	vst v63  }
0x72: {  	_ =	swait.ge [sflag:s18], $0x3C00  }
0x73: {  	[sflag:s18] =	ssyncset.done $0x0  }
0x74: {  	s26 =	simm.s32 $0x100;
	[sflag:s18] =	ssyncadd.s32 $0xFFFFC400  }
0x75: {  	[spmem:s1] =	stream.indirect.scatter.add.f32 [tilespmem:s15], [sflag:$0xC], $0x80, s26, s10, $0xb8;
	[tilespmem:$0x1F600] =	vst v63  }
0x76: {  	_ =	swait.ge [sflag:s19], $0x3C00  }
0x77: {  	[sflag:s19] =	ssyncset.done $0x0  }
0x78: {  	[sflag:s19] =	ssyncadd.s32 $0xFFFFC400  }
0x79: {  	_ =	swait.ge [sflag:s20], $0x80  }
0x7a: {  	[sflag:s20] =	ssyncset.done $0x0  }
0x7b: {  	[sflag:s20] =	ssyncadd.s32 $0xFFFFFF80  }
0x7c: {  	_ =	swait.ge [sflag:s20], $0x80  }
0x7d: {  	p0 =	seq.s32 s23, $0x4E0;
	[sflag:s20] =	ssyncset.done $0x0  }
0x7e: {  	s0 =	simm.s32 @p0 $0xB;
	[sflag:s20] =	ssyncadd.s32 $0xFFFFFF80  }
0x7f: {  	[tilespmem:s11], [sflag:$0x7] =	stream.indirect.gather [hbm4b:s4+s10], $0x80, s28, s10, $0xb8;
	[tilespmem:$0x1F600] =	vst v63  }
0x80: {  	_ =	swait.ge @p0 [sflag:s0], $0x3C00  }
0x81: {  	[sflag:s0] =	ssyncset.done @p0 $0x0  }
0x82: {  	[sflag:s0] =	ssyncadd.s32 @p0 $0xFFFFC400;
	s0 =	simm.s32 @p0 $0x5  }
0x83: {  	_ =	swait.ge @p0 [sflag:s0], $0x80  }
0x84: {  	[sflag:s0] =	ssyncset.done @p0 $0x0  }
0x85: {  	[sflag:s0] =	ssyncadd.s32 @p0 $0xFFFFFF80  }
0x86: {  	_ =	swait.ge @p0 [sflag:s0], $0x80  }
0x87: {  	s24 =	simm.s32 @p0 $0x500;
	[sflag:s0] =	ssyncset.done @p0 $0x0  }
0x88: {  	s25 =	simm.s32 @p0 $0x4200;
	[sflag:s0] =	ssyncadd.s32 @p0 $0xFFFFFF80;
	s0 =	simm.s32 @p0 $0x78  }
0x89: {  	[tilespmem:s25], [sflag:$0x8] =	stream.indirect.gather @p0 [hbm4b:s4+s0], $0x80, s24, s0, $0xb8;
	[tilespmem:$0x1F600] =	vst v63  }
0x8a: {  	s0 =	sadd.s32 @!p0 s23, s8  }
0x8b: {  	s25 =	simm.s32 @!p0 $0x0;
	s24 =	sadd.s32 @!p0 $0x60, s0  }
0x8c: {  	[tilespmem:s25], [sflag:$0x1] =	stream.linear.gather @!p0 [hbm4b:s24+s25], $0x80, $0x38;
	[tilespmem:$0x1F600] =	vst v63  }
0x8d: {  	s24 =	sadd.s32 @!p0 s23, s9  }
0x8e: {  	s28 =	simm.s32 @!p0 $0x300;
	s26 =	sadd.s32 @!p0 $0x60, s24  }
0x8f: {  	[tilespmem:s28], [sflag:$0x1] =	stream.linear.gather @!p0 [hbm4b:s26+s25], $0x80, $0x38;
	[tilespmem:$0x1F600] =	vst v63  }
0x90: {  	s26 =	simm.s32 @!p0 $0xB  }
0x91: {  	_ =	swait.ge @!p0 [sflag:s26], $0x3C00  }
0x92: {  	[sflag:s26] =	ssyncset.done @!p0 $0x0  }
0x93: {  	[sflag:s26] =	ssyncadd.s32 @!p0 $0xFFFFC400;
	s26 =	simm.s32 @!p0 $0x5  }
0x94: {  	_ =	swait.ge @!p0 [sflag:s26], $0x80  }
0x95: {  	[sflag:s26] =	ssyncset.done @!p0 $0x0  }
0x96: {  	[sflag:s26] =	ssyncadd.s32 @!p0 $0xFFFFFF80  }
0x97: {  	_ =	swait.ge @!p0 [sflag:s26], $0x80  }
0x98: {  	s29 =	simm.s32 @!p0 $0x4200;
	[sflag:s26] =	ssyncset.done @!p0 $0x0  }
0x99: {  	s28 =	simm.s32 @!p0 $0x500;
	[sflag:s26] =	ssyncadd.s32 @!p0 $0xFFFFFF80;
	s26 =	simm.s32 @!p0 $0x78  }
0x9a: {  	[tilespmem:s29], [sflag:$0x8] =	stream.indirect.gather @!p0 [hbm4b:s4+s26], $0x80, s28, s26, $0xb8;
	[tilespmem:$0x1F600] =	vst v63  }
0x9b: {  	s26 =	sadd.s32 @!p0 $0x70, s0;
	s28 =	simm.s32 @!p0 $0x80  }
0x9c: {  	[tilespmem:s28], [sflag:$0x2] =	stream.linear.gather @!p0 [hbm4b:s26+s25], $0x80, $0x38;
	[tilespmem:$0x1F600] =	vst v63  }
0x9d: {  	s26 =	sadd.s32 @!p0 $0x70, s24;
	s28 =	simm.s32 @!p0 $0x380  }
0x9e: {  	[tilespmem:s28], [sflag:$0x2] =	stream.linear.gather @!p0 [hbm4b:s26+s25], $0x80, $0x38;
	[tilespmem:$0x1F600] =	vst v63  }
0x9f: {  	_ =	swait.ge [sflag:s21], $0x3C00  }
0xa0: {  	[sflag:s21] =	ssyncset.done $0x0  }
0xa1: {  	[sflag:s21] =	ssyncadd.s32 $0xFFFFC400  }
0xa2: {  	_ =	swait.ge [sflag:s7], $0x80  }
0xa3: {  	[sflag:s7] =	ssyncset.done $0x0  }
0xa4: {  	[sflag:s7] =	ssyncadd.s32 $0xFFFFFF80  }
0xa5: {  	_ =	swait.ge [sflag:s7], $0x80  }
0xa6: {  	[sflag:s7] =	ssyncset.done $0x0  }
0xa7: {  	[sflag:s7] =	ssyncadd.s32 $0xFFFFFF80  }
0xa8: {  	[tilespmem:s15], [sflag:$0x9] =	stream.indirect.gather [hbm4b:s4+s10], $0x80, s13, s10, $0xb8;
	[tilespmem:$0x1F600] =	vst v63  }
0xa9: {  	s0 =	sadd.s32 @!p0 $0x80, s0;
	s26 =	simm.s32 @!p0 $0x100  }
0xaa: {  	[tilespmem:s26], [sflag:$0x3] =	stream.linear.gather @!p0 [hbm4b:s0+s25], $0x80, $0x38;
	[tilespmem:$0x1F600] =	vst v63  }
0xab: {  	s0 =	sadd.s32 @!p0 $0x80, s24;
	s24 =	simm.s32 @!p0 $0x400  }
0xac: {  	[tilespmem:s24], [sflag:$0x3] =	stream.linear.gather @!p0 [hbm4b:s0+s25], $0x80, $0x38;
	[tilespmem:$0x1F600] =	vst v63  }
0xad: {  	_ =	swait.ge [sflag:s16], $0x3C00  }
0xae: {  	[sflag:s16] =	ssyncset.done $0x0  }
0xaf: {  	[sflag:s16] =	ssyncadd.s32 $0xFFFFC400  }
0xb0: {  	[spmem:s1] =	stream.indirect.scatter.add.f32 [tilespmem:s11], [sflag:$0xA], $0x80, s30, s10, $0xb8;
	[tilespmem:$0x1F600] =	vst v63  }
0xb1: {  	_ =	swait.ge [sflag:s17], $0x3C00  }
0xb2: {  	[sflag:s17] =	ssyncset.done $0x0  }
0xb3: {  	[sflag:s17] =	ssyncadd.s32 $0xFFFFC400  }
0xb4: {  	[spmem:s1] =	stream.indirect.scatter.add.f32 [tilespmem:s22], [sflag:$0xB], $0x80, s3, s10, $0xb8;
	[tilespmem:$0x1F600] =	vst v63  }
0xb5: {  	_ =	swait.ge [sflag:s18], $0x3C00  }
0xb6: {  	[sflag:s18] =	ssyncset.done $0x0  }
.Ltmp2:
0xb7: {  	[sflag:s18] =	ssyncadd.s32 $0xFFFFC400;
	(pc) =	sbr.rel @p0 .LBB2_4-.Ltmp2, $4  }
0xb8: {  	[spmem:s1] =	stream.indirect.scatter.add.f32 [tilespmem:s15], [sflag:$0xC], $0x80, s5, s10, $0xb8;
	[tilespmem:$0x1F600] =	vst v63  }
0xb9: {  	s29 =	simm.s32 $0x580;
	_ =	swait.ge [sflag:s19], $0x3C00  }
0xba: {  	s13 =	simm.s32 $0x4200;
	s26 =	simm.s32 $0x180;
	[sflag:s19] =	ssyncset.done $0x0  }
0xbb: {  	s3 =	simm.s32 $0x200;
	s5 =	simm.s32 $0x280;
	[sflag:s19] =	ssyncadd.s32 $0xFFFFC400  }
0xbc: {  	_ =	swait.ge [sflag:s6], $0x80  }
0xbd: {  	[sflag:s6] =	ssyncset.done $0x0  }
0xbe: {  	[sflag:s6] =	ssyncadd.s32 $0xFFFFFF80  }
0xbf: {  	_ =	swait.ge [sflag:s6], $0x80  }
0xc0: {  	[sflag:s6] =	ssyncset.done $0x0  }
0xc1: {  	s0 =	simm.s32 $0x300;
	[sflag:s6] =	ssyncadd.s32 $0xFFFFFF80  }
0xc2: {  	[tilespmem:s11], [sflag:$0x7] =	stream.indirect.gather [hbm4b:s4+s10], $0x80, s0, s10, $0xb8;
	[tilespmem:$0x1F600] =	vst v63  }
0xc3: {  	s0 =	sadd.s32 s23, s8  }
0xc4: {  	s24 =	sadd.s32 $0x90, s0  }
0xc5: {  	[tilespmem:s26], [sflag:$0x4] =	stream.linear.gather [hbm4b:s24+s2], $0x80, $0x38;
	[tilespmem:$0x1F600] =	vst v63  }
0xc6: {  	s24 =	sadd.s32 s23, s9  }
0xc7: {  	s22 =	simm.s32 $0xB;
	s25 =	sadd.s32 $0x90, s24  }
0xc8: {  	[tilespmem:s31], [sflag:$0x4] =	stream.linear.gather [hbm4b:s25+s2], $0x80, $0x38;
	[tilespmem:$0x1F600] =	vst v63  }
0xc9: {  	_ =	swait.ge [sflag:s22], $0x3C00  }
0xca: {  	[sflag:s22] =	ssyncset.done $0x0  }
0xcb: {  	[sflag:s22] =	ssyncadd.s32 $0xFFFFC400  }
0xcc: {  	_ =	swait.ge [sflag:s12], $0x80  }
0xcd: {  	[sflag:s12] =	ssyncset.done $0x0  }
0xce: {  	[sflag:s12] =	ssyncadd.s32 $0xFFFFFF80  }
0xcf: {  	_ =	swait.ge [sflag:s12], $0x80  }
0xd0: {  	[sflag:s12] =	ssyncset.done $0x0  }
0xd1: {  	s22 =	simm.s32 $0x380;
	[sflag:s12] =	ssyncadd.s32 $0xFFFFFF80  }
0xd2: {  	[tilespmem:s13], [sflag:$0x8] =	stream.indirect.gather [hbm4b:s4+s10], $0x80, s22, s10, $0xb8;
	[tilespmem:$0x1F600] =	vst v63  }
0xd3: {  	s26 =	sadd.s32 $0xA0, s0  }
0xd4: {  	[tilespmem:s3], [sflag:$0x5] =	stream.linear.gather [hbm4b:s26+s2], $0x80, $0x38;
	[tilespmem:$0x1F600] =	vst v63  }
0xd5: {  	s13 =	simm.s32 $0x500;
	s3 =	sadd.s32 $0xA0, s24  }
0xd6: {  	[tilespmem:s13], [sflag:$0x5] =	stream.linear.gather [hbm4b:s3+s2], $0x80, $0x38;
	[tilespmem:$0x1F600] =	vst v63  }
0xd7: {  	_ =	swait.ge [sflag:s21], $0x3C00  }
0xd8: {  	[sflag:s21] =	ssyncset.done $0x0  }
0xd9: {  	[sflag:s21] =	ssyncadd.s32 $0xFFFFC400  }
0xda: {  	_ =	swait.ge [sflag:s14], $0x80  }
0xdb: {  	[sflag:s14] =	ssyncset.done $0x0  }
0xdc: {  	[sflag:s14] =	ssyncadd.s32 $0xFFFFFF80  }
0xdd: {  	_ =	swait.ge [sflag:s14], $0x80  }
0xde: {  	[sflag:s14] =	ssyncset.done $0x0  }
0xdf: {  	s30 =	simm.s32 $0x180;
	s22 =	simm.s32 $0x400;
	[sflag:s14] =	ssyncadd.s32 $0xFFFFFF80  }
0xe0: {  	[tilespmem:s15], [sflag:$0x9] =	stream.indirect.gather [hbm4b:s4+s10], $0x80, s22, s10, $0xb8;
	[tilespmem:$0x1F600] =	vst v63  }
.Ltmp3:
0xe1: {  	s28 =	simm.s32 $0x480;
	s0 =	sadd.s32 $0xB0, s0;
	(pc) =	sbr.rel .LBB2_2-.Ltmp3, $4  }
0xe2: {  	s23 =	sadd.s32 $0x60, s23;
	s26 =	sadd.s32 $0xB0, s24;
	s3 =	simm.s32 $0x200  }
0xe3: {  	[tilespmem:s5], [sflag:$0x6] =	stream.linear.gather [hbm4b:s0+s2], $0x80, $0x38;
	[tilespmem:$0x1F600] =	vst v63  }
0xe4: {  	s13 =	simm.s32 $0x580;
	s22 =	simm.s32 $0x4200;
	s5 =	simm.s32 $0x280  }
0xe5: {  	[tilespmem:s29], [sflag:$0x6] =	stream.linear.gather [hbm4b:s26+s2], $0x80, $0x38;
	[tilespmem:$0x1F600] =	vst v63  }
.LBB2_5:
0xe6: {  	_ =	sfence.sel $0x180000  }
0xe7: {  	[bflag:$0x0] =	sbarrier.arrive $0xFFFF  }
0xe8: {  	_ =	strace $0x9000004D  }
0xe9: {  	s0 =	stileid.u32;
	[bflag:$0x2] =	sbarrier.arrive $0xFFFF  }
0xea: {  	p0 =	sne.s32 s0, $0x0;
	s0 =	rddreg [dreg:$0x3]  }
0xeb: {  	s0 =	sadd.s32 @!p0 $0x100000, s0  }
0xec: {  	[sflag:s0] =	ssyncadd.tile.s32 @!p0 $0x1;
	_ =	shalt  }
.Lfunc_end2:
_tile_overlayer_lowered:
.L_overlay_start_2:
0xed: {  	(tag) =	ssettag $0x2  }
0xee: {  	s0 =	rddreg [dreg:$0x0];
	s2 =	stileid.u32  }
0xef: {  	s1 =	rddreg [dreg:$0x1];
	p0 =	sne.s32 s2, $0x0  }
0xf0: {  	s3 =	rddreg [dreg:$0x2];
	[bflag:$0x3] =	sbarrier.arrive $0xFFFF;
	s2 =	simm.s32 @!p0 $0x1C0D  }
0xf1: {  	[timem:s3], [sflag:s2] =	dma.local @!p0 [hbm:s0], s1  }
0xf2: {  	s0 =	simm.s32 @!p0 $0xD  }
0xf3: {  	_ =	swait.ge @!p0 [sflag:s0], s1  }
0xf4: {  	s1 =	ssub.s32 @!p0 $0x0, s1;
	[sflag:s0] =	ssyncset.done @!p0 $0x0  }
0xf5: {  	[sflag:s0] =	ssyncadd.s32 @!p0 s1  }
0xf6: {  	[bflag:$0x3] =	sbarrier.arrive $0xFFFF  }
0xf7: {  	_ =	shalt  }

// kernel: _run.19.cloned.1.call-start
scs
__scs_entry_jumppad:
0x0: {  	(pc) =	sbr.rel $0x88, $3  }
0x1: {  	(tag) =	ssettag $0x0;
	lr =	simm.s32 $0x1  }
0x2: {  	[smem:$0x3F93] =	sst lr;
	_ =	strace $0xD0000000  }
0x3: {  	_ = 	snop  }
0x4: {  	_ = 	snop  }
0x5: {  	_ = 	snop  }
0x6: {  	_ = 	snop  }
0x7: {  	_ = 	snop  }
__scs_overlays_trampoline_lowered:
0x8: {  	[smem:$0x3FA2] =	sst s0  }
0x9: {  	[smem:$0x3FA3] =	sst s1  }
0xa: {  	[smem:$0x3FA4] =	sst s2  }
0xb: {  	[smem:$0x3FA5] =	sst s3  }
0xc: {  	[smem:$0x3FA6] =	sst s4  }
0xd: {  	[smem:$0x3FA7] =	sst s5  }
0xe: {  	[smem:$0x3FA8] =	sst s6  }
0xf: {  	[smem:$0x3FA9] =	sst s7  }
0x10: {  	[smem:$0x3FAA] =	sst s8  }
0x11: {  	[smem:$0x3FAB] =	sst s9;
	s0 =	simm.s32 @!p0 $0x0  }
0x12: {  	s1 =	sld [smem:$0x3F91];
	s0 =	simm.s32 @p0 $0x1  }
0x13: {  	[smem:$0x3FAC] =	sst s0;
	s0 =	simm.s32 @!p1 $0x0  }
0x14: {  	s2 =	sld [smem:$0x3F90];
	s0 =	simm.s32 @p1 $0x1  }
0x15: {  	[smem:$0x3FAD] =	sst s0;
	s0 =	simm.s32 @!p2 $0x0  }
0x16: {  	s3 =	sld [smem:$0x3FDB];
	s0 =	simm.s32 @p2 $0x1  }
0x17: {  	s4 =	simm.s32 $0x1BF5;
	[smem:$0x3FAF] =	sst s0  }
0x18: {  	s0 =	sld [smem:$0x3F92];
	_ =	swait.ge [sflag:s4], $0x0  }
0x19: {  	s7 =	sld [smem:$0x3F93]  }
0x1a: {  	s8 =	sadd.s32 $0xFFFFE003, lr  }
0x1b: {  	s9 =	sadd.s32 $0xFFFFFEF7, lr;
	s5 =	simm.s32 $0xFFFFFFFF;
	p2 =	slt.u32 s8, $0xFFFFF086  }
0x1c: {  	p1 =	slt.u32 s9, $0xF7A;
	s5 =	simm.s32 @!p2 $0x0  }
0x1d: {  	s5 =	simm.s32 @p1 $0x1;
	p0 =	seq.s32 s7, s2  }
0x1e: {  	s7 =	smul.u32 @!p0 $0xF7A, s2;
	p2 =	seq.s32 @!p0 s5, $0x0  }
0x1f: {  	s9 =	smul.u32 $0xF7A, s1;
	s8 =	simm.s32 @!p0 $0x1BF5;
	p2 =	por !p2, p0  }
0x20: {  	[sflag:s8] =	ssyncset.s32 @!p0 $0xFFFFF086;
	s6 =	sadd.s32 @!p0 s3, s7;
	s7 =	simm.s32 @!p0 $0x108  }
0x21: {  	s3 =	sadd.s32 s3, s9;
	s6 =	sadd.s32 @!p0 $0x88, s6;
	s7 =	simm.s32 @p2 $0x1082  }
0x22: {  	[simem:s7], [sflag:s8] =	dma.local @!p0 [hbm:s6], $0xF7A  }
0x23: {  	s9 =	sor.u32 $0xD0000000, s2;
	s6 =	simm.s32 $0x108;
	_ =	swait.ge @!p0 [sflag:s8], $0x0  }
0x24: {  	s3 =	sadd.s32 $0x88, s3;
	s6 =	simm.s32 @!p1 $0x1082;
	[sflag:s4] =	ssyncset.s32 $0xFFFFF086  }
0x25: {  	[simem:s6], [sflag:s4] =	dma.local [hbm:s3], $0xF7A  }
0x26: {  	[smem:$0x3F93] =	sst s1;
	(tag) =	ssettag s2;
	_ =	strace s9  }
0x27: {  	s1 =	sld [smem:$0x3FA3]  }
0x28: {  	s2 =	sld [smem:$0x3FA4]  }
0x29: {  	s4 =	sld [smem:$0x3FA6]  }
0x2a: {  	p0 =	seq.s32 s5, $0x0;
	s5 =	sld [smem:$0x3FA7]  }
0x2b: {  	s6 =	sld [smem:$0x3FA8]  }
0x2c: {  	s7 =	sld [smem:$0x3FA9]  }
0x2d: {  	s3 =	simm.s32 $0x108;
	s8 =	sld [smem:$0x3FAA]  }
0x2e: {  	s3 =	simm.s32 @!p0 $0x1082;
	s9 =	sld [smem:$0x3FAB]  }
0x2f: {  	lr =	sadd.s32 s0, s3;
	s0 =	sld [smem:$0x3FA2]  }
0x30: {  	s3 =	sld [smem:$0x3FA5]  }
0x31: {  	[smem:$0x3FAE] =	sst s10  }
0x32: {  	s10 =	sld [smem:$0x3FAC];
	_ =	sdelay $0x3  }
0x33: {  	p0 =	seq.s32 s10, $0x1;
	s10 =	sld [smem:$0x3FAE];
	_ =	sdelay $0x3  }
0x34: {  	[smem:$0x3FAE] =	sst s10  }
0x35: {  	s10 =	sld [smem:$0x3FAD];
	_ =	sdelay $0x3  }
0x36: {  	p1 =	seq.s32 s10, $0x1;
	s10 =	sld [smem:$0x3FAE];
	_ =	sdelay $0x3  }
0x37: {  	[smem:$0x3FAE] =	sst s10  }
0x38: {  	s10 =	sld [smem:$0x3FAF]  }
0x39: {  	_ = 	snop;
	(pc) =	sbr.ind lr, $3  }
0x3a: {  	_ = 	snop  }
0x3b: {  	_ = 	snop  }
0x3c: {  	p2 =	seq.s32 s10, $0x1;
	s10 =	sld [smem:$0x3FAE]  }
0x3d: {  	_ =	shalt  }
0x3e: {  	_ =	shalt  }
0x3f: {  	_ =	shalt  }
0x40: {  	_ =	shalt  }
0x41: {  	_ =	shalt  }
0x42: {  	_ =	shalt  }
0x43: {  	_ =	shalt  }
0x44: {  	_ =	shalt  }
0x45: {  	_ =	shalt  }
0x46: {  	_ =	shalt  }
0x47: {  	_ =	shalt  }
0x48: {  	_ =	shalt  }
0x49: {  	_ =	shalt  }
0x4a: {  	_ =	shalt  }
0x4b: {  	_ =	shalt  }
0x4c: {  	_ =	shalt  }
0x4d: {  	_ =	shalt  }
0x4e: {  	_ =	shalt  }
0x4f: {  	_ =	shalt  }
0x50: {  	_ =	shalt  }
0x51: {  	_ =	shalt  }
0x52: {  	_ =	shalt  }
0x53: {  	_ =	shalt  }
0x54: {  	_ =	shalt  }
0x55: {  	_ =	shalt  }
0x56: {  	_ =	shalt  }
0x57: {  	_ =	shalt  }
0x58: {  	_ =	shalt  }
0x59: {  	_ =	shalt  }
0x5a: {  	_ =	shalt  }
0x5b: {  	_ =	shalt  }
0x5c: {  	_ =	shalt  }
0x5d: {  	_ =	shalt  }
0x5e: {  	_ =	shalt  }
0x5f: {  	_ =	shalt  }
0x60: {  	_ =	shalt  }
0x61: {  	_ =	shalt  }
0x62: {  	_ =	shalt  }
0x63: {  	_ =	shalt  }
0x64: {  	_ =	shalt  }
0x65: {  	_ =	shalt  }
0x66: {  	_ =	shalt  }
0x67: {  	_ =	shalt  }
0x68: {  	_ =	shalt  }
0x69: {  	_ =	shalt  }
0x6a: {  	_ =	shalt  }
0x6b: {  	_ =	shalt  }
0x6c: {  	_ =	shalt  }
0x6d: {  	_ =	shalt  }
0x6e: {  	_ =	shalt  }
0x6f: {  	_ =	shalt  }
0x70: {  	_ =	shalt  }
0x71: {  	_ =	shalt  }
0x72: {  	_ =	shalt  }
0x73: {  	_ =	shalt  }
0x74: {  	_ =	shalt  }
0x75: {  	_ =	shalt  }
0x76: {  	_ =	shalt  }
0x77: {  	_ =	shalt  }
0x78: {  	_ =	shalt  }
0x79: {  	_ =	shalt  }
0x7a: {  	_ =	shalt  }
0x7b: {  	_ =	shalt  }
0x7c: {  	_ =	shalt  }
0x7d: {  	_ =	shalt  }
0x7e: {  	_ =	shalt  }
0x7f: {  	_ =	shalt  }
0x80: {  	_ =	shalt  }
0x81: {  	_ =	shalt  }
0x82: {  	_ =	shalt  }
0x83: {  	_ =	shalt  }
0x84: {  	_ =	shalt  }
0x85: {  	_ =	shalt  }
0x86: {  	_ =	shalt  }
0x87: {  	_ =	shalt  }
.Lfunc_end0:
.L_simem_size_0:
called_computation.3_lowered:
.L_overlay_start_0:
0x88: {  	s2 =	sld [smem:$0x3FD9]  }
0x89: {  	s3 =	sld [smem:$0x3FFE];
	_ =	sdelay $0x1  }
0x8a: {  	s1 =	srdreg.scid  }
0x8b: {  	s0 =	sand.u32 $0x1, s1  }
0x8c: {  	s17 =	sshll.u32 s0, $0xA;
	s2 =	sadd.s32 s3, s2  }
0x8d: {  	s2 =	sadd.s32 s2, s17  }
0x8e: {  	[smem:$0x3FBA] =	sst s2  }
0x8f: {  	_ = 	snop  }
0x90: {  	s2 =	sld [smem:$0x3FD0];
	(tm) =	ssettm $0x1  }
0x91: {  	s18 =	sld [smem:$0x3FFB];
	_ =	sdelay $0x3  }
0x92: {  	_ =	strace s18  }
0x93: {  	s3 =	sld [smem:$0x3FFC];
	_ =	sdelay $0x3  }
0x94: {  	_ =	strace s3  }
0x95: {  	s3 =	sld [smem:$0x3FFD];
	_ =	sdelay $0x3  }
0x96: {  	_ =	strace s3  }
0x97: {  	_ =	strace $0x8FFFFFFF  }
0x98: {  	s19 =	sld [smem:$0x3FDB];
	_ =	sdelay $0x1  }
0x99: {  	s4 =	simm.s32 $_scs_section_size  }
0x9a: {  	s5 =	simm.s32 $_size__tile_overlayer_lowered;
	s6 =	simm.s32 $_tile_overlayer_lowered  }
0x9b: {  	s22 =	simm.s32 $0x1BFF;
	s21 =	sshll.u32 s6, $0x1;
	s3 =	sadd.s32 s4, s19  }
0x9c: {  	s7 =	simm.s32 $0x0;
	s20 =	sshll.u32 s5, $0x1;
	s5 =	sadd.s32 s21, s3  }
0x9d: {  	[timem:s7], [sflag:s22] =	dma.local [hbm:s5], s20  }
0x9e: {  	_ =	swait.ge [sflag:s22], s20  }
0x9f: {  	s4 =	ssub.s32 $0x0, s20;
	[sflag:s22] =	ssyncset.done $0x0  }
0xa0: {  	[sflag:s22] =	ssyncadd.s32 s4;
	_ =	sdelay $0x1  }
0xa1: {  	s23 =	simm.s32 $0x1B8B  }
0xa2: {  	_ =	swait.ge [sflag:s23], $0x1  }
0xa3: {  	[sflag:s23] =	ssyncset.done $0x0  }
0xa4: {  	s25 =	simm.s32 $0x1B8E;
	s24 =	sld [smem:$0x3FFE];
	[sflag:s23] =	ssyncadd.s32 $0xFFFFFFFF  }
0xa5: {  	s26 =	simm.s32 $execute0_lowered;
	[smem:$0x3FD2] =	sst s25  }
0xa6: {  	s5 =	sshll.u32 s26, $0x1;
	_ =	strace $0x8000004F;
	[dreg:$0x1] =	wrdreg $0xFFFFFFFF  }
0xa7: {  	s28 =	simm.s32 $_size_execute0_lowered;
	s3 =	sadd.s32 s3, s5;
	[dreg:$0x0] =	wrdreg $0x0  }
0xa8: {  	s5 =	sshll.u32 s28, $0x1;
	[dreg:$0x2] =	wrdreg s3  }
0xa9: {  	[dreg:$0x3] =	wrdreg s5  }
0xaa: {  	[dreg:$0x4] =	wrdreg $0xC0  }
0xab: {  	_ =	task [dreg:s7], $0x5FFFF  }
0xac: {  	[dreg:$0x1] =	wrdreg $0xFFFFFFFF  }
0xad: {  	[dreg:$0x0] =	wrdreg $0x60  }
0xae: {  	[dreg:$0x2] =	wrdreg s24  }
0xaf: {  	[dreg:$0x3] =	wrdreg s2  }
0xb0: {  	[dreg:$0x4] =	wrdreg $0xBA000  }
0xb1: {  	[dreg:$0x5] =	wrdreg $0x9  }
0xb2: {  	_ =	task.clear_ibuf [dreg:s7], $0x6FFFF;
	_ =	strace $0x9000004F  }
0xb3: {  	s29 =	simm.s32 $0x9;
	_ =	strace $0x80000051  }
0xb4: {  	_ =	swait.ge [sflag:s29], $0x1  }
0xb5: {  	[sflag:s29] =	ssyncadd.s32 $0xFFFFFFFF  }
0xb6: {  	_ =	strace $0x90000051  }
0xb7: {  	_ =	sfence  }
0xb8: {  	s30 =	sld [smem:$0x0];
	_ =	sdelay $0x2  }
0xb9: {  	s31 =	sshll.u32 s1, $0xD;
	s1 =	sshrl.u32 s1, $0x2  }
0xba: {  	s3 =	sand.u32 $0x4000, s31;
	s1 =	sadd.s32 s1, s30  }
0xbb: {  	s0 =	sor.u32 s3, s0;
	s1 =	sshll.u32 s1, $0x11  }
0xbc: {  	s0 =	sor.u32 s1, s0  }
0xbd: {  	s0 =	sadd.s32 $0x8F2B, s0  }
0xbe: {  	[sflag:s0] =	ssyncadd.remote.s32 $0x1  }
0xbf: {  	_ =	sfence.sel $0xFFFF  }
0xc0: {  	[dreg:$0x0] =	wrdreg $0xFFFFFFFF;
	(pc) =	sbr.abs _section_cstart, $3  }
0xc1: {  	[dreg:$0x1] =	wrdreg $0xFFFFFFFF  }
0xc2: {  	_ =	task.clear_ibuf [dreg:s7], $0x2FFFF;
	_ =	strace $0x9FFFFFFF  }
0xc3: {  	(tm) =	ssettm $0x7FFFFFFF  }
tec
execute0_lowered:
.L_overlay_start_1:
0x0: {  	(tag) =	ssettag $0x1  }
0x1: {  	s0 =	rddreg [dreg:$0x0]  }
0x2: {  	s3 =	rddreg [dreg:$0x1]  }
0x3: {  	s1 =	rddreg [dreg:$0x2]  }
0x4: {  	s2 =	simm.s32 $0x0;
	s5 =	srdreg.scid;
	s13 =	stileid.u32  }
0x5: {  	s28 =	simm.s32 $0x480;
	s29 =	simm.s32 $0x580;
	s15 =	simm.s32 $0x7E00  }
0x6: {  	s31 =	simm.s32 $0x480;
	[smem:$0x7FF] =	sst s2;
	s4 =	sadd.s32 $0x24600, s0  }
0x7: {  	s6 =	sadd.s32 $0xF600, s0;
	s5 =	sand.u32 $0x1, s5;
	s9 =	smul.u32 $0x54, s13  }
0x8: {  	s7 =	sadd.s32 $0x19E00, s0;
	s0 =	sadd.s32 $0x5800, s0;
	s10 =	smul.u32 $0x4F000, s13  }
0x9: {  	s18 =	sshll.u32 s13, $0x6;
	s13 =	smul.u32 $0x13C00, s13;
	_ =	strace $0x80000050  }
0xa: {  	s8 =	ssub.s32 $0x2, s5;
	[dreg:$0x4] =	wrdreg s0;
	p0 =	seq.s32 s5, $0x0  }
0xb: {  	s23 =	sor.u32 $0x1C0D, s18;
	s5 =	smul.u32 $0x13C000, s5;
	s18 =	simm.s32 $0x9  }
0xc: {  	s16 =	sshrl.u32 s8, $0x1;
	s17 =	sshrl.u32 s10, $0x2;
	[dreg:$0x6] =	wrdreg s23  }
0xd: {  	s0 =	ssub.s32 s8, s16;
	s8 =	sadd.s32 $0x540, s9;
	s5 =	sadd.s32 s13, s5  }
0xe: {  	s13 =	simm.s32 $0x4200;
	s16 =	simm.s32 $0x7;
	s8 =	smov.u32 @p0 s9  }
0xf: {  	s9 =	sadd.s32 s17, s1;
	s5 =	sshrl.u32 s5, $0x3;
	s0 =	smax.u32 s0, $0x1  }
0x10: {  	s17 =	simm.s32 $0x8;
	[dreg:$0x5] =	wrdreg s9;
	s19 =	sshll.u32 s8, $0x4  }
0x11: {  	s3 =	sadd.s32 s3, s5;
	[dreg:$0x12] =	wrdreg s0;
	s5 =	simm.s32 $0x280  }
0x12: {  	s8 =	sadd.s32 s6, s19;
	s9 =	sadd.s32 s7, s19;
	s11 =	sor.u32 $0x10, s19  }
0x13: {  	s20 =	sor.u32 $0x20, s19;
	[dreg:$0x11] =	wrdreg s3;
	s12 =	sadd.s32 s6, s11  }
0x14: {  	s22 =	sor.u32 $0x30, s19;
	s11 =	sadd.s32 s7, s11;
	[dreg:$0x7] =	wrdreg s12  }
0x15: {  	s24 =	sadd.s32 $0x40, s19;
	s21 =	sadd.s32 s6, s20;
	[dreg:$0x8] =	wrdreg s11  }
0x16: {  	s10 =	sadd.s32 $0x50, s19;
	s14 =	sadd.s32 s6, s22;
	[dreg:$0x9] =	wrdreg s21  }
0x17: {  	s3 =	simm.s32 $0x200;
	s25 =	sadd.s32 s6, s24;
	[dreg:$0xb] =	wrdreg s14  }
0x18: {  	s19 =	simm.s32 $0xA;
	s26 =	sadd.s32 s7, s24;
	[dreg:$0xd] =	wrdreg s25  }
0x19: {  	s6 =	sadd.s32 s6, s10;
	s30 =	sadd.s32 s7, s10;
	[dreg:$0xe] =	wrdreg s26  }
0x1a: {  	s24 =	simm.s32 $0xD;
	s10 =	simm.s32 $0x78;
	[dreg:$0xf] =	wrdreg s6  }
.Ltmp0:
0x1b: {  	s11 =	sadd.s32 s7, s20;
	[dreg:$0x10] =	wrdreg s30;
	(pc) =	sbr.rel .LBB2_1-.Ltmp0, $4  }
0x1c: {  	s26 =	simm.s32 $0x180;
	s6 =	simm.s32 $0x1;
	s12 =	simm.s32 $0x2  }
0x1d: {  	s14 =	simm.s32 $0x3;
	s20 =	simm.s32 $0x4;
	s21 =	simm.s32 $0xC  }
0x1e: {  	[dreg:$0xa] =	wrdreg s11;
	s11 =	sadd.s32 s7, s22;
	s7 =	simm.s32 $0x6  }
0x1f: {  	s22 =	simm.s32 $0x0;
	[dreg:$0xc] =	wrdreg s11;
	s11 =	simm.s32 $0x600  }
.LBB2_4:
0x20: {  	s0 =	simm.s32 $0xB  }
0x21: {  	_ =	swait.ge [sflag:s0], $0x3C00  }
0x22: {  	[sflag:s0] =	ssyncset.done $0x0  }
0x23: {  	[sflag:s0] =	ssyncadd.s32 $0xFFFFC400  }
0x24: {  	_ =	swait.ge [sflag:s21], $0x3C00  }
0x25: {  	[sflag:s21] =	ssyncset.done $0x0  }
0x26: {  	[sflag:s21] =	ssyncadd.s32 $0xFFFFC400  }
0x27: {  	[bflag:$0x0] =	sbarrier.arrive $0xFFFF  }
0x28: {  	s23 =	rddreg [dreg:$0x6]  }
0x29: {  	s24 =	rddreg [dreg:$0x11]  }
0x2a: {  	s22 =	rddreg [dreg:$0x14]  }
0x2b: {  	[hbm:s24], [sflag:s23] =	dma.local [spmem:s22], $0x2780  }
0x2c: {  	s24 =	simm.s32 $0xD  }
0x2d: {  	_ =	swait.ge [sflag:s24], $0x2780  }
0x2e: {  	s25 =	rddreg [dreg:$0x13]  }
0x2f: {  	s30 =	rddreg [dreg:$0x12];
	s22 =	sadd.s32 $0x1, s25  }
0x30: {  	p0 =	sne.s32 s22, s30  }
.Ltmp1:
0x31: {  	_ = 	snop;
	(pc) =	sbr.rel @!p0 .LBB2_5-.Ltmp1, $3  }
0x32: {  	_ =	sdelay $0x1  }
0x33: {  	[sflag:s24] =	ssyncset.done $0x0  }
0x34: {  	s28 =	simm.s32 $0x480;
	[sflag:s24] =	ssyncadd.s32 $0xFFFFD880  }
.LBB2_1:
0x35: {  	[dreg:$0x13] =	wrdreg s22  }
0x36: {  	s0 =	rddreg [dreg:$0x5]  }
0x37: {  	s25 =	rddreg [dreg:$0x4];
	s0 =	sshrl.u32 s0, $0x3  }
0x38: {  	[dreg:$0x14] =	wrdreg s0  }
0x39: {  	[spmem:s0], [sflag:s23] =	dma.local [hbm:s25], $0x2780  }
0x3a: {  	_ =	swait.ge [sflag:s24], $0x2780  }
0x3b: {  	[sflag:s24] =	ssyncset.done $0x0  }
0x3c: {  	[sflag:s24] =	ssyncadd.s32 $0xFFFFD880  }
0x3d: {  	[bflag:$0x0] =	sbarrier.arrive $0xFFFF  }
0x3e: {  	[tilespmem:s2], [sflag:$0x1] =	stream.linear.gather [hbm4b:s8+s2], $0x80, $0x38;
	[tilespmem:$0x1F600] =	vst v63  }
0x3f: {  	s23 =	simm.s32 $0x300  }
0x40: {  	[tilespmem:s23], [sflag:$0x1] =	stream.linear.gather [hbm4b:s9+s2], $0x80, $0x38;
	[tilespmem:$0x1F600] =	vst v63  }
0x41: {  	s22 =	simm.s32 $0x80;
	s25 =	rddreg [dreg:$0x7]  }
0x42: {  	[tilespmem:s22], [sflag:$0x2] =	stream.linear.gather [hbm4b:s25+s2], $0x80, $0x38;
	[tilespmem:$0x1F600] =	vst v63  }
0x43: {  	s24 =	simm.s32 $0x380;
	s25 =	rddreg [dreg:$0x8]  }
0x44: {  	[tilespmem:s24], [sflag:$0x2] =	stream.linear.gather [hbm4b:s25+s2], $0x80, $0x38;
	[tilespmem:$0x1F600] =	vst v63  }
0x45: {  	s22 =	rddreg [dreg:$0x9];
	s25 =	simm.s32 $0x100  }
0x46: {  	[tilespmem:s25], [sflag:$0x3] =	stream.linear.gather [hbm4b:s22+s2], $0x80, $0x38;
	[tilespmem:$0x1F600] =	vst v63  }
0x47: {  	s22 =	rddreg [dreg:$0xa];
	s25 =	simm.s32 $0x400  }
0x48: {  	[tilespmem:s25], [sflag:$0x3] =	stream.linear.gather [hbm4b:s22+s2], $0x80, $0x38;
	[tilespmem:$0x1F600] =	vst v63  }
0x49: {  	s22 =	rddreg [dreg:$0xb]  }
0x4a: {  	[tilespmem:s26], [sflag:$0x4] =	stream.linear.gather [hbm4b:s22+s2], $0x80, $0x38;
	[tilespmem:$0x1F600] =	vst v63  }
0x4b: {  	s22 =	rddreg [dreg:$0xc]  }
0x4c: {  	[tilespmem:s28], [sflag:$0x4] =	stream.linear.gather [hbm4b:s22+s2], $0x80, $0x38;
	[tilespmem:$0x1F600] =	vst v63  }
0x4d: {  	s26 =	rddreg [dreg:$0xd]  }
0x4e: {  	[tilespmem:s3], [sflag:$0x5] =	stream.linear.gather [hbm4b:s26+s2], $0x80, $0x38;
	[tilespmem:$0x1F600] =	vst v63  }
0x4f: {  	s22 =	rddreg [dreg:$0xe];
	s26 =	simm.s32 $0x500  }
0x50: {  	[tilespmem:s26], [sflag:$0x5] =	stream.linear.gather [hbm4b:s22+s2], $0x80, $0x38;
	[tilespmem:$0x1F600] =	vst v63  }
0x51: {  	s22 =	rddreg [dreg:$0xf]  }
0x52: {  	[tilespmem:s5], [sflag:$0x6] =	stream.linear.gather [hbm4b:s22+s2], $0x80, $0x38;
	[tilespmem:$0x1F600] =	vst v63  }
0x53: {  	s26 =	rddreg [dreg:$0x10]  }
0x54: {  	[tilespmem:s29], [sflag:$0x6] =	stream.linear.gather [hbm4b:s26+s2], $0x80, $0x38;
	[tilespmem:$0x1F600] =	vst v63  }
0x55: {  	_ =	swait.ge [sflag:s6], $0x80  }
0x56: {  	[sflag:s6] =	ssyncset.done $0x0  }
0x57: {  	[sflag:s6] =	ssyncadd.s32 $0xFFFFFF80  }
0x58: {  	_ =	swait.ge [sflag:s6], $0x80  }
0x59: {  	[sflag:s6] =	ssyncset.done $0x0  }
0x5a: {  	[sflag:s6] =	ssyncadd.s32 $0xFFFFFF80  }
0x5b: {  	[tilespmem:s11], [sflag:$0x7] =	stream.indirect.gather [hbm4b:s4+s10], $0x80, s23, s10, $0xb8;
	[tilespmem:$0x1F600] =	vst v63  }
0x5c: {  	_ =	swait.ge [sflag:s12], $0x80  }
0x5d: {  	[sflag:s12] =	ssyncset.done $0x0  }
0x5e: {  	[sflag:s12] =	ssyncadd.s32 $0xFFFFFF80  }
0x5f: {  	_ =	swait.ge [sflag:s12], $0x80  }
0x60: {  	[sflag:s12] =	ssyncset.done $0x0  }
0x61: {  	[sflag:s12] =	ssyncadd.s32 $0xFFFFFF80  }
0x62: {  	[tilespmem:s13], [sflag:$0x8] =	stream.indirect.gather [hbm4b:s4+s10], $0x80, s24, s10, $0xb8;
	[tilespmem:$0x1F600] =	vst v63  }
0x63: {  	_ =	swait.ge [sflag:s14], $0x80  }
0x64: {  	[sflag:s14] =	ssyncset.done $0x0  }
0x65: {  	[sflag:s14] =	ssyncadd.s32 $0xFFFFFF80  }
0x66: {  	s30 =	simm.s32 $0x180;
	s3 =	simm.s32 $0x200;
	_ =	swait.ge [sflag:s14], $0x80  }
0x67: {  	s5 =	simm.s32 $0x280;
	s22 =	simm.s32 $0x4200;
	[sflag:s14] =	ssyncset.done $0x0  }
0x68: {  	s23 =	simm.s32 $0x0;
	s13 =	simm.s32 $0x580;
	[sflag:s14] =	ssyncadd.s32 $0xFFFFFF80  }
0x69: {  	[tilespmem:s15], [sflag:$0x9] =	stream.indirect.gather [hbm4b:s4+s10], $0x80, s25, s10, $0xb8;
	[tilespmem:$0x1F600] =	vst v63  }
.LBB2_2:
0x6a: {  	_ =	swait.ge [sflag:s16], $0x3C00  }
0x6b: {  	[sflag:s16] =	ssyncset.done $0x0  }
0x6c: {  	[sflag:s16] =	ssyncadd.s32 $0xFFFFC400  }
0x6d: {  	[spmem:s1] =	stream.indirect.scatter.add.f32 [tilespmem:s11], [sflag:$0xA], $0x80, s2, s10, $0xb8;
	[tilespmem:$0x1F600] =	vst v63  }
0x6e: {  	_ =	swait.ge [sflag:s17], $0x3C00  }
0x6f: {  	[sflag:s17] =	ssyncset.done $0x0  }
0x70: {  	s0 =	simm.s32 $0x80;
	[sflag:s17] =	ssyncadd.s32 $0xFFFFC400  }
0x71: {  	[spmem:s1] =	stream.indirect.scatter.add.f32 [tilespmem:s22], [sflag:$0xB], $0x80, s0, s10, $0xb8;
	[tilespmem:$0x1F600] =	vst v63  }
0x72: {  	_ =	swait.ge [sflag:s18], $0x3C00  }
0x73: {  	[sflag:s18] =	ssyncset.done $0x0  }
0x74: {  	s26 =	simm.s32 $0x100;
	[sflag:s18] =	ssyncadd.s32 $0xFFFFC400  }
0x75: {  	[spmem:s1] =	stream.indirect.scatter.add.f32 [tilespmem:s15], [sflag:$0xC], $0x80, s26, s10, $0xb8;
	[tilespmem:$0x1F600] =	vst v63  }
0x76: {  	_ =	swait.ge [sflag:s19], $0x3C00  }
0x77: {  	[sflag:s19] =	ssyncset.done $0x0  }
0x78: {  	[sflag:s19] =	ssyncadd.s32 $0xFFFFC400  }
0x79: {  	_ =	swait.ge [sflag:s20], $0x80  }
0x7a: {  	[sflag:s20] =	ssyncset.done $0x0  }
0x7b: {  	[sflag:s20] =	ssyncadd.s32 $0xFFFFFF80  }
0x7c: {  	_ =	swait.ge [sflag:s20], $0x80  }
0x7d: {  	p0 =	seq.s32 s23, $0x4E0;
	[sflag:s20] =	ssyncset.done $0x0  }
0x7e: {  	s0 =	simm.s32 @p0 $0xB;
	[sflag:s20] =	ssyncadd.s32 $0xFFFFFF80  }
0x7f: {  	[tilespmem:s11], [sflag:$0x7] =	stream.indirect.gather [hbm4b:s4+s10], $0x80, s28, s10, $0xb8;
	[tilespmem:$0x1F600] =	vst v63  }
0x80: {  	_ =	swait.ge @p0 [sflag:s0], $0x3C00  }
0x81: {  	[sflag:s0] =	ssyncset.done @p0 $0x0  }
0x82: {  	[sflag:s0] =	ssyncadd.s32 @p0 $0xFFFFC400;
	s0 =	simm.s32 @p0 $0x5  }
0x83: {  	_ =	swait.ge @p0 [sflag:s0], $0x80  }
0x84: {  	[sflag:s0] =	ssyncset.done @p0 $0x0  }
0x85: {  	[sflag:s0] =	ssyncadd.s32 @p0 $0xFFFFFF80  }
0x86: {  	_ =	swait.ge @p0 [sflag:s0], $0x80  }
0x87: {  	s24 =	simm.s32 @p0 $0x500;
	[sflag:s0] =	ssyncset.done @p0 $0x0  }
0x88: {  	s25 =	simm.s32 @p0 $0x4200;
	[sflag:s0] =	ssyncadd.s32 @p0 $0xFFFFFF80;
	s0 =	simm.s32 @p0 $0x78  }
0x89: {  	[tilespmem:s25], [sflag:$0x8] =	stream.indirect.gather @p0 [hbm4b:s4+s0], $0x80, s24, s0, $0xb8;
	[tilespmem:$0x1F600] =	vst v63  }
0x8a: {  	s0 =	sadd.s32 @!p0 s23, s8  }
0x8b: {  	s25 =	simm.s32 @!p0 $0x0;
	s24 =	sadd.s32 @!p0 $0x60, s0  }
0x8c: {  	[tilespmem:s25], [sflag:$0x1] =	stream.linear.gather @!p0 [hbm4b:s24+s25], $0x80, $0x38;
	[tilespmem:$0x1F600] =	vst v63  }
0x8d: {  	s24 =	sadd.s32 @!p0 s23, s9  }
0x8e: {  	s28 =	simm.s32 @!p0 $0x300;
	s26 =	sadd.s32 @!p0 $0x60, s24  }
0x8f: {  	[tilespmem:s28], [sflag:$0x1] =	stream.linear.gather @!p0 [hbm4b:s26+s25], $0x80, $0x38;
	[tilespmem:$0x1F600] =	vst v63  }
0x90: {  	s26 =	simm.s32 @!p0 $0xB  }
0x91: {  	_ =	swait.ge @!p0 [sflag:s26], $0x3C00  }
0x92: {  	[sflag:s26] =	ssyncset.done @!p0 $0x0  }
0x93: {  	[sflag:s26] =	ssyncadd.s32 @!p0 $0xFFFFC400;
	s26 =	simm.s32 @!p0 $0x5  }
0x94: {  	_ =	swait.ge @!p0 [sflag:s26], $0x80  }
0x95: {  	[sflag:s26] =	ssyncset.done @!p0 $0x0  }
0x96: {  	[sflag:s26] =	ssyncadd.s32 @!p0 $0xFFFFFF80  }
0x97: {  	_ =	swait.ge @!p0 [sflag:s26], $0x80  }
0x98: {  	s29 =	simm.s32 @!p0 $0x4200;
	[sflag:s26] =	ssyncset.done @!p0 $0x0  }
0x99: {  	s28 =	simm.s32 @!p0 $0x500;
	[sflag:s26] =	ssyncadd.s32 @!p0 $0xFFFFFF80;
	s26 =	simm.s32 @!p0 $0x78  }
0x9a: {  	[tilespmem:s29], [sflag:$0x8] =	stream.indirect.gather @!p0 [hbm4b:s4+s26], $0x80, s28, s26, $0xb8;
	[tilespmem:$0x1F600] =	vst v63  }
0x9b: {  	s26 =	sadd.s32 @!p0 $0x70, s0;
	s28 =	simm.s32 @!p0 $0x80  }
0x9c: {  	[tilespmem:s28], [sflag:$0x2] =	stream.linear.gather @!p0 [hbm4b:s26+s25], $0x80, $0x38;
	[tilespmem:$0x1F600] =	vst v63  }
0x9d: {  	s26 =	sadd.s32 @!p0 $0x70, s24;
	s28 =	simm.s32 @!p0 $0x380  }
0x9e: {  	[tilespmem:s28], [sflag:$0x2] =	stream.linear.gather @!p0 [hbm4b:s26+s25], $0x80, $0x38;
	[tilespmem:$0x1F600] =	vst v63  }
0x9f: {  	_ =	swait.ge [sflag:s21], $0x3C00  }
0xa0: {  	[sflag:s21] =	ssyncset.done $0x0  }
0xa1: {  	[sflag:s21] =	ssyncadd.s32 $0xFFFFC400  }
0xa2: {  	_ =	swait.ge [sflag:s7], $0x80  }
0xa3: {  	[sflag:s7] =	ssyncset.done $0x0  }
0xa4: {  	[sflag:s7] =	ssyncadd.s32 $0xFFFFFF80  }
0xa5: {  	_ =	swait.ge [sflag:s7], $0x80  }
0xa6: {  	[sflag:s7] =	ssyncset.done $0x0  }
0xa7: {  	[sflag:s7] =	ssyncadd.s32 $0xFFFFFF80  }
0xa8: {  	[tilespmem:s15], [sflag:$0x9] =	stream.indirect.gather [hbm4b:s4+s10], $0x80, s13, s10, $0xb8;
	[tilespmem:$0x1F600] =	vst v63  }
0xa9: {  	s0 =	sadd.s32 @!p0 $0x80, s0;
	s26 =	simm.s32 @!p0 $0x100  }
0xaa: {  	[tilespmem:s26], [sflag:$0x3] =	stream.linear.gather @!p0 [hbm4b:s0+s25], $0x80, $0x38;
	[tilespmem:$0x1F600] =	vst v63  }
0xab: {  	s0 =	sadd.s32 @!p0 $0x80, s24;
	s24 =	simm.s32 @!p0 $0x400  }
0xac: {  	[tilespmem:s24], [sflag:$0x3] =	stream.linear.gather @!p0 [hbm4b:s0+s25], $0x80, $0x38;
	[tilespmem:$0x1F600] =	vst v63  }
0xad: {  	_ =	swait.ge [sflag:s16], $0x3C00  }
0xae: {  	[sflag:s16] =	ssyncset.done $0x0  }
0xaf: {  	[sflag:s16] =	ssyncadd.s32 $0xFFFFC400  }
0xb0: {  	[spmem:s1] =	stream.indirect.scatter.add.f32 [tilespmem:s11], [sflag:$0xA], $0x80, s30, s10, $0xb8;
	[tilespmem:$0x1F600] =	vst v63  }
0xb1: {  	_ =	swait.ge [sflag:s17], $0x3C00  }
0xb2: {  	[sflag:s17] =	ssyncset.done $0x0  }
0xb3: {  	[sflag:s17] =	ssyncadd.s32 $0xFFFFC400  }
0xb4: {  	[spmem:s1] =	stream.indirect.scatter.add.f32 [tilespmem:s22], [sflag:$0xB], $0x80, s3, s10, $0xb8;
	[tilespmem:$0x1F600] =	vst v63  }
0xb5: {  	_ =	swait.ge [sflag:s18], $0x3C00  }
0xb6: {  	[sflag:s18] =	ssyncset.done $0x0  }
.Ltmp2:
0xb7: {  	[sflag:s18] =	ssyncadd.s32 $0xFFFFC400;
	(pc) =	sbr.rel @p0 .LBB2_4-.Ltmp2, $4  }
0xb8: {  	[spmem:s1] =	stream.indirect.scatter.add.f32 [tilespmem:s15], [sflag:$0xC], $0x80, s5, s10, $0xb8;
	[tilespmem:$0x1F600] =	vst v63  }
0xb9: {  	s29 =	simm.s32 $0x580;
	_ =	swait.ge [sflag:s19], $0x3C00  }
0xba: {  	s13 =	simm.s32 $0x4200;
	s26 =	simm.s32 $0x180;
	[sflag:s19] =	ssyncset.done $0x0  }
0xbb: {  	s3 =	simm.s32 $0x200;
	s5 =	simm.s32 $0x280;
	[sflag:s19] =	ssyncadd.s32 $0xFFFFC400  }
0xbc: {  	_ =	swait.ge [sflag:s6], $0x80  }
0xbd: {  	[sflag:s6] =	ssyncset.done $0x0  }
0xbe: {  	[sflag:s6] =	ssyncadd.s32 $0xFFFFFF80  }
0xbf: {  	_ =	swait.ge [sflag:s6], $0x80  }
0xc0: {  	[sflag:s6] =	ssyncset.done $0x0  }
0xc1: {  	s0 =	simm.s32 $0x300;
	[sflag:s6] =	ssyncadd.s32 $0xFFFFFF80  }
0xc2: {  	[tilespmem:s11], [sflag:$0x7] =	stream.indirect.gather [hbm4b:s4+s10], $0x80, s0, s10, $0xb8;
	[tilespmem:$0x1F600] =	vst v63  }
0xc3: {  	s0 =	sadd.s32 s23, s8  }
0xc4: {  	s24 =	sadd.s32 $0x90, s0  }
0xc5: {  	[tilespmem:s26], [sflag:$0x4] =	stream.linear.gather [hbm4b:s24+s2], $0x80, $0x38;
	[tilespmem:$0x1F600] =	vst v63  }
0xc6: {  	s24 =	sadd.s32 s23, s9  }
0xc7: {  	s22 =	simm.s32 $0xB;
	s25 =	sadd.s32 $0x90, s24  }
0xc8: {  	[tilespmem:s31], [sflag:$0x4] =	stream.linear.gather [hbm4b:s25+s2], $0x80, $0x38;
	[tilespmem:$0x1F600] =	vst v63  }
0xc9: {  	_ =	swait.ge [sflag:s22], $0x3C00  }
0xca: {  	[sflag:s22] =	ssyncset.done $0x0  }
0xcb: {  	[sflag:s22] =	ssyncadd.s32 $0xFFFFC400  }
0xcc: {  	_ =	swait.ge [sflag:s12], $0x80  }
0xcd: {  	[sflag:s12] =	ssyncset.done $0x0  }
0xce: {  	[sflag:s12] =	ssyncadd.s32 $0xFFFFFF80  }
0xcf: {  	_ =	swait.ge [sflag:s12], $0x80  }
0xd0: {  	[sflag:s12] =	ssyncset.done $0x0  }
0xd1: {  	s22 =	simm.s32 $0x380;
	[sflag:s12] =	ssyncadd.s32 $0xFFFFFF80  }
0xd2: {  	[tilespmem:s13], [sflag:$0x8] =	stream.indirect.gather [hbm4b:s4+s10], $0x80, s22, s10, $0xb8;
	[tilespmem:$0x1F600] =	vst v63  }
0xd3: {  	s26 =	sadd.s32 $0xA0, s0  }
0xd4: {  	[tilespmem:s3], [sflag:$0x5] =	stream.linear.gather [hbm4b:s26+s2], $0x80, $0x38;
	[tilespmem:$0x1F600] =	vst v63  }
0xd5: {  	s13 =	simm.s32 $0x500;
	s3 =	sadd.s32 $0xA0, s24  }
0xd6: {  	[tilespmem:s13], [sflag:$0x5] =	stream.linear.gather [hbm4b:s3+s2], $0x80, $0x38;
	[tilespmem:$0x1F600] =	vst v63  }
0xd7: {  	_ =	swait.ge [sflag:s21], $0x3C00  }
0xd8: {  	[sflag:s21] =	ssyncset.done $0x0  }
0xd9: {  	[sflag:s21] =	ssyncadd.s32 $0xFFFFC400  }
0xda: {  	_ =	swait.ge [sflag:s14], $0x80  }
0xdb: {  	[sflag:s14] =	ssyncset.done $0x0  }
0xdc: {  	[sflag:s14] =	ssyncadd.s32 $0xFFFFFF80  }
0xdd: {  	_ =	swait.ge [sflag:s14], $0x80  }
0xde: {  	[sflag:s14] =	ssyncset.done $0x0  }
0xdf: {  	s30 =	simm.s32 $0x180;
	s22 =	simm.s32 $0x400;
	[sflag:s14] =	ssyncadd.s32 $0xFFFFFF80  }
0xe0: {  	[tilespmem:s15], [sflag:$0x9] =	stream.indirect.gather [hbm4b:s4+s10], $0x80, s22, s10, $0xb8;
	[tilespmem:$0x1F600] =	vst v63  }
.Ltmp3:
0xe1: {  	s28 =	simm.s32 $0x480;
	s0 =	sadd.s32 $0xB0, s0;
	(pc) =	sbr.rel .LBB2_2-.Ltmp3, $4  }
0xe2: {  	s23 =	sadd.s32 $0x60, s23;
	s26 =	sadd.s32 $0xB0, s24;
	s3 =	simm.s32 $0x200  }
0xe3: {  	[tilespmem:s5], [sflag:$0x6] =	stream.linear.gather [hbm4b:s0+s2], $0x80, $0x38;
	[tilespmem:$0x1F600] =	vst v63  }
0xe4: {  	s13 =	simm.s32 $0x580;
	s22 =	simm.s32 $0x4200;
	s5 =	simm.s32 $0x280  }
0xe5: {  	[tilespmem:s29], [sflag:$0x6] =	stream.linear.gather [hbm4b:s26+s2], $0x80, $0x38;
	[tilespmem:$0x1F600] =	vst v63  }
.LBB2_5:
0xe6: {  	_ =	sfence.sel $0x180000  }
0xe7: {  	[bflag:$0x0] =	sbarrier.arrive $0xFFFF  }
0xe8: {  	_ =	strace $0x90000050  }
0xe9: {  	s0 =	stileid.u32;
	[bflag:$0x2] =	sbarrier.arrive $0xFFFF  }
0xea: {  	p0 =	sne.s32 s0, $0x0;
	s0 =	rddreg [dreg:$0x3]  }
0xeb: {  	s0 =	sadd.s32 @!p0 $0x100000, s0  }
0xec: {  	[sflag:s0] =	ssyncadd.tile.s32 @!p0 $0x1;
	_ =	shalt  }
.Lfunc_end2:
_tile_overlayer_lowered:
.L_overlay_start_2:
0xed: {  	(tag) =	ssettag $0x2  }
0xee: {  	s0 =	rddreg [dreg:$0x0];
	s2 =	stileid.u32  }
0xef: {  	s1 =	rddreg [dreg:$0x1];
	p0 =	sne.s32 s2, $0x0  }
0xf0: {  	s3 =	rddreg [dreg:$0x2];
	[bflag:$0x3] =	sbarrier.arrive $0xFFFF;
	s2 =	simm.s32 @!p0 $0x1C0D  }
0xf1: {  	[timem:s3], [sflag:s2] =	dma.local @!p0 [hbm:s0], s1  }
0xf2: {  	s0 =	simm.s32 @!p0 $0xD  }
0xf3: {  	_ =	swait.ge @!p0 [sflag:s0], s1  }
0xf4: {  	s1 =	ssub.s32 @!p0 $0x0, s1;
	[sflag:s0] =	ssyncset.done @!p0 $0x0  }
0xf5: {  	[sflag:s0] =	ssyncadd.s32 @!p0 s1  }
0xf6: {  	[bflag:$0x3] =	sbarrier.arrive $0xFFFF  }
0xf7: {  	_ =	shalt  }

</sc_bundles>
